<compile_context>
chip_gen: v7x
topology: tpu7x:2x2x1
jax: 0.10.2.dev20260603
libtpu: 0.0.44.dev20260713+nightly
codegen_flags: <defaults>
</compile_context>

<pallas_src>
import functools

import jax
import jax.numpy as jnp
from jax import lax
from jax.experimental import pallas as pl
from jax.experimental.pallas import tpu as pltpu
from jax.experimental.pallas import tpu_sc as plsc

B = 1024
NUM_CLASS = 1000
K = 16
C = 512
PRE = 6
SUF = 55
T = PRE + K + SUF
NCONST = PRE + SUF
MASK_PROB = 0.5

NC, NS, L = 2, 16, 16
NW = NC * NS
BPW = B // NW
CL = C // L
REP = 16

_mesh = plsc.VectorSubcoreMesh(
    core_axis_name="c", subcore_axis_name="s", num_cores=NC, num_subcores=NS
)


@functools.partial(
    pl.kernel,
    out_type=jax.ShapeDtypeStruct((T, B, C), jnp.float32),
    mesh=_mesh,
    scratch_types=[
        pltpu.VMEM((BPW,), jnp.int32),
        pltpu.VMEM((BPW,), jnp.int32),
        pltpu.VMEM((BPW,), jnp.int32),
        pltpu.VMEM((BPW,), jnp.float32),
        pltpu.VMEM((1, C), jnp.float32),
        pltpu.VMEM((BPW, C), jnp.float32),
        pltpu.VMEM((BPW, C), jnp.float32),
        pltpu.VMEM((1, BPW, C), jnp.float32),
        pltpu.VMEM((1, BPW, C), jnp.float32),
        pltpu.VMEM((1, PRE + 2 + SUF, C), jnp.float32),
        pltpu.VMEM((1, REP, C), jnp.float32),
        pltpu.VMEM((1, REP, C), jnp.float32),
        pltpu.SemaphoreType.DMA,
        pltpu.SemaphoreType.DMA,
        pltpu.SemaphoreType.DMA,
    ],
)
def _sc_prompts(labm_hbm, ctx_hbm, pre_hbm, suf_hbm, dir_hbm, mask_hbm,
                out_hbm, lab_v, ix0, ix1, msk_v, d_v, gr0, gr1, ro0, ro1,
                cbuf, rp0, rp1, gsem, osem, csem):
    wid = lax.axis_index("s") * NC + lax.axis_index("c")
    base = wid * BPW

    pltpu.sync_copy(labm_hbm.at[pl.ds(pl.multiple_of(base, 8), BPW)], lab_v)

    lanes = lax.iota(jnp.int32, L)
    zeros = jnp.zeros((L,), jnp.float32)

    ixs = (ix0, ix1)
    grs = (gr0, gr1)
    ros = (ro0, ro1)
    rps = (rp0, rp1)

    def set_row_indices(r, ix):
        ix[pl.ds(0, L)] = lab_v[pl.ds(0, L)] + r
        ix[pl.ds(L, L)] = lab_v[pl.ds(L, L)] + r

    set_row_indices(0, ix0)
    pltpu.async_copy(ctx_hbm.at[ix0], gr0, gsem)

    pltpu.sync_copy(mask_hbm.at[pl.ds(pl.multiple_of(base, 8), BPW)], msk_v)
    pltpu.sync_copy(dir_hbm, d_v)
    pltpu.sync_copy(pre_hbm, cbuf.at[pl.ds(0, 1), pl.ds(0, PRE), :])
    pltpu.sync_copy(suf_hbm, cbuf.at[pl.ds(0, 1), pl.ds(PRE + 2, SUF), :])

    for q, rp in enumerate(rps):
        cr = wid + NW * q

        @pl.when(cr < NCONST)
        def _():
            u = jnp.where(cr < PRE, cr, cr + 2)
            t = jnp.where(cr < PRE, cr, K + cr)

            @pl.loop(0, REP)
            def _rep_s(s2):
                @pl.loop(0, CL, unroll=8)
                def _rep_c(c2):
                    rp[0, s2, pl.ds(c2 * L, L)] = cbuf[0, u, pl.ds(c2 * L, L)]

    _dnums = lax.GatherDimensionNumbers(
        offset_dims=(), collapsed_slice_dims=(0,), start_index_map=(0,))

    def lane_take(x, idx):
        return lax.gather(x, idx[:, None], _dnums, slice_sizes=(1,),
                          mode=lax.GatherScatterMode.PROMISE_IN_BOUNDS)

    mask_lo = msk_v[pl.ds(0, L)]
    mask_hi = msk_v[pl.ds(L, L)]

    def handle(r, ix, ixn, gr, grn, ro, has_next, drain_out):
        pltpu.make_async_copy(ctx_hbm.at[ix], gr, gsem).wait()

        @pl.when(has_next)
        def _():
            pltpu.async_copy(ctx_hbm.at[ixn], grn, gsem)

        @pl.when(drain_out)
        def _():
            pltpu.make_async_copy(
                ro, out_hbm.at[pl.ds(PRE, 1),
                               pl.ds(pl.multiple_of(base, 8), BPW), :],
                osem).wait()

        @pl.loop(0, BPW)
        def _sample(s):
            mchunk = jnp.where(s < L, mask_lo, mask_hi)
            m_splat = lane_take(mchunk, jnp.broadcast_to(s & (L - 1), (L,)))

            accs = [zeros, zeros, zeros, zeros]
            for c2 in range(CL):
                accs[c2 % 4] = accs[c2 % 4] + (
                    gr[s, pl.ds(c2 * L, L)] * d_v[0, pl.ds(c2 * L, L)])
            acc = (accs[0] + accs[1]) + (accs[2] + accs[3])
            for h in (8, 4, 2, 1):
                acc = acc + lane_take(acc, lanes ^ h)
            sv = m_splat * acc

            for c2 in range(CL):
                ro[0, s, pl.ds(c2 * L, L)] = (
                    gr[s, pl.ds(c2 * L, L)] - sv * d_v[0, pl.ds(c2 * L, L)])

        pltpu.async_copy(
            ro, out_hbm.at[pl.ds(PRE + r, 1),
                           pl.ds(pl.multiple_of(base, 8), BPW), :], osem)

        for q, rp in enumerate(rps):
            cr = wid + NW * q
            t = jnp.where(cr < PRE, cr, K + cr)

            @pl.when(cr < NCONST)
            def _():
                for f in range(4):
                    jb = 4 * r + f

                    pltpu.async_copy(
                        rp,
                        out_hbm.at[pl.ds(t, 1),
                                   pl.ds(pl.multiple_of(jb * REP, 8),
                                         REP), :],
                        csem)

    @pl.loop(0, K // 2)
    def _pair(g):
        a = 2 * g

        @pl.when(a + 1 < K)
        def _():
            set_row_indices(a + 1, ix1)
        handle(a, ix0, ix1, gr0, gr1, ro0, a + 1 < K, a >= 2)

        @pl.when(a + 2 < K)
        def _():
            set_row_indices(a + 2, ix0)
        handle(a + 1, ix1, ix0, gr1, gr0, ro1, a + 2 < K, a >= 2)

    def out_drain():
        pltpu.make_async_copy(
            ro0, out_hbm.at[pl.ds(PRE, 1),
                            pl.ds(pl.multiple_of(base, 8), BPW), :],
            osem).wait()

    out_drain()
    out_drain()

    for q, rp in enumerate(rps):
        cr = wid + NW * q

        @pl.when(cr < NCONST)
        def _():
            @pl.loop(0, B // REP)
            def _drain(jb):
                pltpu.make_async_copy(
                    rp, out_hbm.at[pl.ds(0, 1), pl.ds(0, REP), :],
                    csem).wait()


def kernel(labels, cls_ctx, token_prefix, token_suffix, cloth_direction):
    labm = labels.astype(jnp.int32) * K
    ctx_rows = cls_ctx.reshape(NUM_CLASS * K, C)
    mask = (jax.random.uniform(jax.random.key(42), (B,)) < MASK_PROB)
    mask = mask.astype(jnp.float32)
    out_t = _sc_prompts(labm, ctx_rows, token_prefix, token_suffix,
                        cloth_direction, mask)
    return jnp.transpose(out_t, (1, 0, 2))

# --- scband reference (transcript-rebuilt; emitter-appended) ---
"""Pipeline reference for scband-prompt-learner-34849364639969 (READ-ONLY COPY).

The authoritative reference and input builder live on the scoring server;
editing this copy changes nothing except your own understanding.
"""

import jax, jax.numpy as jnp
import numpy as np

B = 1024
NUM_CLASS = 1000
N_CLS_CTX = 16
CTX_DIM = 512
PREFIX_LEN = 6
SUFFIX_LEN = 55
MASK_PROB = 0.5


def setup_inputs(seed: int = 0) -> dict:
    key = jax.random.key(seed)
    k1, k2, k3, k4, k5 = jax.random.split(key, 5)
    labels = jax.random.randint(k1, (B,), 0, NUM_CLASS)
    # learned class-specific context vectors (nn.Parameter, init std=0.02)
    cls_ctx = jax.random.normal(k2, (NUM_CLASS, N_CLS_CTX, CTX_DIM), dtype=jnp.float32) * 0.02
    # frozen buffers derived from the CLIP token embedding at __init__ time
    token_prefix = jax.random.normal(k3, (1, PREFIX_LEN, CTX_DIM), dtype=jnp.float32)
    token_suffix = jax.random.normal(k4, (1, SUFFIX_LEN, CTX_DIM), dtype=jnp.float32)
    cd = jax.random.normal(k5, (1, CTX_DIM), dtype=jnp.float32)
    cloth_direction = cd / jnp.linalg.norm(cd, axis=-1, keepdims=True)
    return {
        "labels": labels,
        "cls_ctx": cls_ctx,
        "token_prefix": token_prefix,
        "token_suffix": token_suffix,
        "cloth_direction": cloth_direction,
    }


def reference(labels, cls_ctx, token_prefix, token_suffix, cloth_direction):
    Bn = labels.shape[0]
    prefix = jnp.broadcast_to(token_prefix, (Bn, token_prefix.shape[1], token_prefix.shape[2]))
    suffix = jnp.broadcast_to(token_suffix, (Bn, token_suffix.shape[1], token_suffix.shape[2]))
    # embedding lookup: per-sample class context vectors
    ctx = jnp.take(cls_ctx, labels, axis=0)  # (B, K, C)
    K = ctx.shape[1]
    C = ctx.shape[2]
    ctx_flat = ctx.reshape(Bn * K, C)
    sim = ctx_flat @ cloth_direction.T          # (B*K, 1)
    proj = sim * cloth_direction                # (B*K, C)
    ctx_masked = (ctx_flat - proj).reshape(Bn, K, C)
    prompts_ori = jnp.concatenate([prefix, ctx, suffix], axis=1)
    prompts_masked = jnp.concatenate([prefix, ctx_masked, suffix], axis=1)
    # mask_mode == 'random' (default): Bernoulli(mask_prob) mix, fixed key for determinism
    mask_flag = (jax.random.uniform(jax.random.key(42), (Bn,)) < MASK_PROB).astype(jnp.float32).reshape(Bn, 1, 1)
    return prompts_ori * (1.0 - mask_flag) + prompts_masked * mask_flag

if __name__ == "__main__":
    import jax
    _d = setup_inputs()
    print(jax.jit(kernel)(*tuple(_d.values())))

</pallas_src>

<mosaic_0001>
#map = affine_map<(d0, d1) -> (0)>
#map1 = affine_map<(d0, d1) -> (0, 0)>
#map2 = affine_map<(d0, d1) -> (0, 0, 0)>
module attributes {stable_mosaic.version = 14 : i64} {
  func.func @_sc_prompts(%arg0: i32, %arg1: i32, %arg2: memref<1024xi32, #tpu.memory_space<hbm>>, %arg3: memref<16000x512xf32, #tpu.memory_space<hbm>>, %arg4: memref<1x6x512xf32, #tpu.memory_space<hbm>>, %arg5: memref<1x55x512xf32, #tpu.memory_space<hbm>>, %arg6: memref<1x512xf32, #tpu.memory_space<hbm>>, %arg7: memref<1024xf32, #tpu.memory_space<hbm>>, %arg8: memref<77x1024x512xf32, #tpu.memory_space<hbm>>, %arg9: memref<32xi32, #tpu.memory_space<vmem>>, %arg10: memref<32xi32, #tpu.memory_space<vmem>>, %arg11: memref<32xi32, #tpu.memory_space<vmem>>, %arg12: memref<32xf32, #tpu.memory_space<vmem>>, %arg13: memref<1x512xf32, #tpu.memory_space<vmem>>, %arg14: memref<32x512xf32, #tpu.memory_space<vmem>>, %arg15: memref<32x512xf32, #tpu.memory_space<vmem>>, %arg16: memref<1x32x512xf32, #tpu.memory_space<vmem>>, %arg17: memref<1x32x512xf32, #tpu.memory_space<vmem>>, %arg18: memref<1x63x512xf32, #tpu.memory_space<vmem>>, %arg19: memref<1x16x512xf32, #tpu.memory_space<vmem>>, %arg20: memref<1x16x512xf32, #tpu.memory_space<vmem>>, %arg21: memref<!tpu.dma_semaphore, #tpu.memory_space<semaphore_mem>>, %arg22: memref<!tpu.dma_semaphore, #tpu.memory_space<semaphore_mem>>, %arg23: memref<!tpu.dma_semaphore, #tpu.memory_space<semaphore_mem>>) attributes {dimension_semantics = [#tpu.dimension_semantics<core_parallel>, #tpu.dimension_semantics<subcore_parallel>], iteration_bounds = array<i64: 2, 16>, scalar_prefetch = 0 : i64, scratch_operands = 15 : i64, tpu.core_type = #tpu.core_type<sc_vector_subcore>, window_params = [{transform_indices = #map}, {transform_indices = #map1}, {transform_indices = #map2}, {transform_indices = #map2}, {transform_indices = #map1}, {transform_indices = #map}, {transform_indices = #map2}]} {
    %mul3A = arith.constant 2 : i32
    %mul3A_0 = arith.muli %arg1, %mul3A : i32
    %add3A = arith.addi %mul3A_0, %arg0 : i32
    %mul3A_1 = arith.constant 32 : i32
    %mul3A_2 = arith.muli %add3A, %mul3A_1 : i32
    %multiple_of3A = tpu.assume_multiple %mul3A_2, 8 : i32
    "tpu.region"() ({
      %run_scoped3A = tpu.sem_alloc : memref<!tpu.dma_semaphore, #tpu.memory_space<semaphore_mem>>
      %dma_start3A_73 = tpu.memref_slice %arg2[%multiple_of3A] : memref<1024xi32, #tpu.memory_space<hbm>> -> memref<32xi32, #tpu.memory_space<hbm>>
      %dma_start3A_74 = tpu.memref_slice %arg2[%multiple_of3A] : memref<1024xi32, #tpu.memory_space<hbm>> -> memref<32xi32, #tpu.memory_space<hbm>>
      tpu.enqueue_dma source(%dma_start3A_74 : memref<32xi32, #tpu.memory_space<hbm>>) target(%arg9 : memref<32xi32, #tpu.memory_space<vmem>>) target_semaphore(%run_scoped3A : memref<!tpu.dma_semaphore, #tpu.memory_space<semaphore_mem>>)
      %dma_wait3A_75 = tpu.memref_slice %arg2[%multiple_of3A] : memref<1024xi32, #tpu.memory_space<hbm>> -> memref<32xi32, #tpu.memory_space<hbm>>
      %dma_wait3A_76 = tpu.memref_slice %arg2[%multiple_of3A] : memref<1024xi32, #tpu.memory_space<hbm>> -> memref<32xi32, #tpu.memory_space<hbm>>
      tpu.wait_dma2 semaphore(%run_scoped3A : memref<!tpu.dma_semaphore, #tpu.memory_space<semaphore_mem>>) src(%dma_wait3A_76 : memref<32xi32, #tpu.memory_space<hbm>>) dst(%arg9 : memref<32xi32, #tpu.memory_space<vmem>>)
      tpu.yield
    }) : () -> ()
    %iota3A = tpu.iota {dimensions = array<i32: 0>} : vector<16xi32>
    %broadcast_in_dim3A = arith.constant 0.000000e+00 : f32
    %broadcast_in_dim3A_3 = vector.broadcast %broadcast_in_dim3A : f32 to vector<16xf32>
    %get3A = arith.constant 0 : index
    %get3A_4 = tpu.vector_load %arg9[%get3A] {strides = array<i32>} : memref<32xi32, #tpu.memory_space<vmem>>, vector<16xi32>,
    %get3A_5 = vector.shape_cast %get3A_4 : vector<16xi32> to vector<16xi32>
    %add3A_6 = arith.constant 0 : i32
    %add3A_7 = vector.broadcast %add3A_6 : i32 to vector<16xi32>
    %add3A_8 = arith.addi %get3A_5, %add3A_7 : vector<16xi32>
    %swap3A = arith.constant 0 : index
    %swap3A_9 = tpu.vector_load %arg10[%swap3A] {strides = array<i32>} : memref<32xi32, #tpu.memory_space<vmem>>, vector<16xi32>,
    %swap3A_10 = vector.shape_cast %swap3A_9 : vector<16xi32> to vector<16xi32>
    %swap3A_11 = vector.shape_cast %add3A_8 : vector<16xi32> to vector<16xi32>
    tpu.vector_store %arg10[%swap3A], %swap3A_11 {strides = array<i32>} : memref<32xi32, #tpu.memory_space<vmem>>, vector<16xi32>,
    %get3A_12 = arith.constant 16 : index
    %get3A_13 = tpu.vector_load %arg9[%get3A_12] {strides = array<i32>} : memref<32xi32, #tpu.memory_space<vmem>>, vector<16xi32>,
    %get3A_14 = vector.shape_cast %get3A_13 : vector<16xi32> to vector<16xi32>
    %add3A_15 = arith.constant 0 : i32
    %add3A_16 = vector.broadcast %add3A_15 : i32 to vector<16xi32>
    %add3A_17 = arith.addi %get3A_14, %add3A_16 : vector<16xi32>
    %swap3A_18 = arith.constant 16 : index
    %swap3A_19 = tpu.vector_load %arg10[%swap3A_18] {strides = array<i32>} : memref<32xi32, #tpu.memory_space<vmem>>, vector<16xi32>,
    %swap3A_20 = vector.shape_cast %swap3A_19 : vector<16xi32> to vector<16xi32>
    %swap3A_21 = vector.shape_cast %add3A_17 : vector<16xi32> to vector<16xi32>
    tpu.vector_store %arg10[%swap3A_18], %swap3A_21 {strides = array<i32>} : memref<32xi32, #tpu.memory_space<vmem>>, vector<16xi32>,
    %dma_start3A = arith.constant 0 : i32
    %dma_start3A_22 = arith.constant 0 : i32
    %dma_start3A_23 = tpu.memref_slice %arg3[%dma_start3A, %dma_start3A_22] : memref<16000x512xf32, #tpu.memory_space<hbm>> -> memref<16000x512xf32, #tpu.memory_space<hbm>>
    tpu.enqueue_indirect_dma source(%dma_start3A_23 : memref<16000x512xf32, #tpu.memory_space<hbm>>) target(%arg14 : memref<32x512xf32, #tpu.memory_space<vmem>>) offsets(%arg10 : memref<32xi32, #tpu.memory_space<vmem>>) semaphore(%arg21 : memref<!tpu.dma_semaphore, #tpu.memory_space<semaphore_mem>>)
    %multiple_of3A_24 = tpu.assume_multiple %mul3A_2, 8 : i32
    "tpu.region"() ({
      %run_scoped3A = tpu.sem_alloc : memref<!tpu.dma_semaphore, #tpu.memory_space<semaphore_mem>>
      %dma_start3A_73 = tpu.memref_slice %arg7[%multiple_of3A_24] : memref<1024xf32, #tpu.memory_space<hbm>> -> memref<32xf32, #tpu.memory_space<hbm>>
      %dma_start3A_74 = tpu.memref_slice %arg7[%multiple_of3A_24] : memref<1024xf32, #tpu.memory_space<hbm>> -> memref<32xf32, #tpu.memory_space<hbm>>
      tpu.enqueue_dma source(%dma_start3A_74 : memref<32xf32, #tpu.memory_space<hbm>>) target(%arg12 : memref<32xf32, #tpu.memory_space<vmem>>) target_semaphore(%run_scoped3A : memref<!tpu.dma_semaphore, #tpu.memory_space<semaphore_mem>>)
      %dma_wait3A_75 = tpu.memref_slice %arg7[%multiple_of3A_24] : memref<1024xf32, #tpu.memory_space<hbm>> -> memref<32xf32, #tpu.memory_space<hbm>>
      %dma_wait3A_76 = tpu.memref_slice %arg7[%multiple_of3A_24] : memref<1024xf32, #tpu.memory_space<hbm>> -> memref<32xf32, #tpu.memory_space<hbm>>
      tpu.wait_dma2 semaphore(%run_scoped3A : memref<!tpu.dma_semaphore, #tpu.memory_space<semaphore_mem>>) src(%dma_wait3A_76 : memref<32xf32, #tpu.memory_space<hbm>>) dst(%arg12 : memref<32xf32, #tpu.memory_space<vmem>>)
      tpu.yield
    }) : () -> ()
    "tpu.region"() ({
      %run_scoped3A = tpu.sem_alloc : memref<!tpu.dma_semaphore, #tpu.memory_space<semaphore_mem>>
      tpu.enqueue_dma source(%arg6 : memref<1x512xf32, #tpu.memory_space<hbm>>) target(%arg13 : memref<1x512xf32, #tpu.memory_space<vmem>>) target_semaphore(%run_scoped3A : memref<!tpu.dma_semaphore, #tpu.memory_space<semaphore_mem>>)
      tpu.wait_dma2 semaphore(%run_scoped3A : memref<!tpu.dma_semaphore, #tpu.memory_space<semaphore_mem>>) src(%arg6 : memref<1x512xf32, #tpu.memory_space<hbm>>) dst(%arg13 : memref<1x512xf32, #tpu.memory_space<vmem>>)
      tpu.yield
    }) : () -> ()
    "tpu.region"() ({
      %run_scoped3A = tpu.sem_alloc : memref<!tpu.dma_semaphore, #tpu.memory_space<semaphore_mem>>
      %dma_start3A_73 = arith.constant 0 : i32
      %dma_start3A_74 = arith.constant 0 : i32
      %dma_start3A_75 = arith.constant 0 : i32
      %dma_start3A_76 = tpu.memref_slice %arg18[%dma_start3A_73, %dma_start3A_74, %dma_start3A_75] : memref<1x63x512xf32, #tpu.memory_space<vmem>> -> memref<1x6x512xf32, #tpu.memory_space<vmem>>
      %dma_start3A_77 = arith.constant 0 : i32
      %dma_start3A_78 = arith.constant 0 : i32
      %dma_start3A_79 = arith.constant 0 : i32
      %dma_start3A_80 = tpu.memref_slice %arg18[%dma_start3A_77, %dma_start3A_78, %dma_start3A_79] : memref<1x63x512xf32, #tpu.memory_space<vmem>> -> memref<1x6x512xf32, #tpu.memory_space<vmem>>
      tpu.enqueue_dma source(%arg4 : memref<1x6x512xf32, #tpu.memory_space<hbm>>) target(%dma_start3A_80 : memref<1x6x512xf32, #tpu.memory_space<vmem>>) target_semaphore(%run_scoped3A : memref<!tpu.dma_semaphore, #tpu.memory_space<semaphore_mem>>)
      %dma_wait3A_81 = arith.constant 0 : i32
      %dma_wait3A_82 = arith.constant 0 : i32
      %dma_wait3A_83 = arith.constant 0 : i32
      %dma_wait3A_84 = tpu.memref_slice %arg18[%dma_wait3A_81, %dma_wait3A_82, %dma_wait3A_83] : memref<1x63x512xf32, #tpu.memory_space<vmem>> -> memref<1x6x512xf32, #tpu.memory_space<vmem>>
      %dma_wait3A_85 = arith.constant 0 : i32
      %dma_wait3A_86 = arith.constant 0 : i32
      %dma_wait3A_87 = arith.constant 0 : i32
      %dma_wait3A_88 = tpu.memref_slice %arg18[%dma_wait3A_85, %dma_wait3A_86, %dma_wait3A_87] : memref<1x63x512xf32, #tpu.memory_space<vmem>> -> memref<1x6x512xf32, #tpu.memory_space<vmem>>
      tpu.wait_dma2 semaphore(%run_scoped3A : memref<!tpu.dma_semaphore, #tpu.memory_space<semaphore_mem>>) src(%arg4 : memref<1x6x512xf32, #tpu.memory_space<hbm>>) dst(%dma_wait3A_88 : memref<1x6x512xf32, #tpu.memory_space<vmem>>)
      tpu.yield
    }) : () -> ()
    "tpu.region"() ({
      %run_scoped3A = tpu.sem_alloc : memref<!tpu.dma_semaphore, #tpu.memory_space<semaphore_mem>>
      %dma_start3A_73 = arith.constant 0 : i32
      %dma_start3A_74 = arith.constant 8 : i32
      %dma_start3A_75 = arith.constant 0 : i32
      %dma_start3A_76 = tpu.memref_slice %arg18[%dma_start3A_73, %dma_start3A_74, %dma_start3A_75] : memref<1x63x512xf32, #tpu.memory_space<vmem>> -> memref<1x55x512xf32, #tpu.memory_space<vmem>>
      %dma_start3A_77 = arith.constant 0 : i32
      %dma_start3A_78 = arith.constant 8 : i32
      %dma_start3A_79 = arith.constant 0 : i32
      %dma_start3A_80 = tpu.memref_slice %arg18[%dma_start3A_77, %dma_start3A_78, %dma_start3A_79] : memref<1x63x512xf32, #tpu.memory_space<vmem>> -> memref<1x55x512xf32, #tpu.memory_space<vmem>>
      tpu.enqueue_dma source(%arg5 : memref<1x55x512xf32, #tpu.memory_space<hbm>>) target(%dma_start3A_80 : memref<1x55x512xf32, #tpu.memory_space<vmem>>) target_semaphore(%run_scoped3A : memref<!tpu.dma_semaphore, #tpu.memory_space<semaphore_mem>>)
      %dma_wait3A_81 = arith.constant 0 : i32
      %dma_wait3A_82 = arith.constant 8 : i32
      %dma_wait3A_83 = arith.constant 0 : i32
      %dma_wait3A_84 = tpu.memref_slice %arg18[%dma_wait3A_81, %dma_wait3A_82, %dma_wait3A_83] : memref<1x63x512xf32, #tpu.memory_space<vmem>> -> memref<1x55x512xf32, #tpu.memory_space<vmem>>
      %dma_wait3A_85 = arith.constant 0 : i32
      %dma_wait3A_86 = arith.constant 8 : i32
      %dma_wait3A_87 = arith.constant 0 : i32
      %dma_wait3A_88 = tpu.memref_slice %arg18[%dma_wait3A_85, %dma_wait3A_86, %dma_wait3A_87] : memref<1x63x512xf32, #tpu.memory_space<vmem>> -> memref<1x55x512xf32, #tpu.memory_space<vmem>>
      tpu.wait_dma2 semaphore(%run_scoped3A : memref<!tpu.dma_semaphore, #tpu.memory_space<semaphore_mem>>) src(%arg5 : memref<1x55x512xf32, #tpu.memory_space<hbm>>) dst(%dma_wait3A_88 : memref<1x55x512xf32, #tpu.memory_space<vmem>>)
      tpu.yield
    }) : () -> ()
    %add3A_25 = arith.constant 0 : i32
    %add3A_26 = arith.addi %add3A, %add3A_25 : i32
    %lt3A = arith.constant 61 : i32
    %lt3A_27 = arith.cmpi slt, %add3A_26, %lt3A : i32
    %convert_element_type3A = arith.extui %lt3A_27 : i1 to i32
    %cond3A = arith.constant 0 : i32
    %cond3A_28 = arith.cmpi ne, %convert_element_type3A, %cond3A : i32
    scf.if %cond3A_28 {
      %lt3A_73 = arith.constant 6 : i32
      %lt3A_74 = arith.cmpi slt, %add3A_26, %lt3A_73 : i32
      %add3A_75 = arith.constant 2 : i32
      %add3A_76 = arith.addi %add3A_26, %add3A_75 : i32
      %select_n3A = arith.select %lt3A_74, %add3A_26, %add3A_76 : i32
      %lt3A_77 = arith.constant 6 : i32
      %lt3A_78 = arith.cmpi slt, %add3A_26, %lt3A_77 : i32
      %add3A_79 = arith.constant 16 : i32
      %add3A_80 = arith.addi %add3A_79, %add3A_26 : i32
      %select_n3A_81 = arith.select %lt3A_78, %add3A_26, %add3A_80 : i32
      %scan3A_82 = arith.constant 0 : i32
      %scan3A_83 = arith.constant 16 : i32
      %scan3A_84 = arith.addi %scan3A_82, %scan3A_83 : i32
      %scan3A_85 = arith.constant 1 : i32
      scf.for %scan3A_87 = %scan3A_82 to %scan3A_84 step %scan3A_85  : i32 {
        %mul3A_88 = arith.constant 1 : i32
        %mul3A_89 = arith.muli %scan3A_87, %mul3A_88 : i32
        %add3A_90 = arith.constant 0 : i32
        %add3A_91 = arith.addi %add3A_90, %mul3A_89 : i32
        %scan3A_92 = arith.constant 0 : i32
        %scan3A_93 = arith.constant 32 : i32
        %scan3A_94 = arith.addi %scan3A_92, %scan3A_93 : i32
        %scan3A_95 = arith.constant 8 : i32
        scf.for %scan3A_97 = %scan3A_92 to %scan3A_94 step %scan3A_95  : i32 {
          %mul3A_98 = arith.constant 1 : i32
          %mul3A_99 = arith.muli %scan3A_97, %mul3A_98 : i32
          %add3A_100 = arith.constant 0 : i32
          %add3A_101 = arith.addi %add3A_100, %mul3A_99 : i32
          %mul3A_102 = arith.constant 16 : i32
          %mul3A_103 = arith.muli %add3A_101, %mul3A_102 : i32
          %get3A_104 = arith.constant 0 : i32
          %get3A_105 = arith.index_cast %get3A_104 : i32 to index
          %get3A_106 = arith.index_cast %select_n3A : i32 to index
          %get3A_107 = arith.index_cast %mul3A_103 : i32 to index
          %get3A_108 = tpu.vector_load %arg18[%get3A_105, %get3A_106, %get3A_107] {strides = array<i32>} : memref<1x63x512xf32, #tpu.memory_space<vmem>>, vector<1x1x16xf32>,
          %get3A_109 = vector.shape_cast %get3A_108 : vector<1x1x16xf32> to vector<16xf32>
          %mul3A_110 = arith.constant 16 : i32
          %mul3A_111 = arith.muli %add3A_101, %mul3A_110 : i32
          %swap3A_112 = arith.constant 0 : i32
          %swap3A_113 = arith.index_cast %swap3A_112 : i32 to index
          %swap3A_114 = arith.index_cast %add3A_91 : i32 to index
          %swap3A_115 = arith.index_cast %mul3A_111 : i32 to index
          %swap3A_116 = tpu.vector_load %arg19[%swap3A_113, %swap3A_114, %swap3A_115] {strides = array<i32>} : memref<1x16x512xf32, #tpu.memory_space<vmem>>, vector<1x1x16xf32>,
          %swap3A_117 = vector.shape_cast %swap3A_116 : vector<1x1x16xf32> to vector<16xf32>
          %swap3A_118 = vector.shape_cast %get3A_109 : vector<16xf32> to vector<1x1x16xf32>
          tpu.vector_store %arg19[%swap3A_113, %swap3A_114, %swap3A_115], %swap3A_118 {strides = array<i32>} : memref<1x16x512xf32, #tpu.memory_space<vmem>>, vector<1x1x16xf32>,
          %scan3A_119 = arith.constant 1 : i32
          %scan3A_120 = arith.addi %scan3A_97, %scan3A_119 : i32
          %mul3A_121 = arith.constant 1 : i32
          %mul3A_122 = arith.muli %scan3A_120, %mul3A_121 : i32
          %add3A_123 = arith.constant 0 : i32
          %add3A_124 = arith.addi %add3A_123, %mul3A_122 : i32
          %mul3A_125 = arith.constant 16 : i32
          %mul3A_126 = arith.muli %add3A_124, %mul3A_125 : i32
          %get3A_127 = arith.constant 0 : i32
          %get3A_128 = arith.index_cast %get3A_127 : i32 to index
          %get3A_129 = arith.index_cast %select_n3A : i32 to index
          %get3A_130 = arith.index_cast %mul3A_126 : i32 to index
          %get3A_131 = tpu.vector_load %arg18[%get3A_128, %get3A_129, %get3A_130] {strides = array<i32>} : memref<1x63x512xf32, #tpu.memory_space<vmem>>, vector<1x1x16xf32>,
          %get3A_132 = vector.shape_cast %get3A_131 : vector<1x1x16xf32> to vector<16xf32>
          %mul3A_133 = arith.constant 16 : i32
          %mul3A_134 = arith.muli %add3A_124, %mul3A_133 : i32
          %swap3A_135 = arith.constant 0 : i32
          %swap3A_136 = arith.index_cast %swap3A_135 : i32 to index
          %swap3A_137 = arith.index_cast %add3A_91 : i32 to index
          %swap3A_138 = arith.index_cast %mul3A_134 : i32 to index
          %swap3A_139 = tpu.vector_load %arg19[%swap3A_136, %swap3A_137, %swap3A_138] {strides = array<i32>} : memref<1x16x512xf32, #tpu.memory_space<vmem>>, vector<1x1x16xf32>,
          %swap3A_140 = vector.shape_cast %swap3A_139 : vector<1x1x16xf32> to vector<16xf32>
          %swap3A_141 = vector.shape_cast %get3A_132 : vector<16xf32> to vector<1x1x16xf32>
          tpu.vector_store %arg19[%swap3A_136, %swap3A_137, %swap3A_138], %swap3A_141 {strides = array<i32>} : memref<1x16x512xf32, #tpu.memory_space<vmem>>, vector<1x1x16xf32>,
          %scan3A_142 = arith.constant 2 : i32
          %scan3A_143 = arith.addi %scan3A_97, %scan3A_142 : i32
          %mul3A_144 = arith.constant 1 : i32
          %mul3A_145 = arith.muli %scan3A_143, %mul3A_144 : i32
          %add3A_146 = arith.constant 0 : i32
          %add3A_147 = arith.addi %add3A_146, %mul3A_145 : i32
          %mul3A_148 = arith.constant 16 : i32
          %mul3A_149 = arith.muli %add3A_147, %mul3A_148 : i32
          %get3A_150 = arith.constant 0 : i32
          %get3A_151 = arith.index_cast %get3A_150 : i32 to index
          %get3A_152 = arith.index_cast %select_n3A : i32 to index
          %get3A_153 = arith.index_cast %mul3A_149 : i32 to index
          %get3A_154 = tpu.vector_load %arg18[%get3A_151, %get3A_152, %get3A_153] {strides = array<i32>} : memref<1x63x512xf32, #tpu.memory_space<vmem>>, vector<1x1x16xf32>,
          %get3A_155 = vector.shape_cast %get3A_154 : vector<1x1x16xf32> to vector<16xf32>
          %mul3A_156 = arith.constant 16 : i32
          %mul3A_157 = arith.muli %add3A_147, %mul3A_156 : i32
          %swap3A_158 = arith.constant 0 : i32
          %swap3A_159 = arith.index_cast %swap3A_158 : i32 to index
          %swap3A_160 = arith.index_cast %add3A_91 : i32 to index
          %swap3A_161 = arith.index_cast %mul3A_157 : i32 to index
          %swap3A_162 = tpu.vector_load %arg19[%swap3A_159, %swap3A_160, %swap3A_161] {strides = array<i32>} : memref<1x16x512xf32, #tpu.memory_space<vmem>>, vector<1x1x16xf32>,
          %swap3A_163 = vector.shape_cast %swap3A_162 : vector<1x1x16xf32> to vector<16xf32>
          %swap3A_164 = vector.shape_cast %get3A_155 : vector<16xf32> to vector<1x1x16xf32>
          tpu.vector_store %arg19[%swap3A_159, %swap3A_160, %swap3A_161], %swap3A_164 {strides = array<i32>} : memref<1x16x512xf32, #tpu.memory_space<vmem>>, vector<1x1x16xf32>,
          %scan3A_165 = arith.constant 3 : i32
          %scan3A_166 = arith.addi %scan3A_97, %scan3A_165 : i32
          %mul3A_167 = arith.constant 1 : i32
          %mul3A_168 = arith.muli %scan3A_166, %mul3A_167 : i32
          %add3A_169 = arith.constant 0 : i32
          %add3A_170 = arith.addi %add3A_169, %mul3A_168 : i32
          %mul3A_171 = arith.constant 16 : i32
          %mul3A_172 = arith.muli %add3A_170, %mul3A_171 : i32
          %get3A_173 = arith.constant 0 : i32
          %get3A_174 = arith.index_cast %get3A_173 : i32 to index
          %get3A_175 = arith.index_cast %select_n3A : i32 to index
          %get3A_176 = arith.index_cast %mul3A_172 : i32 to index
          %get3A_177 = tpu.vector_load %arg18[%get3A_174, %get3A_175, %get3A_176] {strides = array<i32>} : memref<1x63x512xf32, #tpu.memory_space<vmem>>, vector<1x1x16xf32>,
          %get3A_178 = vector.shape_cast %get3A_177 : vector<1x1x16xf32> to vector<16xf32>
          %mul3A_179 = arith.constant 16 : i32
          %mul3A_180 = arith.muli %add3A_170, %mul3A_179 : i32
          %swap3A_181 = arith.constant 0 : i32
          %swap3A_182 = arith.index_cast %swap3A_181 : i32 to index
          %swap3A_183 = arith.index_cast %add3A_91 : i32 to index
          %swap3A_184 = arith.index_cast %mul3A_180 : i32 to index
          %swap3A_185 = tpu.vector_load %arg19[%swap3A_182, %swap3A_183, %swap3A_184] {strides = array<i32>} : memref<1x16x512xf32, #tpu.memory_space<vmem>>, vector<1x1x16xf32>,
          %swap3A_186 = vector.shape_cast %swap3A_185 : vector<1x1x16xf32> to vector<16xf32>
          %swap3A_187 = vector.shape_cast %get3A_178 : vector<16xf32> to vector<1x1x16xf32>
          tpu.vector_store %arg19[%swap3A_182, %swap3A_183, %swap3A_184], %swap3A_187 {strides = array<i32>} : memref<1x16x512xf32, #tpu.memory_space<vmem>>, vector<1x1x16xf32>,
          %scan3A_188 = arith.constant 4 : i32
          %scan3A_189 = arith.addi %scan3A_97, %scan3A_188 : i32
          %mul3A_190 = arith.constant 1 : i32
          %mul3A_191 = arith.muli %scan3A_189, %mul3A_190 : i32
          %add3A_192 = arith.constant 0 : i32
          %add3A_193 = arith.addi %add3A_192, %mul3A_191 : i32
          %mul3A_194 = arith.constant 16 : i32
          %mul3A_195 = arith.muli %add3A_193, %mul3A_194 : i32
          %get3A_196 = arith.constant 0 : i32
          %get3A_197 = arith.index_cast %get3A_196 : i32 to index
          %get3A_198 = arith.index_cast %select_n3A : i32 to index
          %get3A_199 = arith.index_cast %mul3A_195 : i32 to index
          %get3A_200 = tpu.vector_load %arg18[%get3A_197, %get3A_198, %get3A_199] {strides = array<i32>} : memref<1x63x512xf32, #tpu.memory_space<vmem>>, vector<1x1x16xf32>,
          %get3A_201 = vector.shape_cast %get3A_200 : vector<1x1x16xf32> to vector<16xf32>
          %mul3A_202 = arith.constant 16 : i32
          %mul3A_203 = arith.muli %add3A_193, %mul3A_202 : i32
          %swap3A_204 = arith.constant 0 : i32
          %swap3A_205 = arith.index_cast %swap3A_204 : i32 to index
          %swap3A_206 = arith.index_cast %add3A_91 : i32 to index
          %swap3A_207 = arith.index_cast %mul3A_203 : i32 to index
          %swap3A_208 = tpu.vector_load %arg19[%swap3A_205, %swap3A_206, %swap3A_207] {strides = array<i32>} : memref<1x16x512xf32, #tpu.memory_space<vmem>>, vector<1x1x16xf32>,
          %swap3A_209 = vector.shape_cast %swap3A_208 : vector<1x1x16xf32> to vector<16xf32>
          %swap3A_210 = vector.shape_cast %get3A_201 : vector<16xf32> to vector<1x1x16xf32>
          tpu.vector_store %arg19[%swap3A_205, %swap3A_206, %swap3A_207], %swap3A_210 {strides = array<i32>} : memref<1x16x512xf32, #tpu.memory_space<vmem>>, vector<1x1x16xf32>,
          %scan3A_211 = arith.constant 5 : i32
          %scan3A_212 = arith.addi %scan3A_97, %scan3A_211 : i32
          %mul3A_213 = arith.constant 1 : i32
          %mul3A_214 = arith.muli %scan3A_212, %mul3A_213 : i32
          %add3A_215 = arith.constant 0 : i32
          %add3A_216 = arith.addi %add3A_215, %mul3A_214 : i32
          %mul3A_217 = arith.constant 16 : i32
          %mul3A_218 = arith.muli %add3A_216, %mul3A_217 : i32
          %get3A_219 = arith.constant 0 : i32
          %get3A_220 = arith.index_cast %get3A_219 : i32 to index
          %get3A_221 = arith.index_cast %select_n3A : i32 to index
          %get3A_222 = arith.index_cast %mul3A_218 : i32 to index
          %get3A_223 = tpu.vector_load %arg18[%get3A_220, %get3A_221, %get3A_222] {strides = array<i32>} : memref<1x63x512xf32, #tpu.memory_space<vmem>>, vector<1x1x16xf32>,
          %get3A_224 = vector.shape_cast %get3A_223 : vector<1x1x16xf32> to vector<16xf32>
          %mul3A_225 = arith.constant 16 : i32
          %mul3A_226 = arith.muli %add3A_216, %mul3A_225 : i32
          %swap3A_227 = arith.constant 0 : i32
          %swap3A_228 = arith.index_cast %swap3A_227 : i32 to index
          %swap3A_229 = arith.index_cast %add3A_91 : i32 to index
          %swap3A_230 = arith.index_cast %mul3A_226 : i32 to index
          %swap3A_231 = tpu.vector_load %arg19[%swap3A_228, %swap3A_229, %swap3A_230] {strides = array<i32>} : memref<1x16x512xf32, #tpu.memory_space<vmem>>, vector<1x1x16xf32>,
          %swap3A_232 = vector.shape_cast %swap3A_231 : vector<1x1x16xf32> to vector<16xf32>
          %swap3A_233 = vector.shape_cast %get3A_224 : vector<16xf32> to vector<1x1x16xf32>
          tpu.vector_store %arg19[%swap3A_228, %swap3A_229, %swap3A_230], %swap3A_233 {strides = array<i32>} : memref<1x16x512xf32, #tpu.memory_space<vmem>>, vector<1x1x16xf32>,
          %scan3A_234 = arith.constant 6 : i32
          %scan3A_235 = arith.addi %scan3A_97, %scan3A_234 : i32
          %mul3A_236 = arith.constant 1 : i32
          %mul3A_237 = arith.muli %scan3A_235, %mul3A_236 : i32
          %add3A_238 = arith.constant 0 : i32
          %add3A_239 = arith.addi %add3A_238, %mul3A_237 : i32
          %mul3A_240 = arith.constant 16 : i32
          %mul3A_241 = arith.muli %add3A_239, %mul3A_240 : i32
          %get3A_242 = arith.constant 0 : i32
          %get3A_243 = arith.index_cast %get3A_242 : i32 to index
          %get3A_244 = arith.index_cast %select_n3A : i32 to index
          %get3A_245 = arith.index_cast %mul3A_241 : i32 to index
          %get3A_246 = tpu.vector_load %arg18[%get3A_243, %get3A_244, %get3A_245] {strides = array<i32>} : memref<1x63x512xf32, #tpu.memory_space<vmem>>, vector<1x1x16xf32>,
          %get3A_247 = vector.shape_cast %get3A_246 : vector<1x1x16xf32> to vector<16xf32>
          %mul3A_248 = arith.constant 16 : i32
          %mul3A_249 = arith.muli %add3A_239, %mul3A_248 : i32
          %swap3A_250 = arith.constant 0 : i32
          %swap3A_251 = arith.index_cast %swap3A_250 : i32 to index
          %swap3A_252 = arith.index_cast %add3A_91 : i32 to index
          %swap3A_253 = arith.index_cast %mul3A_249 : i32 to index
          %swap3A_254 = tpu.vector_load %arg19[%swap3A_251, %swap3A_252, %swap3A_253] {strides = array<i32>} : memref<1x16x512xf32, #tpu.memory_space<vmem>>, vector<1x1x16xf32>,
          %swap3A_255 = vector.shape_cast %swap3A_254 : vector<1x1x16xf32> to vector<16xf32>
          %swap3A_256 = vector.shape_cast %get3A_247 : vector<16xf32> to vector<1x1x16xf32>
          tpu.vector_store %arg19[%swap3A_251, %swap3A_252, %swap3A_253], %swap3A_256 {strides = array<i32>} : memref<1x16x512xf32, #tpu.memory_space<vmem>>, vector<1x1x16xf32>,
          %scan3A_257 = arith.constant 7 : i32
          %scan3A_258 = arith.addi %scan3A_97, %scan3A_257 : i32
          %mul3A_259 = arith.constant 1 : i32
          %mul3A_260 = arith.muli %scan3A_258, %mul3A_259 : i32
          %add3A_261 = arith.constant 0 : i32
          %add3A_262 = arith.addi %add3A_261, %mul3A_260 : i32
          %mul3A_263 = arith.constant 16 : i32
          %mul3A_264 = arith.muli %add3A_262, %mul3A_263 : i32
          %get3A_265 = arith.constant 0 : i32
          %get3A_266 = arith.index_cast %get3A_265 : i32 to index
          %get3A_267 = arith.index_cast %select_n3A : i32 to index
          %get3A_268 = arith.index_cast %mul3A_264 : i32 to index
          %get3A_269 = tpu.vector_load %arg18[%get3A_266, %get3A_267, %get3A_268] {strides = array<i32>} : memref<1x63x512xf32, #tpu.memory_space<vmem>>, vector<1x1x16xf32>,
          %get3A_270 = vector.shape_cast %get3A_269 : vector<1x1x16xf32> to vector<16xf32>
          %mul3A_271 = arith.constant 16 : i32
          %mul3A_272 = arith.muli %add3A_262, %mul3A_271 : i32
          %swap3A_273 = arith.constant 0 : i32
          %swap3A_274 = arith.index_cast %swap3A_273 : i32 to index
          %swap3A_275 = arith.index_cast %add3A_91 : i32 to index
          %swap3A_276 = arith.index_cast %mul3A_272 : i32 to index
          %swap3A_277 = tpu.vector_load %arg19[%swap3A_274, %swap3A_275, %swap3A_276] {strides = array<i32>} : memref<1x16x512xf32, #tpu.memory_space<vmem>>, vector<1x1x16xf32>,
          %swap3A_278 = vector.shape_cast %swap3A_277 : vector<1x1x16xf32> to vector<16xf32>
          %swap3A_279 = vector.shape_cast %get3A_270 : vector<16xf32> to vector<1x1x16xf32>
          tpu.vector_store %arg19[%swap3A_274, %swap3A_275, %swap3A_276], %swap3A_279 {strides = array<i32>} : memref<1x16x512xf32, #tpu.memory_space<vmem>>, vector<1x1x16xf32>,
        }
        %scan3A_96 = arith.constant 32 : i32
      }
      %scan3A_86 = arith.constant 16 : i32
    } else {
    }
    %add3A_29 = arith.constant 32 : i32
    %add3A_30 = arith.addi %add3A, %add3A_29 : i32
    %lt3A_31 = arith.constant 61 : i32
    %lt3A_32 = arith.cmpi slt, %add3A_30, %lt3A_31 : i32
    %convert_element_type3A_33 = arith.extui %lt3A_32 : i1 to i32
    %cond3A_34 = arith.constant 0 : i32
    %cond3A_35 = arith.cmpi ne, %convert_element_type3A_33, %cond3A_34 : i32
    scf.if %cond3A_35 {
      %lt3A_73 = arith.constant 6 : i32
      %lt3A_74 = arith.cmpi slt, %add3A_30, %lt3A_73 : i32
      %add3A_75 = arith.constant 2 : i32
      %add3A_76 = arith.addi %add3A_30, %add3A_75 : i32
      %select_n3A = arith.select %lt3A_74, %add3A_30, %add3A_76 : i32
      %lt3A_77 = arith.constant 6 : i32
      %lt3A_78 = arith.cmpi slt, %add3A_30, %lt3A_77 : i32
      %add3A_79 = arith.constant 16 : i32
      %add3A_80 = arith.addi %add3A_79, %add3A_30 : i32
      %select_n3A_81 = arith.select %lt3A_78, %add3A_30, %add3A_80 : i32
      %scan3A_82 = arith.constant 0 : i32
      %scan3A_83 = arith.constant 16 : i32
      %scan3A_84 = arith.addi %scan3A_82, %scan3A_83 : i32
      %scan3A_85 = arith.constant 1 : i32
      scf.for %scan3A_87 = %scan3A_82 to %scan3A_84 step %scan3A_85  : i32 {
        %mul3A_88 = arith.constant 1 : i32
        %mul3A_89 = arith.muli %scan3A_87, %mul3A_88 : i32
        %add3A_90 = arith.constant 0 : i32
        %add3A_91 = arith.addi %add3A_90, %mul3A_89 : i32
        %scan3A_92 = arith.constant 0 : i32
        %scan3A_93 = arith.constant 32 : i32
        %scan3A_94 = arith.addi %scan3A_92, %scan3A_93 : i32
        %scan3A_95 = arith.constant 8 : i32
        scf.for %scan3A_97 = %scan3A_92 to %scan3A_94 step %scan3A_95  : i32 {
          %mul3A_98 = arith.constant 1 : i32
          %mul3A_99 = arith.muli %scan3A_97, %mul3A_98 : i32
          %add3A_100 = arith.constant 0 : i32
          %add3A_101 = arith.addi %add3A_100, %mul3A_99 : i32
          %mul3A_102 = arith.constant 16 : i32
          %mul3A_103 = arith.muli %add3A_101, %mul3A_102 : i32
          %get3A_104 = arith.constant 0 : i32
          %get3A_105 = arith.index_cast %get3A_104 : i32 to index
          %get3A_106 = arith.index_cast %select_n3A : i32 to index
          %get3A_107 = arith.index_cast %mul3A_103 : i32 to index
          %get3A_108 = tpu.vector_load %arg18[%get3A_105, %get3A_106, %get3A_107] {strides = array<i32>} : memref<1x63x512xf32, #tpu.memory_space<vmem>>, vector<1x1x16xf32>,
          %get3A_109 = vector.shape_cast %get3A_108 : vector<1x1x16xf32> to vector<16xf32>
          %mul3A_110 = arith.constant 16 : i32
          %mul3A_111 = arith.muli %add3A_101, %mul3A_110 : i32
          %swap3A_112 = arith.constant 0 : i32
          %swap3A_113 = arith.index_cast %swap3A_112 : i32 to index
          %swap3A_114 = arith.index_cast %add3A_91 : i32 to index
          %swap3A_115 = arith.index_cast %mul3A_111 : i32 to index
          %swap3A_116 = tpu.vector_load %arg20[%swap3A_113, %swap3A_114, %swap3A_115] {strides = array<i32>} : memref<1x16x512xf32, #tpu.memory_space<vmem>>, vector<1x1x16xf32>,
          %swap3A_117 = vector.shape_cast %swap3A_116 : vector<1x1x16xf32> to vector<16xf32>
          %swap3A_118 = vector.shape_cast %get3A_109 : vector<16xf32> to vector<1x1x16xf32>
          tpu.vector_store %arg20[%swap3A_113, %swap3A_114, %swap3A_115], %swap3A_118 {strides = array<i32>} : memref<1x16x512xf32, #tpu.memory_space<vmem>>, vector<1x1x16xf32>,
          %scan3A_119 = arith.constant 1 : i32
          %scan3A_120 = arith.addi %scan3A_97, %scan3A_119 : i32
          %mul3A_121 = arith.constant 1 : i32
          %mul3A_122 = arith.muli %scan3A_120, %mul3A_121 : i32
          %add3A_123 = arith.constant 0 : i32
          %add3A_124 = arith.addi %add3A_123, %mul3A_122 : i32
          %mul3A_125 = arith.constant 16 : i32
          %mul3A_126 = arith.muli %add3A_124, %mul3A_125 : i32
          %get3A_127 = arith.constant 0 : i32
          %get3A_128 = arith.index_cast %get3A_127 : i32 to index
          %get3A_129 = arith.index_cast %select_n3A : i32 to index
          %get3A_130 = arith.index_cast %mul3A_126 : i32 to index
          %get3A_131 = tpu.vector_load %arg18[%get3A_128, %get3A_129, %get3A_130] {strides = array<i32>} : memref<1x63x512xf32, #tpu.memory_space<vmem>>, vector<1x1x16xf32>,
          %get3A_132 = vector.shape_cast %get3A_131 : vector<1x1x16xf32> to vector<16xf32>
          %mul3A_133 = arith.constant 16 : i32
          %mul3A_134 = arith.muli %add3A_124, %mul3A_133 : i32
          %swap3A_135 = arith.constant 0 : i32
          %swap3A_136 = arith.index_cast %swap3A_135 : i32 to index
          %swap3A_137 = arith.index_cast %add3A_91 : i32 to index
          %swap3A_138 = arith.index_cast %mul3A_134 : i32 to index
          %swap3A_139 = tpu.vector_load %arg20[%swap3A_136, %swap3A_137, %swap3A_138] {strides = array<i32>} : memref<1x16x512xf32, #tpu.memory_space<vmem>>, vector<1x1x16xf32>,
          %swap3A_140 = vector.shape_cast %swap3A_139 : vector<1x1x16xf32> to vector<16xf32>
          %swap3A_141 = vector.shape_cast %get3A_132 : vector<16xf32> to vector<1x1x16xf32>
          tpu.vector_store %arg20[%swap3A_136, %swap3A_137, %swap3A_138], %swap3A_141 {strides = array<i32>} : memref<1x16x512xf32, #tpu.memory_space<vmem>>, vector<1x1x16xf32>,
          %scan3A_142 = arith.constant 2 : i32
          %scan3A_143 = arith.addi %scan3A_97, %scan3A_142 : i32
          %mul3A_144 = arith.constant 1 : i32
          %mul3A_145 = arith.muli %scan3A_143, %mul3A_144 : i32
          %add3A_146 = arith.constant 0 : i32
          %add3A_147 = arith.addi %add3A_146, %mul3A_145 : i32
          %mul3A_148 = arith.constant 16 : i32
          %mul3A_149 = arith.muli %add3A_147, %mul3A_148 : i32
          %get3A_150 = arith.constant 0 : i32
          %get3A_151 = arith.index_cast %get3A_150 : i32 to index
          %get3A_152 = arith.index_cast %select_n3A : i32 to index
          %get3A_153 = arith.index_cast %mul3A_149 : i32 to index
          %get3A_154 = tpu.vector_load %arg18[%get3A_151, %get3A_152, %get3A_153] {strides = array<i32>} : memref<1x63x512xf32, #tpu.memory_space<vmem>>, vector<1x1x16xf32>,
          %get3A_155 = vector.shape_cast %get3A_154 : vector<1x1x16xf32> to vector<16xf32>
          %mul3A_156 = arith.constant 16 : i32
          %mul3A_157 = arith.muli %add3A_147, %mul3A_156 : i32
          %swap3A_158 = arith.constant 0 : i32
          %swap3A_159 = arith.index_cast %swap3A_158 : i32 to index
          %swap3A_160 = arith.index_cast %add3A_91 : i32 to index
          %swap3A_161 = arith.index_cast %mul3A_157 : i32 to index
          %swap3A_162 = tpu.vector_load %arg20[%swap3A_159, %swap3A_160, %swap3A_161] {strides = array<i32>} : memref<1x16x512xf32, #tpu.memory_space<vmem>>, vector<1x1x16xf32>,
          %swap3A_163 = vector.shape_cast %swap3A_162 : vector<1x1x16xf32> to vector<16xf32>
          %swap3A_164 = vector.shape_cast %get3A_155 : vector<16xf32> to vector<1x1x16xf32>
          tpu.vector_store %arg20[%swap3A_159, %swap3A_160, %swap3A_161], %swap3A_164 {strides = array<i32>} : memref<1x16x512xf32, #tpu.memory_space<vmem>>, vector<1x1x16xf32>,
          %scan3A_165 = arith.constant 3 : i32
          %scan3A_166 = arith.addi %scan3A_97, %scan3A_165 : i32
          %mul3A_167 = arith.constant 1 : i32
          %mul3A_168 = arith.muli %scan3A_166, %mul3A_167 : i32
          %add3A_169 = arith.constant 0 : i32
          %add3A_170 = arith.addi %add3A_169, %mul3A_168 : i32
          %mul3A_171 = arith.constant 16 : i32
          %mul3A_172 = arith.muli %add3A_170, %mul3A_171 : i32
          %get3A_173 = arith.constant 0 : i32
          %get3A_174 = arith.index_cast %get3A_173 : i32 to index
          %get3A_175 = arith.index_cast %select_n3A : i32 to index
          %get3A_176 = arith.index_cast %mul3A_172 : i32 to index
          %get3A_177 = tpu.vector_load %arg18[%get3A_174, %get3A_175, %get3A_176] {strides = array<i32>} : memref<1x63x512xf32, #tpu.memory_space<vmem>>, vector<1x1x16xf32>,
          %get3A_178 = vector.shape_cast %get3A_177 : vector<1x1x16xf32> to vector<16xf32>
          %mul3A_179 = arith.constant 16 : i32
          %mul3A_180 = arith.muli %add3A_170, %mul3A_179 : i32
          %swap3A_181 = arith.constant 0 : i32
          %swap3A_182 = arith.index_cast %swap3A_181 : i32 to index
          %swap3A_183 = arith.index_cast %add3A_91 : i32 to index
          %swap3A_184 = arith.index_cast %mul3A_180 : i32 to index
          %swap3A_185 = tpu.vector_load %arg20[%swap3A_182, %swap3A_183, %swap3A_184] {strides = array<i32>} : memref<1x16x512xf32, #tpu.memory_space<vmem>>, vector<1x1x16xf32>,
          %swap3A_186 = vector.shape_cast %swap3A_185 : vector<1x1x16xf32> to vector<16xf32>
          %swap3A_187 = vector.shape_cast %get3A_178 : vector<16xf32> to vector<1x1x16xf32>
          tpu.vector_store %arg20[%swap3A_182, %swap3A_183, %swap3A_184], %swap3A_187 {strides = array<i32>} : memref<1x16x512xf32, #tpu.memory_space<vmem>>, vector<1x1x16xf32>,
          %scan3A_188 = arith.constant 4 : i32
          %scan3A_189 = arith.addi %scan3A_97, %scan3A_188 : i32
          %mul3A_190 = arith.constant 1 : i32
          %mul3A_191 = arith.muli %scan3A_189, %mul3A_190 : i32
          %add3A_192 = arith.constant 0 : i32
          %add3A_193 = arith.addi %add3A_192, %mul3A_191 : i32
          %mul3A_194 = arith.constant 16 : i32
          %mul3A_195 = arith.muli %add3A_193, %mul3A_194 : i32
          %get3A_196 = arith.constant 0 : i32
          %get3A_197 = arith.index_cast %get3A_196 : i32 to index
          %get3A_198 = arith.index_cast %select_n3A : i32 to index
          %get3A_199 = arith.index_cast %mul3A_195 : i32 to index
          %get3A_200 = tpu.vector_load %arg18[%get3A_197, %get3A_198, %get3A_199] {strides = array<i32>} : memref<1x63x512xf32, #tpu.memory_space<vmem>>, vector<1x1x16xf32>,
          %get3A_201 = vector.shape_cast %get3A_200 : vector<1x1x16xf32> to vector<16xf32>
          %mul3A_202 = arith.constant 16 : i32
          %mul3A_203 = arith.muli %add3A_193, %mul3A_202 : i32
          %swap3A_204 = arith.constant 0 : i32
          %swap3A_205 = arith.index_cast %swap3A_204 : i32 to index
          %swap3A_206 = arith.index_cast %add3A_91 : i32 to index
          %swap3A_207 = arith.index_cast %mul3A_203 : i32 to index
          %swap3A_208 = tpu.vector_load %arg20[%swap3A_205, %swap3A_206, %swap3A_207] {strides = array<i32>} : memref<1x16x512xf32, #tpu.memory_space<vmem>>, vector<1x1x16xf32>,
          %swap3A_209 = vector.shape_cast %swap3A_208 : vector<1x1x16xf32> to vector<16xf32>
          %swap3A_210 = vector.shape_cast %get3A_201 : vector<16xf32> to vector<1x1x16xf32>
          tpu.vector_store %arg20[%swap3A_205, %swap3A_206, %swap3A_207], %swap3A_210 {strides = array<i32>} : memref<1x16x512xf32, #tpu.memory_space<vmem>>, vector<1x1x16xf32>,
          %scan3A_211 = arith.constant 5 : i32
          %scan3A_212 = arith.addi %scan3A_97, %scan3A_211 : i32
          %mul3A_213 = arith.constant 1 : i32
          %mul3A_214 = arith.muli %scan3A_212, %mul3A_213 : i32
          %add3A_215 = arith.constant 0 : i32
          %add3A_216 = arith.addi %add3A_215, %mul3A_214 : i32
          %mul3A_217 = arith.constant 16 : i32
          %mul3A_218 = arith.muli %add3A_216, %mul3A_217 : i32
          %get3A_219 = arith.constant 0 : i32
          %get3A_220 = arith.index_cast %get3A_219 : i32 to index
          %get3A_221 = arith.index_cast %select_n3A : i32 to index
          %get3A_222 = arith.index_cast %mul3A_218 : i32 to index
          %get3A_223 = tpu.vector_load %arg18[%get3A_220, %get3A_221, %get3A_222] {strides = array<i32>} : memref<1x63x512xf32, #tpu.memory_space<vmem>>, vector<1x1x16xf32>,
          %get3A_224 = vector.shape_cast %get3A_223 : vector<1x1x16xf32> to vector<16xf32>
          %mul3A_225 = arith.constant 16 : i32
          %mul3A_226 = arith.muli %add3A_216, %mul3A_225 : i32
          %swap3A_227 = arith.constant 0 : i32
          %swap3A_228 = arith.index_cast %swap3A_227 : i32 to index
          %swap3A_229 = arith.index_cast %add3A_91 : i32 to index
          %swap3A_230 = arith.index_cast %mul3A_226 : i32 to index
          %swap3A_231 = tpu.vector_load %arg20[%swap3A_228, %swap3A_229, %swap3A_230] {strides = array<i32>} : memref<1x16x512xf32, #tpu.memory_space<vmem>>, vector<1x1x16xf32>,
          %swap3A_232 = vector.shape_cast %swap3A_231 : vector<1x1x16xf32> to vector<16xf32>
          %swap3A_233 = vector.shape_cast %get3A_224 : vector<16xf32> to vector<1x1x16xf32>
          tpu.vector_store %arg20[%swap3A_228, %swap3A_229, %swap3A_230], %swap3A_233 {strides = array<i32>} : memref<1x16x512xf32, #tpu.memory_space<vmem>>, vector<1x1x16xf32>,
          %scan3A_234 = arith.constant 6 : i32
          %scan3A_235 = arith.addi %scan3A_97, %scan3A_234 : i32
          %mul3A_236 = arith.constant 1 : i32
          %mul3A_237 = arith.muli %scan3A_235, %mul3A_236 : i32
          %add3A_238 = arith.constant 0 : i32
          %add3A_239 = arith.addi %add3A_238, %mul3A_237 : i32
          %mul3A_240 = arith.constant 16 : i32
          %mul3A_241 = arith.muli %add3A_239, %mul3A_240 : i32
          %get3A_242 = arith.constant 0 : i32
          %get3A_243 = arith.index_cast %get3A_242 : i32 to index
          %get3A_244 = arith.index_cast %select_n3A : i32 to index
          %get3A_245 = arith.index_cast %mul3A_241 : i32 to index
          %get3A_246 = tpu.vector_load %arg18[%get3A_243, %get3A_244, %get3A_245] {strides = array<i32>} : memref<1x63x512xf32, #tpu.memory_space<vmem>>, vector<1x1x16xf32>,
          %get3A_247 = vector.shape_cast %get3A_246 : vector<1x1x16xf32> to vector<16xf32>
          %mul3A_248 = arith.constant 16 : i32
          %mul3A_249 = arith.muli %add3A_239, %mul3A_248 : i32
          %swap3A_250 = arith.constant 0 : i32
          %swap3A_251 = arith.index_cast %swap3A_250 : i32 to index
          %swap3A_252 = arith.index_cast %add3A_91 : i32 to index
          %swap3A_253 = arith.index_cast %mul3A_249 : i32 to index
          %swap3A_254 = tpu.vector_load %arg20[%swap3A_251, %swap3A_252, %swap3A_253] {strides = array<i32>} : memref<1x16x512xf32, #tpu.memory_space<vmem>>, vector<1x1x16xf32>,
          %swap3A_255 = vector.shape_cast %swap3A_254 : vector<1x1x16xf32> to vector<16xf32>
          %swap3A_256 = vector.shape_cast %get3A_247 : vector<16xf32> to vector<1x1x16xf32>
          tpu.vector_store %arg20[%swap3A_251, %swap3A_252, %swap3A_253], %swap3A_256 {strides = array<i32>} : memref<1x16x512xf32, #tpu.memory_space<vmem>>, vector<1x1x16xf32>,
          %scan3A_257 = arith.constant 7 : i32
          %scan3A_258 = arith.addi %scan3A_97, %scan3A_257 : i32
          %mul3A_259 = arith.constant 1 : i32
          %mul3A_260 = arith.muli %scan3A_258, %mul3A_259 : i32
          %add3A_261 = arith.constant 0 : i32
          %add3A_262 = arith.addi %add3A_261, %mul3A_260 : i32
          %mul3A_263 = arith.constant 16 : i32
          %mul3A_264 = arith.muli %add3A_262, %mul3A_263 : i32
          %get3A_265 = arith.constant 0 : i32
          %get3A_266 = arith.index_cast %get3A_265 : i32 to index
          %get3A_267 = arith.index_cast %select_n3A : i32 to index
          %get3A_268 = arith.index_cast %mul3A_264 : i32 to index
          %get3A_269 = tpu.vector_load %arg18[%get3A_266, %get3A_267, %get3A_268] {strides = array<i32>} : memref<1x63x512xf32, #tpu.memory_space<vmem>>, vector<1x1x16xf32>,
          %get3A_270 = vector.shape_cast %get3A_269 : vector<1x1x16xf32> to vector<16xf32>
          %mul3A_271 = arith.constant 16 : i32
          %mul3A_272 = arith.muli %add3A_262, %mul3A_271 : i32
          %swap3A_273 = arith.constant 0 : i32
          %swap3A_274 = arith.index_cast %swap3A_273 : i32 to index
          %swap3A_275 = arith.index_cast %add3A_91 : i32 to index
          %swap3A_276 = arith.index_cast %mul3A_272 : i32 to index
          %swap3A_277 = tpu.vector_load %arg20[%swap3A_274, %swap3A_275, %swap3A_276] {strides = array<i32>} : memref<1x16x512xf32, #tpu.memory_space<vmem>>, vector<1x1x16xf32>,
          %swap3A_278 = vector.shape_cast %swap3A_277 : vector<1x1x16xf32> to vector<16xf32>
          %swap3A_279 = vector.shape_cast %get3A_270 : vector<16xf32> to vector<1x1x16xf32>
          tpu.vector_store %arg20[%swap3A_274, %swap3A_275, %swap3A_276], %swap3A_279 {strides = array<i32>} : memref<1x16x512xf32, #tpu.memory_space<vmem>>, vector<1x1x16xf32>,
        }
        %scan3A_96 = arith.constant 32 : i32
      }
      %scan3A_86 = arith.constant 16 : i32
    } else {
    }
    %get3A_36 = arith.constant 0 : index
    %get3A_37 = tpu.vector_load %arg12[%get3A_36] {strides = array<i32>} : memref<32xf32, #tpu.memory_space<vmem>>, vector<16xf32>,
    %get3A_38 = vector.shape_cast %get3A_37 : vector<16xf32> to vector<16xf32>
    %get3A_39 = arith.constant 16 : index
    %get3A_40 = tpu.vector_load %arg12[%get3A_39] {strides = array<i32>} : memref<32xf32, #tpu.memory_space<vmem>>, vector<16xf32>,
    %get3A_41 = vector.shape_cast %get3A_40 : vector<16xf32> to vector<16xf32>
    %scan3A = arith.constant 0 : i32
    %scan3A_42 = arith.constant 8 : i32
    %scan3A_43 = arith.addi %scan3A, %scan3A_42 : i32
    %scan3A_44 = arith.constant 1 : i32
    scf.for %scan3A_73 = %scan3A to %scan3A_43 step %scan3A_44  : i32 {
      %mul3A_74 = arith.constant 1 : i32
      %mul3A_75 = arith.muli %scan3A_73, %mul3A_74 : i32
      %add3A_76 = arith.constant 0 : i32
      %add3A_77 = arith.addi %add3A_76, %mul3A_75 : i32
      %mul3A_78 = arith.constant 2 : i32
      %mul3A_79 = arith.muli %mul3A_78, %add3A_77 : i32
      %add3A_80 = arith.constant 1 : i32
      %add3A_81 = arith.addi %mul3A_79, %add3A_80 : i32
      %lt3A_82 = arith.constant 16 : i32
      %lt3A_83 = arith.cmpi slt, %add3A_81, %lt3A_82 : i32
      %convert_element_type3A_84 = arith.extui %lt3A_83 : i1 to i32
      %cond3A_85 = arith.constant 0 : i32
      %cond3A_86 = arith.cmpi ne, %convert_element_type3A_84, %cond3A_85 : i32
      scf.if %cond3A_86 {
        %add3A_196 = arith.constant 1 : i32
        %add3A_197 = arith.addi %mul3A_79, %add3A_196 : i32
        %get3A_198 = arith.constant 0 : index
        %get3A_199 = tpu.vector_load %arg9[%get3A_198] {strides = array<i32>} : memref<32xi32, #tpu.memory_space<vmem>>, vector<16xi32>,
        %get3A_200 = vector.shape_cast %get3A_199 : vector<16xi32> to vector<16xi32>
        %add3A_201 = vector.broadcast %add3A_197 : i32 to vector<16xi32>
        %add3A_202 = arith.addi %get3A_200, %add3A_201 : vector<16xi32>
        %swap3A_203 = arith.constant 0 : index
        %swap3A_204 = tpu.vector_load %arg11[%swap3A_203] {strides = array<i32>} : memref<32xi32, #tpu.memory_space<vmem>>, vector<16xi32>,
        %swap3A_205 = vector.shape_cast %swap3A_204 : vector<16xi32> to vector<16xi32>
        %swap3A_206 = vector.shape_cast %add3A_202 : vector<16xi32> to vector<16xi32>
        tpu.vector_store %arg11[%swap3A_203], %swap3A_206 {strides = array<i32>} : memref<32xi32, #tpu.memory_space<vmem>>, vector<16xi32>,
        %get3A_207 = arith.constant 16 : index
        %get3A_208 = tpu.vector_load %arg9[%get3A_207] {strides = array<i32>} : memref<32xi32, #tpu.memory_space<vmem>>, vector<16xi32>,
        %get3A_209 = vector.shape_cast %get3A_208 : vector<16xi32> to vector<16xi32>
        %add3A_210 = vector.broadcast %add3A_197 : i32 to vector<16xi32>
        %add3A_211 = arith.addi %get3A_209, %add3A_210 : vector<16xi32>
        %swap3A_212 = arith.constant 16 : index
        %swap3A_213 = tpu.vector_load %arg11[%swap3A_212] {strides = array<i32>} : memref<32xi32, #tpu.memory_space<vmem>>, vector<16xi32>,
        %swap3A_214 = vector.shape_cast %swap3A_213 : vector<16xi32> to vector<16xi32>
        %swap3A_215 = vector.shape_cast %add3A_211 : vector<16xi32> to vector<16xi32>
        tpu.vector_store %arg11[%swap3A_212], %swap3A_215 {strides = array<i32>} : memref<32xi32, #tpu.memory_space<vmem>>, vector<16xi32>,
      } else {
      }
      %add3A_87 = arith.constant 1 : i32
      %add3A_88 = arith.addi %mul3A_79, %add3A_87 : i32
      %lt3A_89 = arith.constant 16 : i32
      %lt3A_90 = arith.cmpi slt, %add3A_88, %lt3A_89 : i32
      %ge3A = arith.constant 2 : i32
      %ge3A_91 = arith.cmpi sge, %mul3A_79, %ge3A : i32
      %dma_wait3A_92 = arith.constant 0 : i32
      %dma_wait3A_93 = arith.constant 0 : i32
      %dma_wait3A_94 = tpu.memref_slice %arg3[%dma_wait3A_92, %dma_wait3A_93] : memref<16000x512xf32, #tpu.memory_space<hbm>> -> memref<16000x512xf32, #tpu.memory_space<hbm>>
      tpu.wait_indirect_dma semaphore(%arg21 : memref<!tpu.dma_semaphore, #tpu.memory_space<semaphore_mem>>) src(%dma_wait3A_94 : memref<16000x512xf32, #tpu.memory_space<hbm>>) dst(%arg14 : memref<32x512xf32, #tpu.memory_space<vmem>>)
      %convert_element_type3A_95 = arith.extui %lt3A_90 : i1 to i32
      %cond3A_96 = arith.constant 0 : i32
      %cond3A_97 = arith.cmpi ne, %convert_element_type3A_95, %cond3A_96 : i32
      scf.if %cond3A_97 {
        %dma_start3A_196 = arith.constant 0 : i32
        %dma_start3A_197 = arith.constant 0 : i32
        %dma_start3A_198 = tpu.memref_slice %arg3[%dma_start3A_196, %dma_start3A_197] : memref<16000x512xf32, #tpu.memory_space<hbm>> -> memref<16000x512xf32, #tpu.memory_space<hbm>>
        tpu.enqueue_indirect_dma source(%dma_start3A_198 : memref<16000x512xf32, #tpu.memory_space<hbm>>) target(%arg15 : memref<32x512xf32, #tpu.memory_space<vmem>>) offsets(%arg11 : memref<32xi32, #tpu.memory_space<vmem>>) semaphore(%arg21 : memref<!tpu.dma_semaphore, #tpu.memory_space<semaphore_mem>>)
      } else {
      }
      %convert_element_type3A_98 = arith.extui %ge3A_91 : i1 to i32
      %cond3A_99 = arith.constant 0 : i32
      %cond3A_100 = arith.cmpi ne, %convert_element_type3A_98, %cond3A_99 : i32
      scf.if %cond3A_100 {
        %multiple_of3A_196 = tpu.assume_multiple %mul3A_2, 8 : i32
        %dma_wait3A_197 = arith.constant 6 : i32
        %dma_wait3A_198 = arith.constant 0 : i32
        %dma_wait3A_199 = tpu.memref_slice %arg8[%dma_wait3A_197, %multiple_of3A_196, %dma_wait3A_198] : memref<77x1024x512xf32, #tpu.memory_space<hbm>> -> memref<1x32x512xf32, #tpu.memory_space<hbm>>
        %dma_wait3A_200 = arith.constant 6 : i32
        %dma_wait3A_201 = arith.constant 0 : i32
        %dma_wait3A_202 = tpu.memref_slice %arg8[%dma_wait3A_200, %multiple_of3A_196, %dma_wait3A_201] : memref<77x1024x512xf32, #tpu.memory_space<hbm>> -> memref<1x32x512xf32, #tpu.memory_space<hbm>>
        tpu.wait_dma2 semaphore(%arg22 : memref<!tpu.dma_semaphore, #tpu.memory_space<semaphore_mem>>) src(%arg16 : memref<1x32x512xf32, #tpu.memory_space<vmem>>) dst(%dma_wait3A_202 : memref<1x32x512xf32, #tpu.memory_space<hbm>>)
      } else {
      }
      %scan3A_101 = arith.constant 0 : i32
      %scan3A_102 = arith.constant 32 : i32
      %scan3A_103 = arith.addi %scan3A_101, %scan3A_102 : i32
      %scan3A_104 = arith.constant 1 : i32
      scf.for %scan3A_196 = %scan3A_101 to %scan3A_103 step %scan3A_104  : i32 {
        %mul3A_197 = arith.constant 1 : i32
        %mul3A_198 = arith.muli %scan3A_196, %mul3A_197 : i32
        %add3A_199 = arith.constant 0 : i32
        %add3A_200 = arith.addi %add3A_199, %mul3A_198 : i32
        %lt3A_201 = arith.constant 16 : i32
        %lt3A_202 = arith.cmpi slt, %add3A_200, %lt3A_201 : i32
        %select_n3A_203 = arith.select %lt3A_202, %get3A_38, %get3A_41 : vector<16xf32>
        %and3A = arith.constant 15 : i32
        %and3A_204 = arith.andi %add3A_200, %and3A : i32
        %broadcast_in_dim3A_205 = vector.broadcast %and3A_204 : i32 to vector<16xi32>
        %broadcast_in_dim3A_206 = vector.shape_cast %broadcast_in_dim3A_205 : vector<16xi32> to vector<16x1xi32>
        %gather3A = vector.shape_cast %broadcast_in_dim3A_206 : vector<16x1xi32> to vector<16xi32>
        %gather3A_207 = tpu.dynamic_gather %select_n3A_203[%gather3A] in [0] : vector<16xf32>, vector<16xi32> -> vector<16xf32>
        %get3A_208 = arith.index_cast %add3A_200 : i32 to index
        %get3A_209 = arith.constant 0 : index
        %get3A_210 = tpu.vector_load %arg14[%get3A_208, %get3A_209] {strides = array<i32>} : memref<32x512xf32, #tpu.memory_space<vmem>>, vector<1x16xf32>,
        %get3A_211 = vector.shape_cast %get3A_210 : vector<1x16xf32> to vector<16xf32>
        %get3A_212 = arith.constant 0 : i32
        %get3A_213 = arith.index_cast %get3A_212 : i32 to index
        %get3A_214 = arith.constant 0 : index
        %get3A_215 = tpu.vector_load %arg13[%get3A_213, %get3A_214] {strides = array<i32>} : memref<1x512xf32, #tpu.memory_space<vmem>>, vector<1x16xf32>,
        %get3A_216 = vector.shape_cast %get3A_215 : vector<1x16xf32> to vector<16xf32>
        %mul3A_217 = arith.mulf %get3A_211, %get3A_216 : vector<16xf32>
        %add3A_218 = arith.addf %broadcast_in_dim3A_3, %mul3A_217 : vector<16xf32>
        %get3A_219 = arith.index_cast %add3A_200 : i32 to index
        %get3A_220 = arith.constant 16 : index
        %get3A_221 = tpu.vector_load %arg14[%get3A_219, %get3A_220] {strides = array<i32>} : memref<32x512xf32, #tpu.memory_space<vmem>>, vector<1x16xf32>,
        %get3A_222 = vector.shape_cast %get3A_221 : vector<1x16xf32> to vector<16xf32>
        %get3A_223 = arith.constant 0 : i32
        %get3A_224 = arith.index_cast %get3A_223 : i32 to index
        %get3A_225 = arith.constant 16 : index
        %get3A_226 = tpu.vector_load %arg13[%get3A_224, %get3A_225] {strides = array<i32>} : memref<1x512xf32, #tpu.memory_space<vmem>>, vector<1x16xf32>,
        %get3A_227 = vector.shape_cast %get3A_226 : vector<1x16xf32> to vector<16xf32>
        %mul3A_228 = arith.mulf %get3A_222, %get3A_227 : vector<16xf32>
        %add3A_229 = arith.addf %broadcast_in_dim3A_3, %mul3A_228 : vector<16xf32>
        %get3A_230 = arith.index_cast %add3A_200 : i32 to index
        %get3A_231 = arith.constant 32 : index
        %get3A_232 = tpu.vector_load %arg14[%get3A_230, %get3A_231] {strides = array<i32>} : memref<32x512xf32, #tpu.memory_space<vmem>>, vector<1x16xf32>,
        %get3A_233 = vector.shape_cast %get3A_232 : vector<1x16xf32> to vector<16xf32>
        %get3A_234 = arith.constant 0 : i32
        %get3A_235 = arith.index_cast %get3A_234 : i32 to index
        %get3A_236 = arith.constant 32 : index
        %get3A_237 = tpu.vector_load %arg13[%get3A_235, %get3A_236] {strides = array<i32>} : memref<1x512xf32, #tpu.memory_space<vmem>>, vector<1x16xf32>,
        %get3A_238 = vector.shape_cast %get3A_237 : vector<1x16xf32> to vector<16xf32>
        %mul3A_239 = arith.mulf %get3A_233, %get3A_238 : vector<16xf32>
        %add3A_240 = arith.addf %broadcast_in_dim3A_3, %mul3A_239 : vector<16xf32>
        %get3A_241 = arith.index_cast %add3A_200 : i32 to index
        %get3A_242 = arith.constant 48 : index
        %get3A_243 = tpu.vector_load %arg14[%get3A_241, %get3A_242] {strides = array<i32>} : memref<32x512xf32, #tpu.memory_space<vmem>>, vector<1x16xf32>,
        %get3A_244 = vector.shape_cast %get3A_243 : vector<1x16xf32> to vector<16xf32>
        %get3A_245 = arith.constant 0 : i32
        %get3A_246 = arith.index_cast %get3A_245 : i32 to index
        %get3A_247 = arith.constant 48 : index
        %get3A_248 = tpu.vector_load %arg13[%get3A_246, %get3A_247] {strides = array<i32>} : memref<1x512xf32, #tpu.memory_space<vmem>>, vector<1x16xf32>,
        %get3A_249 = vector.shape_cast %get3A_248 : vector<1x16xf32> to vector<16xf32>
        %mul3A_250 = arith.mulf %get3A_244, %get3A_249 : vector<16xf32>
        %add3A_251 = arith.addf %broadcast_in_dim3A_3, %mul3A_250 : vector<16xf32>
        %get3A_252 = arith.index_cast %add3A_200 : i32 to index
        %get3A_253 = arith.constant 64 : index
        %get3A_254 = tpu.vector_load %arg14[%get3A_252, %get3A_253] {strides = array<i32>} : memref<32x512xf32, #tpu.memory_space<vmem>>, vector<1x16xf32>,
        %get3A_255 = vector.shape_cast %get3A_254 : vector<1x16xf32> to vector<16xf32>
        %get3A_256 = arith.constant 0 : i32
        %get3A_257 = arith.index_cast %get3A_256 : i32 to index
        %get3A_258 = arith.constant 64 : index
        %get3A_259 = tpu.vector_load %arg13[%get3A_257, %get3A_258] {strides = array<i32>} : memref<1x512xf32, #tpu.memory_space<vmem>>, vector<1x16xf32>,
        %get3A_260 = vector.shape_cast %get3A_259 : vector<1x16xf32> to vector<16xf32>
        %mul3A_261 = arith.mulf %get3A_255, %get3A_260 : vector<16xf32>
        %add3A_262 = arith.addf %add3A_218, %mul3A_261 : vector<16xf32>
        %get3A_263 = arith.index_cast %add3A_200 : i32 to index
        %get3A_264 = arith.constant 80 : index
        %get3A_265 = tpu.vector_load %arg14[%get3A_263, %get3A_264] {strides = array<i32>} : memref<32x512xf32, #tpu.memory_space<vmem>>, vector<1x16xf32>,
        %get3A_266 = vector.shape_cast %get3A_265 : vector<1x16xf32> to vector<16xf32>
        %get3A_267 = arith.constant 0 : i32
        %get3A_268 = arith.index_cast %get3A_267 : i32 to index
        %get3A_269 = arith.constant 80 : index
        %get3A_270 = tpu.vector_load %arg13[%get3A_268, %get3A_269] {strides = array<i32>} : memref<1x512xf32, #tpu.memory_space<vmem>>, vector<1x16xf32>,
        %get3A_271 = vector.shape_cast %get3A_270 : vector<1x16xf32> to vector<16xf32>
        %mul3A_272 = arith.mulf %get3A_266, %get3A_271 : vector<16xf32>
        %add3A_273 = arith.addf %add3A_229, %mul3A_272 : vector<16xf32>
        %get3A_274 = arith.index_cast %add3A_200 : i32 to index
        %get3A_275 = arith.constant 96 : index
        %get3A_276 = tpu.vector_load %arg14[%get3A_274, %get3A_275] {strides = array<i32>} : memref<32x512xf32, #tpu.memory_space<vmem>>, vector<1x16xf32>,
        %get3A_277 = vector.shape_cast %get3A_276 : vector<1x16xf32> to vector<16xf32>
        %get3A_278 = arith.constant 0 : i32
        %get3A_279 = arith.index_cast %get3A_278 : i32 to index
        %get3A_280 = arith.constant 96 : index
        %get3A_281 = tpu.vector_load %arg13[%get3A_279, %get3A_280] {strides = array<i32>} : memref<1x512xf32, #tpu.memory_space<vmem>>, vector<1x16xf32>,
        %get3A_282 = vector.shape_cast %get3A_281 : vector<1x16xf32> to vector<16xf32>
        %mul3A_283 = arith.mulf %get3A_277, %get3A_282 : vector<16xf32>
        %add3A_284 = arith.addf %add3A_240, %mul3A_283 : vector<16xf32>
        %get3A_285 = arith.index_cast %add3A_200 : i32 to index
        %get3A_286 = arith.constant 112 : index
        %get3A_287 = tpu.vector_load %arg14[%get3A_285, %get3A_286] {strides = array<i32>} : memref<32x512xf32, #tpu.memory_space<vmem>>, vector<1x16xf32>,
        %get3A_288 = vector.shape_cast %get3A_287 : vector<1x16xf32> to vector<16xf32>
        %get3A_289 = arith.constant 0 : i32
        %get3A_290 = arith.index_cast %get3A_289 : i32 to index
        %get3A_291 = arith.constant 112 : index
        %get3A_292 = tpu.vector_load %arg13[%get3A_290, %get3A_291] {strides = array<i32>} : memref<1x512xf32, #tpu.memory_space<vmem>>, vector<1x16xf32>,
        %get3A_293 = vector.shape_cast %get3A_292 : vector<1x16xf32> to vector<16xf32>
        %mul3A_294 = arith.mulf %get3A_288, %get3A_293 : vector<16xf32>
        %add3A_295 = arith.addf %add3A_251, %mul3A_294 : vector<16xf32>
        %get3A_296 = arith.index_cast %add3A_200 : i32 to index
        %get3A_297 = arith.constant 128 : index
        %get3A_298 = tpu.vector_load %arg14[%get3A_296, %get3A_297] {strides = array<i32>} : memref<32x512xf32, #tpu.memory_space<vmem>>, vector<1x16xf32>,
        %get3A_299 = vector.shape_cast %get3A_298 : vector<1x16xf32> to vector<16xf32>
        %get3A_300 = arith.constant 0 : i32
        %get3A_301 = arith.index_cast %get3A_300 : i32 to index
        %get3A_302 = arith.constant 128 : index
        %get3A_303 = tpu.vector_load %arg13[%get3A_301, %get3A_302] {strides = array<i32>} : memref<1x512xf32, #tpu.memory_space<vmem>>, vector<1x16xf32>,
        %get3A_304 = vector.shape_cast %get3A_303 : vector<1x16xf32> to vector<16xf32>
        %mul3A_305 = arith.mulf %get3A_299, %get3A_304 : vector<16xf32>
        %add3A_306 = arith.addf %add3A_262, %mul3A_305 : vector<16xf32>
        %get3A_307 = arith.index_cast %add3A_200 : i32 to index
        %get3A_308 = arith.constant 144 : index
        %get3A_309 = tpu.vector_load %arg14[%get3A_307, %get3A_308] {strides = array<i32>} : memref<32x512xf32, #tpu.memory_space<vmem>>, vector<1x16xf32>,
        %get3A_310 = vector.shape_cast %get3A_309 : vector<1x16xf32> to vector<16xf32>
        %get3A_311 = arith.constant 0 : i32
        %get3A_312 = arith.index_cast %get3A_311 : i32 to index
        %get3A_313 = arith.constant 144 : index
        %get3A_314 = tpu.vector_load %arg13[%get3A_312, %get3A_313] {strides = array<i32>} : memref<1x512xf32, #tpu.memory_space<vmem>>, vector<1x16xf32>,
        %get3A_315 = vector.shape_cast %get3A_314 : vector<1x16xf32> to vector<16xf32>
        %mul3A_316 = arith.mulf %get3A_310, %get3A_315 : vector<16xf32>
        %add3A_317 = arith.addf %add3A_273, %mul3A_316 : vector<16xf32>
        %get3A_318 = arith.index_cast %add3A_200 : i32 to index
        %get3A_319 = arith.constant 160 : index
        %get3A_320 = tpu.vector_load %arg14[%get3A_318, %get3A_319] {strides = array<i32>} : memref<32x512xf32, #tpu.memory_space<vmem>>, vector<1x16xf32>,
        %get3A_321 = vector.shape_cast %get3A_320 : vector<1x16xf32> to vector<16xf32>
        %get3A_322 = arith.constant 0 : i32
        %get3A_323 = arith.index_cast %get3A_322 : i32 to index
        %get3A_324 = arith.constant 160 : index
        %get3A_325 = tpu.vector_load %arg13[%get3A_323, %get3A_324] {strides = array<i32>} : memref<1x512xf32, #tpu.memory_space<vmem>>, vector<1x16xf32>,
        %get3A_326 = vector.shape_cast %get3A_325 : vector<1x16xf32> to vector<16xf32>
        %mul3A_327 = arith.mulf %get3A_321, %get3A_326 : vector<16xf32>
        %add3A_328 = arith.addf %add3A_284, %mul3A_327 : vector<16xf32>
        %get3A_329 = arith.index_cast %add3A_200 : i32 to index
        %get3A_330 = arith.constant 176 : index
        %get3A_331 = tpu.vector_load %arg14[%get3A_329, %get3A_330] {strides = array<i32>} : memref<32x512xf32, #tpu.memory_space<vmem>>, vector<1x16xf32>,
        %get3A_332 = vector.shape_cast %get3A_331 : vector<1x16xf32> to vector<16xf32>
        %get3A_333 = arith.constant 0 : i32
        %get3A_334 = arith.index_cast %get3A_333 : i32 to index
        %get3A_335 = arith.constant 176 : index
        %get3A_336 = tpu.vector_load %arg13[%get3A_334, %get3A_335] {strides = array<i32>} : memref<1x512xf32, #tpu.memory_space<vmem>>, vector<1x16xf32>,
        %get3A_337 = vector.shape_cast %get3A_336 : vector<1x16xf32> to vector<16xf32>
        %mul3A_338 = arith.mulf %get3A_332, %get3A_337 : vector<16xf32>
        %add3A_339 = arith.addf %add3A_295, %mul3A_338 : vector<16xf32>
        %get3A_340 = arith.index_cast %add3A_200 : i32 to index
        %get3A_341 = arith.constant 192 : index
        %get3A_342 = tpu.vector_load %arg14[%get3A_340, %get3A_341] {strides = array<i32>} : memref<32x512xf32, #tpu.memory_space<vmem>>, vector<1x16xf32>,
        %get3A_343 = vector.shape_cast %get3A_342 : vector<1x16xf32> to vector<16xf32>
        %get3A_344 = arith.constant 0 : i32
        %get3A_345 = arith.index_cast %get3A_344 : i32 to index
        %get3A_346 = arith.constant 192 : index
        %get3A_347 = tpu.vector_load %arg13[%get3A_345, %get3A_346] {strides = array<i32>} : memref<1x512xf32, #tpu.memory_space<vmem>>, vector<1x16xf32>,
        %get3A_348 = vector.shape_cast %get3A_347 : vector<1x16xf32> to vector<16xf32>
        %mul3A_349 = arith.mulf %get3A_343, %get3A_348 : vector<16xf32>
        %add3A_350 = arith.addf %add3A_306, %mul3A_349 : vector<16xf32>
        %get3A_351 = arith.index_cast %add3A_200 : i32 to index
        %get3A_352 = arith.constant 208 : index
        %get3A_353 = tpu.vector_load %arg14[%get3A_351, %get3A_352] {strides = array<i32>} : memref<32x512xf32, #tpu.memory_space<vmem>>, vector<1x16xf32>,
        %get3A_354 = vector.shape_cast %get3A_353 : vector<1x16xf32> to vector<16xf32>
        %get3A_355 = arith.constant 0 : i32
        %get3A_356 = arith.index_cast %get3A_355 : i32 to index
        %get3A_357 = arith.constant 208 : index
        %get3A_358 = tpu.vector_load %arg13[%get3A_356, %get3A_357] {strides = array<i32>} : memref<1x512xf32, #tpu.memory_space<vmem>>, vector<1x16xf32>,
        %get3A_359 = vector.shape_cast %get3A_358 : vector<1x16xf32> to vector<16xf32>
        %mul3A_360 = arith.mulf %get3A_354, %get3A_359 : vector<16xf32>
        %add3A_361 = arith.addf %add3A_317, %mul3A_360 : vector<16xf32>
        %get3A_362 = arith.index_cast %add3A_200 : i32 to index
        %get3A_363 = arith.constant 224 : index
        %get3A_364 = tpu.vector_load %arg14[%get3A_362, %get3A_363] {strides = array<i32>} : memref<32x512xf32, #tpu.memory_space<vmem>>, vector<1x16xf32>,
        %get3A_365 = vector.shape_cast %get3A_364 : vector<1x16xf32> to vector<16xf32>
        %get3A_366 = arith.constant 0 : i32
        %get3A_367 = arith.index_cast %get3A_366 : i32 to index
        %get3A_368 = arith.constant 224 : index
        %get3A_369 = tpu.vector_load %arg13[%get3A_367, %get3A_368] {strides = array<i32>} : memref<1x512xf32, #tpu.memory_space<vmem>>, vector<1x16xf32>,
        %get3A_370 = vector.shape_cast %get3A_369 : vector<1x16xf32> to vector<16xf32>
        %mul3A_371 = arith.mulf %get3A_365, %get3A_370 : vector<16xf32>
        %add3A_372 = arith.addf %add3A_328, %mul3A_371 : vector<16xf32>
        %get3A_373 = arith.index_cast %add3A_200 : i32 to index
        %get3A_374 = arith.constant 240 : index
        %get3A_375 = tpu.vector_load %arg14[%get3A_373, %get3A_374] {strides = array<i32>} : memref<32x512xf32, #tpu.memory_space<vmem>>, vector<1x16xf32>,
        %get3A_376 = vector.shape_cast %get3A_375 : vector<1x16xf32> to vector<16xf32>
        %get3A_377 = arith.constant 0 : i32
        %get3A_378 = arith.index_cast %get3A_377 : i32 to index
        %get3A_379 = arith.constant 240 : index
        %get3A_380 = tpu.vector_load %arg13[%get3A_378, %get3A_379] {strides = array<i32>} : memref<1x512xf32, #tpu.memory_space<vmem>>, vector<1x16xf32>,
        %get3A_381 = vector.shape_cast %get3A_380 : vector<1x16xf32> to vector<16xf32>
        %mul3A_382 = arith.mulf %get3A_376, %get3A_381 : vector<16xf32>
        %add3A_383 = arith.addf %add3A_339, %mul3A_382 : vector<16xf32>
        %get3A_384 = arith.index_cast %add3A_200 : i32 to index
        %get3A_385 = arith.constant 256 : index
        %get3A_386 = tpu.vector_load %arg14[%get3A_384, %get3A_385] {strides = array<i32>} : memref<32x512xf32, #tpu.memory_space<vmem>>, vector<1x16xf32>,
        %get3A_387 = vector.shape_cast %get3A_386 : vector<1x16xf32> to vector<16xf32>
        %get3A_388 = arith.constant 0 : i32
        %get3A_389 = arith.index_cast %get3A_388 : i32 to index
        %get3A_390 = arith.constant 256 : index
        %get3A_391 = tpu.vector_load %arg13[%get3A_389, %get3A_390] {strides = array<i32>} : memref<1x512xf32, #tpu.memory_space<vmem>>, vector<1x16xf32>,
        %get3A_392 = vector.shape_cast %get3A_391 : vector<1x16xf32> to vector<16xf32>
        %mul3A_393 = arith.mulf %get3A_387, %get3A_392 : vector<16xf32>
        %add3A_394 = arith.addf %add3A_350, %mul3A_393 : vector<16xf32>
        %get3A_395 = arith.index_cast %add3A_200 : i32 to index
        %get3A_396 = arith.constant 272 : index
        %get3A_397 = tpu.vector_load %arg14[%get3A_395, %get3A_396] {strides = array<i32>} : memref<32x512xf32, #tpu.memory_space<vmem>>, vector<1x16xf32>,
        %get3A_398 = vector.shape_cast %get3A_397 : vector<1x16xf32> to vector<16xf32>
        %get3A_399 = arith.constant 0 : i32
        %get3A_400 = arith.index_cast %get3A_399 : i32 to index
        %get3A_401 = arith.constant 272 : index
        %get3A_402 = tpu.vector_load %arg13[%get3A_400, %get3A_401] {strides = array<i32>} : memref<1x512xf32, #tpu.memory_space<vmem>>, vector<1x16xf32>,
        %get3A_403 = vector.shape_cast %get3A_402 : vector<1x16xf32> to vector<16xf32>
        %mul3A_404 = arith.mulf %get3A_398, %get3A_403 : vector<16xf32>
        %add3A_405 = arith.addf %add3A_361, %mul3A_404 : vector<16xf32>
        %get3A_406 = arith.index_cast %add3A_200 : i32 to index
        %get3A_407 = arith.constant 288 : index
        %get3A_408 = tpu.vector_load %arg14[%get3A_406, %get3A_407] {strides = array<i32>} : memref<32x512xf32, #tpu.memory_space<vmem>>, vector<1x16xf32>,
        %get3A_409 = vector.shape_cast %get3A_408 : vector<1x16xf32> to vector<16xf32>
        %get3A_410 = arith.constant 0 : i32
        %get3A_411 = arith.index_cast %get3A_410 : i32 to index
        %get3A_412 = arith.constant 288 : index
        %get3A_413 = tpu.vector_load %arg13[%get3A_411, %get3A_412] {strides = array<i32>} : memref<1x512xf32, #tpu.memory_space<vmem>>, vector<1x16xf32>,
        %get3A_414 = vector.shape_cast %get3A_413 : vector<1x16xf32> to vector<16xf32>
        %mul3A_415 = arith.mulf %get3A_409, %get3A_414 : vector<16xf32>
        %add3A_416 = arith.addf %add3A_372, %mul3A_415 : vector<16xf32>
        %get3A_417 = arith.index_cast %add3A_200 : i32 to index
        %get3A_418 = arith.constant 304 : index
        %get3A_419 = tpu.vector_load %arg14[%get3A_417, %get3A_418] {strides = array<i32>} : memref<32x512xf32, #tpu.memory_space<vmem>>, vector<1x16xf32>,
        %get3A_420 = vector.shape_cast %get3A_419 : vector<1x16xf32> to vector<16xf32>
        %get3A_421 = arith.constant 0 : i32
        %get3A_422 = arith.index_cast %get3A_421 : i32 to index
        %get3A_423 = arith.constant 304 : index
        %get3A_424 = tpu.vector_load %arg13[%get3A_422, %get3A_423] {strides = array<i32>} : memref<1x512xf32, #tpu.memory_space<vmem>>, vector<1x16xf32>,
        %get3A_425 = vector.shape_cast %get3A_424 : vector<1x16xf32> to vector<16xf32>
        %mul3A_426 = arith.mulf %get3A_420, %get3A_425 : vector<16xf32>
        %add3A_427 = arith.addf %add3A_383, %mul3A_426 : vector<16xf32>
        %get3A_428 = arith.index_cast %add3A_200 : i32 to index
        %get3A_429 = arith.constant 320 : index
        %get3A_430 = tpu.vector_load %arg14[%get3A_428, %get3A_429] {strides = array<i32>} : memref<32x512xf32, #tpu.memory_space<vmem>>, vector<1x16xf32>,
        %get3A_431 = vector.shape_cast %get3A_430 : vector<1x16xf32> to vector<16xf32>
        %get3A_432 = arith.constant 0 : i32
        %get3A_433 = arith.index_cast %get3A_432 : i32 to index
        %get3A_434 = arith.constant 320 : index
        %get3A_435 = tpu.vector_load %arg13[%get3A_433, %get3A_434] {strides = array<i32>} : memref<1x512xf32, #tpu.memory_space<vmem>>, vector<1x16xf32>,
        %get3A_436 = vector.shape_cast %get3A_435 : vector<1x16xf32> to vector<16xf32>
        %mul3A_437 = arith.mulf %get3A_431, %get3A_436 : vector<16xf32>
        %add3A_438 = arith.addf %add3A_394, %mul3A_437 : vector<16xf32>
        %get3A_439 = arith.index_cast %add3A_200 : i32 to index
        %get3A_440 = arith.constant 336 : index
        %get3A_441 = tpu.vector_load %arg14[%get3A_439, %get3A_440] {strides = array<i32>} : memref<32x512xf32, #tpu.memory_space<vmem>>, vector<1x16xf32>,
        %get3A_442 = vector.shape_cast %get3A_441 : vector<1x16xf32> to vector<16xf32>
        %get3A_443 = arith.constant 0 : i32
        %get3A_444 = arith.index_cast %get3A_443 : i32 to index
        %get3A_445 = arith.constant 336 : index
        %get3A_446 = tpu.vector_load %arg13[%get3A_444, %get3A_445] {strides = array<i32>} : memref<1x512xf32, #tpu.memory_space<vmem>>, vector<1x16xf32>,
        %get3A_447 = vector.shape_cast %get3A_446 : vector<1x16xf32> to vector<16xf32>
        %mul3A_448 = arith.mulf %get3A_442, %get3A_447 : vector<16xf32>
        %add3A_449 = arith.addf %add3A_405, %mul3A_448 : vector<16xf32>
        %get3A_450 = arith.index_cast %add3A_200 : i32 to index
        %get3A_451 = arith.constant 352 : index
        %get3A_452 = tpu.vector_load %arg14[%get3A_450, %get3A_451] {strides = array<i32>} : memref<32x512xf32, #tpu.memory_space<vmem>>, vector<1x16xf32>,
        %get3A_453 = vector.shape_cast %get3A_452 : vector<1x16xf32> to vector<16xf32>
        %get3A_454 = arith.constant 0 : i32
        %get3A_455 = arith.index_cast %get3A_454 : i32 to index
        %get3A_456 = arith.constant 352 : index
        %get3A_457 = tpu.vector_load %arg13[%get3A_455, %get3A_456] {strides = array<i32>} : memref<1x512xf32, #tpu.memory_space<vmem>>, vector<1x16xf32>,
        %get3A_458 = vector.shape_cast %get3A_457 : vector<1x16xf32> to vector<16xf32>
        %mul3A_459 = arith.mulf %get3A_453, %get3A_458 : vector<16xf32>
        %add3A_460 = arith.addf %add3A_416, %mul3A_459 : vector<16xf32>
        %get3A_461 = arith.index_cast %add3A_200 : i32 to index
        %get3A_462 = arith.constant 368 : index
        %get3A_463 = tpu.vector_load %arg14[%get3A_461, %get3A_462] {strides = array<i32>} : memref<32x512xf32, #tpu.memory_space<vmem>>, vector<1x16xf32>,
        %get3A_464 = vector.shape_cast %get3A_463 : vector<1x16xf32> to vector<16xf32>
        %get3A_465 = arith.constant 0 : i32
        %get3A_466 = arith.index_cast %get3A_465 : i32 to index
        %get3A_467 = arith.constant 368 : index
        %get3A_468 = tpu.vector_load %arg13[%get3A_466, %get3A_467] {strides = array<i32>} : memref<1x512xf32, #tpu.memory_space<vmem>>, vector<1x16xf32>,
        %get3A_469 = vector.shape_cast %get3A_468 : vector<1x16xf32> to vector<16xf32>
        %mul3A_470 = arith.mulf %get3A_464, %get3A_469 : vector<16xf32>
        %add3A_471 = arith.addf %add3A_427, %mul3A_470 : vector<16xf32>
        %get3A_472 = arith.index_cast %add3A_200 : i32 to index
        %get3A_473 = arith.constant 384 : index
        %get3A_474 = tpu.vector_load %arg14[%get3A_472, %get3A_473] {strides = array<i32>} : memref<32x512xf32, #tpu.memory_space<vmem>>, vector<1x16xf32>,
        %get3A_475 = vector.shape_cast %get3A_474 : vector<1x16xf32> to vector<16xf32>
        %get3A_476 = arith.constant 0 : i32
        %get3A_477 = arith.index_cast %get3A_476 : i32 to index
        %get3A_478 = arith.constant 384 : index
        %get3A_479 = tpu.vector_load %arg13[%get3A_477, %get3A_478] {strides = array<i32>} : memref<1x512xf32, #tpu.memory_space<vmem>>, vector<1x16xf32>,
        %get3A_480 = vector.shape_cast %get3A_479 : vector<1x16xf32> to vector<16xf32>
        %mul3A_481 = arith.mulf %get3A_475, %get3A_480 : vector<16xf32>
        %add3A_482 = arith.addf %add3A_438, %mul3A_481 : vector<16xf32>
        %get3A_483 = arith.index_cast %add3A_200 : i32 to index
        %get3A_484 = arith.constant 400 : index
        %get3A_485 = tpu.vector_load %arg14[%get3A_483, %get3A_484] {strides = array<i32>} : memref<32x512xf32, #tpu.memory_space<vmem>>, vector<1x16xf32>,
        %get3A_486 = vector.shape_cast %get3A_485 : vector<1x16xf32> to vector<16xf32>
        %get3A_487 = arith.constant 0 : i32
        %get3A_488 = arith.index_cast %get3A_487 : i32 to index
        %get3A_489 = arith.constant 400 : index
        %get3A_490 = tpu.vector_load %arg13[%get3A_488, %get3A_489] {strides = array<i32>} : memref<1x512xf32, #tpu.memory_space<vmem>>, vector<1x16xf32>,
        %get3A_491 = vector.shape_cast %get3A_490 : vector<1x16xf32> to vector<16xf32>
        %mul3A_492 = arith.mulf %get3A_486, %get3A_491 : vector<16xf32>
        %add3A_493 = arith.addf %add3A_449, %mul3A_492 : vector<16xf32>
        %get3A_494 = arith.index_cast %add3A_200 : i32 to index
        %get3A_495 = arith.constant 416 : index
        %get3A_496 = tpu.vector_load %arg14[%get3A_494, %get3A_495] {strides = array<i32>} : memref<32x512xf32, #tpu.memory_space<vmem>>, vector<1x16xf32>,
        %get3A_497 = vector.shape_cast %get3A_496 : vector<1x16xf32> to vector<16xf32>
        %get3A_498 = arith.constant 0 : i32
        %get3A_499 = arith.index_cast %get3A_498 : i32 to index
        %get3A_500 = arith.constant 416 : index
        %get3A_501 = tpu.vector_load %arg13[%get3A_499, %get3A_500] {strides = array<i32>} : memref<1x512xf32, #tpu.memory_space<vmem>>, vector<1x16xf32>,
        %get3A_502 = vector.shape_cast %get3A_501 : vector<1x16xf32> to vector<16xf32>
        %mul3A_503 = arith.mulf %get3A_497, %get3A_502 : vector<16xf32>
        %add3A_504 = arith.addf %add3A_460, %mul3A_503 : vector<16xf32>
        %get3A_505 = arith.index_cast %add3A_200 : i32 to index
        %get3A_506 = arith.constant 432 : index
        %get3A_507 = tpu.vector_load %arg14[%get3A_505, %get3A_506] {strides = array<i32>} : memref<32x512xf32, #tpu.memory_space<vmem>>, vector<1x16xf32>,
        %get3A_508 = vector.shape_cast %get3A_507 : vector<1x16xf32> to vector<16xf32>
        %get3A_509 = arith.constant 0 : i32
        %get3A_510 = arith.index_cast %get3A_509 : i32 to index
        %get3A_511 = arith.constant 432 : index
        %get3A_512 = tpu.vector_load %arg13[%get3A_510, %get3A_511] {strides = array<i32>} : memref<1x512xf32, #tpu.memory_space<vmem>>, vector<1x16xf32>,
        %get3A_513 = vector.shape_cast %get3A_512 : vector<1x16xf32> to vector<16xf32>
        %mul3A_514 = arith.mulf %get3A_508, %get3A_513 : vector<16xf32>
        %add3A_515 = arith.addf %add3A_471, %mul3A_514 : vector<16xf32>
        %get3A_516 = arith.index_cast %add3A_200 : i32 to index
        %get3A_517 = arith.constant 448 : index
        %get3A_518 = tpu.vector_load %arg14[%get3A_516, %get3A_517] {strides = array<i32>} : memref<32x512xf32, #tpu.memory_space<vmem>>, vector<1x16xf32>,
        %get3A_519 = vector.shape_cast %get3A_518 : vector<1x16xf32> to vector<16xf32>
        %get3A_520 = arith.constant 0 : i32
        %get3A_521 = arith.index_cast %get3A_520 : i32 to index
        %get3A_522 = arith.constant 448 : index
        %get3A_523 = tpu.vector_load %arg13[%get3A_521, %get3A_522] {strides = array<i32>} : memref<1x512xf32, #tpu.memory_space<vmem>>, vector<1x16xf32>,
        %get3A_524 = vector.shape_cast %get3A_523 : vector<1x16xf32> to vector<16xf32>
        %mul3A_525 = arith.mulf %get3A_519, %get3A_524 : vector<16xf32>
        %add3A_526 = arith.addf %add3A_482, %mul3A_525 : vector<16xf32>
        %get3A_527 = arith.index_cast %add3A_200 : i32 to index
        %get3A_528 = arith.constant 464 : index
        %get3A_529 = tpu.vector_load %arg14[%get3A_527, %get3A_528] {strides = array<i32>} : memref<32x512xf32, #tpu.memory_space<vmem>>, vector<1x16xf32>,
        %get3A_530 = vector.shape_cast %get3A_529 : vector<1x16xf32> to vector<16xf32>
        %get3A_531 = arith.constant 0 : i32
        %get3A_532 = arith.index_cast %get3A_531 : i32 to index
        %get3A_533 = arith.constant 464 : index
        %get3A_534 = tpu.vector_load %arg13[%get3A_532, %get3A_533] {strides = array<i32>} : memref<1x512xf32, #tpu.memory_space<vmem>>, vector<1x16xf32>,
        %get3A_535 = vector.shape_cast %get3A_534 : vector<1x16xf32> to vector<16xf32>
        %mul3A_536 = arith.mulf %get3A_530, %get3A_535 : vector<16xf32>
        %add3A_537 = arith.addf %add3A_493, %mul3A_536 : vector<16xf32>
        %get3A_538 = arith.index_cast %add3A_200 : i32 to index
        %get3A_539 = arith.constant 480 : index
        %get3A_540 = tpu.vector_load %arg14[%get3A_538, %get3A_539] {strides = array<i32>} : memref<32x512xf32, #tpu.memory_space<vmem>>, vector<1x16xf32>,
        %get3A_541 = vector.shape_cast %get3A_540 : vector<1x16xf32> to vector<16xf32>
        %get3A_542 = arith.constant 0 : i32
        %get3A_543 = arith.index_cast %get3A_542 : i32 to index
        %get3A_544 = arith.constant 480 : index
        %get3A_545 = tpu.vector_load %arg13[%get3A_543, %get3A_544] {strides = array<i32>} : memref<1x512xf32, #tpu.memory_space<vmem>>, vector<1x16xf32>,
        %get3A_546 = vector.shape_cast %get3A_545 : vector<1x16xf32> to vector<16xf32>
        %mul3A_547 = arith.mulf %get3A_541, %get3A_546 : vector<16xf32>
        %add3A_548 = arith.addf %add3A_504, %mul3A_547 : vector<16xf32>
        %get3A_549 = arith.index_cast %add3A_200 : i32 to index
        %get3A_550 = arith.constant 496 : index
        %get3A_551 = tpu.vector_load %arg14[%get3A_549, %get3A_550] {strides = array<i32>} : memref<32x512xf32, #tpu.memory_space<vmem>>, vector<1x16xf32>,
        %get3A_552 = vector.shape_cast %get3A_551 : vector<1x16xf32> to vector<16xf32>
        %get3A_553 = arith.constant 0 : i32
        %get3A_554 = arith.index_cast %get3A_553 : i32 to index
        %get3A_555 = arith.constant 496 : index
        %get3A_556 = tpu.vector_load %arg13[%get3A_554, %get3A_555] {strides = array<i32>} : memref<1x512xf32, #tpu.memory_space<vmem>>, vector<1x16xf32>,
        %get3A_557 = vector.shape_cast %get3A_556 : vector<1x16xf32> to vector<16xf32>
        %mul3A_558 = arith.mulf %get3A_552, %get3A_557 : vector<16xf32>
        %add3A_559 = arith.addf %add3A_515, %mul3A_558 : vector<16xf32>
        %add3A_560 = arith.addf %add3A_526, %add3A_537 : vector<16xf32>
        %add3A_561 = arith.addf %add3A_548, %add3A_559 : vector<16xf32>
        %add3A_562 = arith.addf %add3A_560, %add3A_561 : vector<16xf32>
        %xor3A = arith.constant 8 : i32
        %xor3A_563 = vector.broadcast %xor3A : i32 to vector<16xi32>
        %xor3A_564 = arith.xori %iota3A, %xor3A_563 : vector<16xi32>
        %broadcast_in_dim3A_565 = vector.shape_cast %xor3A_564 : vector<16xi32> to vector<16x1xi32>
        %gather3A_566 = vector.shape_cast %broadcast_in_dim3A_565 : vector<16x1xi32> to vector<16xi32>
        %gather3A_567 = tpu.dynamic_gather %add3A_562[%gather3A_566] in [0] : vector<16xf32>, vector<16xi32> -> vector<16xf32>
        %add3A_568 = arith.addf %add3A_562, %gather3A_567 : vector<16xf32>
        %xor3A_569 = arith.constant 4 : i32
        %xor3A_570 = vector.broadcast %xor3A_569 : i32 to vector<16xi32>
        %xor3A_571 = arith.xori %iota3A, %xor3A_570 : vector<16xi32>
        %broadcast_in_dim3A_572 = vector.shape_cast %xor3A_571 : vector<16xi32> to vector<16x1xi32>
        %gather3A_573 = vector.shape_cast %broadcast_in_dim3A_572 : vector<16x1xi32> to vector<16xi32>
        %gather3A_574 = tpu.dynamic_gather %add3A_568[%gather3A_573] in [0] : vector<16xf32>, vector<16xi32> -> vector<16xf32>
        %add3A_575 = arith.addf %add3A_568, %gather3A_574 : vector<16xf32>
        %xor3A_576 = arith.constant 2 : i32
        %xor3A_577 = vector.broadcast %xor3A_576 : i32 to vector<16xi32>
        %xor3A_578 = arith.xori %iota3A, %xor3A_577 : vector<16xi32>
        %broadcast_in_dim3A_579 = vector.shape_cast %xor3A_578 : vector<16xi32> to vector<16x1xi32>
        %gather3A_580 = vector.shape_cast %broadcast_in_dim3A_579 : vector<16x1xi32> to vector<16xi32>
        %gather3A_581 = tpu.dynamic_gather %add3A_575[%gather3A_580] in [0] : vector<16xf32>, vector<16xi32> -> vector<16xf32>
        %add3A_582 = arith.addf %add3A_575, %gather3A_581 : vector<16xf32>
        %xor3A_583 = arith.constant 1 : i32
        %xor3A_584 = vector.broadcast %xor3A_583 : i32 to vector<16xi32>
        %xor3A_585 = arith.xori %iota3A, %xor3A_584 : vector<16xi32>
        %broadcast_in_dim3A_586 = vector.shape_cast %xor3A_585 : vector<16xi32> to vector<16x1xi32>
        %gather3A_587 = vector.shape_cast %broadcast_in_dim3A_586 : vector<16x1xi32> to vector<16xi32>
        %gather3A_588 = tpu.dynamic_gather %add3A_582[%gather3A_587] in [0] : vector<16xf32>, vector<16xi32> -> vector<16xf32>
        %add3A_589 = arith.addf %add3A_582, %gather3A_588 : vector<16xf32>
        %mul3A_590 = arith.mulf %gather3A_207, %add3A_589 : vector<16xf32>
        %get3A_591 = arith.index_cast %add3A_200 : i32 to index
        %get3A_592 = arith.constant 0 : index
        %get3A_593 = tpu.vector_load %arg14[%get3A_591, %get3A_592] {strides = array<i32>} : memref<32x512xf32, #tpu.memory_space<vmem>>, vector<1x16xf32>,
        %get3A_594 = vector.shape_cast %get3A_593 : vector<1x16xf32> to vector<16xf32>
        %get3A_595 = arith.constant 0 : i32
        %get3A_596 = arith.index_cast %get3A_595 : i32 to index
        %get3A_597 = arith.constant 0 : index
        %get3A_598 = tpu.vector_load %arg13[%get3A_596, %get3A_597] {strides = array<i32>} : memref<1x512xf32, #tpu.memory_space<vmem>>, vector<1x16xf32>,
        %get3A_599 = vector.shape_cast %get3A_598 : vector<1x16xf32> to vector<16xf32>
        %mul3A_600 = arith.mulf %mul3A_590, %get3A_599 : vector<16xf32>
        %sub3A = arith.subf %get3A_594, %mul3A_600 : vector<16xf32>
        %swap3A_601 = arith.constant 0 : i32
        %swap3A_602 = arith.index_cast %swap3A_601 : i32 to index
        %swap3A_603 = arith.index_cast %add3A_200 : i32 to index
        %swap3A_604 = arith.constant 0 : index
        %swap3A_605 = tpu.vector_load %arg16[%swap3A_602, %swap3A_603, %swap3A_604] {strides = array<i32>} : memref<1x32x512xf32, #tpu.memory_space<vmem>>, vector<1x1x16xf32>,
        %swap3A_606 = vector.shape_cast %swap3A_605 : vector<1x1x16xf32> to vector<16xf32>
        %swap3A_607 = vector.shape_cast %sub3A : vector<16xf32> to vector<1x1x16xf32>
        tpu.vector_store %arg16[%swap3A_602, %swap3A_603, %swap3A_604], %swap3A_607 {strides = array<i32>} : memref<1x32x512xf32, #tpu.memory_space<vmem>>, vector<1x1x16xf32>,
        %get3A_608 = arith.index_cast %add3A_200 : i32 to index
        %get3A_609 = arith.constant 16 : index
        %get3A_610 = tpu.vector_load %arg14[%get3A_608, %get3A_609] {strides = array<i32>} : memref<32x512xf32, #tpu.memory_space<vmem>>, vector<1x16xf32>,
        %get3A_611 = vector.shape_cast %get3A_610 : vector<1x16xf32> to vector<16xf32>
        %get3A_612 = arith.constant 0 : i32
        %get3A_613 = arith.index_cast %get3A_612 : i32 to index
        %get3A_614 = arith.constant 16 : index
        %get3A_615 = tpu.vector_load %arg13[%get3A_613, %get3A_614] {strides = array<i32>} : memref<1x512xf32, #tpu.memory_space<vmem>>, vector<1x16xf32>,
        %get3A_616 = vector.shape_cast %get3A_615 : vector<1x16xf32> to vector<16xf32>
        %mul3A_617 = arith.mulf %mul3A_590, %get3A_616 : vector<16xf32>
        %sub3A_618 = arith.subf %get3A_611, %mul3A_617 : vector<16xf32>
        %swap3A_619 = arith.constant 0 : i32
        %swap3A_620 = arith.index_cast %swap3A_619 : i32 to index
        %swap3A_621 = arith.index_cast %add3A_200 : i32 to index
        %swap3A_622 = arith.constant 16 : index
        %swap3A_623 = tpu.vector_load %arg16[%swap3A_620, %swap3A_621, %swap3A_622] {strides = array<i32>} : memref<1x32x512xf32, #tpu.memory_space<vmem>>, vector<1x1x16xf32>,
        %swap3A_624 = vector.shape_cast %swap3A_623 : vector<1x1x16xf32> to vector<16xf32>
        %swap3A_625 = vector.shape_cast %sub3A_618 : vector<16xf32> to vector<1x1x16xf32>
        tpu.vector_store %arg16[%swap3A_620, %swap3A_621, %swap3A_622], %swap3A_625 {strides = array<i32>} : memref<1x32x512xf32, #tpu.memory_space<vmem>>, vector<1x1x16xf32>,
        %get3A_626 = arith.index_cast %add3A_200 : i32 to index
        %get3A_627 = arith.constant 32 : index
        %get3A_628 = tpu.vector_load %arg14[%get3A_626, %get3A_627] {strides = array<i32>} : memref<32x512xf32, #tpu.memory_space<vmem>>, vector<1x16xf32>,
        %get3A_629 = vector.shape_cast %get3A_628 : vector<1x16xf32> to vector<16xf32>
        %get3A_630 = arith.constant 0 : i32
        %get3A_631 = arith.index_cast %get3A_630 : i32 to index
        %get3A_632 = arith.constant 32 : index
        %get3A_633 = tpu.vector_load %arg13[%get3A_631, %get3A_632] {strides = array<i32>} : memref<1x512xf32, #tpu.memory_space<vmem>>, vector<1x16xf32>,
        %get3A_634 = vector.shape_cast %get3A_633 : vector<1x16xf32> to vector<16xf32>
        %mul3A_635 = arith.mulf %mul3A_590, %get3A_634 : vector<16xf32>
        %sub3A_636 = arith.subf %get3A_629, %mul3A_635 : vector<16xf32>
        %swap3A_637 = arith.constant 0 : i32
        %swap3A_638 = arith.index_cast %swap3A_637 : i32 to index
        %swap3A_639 = arith.index_cast %add3A_200 : i32 to index
        %swap3A_640 = arith.constant 32 : index
        %swap3A_641 = tpu.vector_load %arg16[%swap3A_638, %swap3A_639, %swap3A_640] {strides = array<i32>} : memref<1x32x512xf32, #tpu.memory_space<vmem>>, vector<1x1x16xf32>,
        %swap3A_642 = vector.shape_cast %swap3A_641 : vector<1x1x16xf32> to vector<16xf32>
        %swap3A_643 = vector.shape_cast %sub3A_636 : vector<16xf32> to vector<1x1x16xf32>
        tpu.vector_store %arg16[%swap3A_638, %swap3A_639, %swap3A_640], %swap3A_643 {strides = array<i32>} : memref<1x32x512xf32, #tpu.memory_space<vmem>>, vector<1x1x16xf32>,
        %get3A_644 = arith.index_cast %add3A_200 : i32 to index
        %get3A_645 = arith.constant 48 : index
        %get3A_646 = tpu.vector_load %arg14[%get3A_644, %get3A_645] {strides = array<i32>} : memref<32x512xf32, #tpu.memory_space<vmem>>, vector<1x16xf32>,
        %get3A_647 = vector.shape_cast %get3A_646 : vector<1x16xf32> to vector<16xf32>
        %get3A_648 = arith.constant 0 : i32
        %get3A_649 = arith.index_cast %get3A_648 : i32 to index
        %get3A_650 = arith.constant 48 : index
        %get3A_651 = tpu.vector_load %arg13[%get3A_649, %get3A_650] {strides = array<i32>} : memref<1x512xf32, #tpu.memory_space<vmem>>, vector<1x16xf32>,
        %get3A_652 = vector.shape_cast %get3A_651 : vector<1x16xf32> to vector<16xf32>
        %mul3A_653 = arith.mulf %mul3A_590, %get3A_652 : vector<16xf32>
        %sub3A_654 = arith.subf %get3A_647, %mul3A_653 : vector<16xf32>
        %swap3A_655 = arith.constant 0 : i32
        %swap3A_656 = arith.index_cast %swap3A_655 : i32 to index
        %swap3A_657 = arith.index_cast %add3A_200 : i32 to index
        %swap3A_658 = arith.constant 48 : index
        %swap3A_659 = tpu.vector_load %arg16[%swap3A_656, %swap3A_657, %swap3A_658] {strides = array<i32>} : memref<1x32x512xf32, #tpu.memory_space<vmem>>, vector<1x1x16xf32>,
        %swap3A_660 = vector.shape_cast %swap3A_659 : vector<1x1x16xf32> to vector<16xf32>
        %swap3A_661 = vector.shape_cast %sub3A_654 : vector<16xf32> to vector<1x1x16xf32>
        tpu.vector_store %arg16[%swap3A_656, %swap3A_657, %swap3A_658], %swap3A_661 {strides = array<i32>} : memref<1x32x512xf32, #tpu.memory_space<vmem>>, vector<1x1x16xf32>,
        %get3A_662 = arith.index_cast %add3A_200 : i32 to index
        %get3A_663 = arith.constant 64 : index
        %get3A_664 = tpu.vector_load %arg14[%get3A_662, %get3A_663] {strides = array<i32>} : memref<32x512xf32, #tpu.memory_space<vmem>>, vector<1x16xf32>,
        %get3A_665 = vector.shape_cast %get3A_664 : vector<1x16xf32> to vector<16xf32>
        %get3A_666 = arith.constant 0 : i32
        %get3A_667 = arith.index_cast %get3A_666 : i32 to index
        %get3A_668 = arith.constant 64 : index
        %get3A_669 = tpu.vector_load %arg13[%get3A_667, %get3A_668] {strides = array<i32>} : memref<1x512xf32, #tpu.memory_space<vmem>>, vector<1x16xf32>,
        %get3A_670 = vector.shape_cast %get3A_669 : vector<1x16xf32> to vector<16xf32>
        %mul3A_671 = arith.mulf %mul3A_590, %get3A_670 : vector<16xf32>
        %sub3A_672 = arith.subf %get3A_665, %mul3A_671 : vector<16xf32>
        %swap3A_673 = arith.constant 0 : i32
        %swap3A_674 = arith.index_cast %swap3A_673 : i32 to index
        %swap3A_675 = arith.index_cast %add3A_200 : i32 to index
        %swap3A_676 = arith.constant 64 : index
        %swap3A_677 = tpu.vector_load %arg16[%swap3A_674, %swap3A_675, %swap3A_676] {strides = array<i32>} : memref<1x32x512xf32, #tpu.memory_space<vmem>>, vector<1x1x16xf32>,
        %swap3A_678 = vector.shape_cast %swap3A_677 : vector<1x1x16xf32> to vector<16xf32>
        %swap3A_679 = vector.shape_cast %sub3A_672 : vector<16xf32> to vector<1x1x16xf32>
        tpu.vector_store %arg16[%swap3A_674, %swap3A_675, %swap3A_676], %swap3A_679 {strides = array<i32>} : memref<1x32x512xf32, #tpu.memory_space<vmem>>, vector<1x1x16xf32>,
        %get3A_680 = arith.index_cast %add3A_200 : i32 to index
        %get3A_681 = arith.constant 80 : index
        %get3A_682 = tpu.vector_load %arg14[%get3A_680, %get3A_681] {strides = array<i32>} : memref<32x512xf32, #tpu.memory_space<vmem>>, vector<1x16xf32>,
        %get3A_683 = vector.shape_cast %get3A_682 : vector<1x16xf32> to vector<16xf32>
        %get3A_684 = arith.constant 0 : i32
        %get3A_685 = arith.index_cast %get3A_684 : i32 to index
        %get3A_686 = arith.constant 80 : index
        %get3A_687 = tpu.vector_load %arg13[%get3A_685, %get3A_686] {strides = array<i32>} : memref<1x512xf32, #tpu.memory_space<vmem>>, vector<1x16xf32>,
        %get3A_688 = vector.shape_cast %get3A_687 : vector<1x16xf32> to vector<16xf32>
        %mul3A_689 = arith.mulf %mul3A_590, %get3A_688 : vector<16xf32>
        %sub3A_690 = arith.subf %get3A_683, %mul3A_689 : vector<16xf32>
        %swap3A_691 = arith.constant 0 : i32
        %swap3A_692 = arith.index_cast %swap3A_691 : i32 to index
        %swap3A_693 = arith.index_cast %add3A_200 : i32 to index
        %swap3A_694 = arith.constant 80 : index
        %swap3A_695 = tpu.vector_load %arg16[%swap3A_692, %swap3A_693, %swap3A_694] {strides = array<i32>} : memref<1x32x512xf32, #tpu.memory_space<vmem>>, vector<1x1x16xf32>,
        %swap3A_696 = vector.shape_cast %swap3A_695 : vector<1x1x16xf32> to vector<16xf32>
        %swap3A_697 = vector.shape_cast %sub3A_690 : vector<16xf32> to vector<1x1x16xf32>
        tpu.vector_store %arg16[%swap3A_692, %swap3A_693, %swap3A_694], %swap3A_697 {strides = array<i32>} : memref<1x32x512xf32, #tpu.memory_space<vmem>>, vector<1x1x16xf32>,
        %get3A_698 = arith.index_cast %add3A_200 : i32 to index
        %get3A_699 = arith.constant 96 : index
        %get3A_700 = tpu.vector_load %arg14[%get3A_698, %get3A_699] {strides = array<i32>} : memref<32x512xf32, #tpu.memory_space<vmem>>, vector<1x16xf32>,
        %get3A_701 = vector.shape_cast %get3A_700 : vector<1x16xf32> to vector<16xf32>
        %get3A_702 = arith.constant 0 : i32
        %get3A_703 = arith.index_cast %get3A_702 : i32 to index
        %get3A_704 = arith.constant 96 : index
        %get3A_705 = tpu.vector_load %arg13[%get3A_703, %get3A_704] {strides = array<i32>} : memref<1x512xf32, #tpu.memory_space<vmem>>, vector<1x16xf32>,
        %get3A_706 = vector.shape_cast %get3A_705 : vector<1x16xf32> to vector<16xf32>
        %mul3A_707 = arith.mulf %mul3A_590, %get3A_706 : vector<16xf32>
        %sub3A_708 = arith.subf %get3A_701, %mul3A_707 : vector<16xf32>
        %swap3A_709 = arith.constant 0 : i32
        %swap3A_710 = arith.index_cast %swap3A_709 : i32 to index
        %swap3A_711 = arith.index_cast %add3A_200 : i32 to index
        %swap3A_712 = arith.constant 96 : index
        %swap3A_713 = tpu.vector_load %arg16[%swap3A_710, %swap3A_711, %swap3A_712] {strides = array<i32>} : memref<1x32x512xf32, #tpu.memory_space<vmem>>, vector<1x1x16xf32>,
        %swap3A_714 = vector.shape_cast %swap3A_713 : vector<1x1x16xf32> to vector<16xf32>
        %swap3A_715 = vector.shape_cast %sub3A_708 : vector<16xf32> to vector<1x1x16xf32>
        tpu.vector_store %arg16[%swap3A_710, %swap3A_711, %swap3A_712], %swap3A_715 {strides = array<i32>} : memref<1x32x512xf32, #tpu.memory_space<vmem>>, vector<1x1x16xf32>,
        %get3A_716 = arith.index_cast %add3A_200 : i32 to index
        %get3A_717 = arith.constant 112 : index
        %get3A_718 = tpu.vector_load %arg14[%get3A_716, %get3A_717] {strides = array<i32>} : memref<32x512xf32, #tpu.memory_space<vmem>>, vector<1x16xf32>,
        %get3A_719 = vector.shape_cast %get3A_718 : vector<1x16xf32> to vector<16xf32>
        %get3A_720 = arith.constant 0 : i32
        %get3A_721 = arith.index_cast %get3A_720 : i32 to index
        %get3A_722 = arith.constant 112 : index
        %get3A_723 = tpu.vector_load %arg13[%get3A_721, %get3A_722] {strides = array<i32>} : memref<1x512xf32, #tpu.memory_space<vmem>>, vector<1x16xf32>,
        %get3A_724 = vector.shape_cast %get3A_723 : vector<1x16xf32> to vector<16xf32>
        %mul3A_725 = arith.mulf %mul3A_590, %get3A_724 : vector<16xf32>
        %sub3A_726 = arith.subf %get3A_719, %mul3A_725 : vector<16xf32>
        %swap3A_727 = arith.constant 0 : i32
        %swap3A_728 = arith.index_cast %swap3A_727 : i32 to index
        %swap3A_729 = arith.index_cast %add3A_200 : i32 to index
        %swap3A_730 = arith.constant 112 : index
        %swap3A_731 = tpu.vector_load %arg16[%swap3A_728, %swap3A_729, %swap3A_730] {strides = array<i32>} : memref<1x32x512xf32, #tpu.memory_space<vmem>>, vector<1x1x16xf32>,
        %swap3A_732 = vector.shape_cast %swap3A_731 : vector<1x1x16xf32> to vector<16xf32>
        %swap3A_733 = vector.shape_cast %sub3A_726 : vector<16xf32> to vector<1x1x16xf32>
        tpu.vector_store %arg16[%swap3A_728, %swap3A_729, %swap3A_730], %swap3A_733 {strides = array<i32>} : memref<1x32x512xf32, #tpu.memory_space<vmem>>, vector<1x1x16xf32>,
        %get3A_734 = arith.index_cast %add3A_200 : i32 to index
        %get3A_735 = arith.constant 128 : index
        %get3A_736 = tpu.vector_load %arg14[%get3A_734, %get3A_735] {strides = array<i32>} : memref<32x512xf32, #tpu.memory_space<vmem>>, vector<1x16xf32>,
        %get3A_737 = vector.shape_cast %get3A_736 : vector<1x16xf32> to vector<16xf32>
        %get3A_738 = arith.constant 0 : i32
        %get3A_739 = arith.index_cast %get3A_738 : i32 to index
        %get3A_740 = arith.constant 128 : index
        %get3A_741 = tpu.vector_load %arg13[%get3A_739, %get3A_740] {strides = array<i32>} : memref<1x512xf32, #tpu.memory_space<vmem>>, vector<1x16xf32>,
        %get3A_742 = vector.shape_cast %get3A_741 : vector<1x16xf32> to vector<16xf32>
        %mul3A_743 = arith.mulf %mul3A_590, %get3A_742 : vector<16xf32>
        %sub3A_744 = arith.subf %get3A_737, %mul3A_743 : vector<16xf32>
        %swap3A_745 = arith.constant 0 : i32
        %swap3A_746 = arith.index_cast %swap3A_745 : i32 to index
        %swap3A_747 = arith.index_cast %add3A_200 : i32 to index
        %swap3A_748 = arith.constant 128 : index
        %swap3A_749 = tpu.vector_load %arg16[%swap3A_746, %swap3A_747, %swap3A_748] {strides = array<i32>} : memref<1x32x512xf32, #tpu.memory_space<vmem>>, vector<1x1x16xf32>,
        %swap3A_750 = vector.shape_cast %swap3A_749 : vector<1x1x16xf32> to vector<16xf32>
        %swap3A_751 = vector.shape_cast %sub3A_744 : vector<16xf32> to vector<1x1x16xf32>
        tpu.vector_store %arg16[%swap3A_746, %swap3A_747, %swap3A_748], %swap3A_751 {strides = array<i32>} : memref<1x32x512xf32, #tpu.memory_space<vmem>>, vector<1x1x16xf32>,
        %get3A_752 = arith.index_cast %add3A_200 : i32 to index
        %get3A_753 = arith.constant 144 : index
        %get3A_754 = tpu.vector_load %arg14[%get3A_752, %get3A_753] {strides = array<i32>} : memref<32x512xf32, #tpu.memory_space<vmem>>, vector<1x16xf32>,
        %get3A_755 = vector.shape_cast %get3A_754 : vector<1x16xf32> to vector<16xf32>
        %get3A_756 = arith.constant 0 : i32
        %get3A_757 = arith.index_cast %get3A_756 : i32 to index
        %get3A_758 = arith.constant 144 : index
        %get3A_759 = tpu.vector_load %arg13[%get3A_757, %get3A_758] {strides = array<i32>} : memref<1x512xf32, #tpu.memory_space<vmem>>, vector<1x16xf32>,
        %get3A_760 = vector.shape_cast %get3A_759 : vector<1x16xf32> to vector<16xf32>
        %mul3A_761 = arith.mulf %mul3A_590, %get3A_760 : vector<16xf32>
        %sub3A_762 = arith.subf %get3A_755, %mul3A_761 : vector<16xf32>
        %swap3A_763 = arith.constant 0 : i32
        %swap3A_764 = arith.index_cast %swap3A_763 : i32 to index
        %swap3A_765 = arith.index_cast %add3A_200 : i32 to index
        %swap3A_766 = arith.constant 144 : index
        %swap3A_767 = tpu.vector_load %arg16[%swap3A_764, %swap3A_765, %swap3A_766] {strides = array<i32>} : memref<1x32x512xf32, #tpu.memory_space<vmem>>, vector<1x1x16xf32>,
        %swap3A_768 = vector.shape_cast %swap3A_767 : vector<1x1x16xf32> to vector<16xf32>
        %swap3A_769 = vector.shape_cast %sub3A_762 : vector<16xf32> to vector<1x1x16xf32>
        tpu.vector_store %arg16[%swap3A_764, %swap3A_765, %swap3A_766], %swap3A_769 {strides = array<i32>} : memref<1x32x512xf32, #tpu.memory_space<vmem>>, vector<1x1x16xf32>,
        %get3A_770 = arith.index_cast %add3A_200 : i32 to index
        %get3A_771 = arith.constant 160 : index
        %get3A_772 = tpu.vector_load %arg14[%get3A_770, %get3A_771] {strides = array<i32>} : memref<32x512xf32, #tpu.memory_space<vmem>>, vector<1x16xf32>,
        %get3A_773 = vector.shape_cast %get3A_772 : vector<1x16xf32> to vector<16xf32>
        %get3A_774 = arith.constant 0 : i32
        %get3A_775 = arith.index_cast %get3A_774 : i32 to index
        %get3A_776 = arith.constant 160 : index
        %get3A_777 = tpu.vector_load %arg13[%get3A_775, %get3A_776] {strides = array<i32>} : memref<1x512xf32, #tpu.memory_space<vmem>>, vector<1x16xf32>,
        %get3A_778 = vector.shape_cast %get3A_777 : vector<1x16xf32> to vector<16xf32>
        %mul3A_779 = arith.mulf %mul3A_590, %get3A_778 : vector<16xf32>
        %sub3A_780 = arith.subf %get3A_773, %mul3A_779 : vector<16xf32>
        %swap3A_781 = arith.constant 0 : i32
        %swap3A_782 = arith.index_cast %swap3A_781 : i32 to index
        %swap3A_783 = arith.index_cast %add3A_200 : i32 to index
        %swap3A_784 = arith.constant 160 : index
        %swap3A_785 = tpu.vector_load %arg16[%swap3A_782, %swap3A_783, %swap3A_784] {strides = array<i32>} : memref<1x32x512xf32, #tpu.memory_space<vmem>>, vector<1x1x16xf32>,
        %swap3A_786 = vector.shape_cast %swap3A_785 : vector<1x1x16xf32> to vector<16xf32>
        %swap3A_787 = vector.shape_cast %sub3A_780 : vector<16xf32> to vector<1x1x16xf32>
        tpu.vector_store %arg16[%swap3A_782, %swap3A_783, %swap3A_784], %swap3A_787 {strides = array<i32>} : memref<1x32x512xf32, #tpu.memory_space<vmem>>, vector<1x1x16xf32>,
        %get3A_788 = arith.index_cast %add3A_200 : i32 to index
        %get3A_789 = arith.constant 176 : index
        %get3A_790 = tpu.vector_load %arg14[%get3A_788, %get3A_789] {strides = array<i32>} : memref<32x512xf32, #tpu.memory_space<vmem>>, vector<1x16xf32>,
        %get3A_791 = vector.shape_cast %get3A_790 : vector<1x16xf32> to vector<16xf32>
        %get3A_792 = arith.constant 0 : i32
        %get3A_793 = arith.index_cast %get3A_792 : i32 to index
        %get3A_794 = arith.constant 176 : index
        %get3A_795 = tpu.vector_load %arg13[%get3A_793, %get3A_794] {strides = array<i32>} : memref<1x512xf32, #tpu.memory_space<vmem>>, vector<1x16xf32>,
        %get3A_796 = vector.shape_cast %get3A_795 : vector<1x16xf32> to vector<16xf32>
        %mul3A_797 = arith.mulf %mul3A_590, %get3A_796 : vector<16xf32>
        %sub3A_798 = arith.subf %get3A_791, %mul3A_797 : vector<16xf32>
        %swap3A_799 = arith.constant 0 : i32
        %swap3A_800 = arith.index_cast %swap3A_799 : i32 to index
        %swap3A_801 = arith.index_cast %add3A_200 : i32 to index
        %swap3A_802 = arith.constant 176 : index
        %swap3A_803 = tpu.vector_load %arg16[%swap3A_800, %swap3A_801, %swap3A_802] {strides = array<i32>} : memref<1x32x512xf32, #tpu.memory_space<vmem>>, vector<1x1x16xf32>,
        %swap3A_804 = vector.shape_cast %swap3A_803 : vector<1x1x16xf32> to vector<16xf32>
        %swap3A_805 = vector.shape_cast %sub3A_798 : vector<16xf32> to vector<1x1x16xf32>
        tpu.vector_store %arg16[%swap3A_800, %swap3A_801, %swap3A_802], %swap3A_805 {strides = array<i32>} : memref<1x32x512xf32, #tpu.memory_space<vmem>>, vector<1x1x16xf32>,
        %get3A_806 = arith.index_cast %add3A_200 : i32 to index
        %get3A_807 = arith.constant 192 : index
        %get3A_808 = tpu.vector_load %arg14[%get3A_806, %get3A_807] {strides = array<i32>} : memref<32x512xf32, #tpu.memory_space<vmem>>, vector<1x16xf32>,
        %get3A_809 = vector.shape_cast %get3A_808 : vector<1x16xf32> to vector<16xf32>
        %get3A_810 = arith.constant 0 : i32
        %get3A_811 = arith.index_cast %get3A_810 : i32 to index
        %get3A_812 = arith.constant 192 : index
        %get3A_813 = tpu.vector_load %arg13[%get3A_811, %get3A_812] {strides = array<i32>} : memref<1x512xf32, #tpu.memory_space<vmem>>, vector<1x16xf32>,
        %get3A_814 = vector.shape_cast %get3A_813 : vector<1x16xf32> to vector<16xf32>
        %mul3A_815 = arith.mulf %mul3A_590, %get3A_814 : vector<16xf32>
        %sub3A_816 = arith.subf %get3A_809, %mul3A_815 : vector<16xf32>
        %swap3A_817 = arith.constant 0 : i32
        %swap3A_818 = arith.index_cast %swap3A_817 : i32 to index
        %swap3A_819 = arith.index_cast %add3A_200 : i32 to index
        %swap3A_820 = arith.constant 192 : index
        %swap3A_821 = tpu.vector_load %arg16[%swap3A_818, %swap3A_819, %swap3A_820] {strides = array<i32>} : memref<1x32x512xf32, #tpu.memory_space<vmem>>, vector<1x1x16xf32>,
        %swap3A_822 = vector.shape_cast %swap3A_821 : vector<1x1x16xf32> to vector<16xf32>
        %swap3A_823 = vector.shape_cast %sub3A_816 : vector<16xf32> to vector<1x1x16xf32>
        tpu.vector_store %arg16[%swap3A_818, %swap3A_819, %swap3A_820], %swap3A_823 {strides = array<i32>} : memref<1x32x512xf32, #tpu.memory_space<vmem>>, vector<1x1x16xf32>,
        %get3A_824 = arith.index_cast %add3A_200 : i32 to index
        %get3A_825 = arith.constant 208 : index
        %get3A_826 = tpu.vector_load %arg14[%get3A_824, %get3A_825] {strides = array<i32>} : memref<32x512xf32, #tpu.memory_space<vmem>>, vector<1x16xf32>,
        %get3A_827 = vector.shape_cast %get3A_826 : vector<1x16xf32> to vector<16xf32>
        %get3A_828 = arith.constant 0 : i32
        %get3A_829 = arith.index_cast %get3A_828 : i32 to index
        %get3A_830 = arith.constant 208 : index
        %get3A_831 = tpu.vector_load %arg13[%get3A_829, %get3A_830] {strides = array<i32>} : memref<1x512xf32, #tpu.memory_space<vmem>>, vector<1x16xf32>,
        %get3A_832 = vector.shape_cast %get3A_831 : vector<1x16xf32> to vector<16xf32>
        %mul3A_833 = arith.mulf %mul3A_590, %get3A_832 : vector<16xf32>
        %sub3A_834 = arith.subf %get3A_827, %mul3A_833 : vector<16xf32>
        %swap3A_835 = arith.constant 0 : i32
        %swap3A_836 = arith.index_cast %swap3A_835 : i32 to index
        %swap3A_837 = arith.index_cast %add3A_200 : i32 to index
        %swap3A_838 = arith.constant 208 : index
        %swap3A_839 = tpu.vector_load %arg16[%swap3A_836, %swap3A_837, %swap3A_838] {strides = array<i32>} : memref<1x32x512xf32, #tpu.memory_space<vmem>>, vector<1x1x16xf32>,
        %swap3A_840 = vector.shape_cast %swap3A_839 : vector<1x1x16xf32> to vector<16xf32>
        %swap3A_841 = vector.shape_cast %sub3A_834 : vector<16xf32> to vector<1x1x16xf32>
        tpu.vector_store %arg16[%swap3A_836, %swap3A_837, %swap3A_838], %swap3A_841 {strides = array<i32>} : memref<1x32x512xf32, #tpu.memory_space<vmem>>, vector<1x1x16xf32>,
        %get3A_842 = arith.index_cast %add3A_200 : i32 to index
        %get3A_843 = arith.constant 224 : index
        %get3A_844 = tpu.vector_load %arg14[%get3A_842, %get3A_843] {strides = array<i32>} : memref<32x512xf32, #tpu.memory_space<vmem>>, vector<1x16xf32>,
        %get3A_845 = vector.shape_cast %get3A_844 : vector<1x16xf32> to vector<16xf32>
        %get3A_846 = arith.constant 0 : i32
        %get3A_847 = arith.index_cast %get3A_846 : i32 to index
        %get3A_848 = arith.constant 224 : index
        %get3A_849 = tpu.vector_load %arg13[%get3A_847, %get3A_848] {strides = array<i32>} : memref<1x512xf32, #tpu.memory_space<vmem>>, vector<1x16xf32>,
        %get3A_850 = vector.shape_cast %get3A_849 : vector<1x16xf32> to vector<16xf32>
        %mul3A_851 = arith.mulf %mul3A_590, %get3A_850 : vector<16xf32>
        %sub3A_852 = arith.subf %get3A_845, %mul3A_851 : vector<16xf32>
        %swap3A_853 = arith.constant 0 : i32
        %swap3A_854 = arith.index_cast %swap3A_853 : i32 to index
        %swap3A_855 = arith.index_cast %add3A_200 : i32 to index
        %swap3A_856 = arith.constant 224 : index
        %swap3A_857 = tpu.vector_load %arg16[%swap3A_854, %swap3A_855, %swap3A_856] {strides = array<i32>} : memref<1x32x512xf32, #tpu.memory_space<vmem>>, vector<1x1x16xf32>,
        %swap3A_858 = vector.shape_cast %swap3A_857 : vector<1x1x16xf32> to vector<16xf32>
        %swap3A_859 = vector.shape_cast %sub3A_852 : vector<16xf32> to vector<1x1x16xf32>
        tpu.vector_store %arg16[%swap3A_854, %swap3A_855, %swap3A_856], %swap3A_859 {strides = array<i32>} : memref<1x32x512xf32, #tpu.memory_space<vmem>>, vector<1x1x16xf32>,
        %get3A_860 = arith.index_cast %add3A_200 : i32 to index
        %get3A_861 = arith.constant 240 : index
        %get3A_862 = tpu.vector_load %arg14[%get3A_860, %get3A_861] {strides = array<i32>} : memref<32x512xf32, #tpu.memory_space<vmem>>, vector<1x16xf32>,
        %get3A_863 = vector.shape_cast %get3A_862 : vector<1x16xf32> to vector<16xf32>
        %get3A_864 = arith.constant 0 : i32
        %get3A_865 = arith.index_cast %get3A_864 : i32 to index
        %get3A_866 = arith.constant 240 : index
        %get3A_867 = tpu.vector_load %arg13[%get3A_865, %get3A_866] {strides = array<i32>} : memref<1x512xf32, #tpu.memory_space<vmem>>, vector<1x16xf32>,
        %get3A_868 = vector.shape_cast %get3A_867 : vector<1x16xf32> to vector<16xf32>
        %mul3A_869 = arith.mulf %mul3A_590, %get3A_868 : vector<16xf32>
        %sub3A_870 = arith.subf %get3A_863, %mul3A_869 : vector<16xf32>
        %swap3A_871 = arith.constant 0 : i32
        %swap3A_872 = arith.index_cast %swap3A_871 : i32 to index
        %swap3A_873 = arith.index_cast %add3A_200 : i32 to index
        %swap3A_874 = arith.constant 240 : index
        %swap3A_875 = tpu.vector_load %arg16[%swap3A_872, %swap3A_873, %swap3A_874] {strides = array<i32>} : memref<1x32x512xf32, #tpu.memory_space<vmem>>, vector<1x1x16xf32>,
        %swap3A_876 = vector.shape_cast %swap3A_875 : vector<1x1x16xf32> to vector<16xf32>
        %swap3A_877 = vector.shape_cast %sub3A_870 : vector<16xf32> to vector<1x1x16xf32>
        tpu.vector_store %arg16[%swap3A_872, %swap3A_873, %swap3A_874], %swap3A_877 {strides = array<i32>} : memref<1x32x512xf32, #tpu.memory_space<vmem>>, vector<1x1x16xf32>,
        %get3A_878 = arith.index_cast %add3A_200 : i32 to index
        %get3A_879 = arith.constant 256 : index
        %get3A_880 = tpu.vector_load %arg14[%get3A_878, %get3A_879] {strides = array<i32>} : memref<32x512xf32, #tpu.memory_space<vmem>>, vector<1x16xf32>,
        %get3A_881 = vector.shape_cast %get3A_880 : vector<1x16xf32> to vector<16xf32>
        %get3A_882 = arith.constant 0 : i32
        %get3A_883 = arith.index_cast %get3A_882 : i32 to index
        %get3A_884 = arith.constant 256 : index
        %get3A_885 = tpu.vector_load %arg13[%get3A_883, %get3A_884] {strides = array<i32>} : memref<1x512xf32, #tpu.memory_space<vmem>>, vector<1x16xf32>,
        %get3A_886 = vector.shape_cast %get3A_885 : vector<1x16xf32> to vector<16xf32>
        %mul3A_887 = arith.mulf %mul3A_590, %get3A_886 : vector<16xf32>
        %sub3A_888 = arith.subf %get3A_881, %mul3A_887 : vector<16xf32>
        %swap3A_889 = arith.constant 0 : i32
        %swap3A_890 = arith.index_cast %swap3A_889 : i32 to index
        %swap3A_891 = arith.index_cast %add3A_200 : i32 to index
        %swap3A_892 = arith.constant 256 : index
        %swap3A_893 = tpu.vector_load %arg16[%swap3A_890, %swap3A_891, %swap3A_892] {strides = array<i32>} : memref<1x32x512xf32, #tpu.memory_space<vmem>>, vector<1x1x16xf32>,
        %swap3A_894 = vector.shape_cast %swap3A_893 : vector<1x1x16xf32> to vector<16xf32>
        %swap3A_895 = vector.shape_cast %sub3A_888 : vector<16xf32> to vector<1x1x16xf32>
        tpu.vector_store %arg16[%swap3A_890, %swap3A_891, %swap3A_892], %swap3A_895 {strides = array<i32>} : memref<1x32x512xf32, #tpu.memory_space<vmem>>, vector<1x1x16xf32>,
        %get3A_896 = arith.index_cast %add3A_200 : i32 to index
        %get3A_897 = arith.constant 272 : index
        %get3A_898 = tpu.vector_load %arg14[%get3A_896, %get3A_897] {strides = array<i32>} : memref<32x512xf32, #tpu.memory_space<vmem>>, vector<1x16xf32>,
        %get3A_899 = vector.shape_cast %get3A_898 : vector<1x16xf32> to vector<16xf32>
        %get3A_900 = arith.constant 0 : i32
        %get3A_901 = arith.index_cast %get3A_900 : i32 to index
        %get3A_902 = arith.constant 272 : index
        %get3A_903 = tpu.vector_load %arg13[%get3A_901, %get3A_902] {strides = array<i32>} : memref<1x512xf32, #tpu.memory_space<vmem>>, vector<1x16xf32>,
        %get3A_904 = vector.shape_cast %get3A_903 : vector<1x16xf32> to vector<16xf32>
        %mul3A_905 = arith.mulf %mul3A_590, %get3A_904 : vector<16xf32>
        %sub3A_906 = arith.subf %get3A_899, %mul3A_905 : vector<16xf32>
        %swap3A_907 = arith.constant 0 : i32
        %swap3A_908 = arith.index_cast %swap3A_907 : i32 to index
        %swap3A_909 = arith.index_cast %add3A_200 : i32 to index
        %swap3A_910 = arith.constant 272 : index
        %swap3A_911 = tpu.vector_load %arg16[%swap3A_908, %swap3A_909, %swap3A_910] {strides = array<i32>} : memref<1x32x512xf32, #tpu.memory_space<vmem>>, vector<1x1x16xf32>,
        %swap3A_912 = vector.shape_cast %swap3A_911 : vector<1x1x16xf32> to vector<16xf32>
        %swap3A_913 = vector.shape_cast %sub3A_906 : vector<16xf32> to vector<1x1x16xf32>
        tpu.vector_store %arg16[%swap3A_908, %swap3A_909, %swap3A_910], %swap3A_913 {strides = array<i32>} : memref<1x32x512xf32, #tpu.memory_space<vmem>>, vector<1x1x16xf32>,
        %get3A_914 = arith.index_cast %add3A_200 : i32 to index
        %get3A_915 = arith.constant 288 : index
        %get3A_916 = tpu.vector_load %arg14[%get3A_914, %get3A_915] {strides = array<i32>} : memref<32x512xf32, #tpu.memory_space<vmem>>, vector<1x16xf32>,
        %get3A_917 = vector.shape_cast %get3A_916 : vector<1x16xf32> to vector<16xf32>
        %get3A_918 = arith.constant 0 : i32
        %get3A_919 = arith.index_cast %get3A_918 : i32 to index
        %get3A_920 = arith.constant 288 : index
        %get3A_921 = tpu.vector_load %arg13[%get3A_919, %get3A_920] {strides = array<i32>} : memref<1x512xf32, #tpu.memory_space<vmem>>, vector<1x16xf32>,
        %get3A_922 = vector.shape_cast %get3A_921 : vector<1x16xf32> to vector<16xf32>
        %mul3A_923 = arith.mulf %mul3A_590, %get3A_922 : vector<16xf32>
        %sub3A_924 = arith.subf %get3A_917, %mul3A_923 : vector<16xf32>
        %swap3A_925 = arith.constant 0 : i32
        %swap3A_926 = arith.index_cast %swap3A_925 : i32 to index
        %swap3A_927 = arith.index_cast %add3A_200 : i32 to index
        %swap3A_928 = arith.constant 288 : index
        %swap3A_929 = tpu.vector_load %arg16[%swap3A_926, %swap3A_927, %swap3A_928] {strides = array<i32>} : memref<1x32x512xf32, #tpu.memory_space<vmem>>, vector<1x1x16xf32>,
        %swap3A_930 = vector.shape_cast %swap3A_929 : vector<1x1x16xf32> to vector<16xf32>
        %swap3A_931 = vector.shape_cast %sub3A_924 : vector<16xf32> to vector<1x1x16xf32>
        tpu.vector_store %arg16[%swap3A_926, %swap3A_927, %swap3A_928], %swap3A_931 {strides = array<i32>} : memref<1x32x512xf32, #tpu.memory_space<vmem>>, vector<1x1x16xf32>,
        %get3A_932 = arith.index_cast %add3A_200 : i32 to index
        %get3A_933 = arith.constant 304 : index
        %get3A_934 = tpu.vector_load %arg14[%get3A_932, %get3A_933] {strides = array<i32>} : memref<32x512xf32, #tpu.memory_space<vmem>>, vector<1x16xf32>,
        %get3A_935 = vector.shape_cast %get3A_934 : vector<1x16xf32> to vector<16xf32>
        %get3A_936 = arith.constant 0 : i32
        %get3A_937 = arith.index_cast %get3A_936 : i32 to index
        %get3A_938 = arith.constant 304 : index
        %get3A_939 = tpu.vector_load %arg13[%get3A_937, %get3A_938] {strides = array<i32>} : memref<1x512xf32, #tpu.memory_space<vmem>>, vector<1x16xf32>,
        %get3A_940 = vector.shape_cast %get3A_939 : vector<1x16xf32> to vector<16xf32>
        %mul3A_941 = arith.mulf %mul3A_590, %get3A_940 : vector<16xf32>
        %sub3A_942 = arith.subf %get3A_935, %mul3A_941 : vector<16xf32>
        %swap3A_943 = arith.constant 0 : i32
        %swap3A_944 = arith.index_cast %swap3A_943 : i32 to index
        %swap3A_945 = arith.index_cast %add3A_200 : i32 to index
        %swap3A_946 = arith.constant 304 : index
        %swap3A_947 = tpu.vector_load %arg16[%swap3A_944, %swap3A_945, %swap3A_946] {strides = array<i32>} : memref<1x32x512xf32, #tpu.memory_space<vmem>>, vector<1x1x16xf32>,
        %swap3A_948 = vector.shape_cast %swap3A_947 : vector<1x1x16xf32> to vector<16xf32>
        %swap3A_949 = vector.shape_cast %sub3A_942 : vector<16xf32> to vector<1x1x16xf32>
        tpu.vector_store %arg16[%swap3A_944, %swap3A_945, %swap3A_946], %swap3A_949 {strides = array<i32>} : memref<1x32x512xf32, #tpu.memory_space<vmem>>, vector<1x1x16xf32>,
        %get3A_950 = arith.index_cast %add3A_200 : i32 to index
        %get3A_951 = arith.constant 320 : index
        %get3A_952 = tpu.vector_load %arg14[%get3A_950, %get3A_951] {strides = array<i32>} : memref<32x512xf32, #tpu.memory_space<vmem>>, vector<1x16xf32>,
        %get3A_953 = vector.shape_cast %get3A_952 : vector<1x16xf32> to vector<16xf32>
        %get3A_954 = arith.constant 0 : i32
        %get3A_955 = arith.index_cast %get3A_954 : i32 to index
        %get3A_956 = arith.constant 320 : index
        %get3A_957 = tpu.vector_load %arg13[%get3A_955, %get3A_956] {strides = array<i32>} : memref<1x512xf32, #tpu.memory_space<vmem>>, vector<1x16xf32>,
        %get3A_958 = vector.shape_cast %get3A_957 : vector<1x16xf32> to vector<16xf32>
        %mul3A_959 = arith.mulf %mul3A_590, %get3A_958 : vector<16xf32>
        %sub3A_960 = arith.subf %get3A_953, %mul3A_959 : vector<16xf32>
        %swap3A_961 = arith.constant 0 : i32
        %swap3A_962 = arith.index_cast %swap3A_961 : i32 to index
        %swap3A_963 = arith.index_cast %add3A_200 : i32 to index
        %swap3A_964 = arith.constant 320 : index
        %swap3A_965 = tpu.vector_load %arg16[%swap3A_962, %swap3A_963, %swap3A_964] {strides = array<i32>} : memref<1x32x512xf32, #tpu.memory_space<vmem>>, vector<1x1x16xf32>,
        %swap3A_966 = vector.shape_cast %swap3A_965 : vector<1x1x16xf32> to vector<16xf32>
        %swap3A_967 = vector.shape_cast %sub3A_960 : vector<16xf32> to vector<1x1x16xf32>
        tpu.vector_store %arg16[%swap3A_962, %swap3A_963, %swap3A_964], %swap3A_967 {strides = array<i32>} : memref<1x32x512xf32, #tpu.memory_space<vmem>>, vector<1x1x16xf32>,
        %get3A_968 = arith.index_cast %add3A_200 : i32 to index
        %get3A_969 = arith.constant 336 : index
        %get3A_970 = tpu.vector_load %arg14[%get3A_968, %get3A_969] {strides = array<i32>} : memref<32x512xf32, #tpu.memory_space<vmem>>, vector<1x16xf32>,
        %get3A_971 = vector.shape_cast %get3A_970 : vector<1x16xf32> to vector<16xf32>
        %get3A_972 = arith.constant 0 : i32
        %get3A_973 = arith.index_cast %get3A_972 : i32 to index
        %get3A_974 = arith.constant 336 : index
        %get3A_975 = tpu.vector_load %arg13[%get3A_973, %get3A_974] {strides = array<i32>} : memref<1x512xf32, #tpu.memory_space<vmem>>, vector<1x16xf32>,
        %get3A_976 = vector.shape_cast %get3A_975 : vector<1x16xf32> to vector<16xf32>
        %mul3A_977 = arith.mulf %mul3A_590, %get3A_976 : vector<16xf32>
        %sub3A_978 = arith.subf %get3A_971, %mul3A_977 : vector<16xf32>
        %swap3A_979 = arith.constant 0 : i32
        %swap3A_980 = arith.index_cast %swap3A_979 : i32 to index
        %swap3A_981 = arith.index_cast %add3A_200 : i32 to index
        %swap3A_982 = arith.constant 336 : index
        %swap3A_983 = tpu.vector_load %arg16[%swap3A_980, %swap3A_981, %swap3A_982] {strides = array<i32>} : memref<1x32x512xf32, #tpu.memory_space<vmem>>, vector<1x1x16xf32>,
        %swap3A_984 = vector.shape_cast %swap3A_983 : vector<1x1x16xf32> to vector<16xf32>
        %swap3A_985 = vector.shape_cast %sub3A_978 : vector<16xf32> to vector<1x1x16xf32>
        tpu.vector_store %arg16[%swap3A_980, %swap3A_981, %swap3A_982], %swap3A_985 {strides = array<i32>} : memref<1x32x512xf32, #tpu.memory_space<vmem>>, vector<1x1x16xf32>,
        %get3A_986 = arith.index_cast %add3A_200 : i32 to index
        %get3A_987 = arith.constant 352 : index
        %get3A_988 = tpu.vector_load %arg14[%get3A_986, %get3A_987] {strides = array<i32>} : memref<32x512xf32, #tpu.memory_space<vmem>>, vector<1x16xf32>,
        %get3A_989 = vector.shape_cast %get3A_988 : vector<1x16xf32> to vector<16xf32>
        %get3A_990 = arith.constant 0 : i32
        %get3A_991 = arith.index_cast %get3A_990 : i32 to index
        %get3A_992 = arith.constant 352 : index
        %get3A_993 = tpu.vector_load %arg13[%get3A_991, %get3A_992] {strides = array<i32>} : memref<1x512xf32, #tpu.memory_space<vmem>>, vector<1x16xf32>,
        %get3A_994 = vector.shape_cast %get3A_993 : vector<1x16xf32> to vector<16xf32>
        %mul3A_995 = arith.mulf %mul3A_590, %get3A_994 : vector<16xf32>
        %sub3A_996 = arith.subf %get3A_989, %mul3A_995 : vector<16xf32>
        %swap3A_997 = arith.constant 0 : i32
        %swap3A_998 = arith.index_cast %swap3A_997 : i32 to index
        %swap3A_999 = arith.index_cast %add3A_200 : i32 to index
        %swap3A_1000 = arith.constant 352 : index
        %swap3A_1001 = tpu.vector_load %arg16[%swap3A_998, %swap3A_999, %swap3A_1000] {strides = array<i32>} : memref<1x32x512xf32, #tpu.memory_space<vmem>>, vector<1x1x16xf32>,
        %swap3A_1002 = vector.shape_cast %swap3A_1001 : vector<1x1x16xf32> to vector<16xf32>
        %swap3A_1003 = vector.shape_cast %sub3A_996 : vector<16xf32> to vector<1x1x16xf32>
        tpu.vector_store %arg16[%swap3A_998, %swap3A_999, %swap3A_1000], %swap3A_1003 {strides = array<i32>} : memref<1x32x512xf32, #tpu.memory_space<vmem>>, vector<1x1x16xf32>,
        %get3A_1004 = arith.index_cast %add3A_200 : i32 to index
        %get3A_1005 = arith.constant 368 : index
        %get3A_1006 = tpu.vector_load %arg14[%get3A_1004, %get3A_1005] {strides = array<i32>} : memref<32x512xf32, #tpu.memory_space<vmem>>, vector<1x16xf32>,
        %get3A_1007 = vector.shape_cast %get3A_1006 : vector<1x16xf32> to vector<16xf32>
        %get3A_1008 = arith.constant 0 : i32
        %get3A_1009 = arith.index_cast %get3A_1008 : i32 to index
        %get3A_1010 = arith.constant 368 : index
        %get3A_1011 = tpu.vector_load %arg13[%get3A_1009, %get3A_1010] {strides = array<i32>} : memref<1x512xf32, #tpu.memory_space<vmem>>, vector<1x16xf32>,
        %get3A_1012 = vector.shape_cast %get3A_1011 : vector<1x16xf32> to vector<16xf32>
        %mul3A_1013 = arith.mulf %mul3A_590, %get3A_1012 : vector<16xf32>
        %sub3A_1014 = arith.subf %get3A_1007, %mul3A_1013 : vector<16xf32>
        %swap3A_1015 = arith.constant 0 : i32
        %swap3A_1016 = arith.index_cast %swap3A_1015 : i32 to index
        %swap3A_1017 = arith.index_cast %add3A_200 : i32 to index
        %swap3A_1018 = arith.constant 368 : index
        %swap3A_1019 = tpu.vector_load %arg16[%swap3A_1016, %swap3A_1017, %swap3A_1018] {strides = array<i32>} : memref<1x32x512xf32, #tpu.memory_space<vmem>>, vector<1x1x16xf32>,
        %swap3A_1020 = vector.shape_cast %swap3A_1019 : vector<1x1x16xf32> to vector<16xf32>
        %swap3A_1021 = vector.shape_cast %sub3A_1014 : vector<16xf32> to vector<1x1x16xf32>
        tpu.vector_store %arg16[%swap3A_1016, %swap3A_1017, %swap3A_1018], %swap3A_1021 {strides = array<i32>} : memref<1x32x512xf32, #tpu.memory_space<vmem>>, vector<1x1x16xf32>,
        %get3A_1022 = arith.index_cast %add3A_200 : i32 to index
        %get3A_1023 = arith.constant 384 : index
        %get3A_1024 = tpu.vector_load %arg14[%get3A_1022, %get3A_1023] {strides = array<i32>} : memref<32x512xf32, #tpu.memory_space<vmem>>, vector<1x16xf32>,
        %get3A_1025 = vector.shape_cast %get3A_1024 : vector<1x16xf32> to vector<16xf32>
        %get3A_1026 = arith.constant 0 : i32
        %get3A_1027 = arith.index_cast %get3A_1026 : i32 to index
        %get3A_1028 = arith.constant 384 : index
        %get3A_1029 = tpu.vector_load %arg13[%get3A_1027, %get3A_1028] {strides = array<i32>} : memref<1x512xf32, #tpu.memory_space<vmem>>, vector<1x16xf32>,
        %get3A_1030 = vector.shape_cast %get3A_1029 : vector<1x16xf32> to vector<16xf32>
        %mul3A_1031 = arith.mulf %mul3A_590, %get3A_1030 : vector<16xf32>
        %sub3A_1032 = arith.subf %get3A_1025, %mul3A_1031 : vector<16xf32>
        %swap3A_1033 = arith.constant 0 : i32
        %swap3A_1034 = arith.index_cast %swap3A_1033 : i32 to index
        %swap3A_1035 = arith.index_cast %add3A_200 : i32 to index
        %swap3A_1036 = arith.constant 384 : index
        %swap3A_1037 = tpu.vector_load %arg16[%swap3A_1034, %swap3A_1035, %swap3A_1036] {strides = array<i32>} : memref<1x32x512xf32, #tpu.memory_space<vmem>>, vector<1x1x16xf32>,
        %swap3A_1038 = vector.shape_cast %swap3A_1037 : vector<1x1x16xf32> to vector<16xf32>
        %swap3A_1039 = vector.shape_cast %sub3A_1032 : vector<16xf32> to vector<1x1x16xf32>
        tpu.vector_store %arg16[%swap3A_1034, %swap3A_1035, %swap3A_1036], %swap3A_1039 {strides = array<i32>} : memref<1x32x512xf32, #tpu.memory_space<vmem>>, vector<1x1x16xf32>,
        %get3A_1040 = arith.index_cast %add3A_200 : i32 to index
        %get3A_1041 = arith.constant 400 : index
        %get3A_1042 = tpu.vector_load %arg14[%get3A_1040, %get3A_1041] {strides = array<i32>} : memref<32x512xf32, #tpu.memory_space<vmem>>, vector<1x16xf32>,
        %get3A_1043 = vector.shape_cast %get3A_1042 : vector<1x16xf32> to vector<16xf32>
        %get3A_1044 = arith.constant 0 : i32
        %get3A_1045 = arith.index_cast %get3A_1044 : i32 to index
        %get3A_1046 = arith.constant 400 : index
        %get3A_1047 = tpu.vector_load %arg13[%get3A_1045, %get3A_1046] {strides = array<i32>} : memref<1x512xf32, #tpu.memory_space<vmem>>, vector<1x16xf32>,
        %get3A_1048 = vector.shape_cast %get3A_1047 : vector<1x16xf32> to vector<16xf32>
        %mul3A_1049 = arith.mulf %mul3A_590, %get3A_1048 : vector<16xf32>
        %sub3A_1050 = arith.subf %get3A_1043, %mul3A_1049 : vector<16xf32>
        %swap3A_1051 = arith.constant 0 : i32
        %swap3A_1052 = arith.index_cast %swap3A_1051 : i32 to index
        %swap3A_1053 = arith.index_cast %add3A_200 : i32 to index
        %swap3A_1054 = arith.constant 400 : index
        %swap3A_1055 = tpu.vector_load %arg16[%swap3A_1052, %swap3A_1053, %swap3A_1054] {strides = array<i32>} : memref<1x32x512xf32, #tpu.memory_space<vmem>>, vector<1x1x16xf32>,
        %swap3A_1056 = vector.shape_cast %swap3A_1055 : vector<1x1x16xf32> to vector<16xf32>
        %swap3A_1057 = vector.shape_cast %sub3A_1050 : vector<16xf32> to vector<1x1x16xf32>
        tpu.vector_store %arg16[%swap3A_1052, %swap3A_1053, %swap3A_1054], %swap3A_1057 {strides = array<i32>} : memref<1x32x512xf32, #tpu.memory_space<vmem>>, vector<1x1x16xf32>,
        %get3A_1058 = arith.index_cast %add3A_200 : i32 to index
        %get3A_1059 = arith.constant 416 : index
        %get3A_1060 = tpu.vector_load %arg14[%get3A_1058, %get3A_1059] {strides = array<i32>} : memref<32x512xf32, #tpu.memory_space<vmem>>, vector<1x16xf32>,
        %get3A_1061 = vector.shape_cast %get3A_1060 : vector<1x16xf32> to vector<16xf32>
        %get3A_1062 = arith.constant 0 : i32
        %get3A_1063 = arith.index_cast %get3A_1062 : i32 to index
        %get3A_1064 = arith.constant 416 : index
        %get3A_1065 = tpu.vector_load %arg13[%get3A_1063, %get3A_1064] {strides = array<i32>} : memref<1x512xf32, #tpu.memory_space<vmem>>, vector<1x16xf32>,
        %get3A_1066 = vector.shape_cast %get3A_1065 : vector<1x16xf32> to vector<16xf32>
        %mul3A_1067 = arith.mulf %mul3A_590, %get3A_1066 : vector<16xf32>
        %sub3A_1068 = arith.subf %get3A_1061, %mul3A_1067 : vector<16xf32>
        %swap3A_1069 = arith.constant 0 : i32
        %swap3A_1070 = arith.index_cast %swap3A_1069 : i32 to index
        %swap3A_1071 = arith.index_cast %add3A_200 : i32 to index
        %swap3A_1072 = arith.constant 416 : index
        %swap3A_1073 = tpu.vector_load %arg16[%swap3A_1070, %swap3A_1071, %swap3A_1072] {strides = array<i32>} : memref<1x32x512xf32, #tpu.memory_space<vmem>>, vector<1x1x16xf32>,
        %swap3A_1074 = vector.shape_cast %swap3A_1073 : vector<1x1x16xf32> to vector<16xf32>
        %swap3A_1075 = vector.shape_cast %sub3A_1068 : vector<16xf32> to vector<1x1x16xf32>
        tpu.vector_store %arg16[%swap3A_1070, %swap3A_1071, %swap3A_1072], %swap3A_1075 {strides = array<i32>} : memref<1x32x512xf32, #tpu.memory_space<vmem>>, vector<1x1x16xf32>,
        %get3A_1076 = arith.index_cast %add3A_200 : i32 to index
        %get3A_1077 = arith.constant 432 : index
        %get3A_1078 = tpu.vector_load %arg14[%get3A_1076, %get3A_1077] {strides = array<i32>} : memref<32x512xf32, #tpu.memory_space<vmem>>, vector<1x16xf32>,
        %get3A_1079 = vector.shape_cast %get3A_1078 : vector<1x16xf32> to vector<16xf32>
        %get3A_1080 = arith.constant 0 : i32
        %get3A_1081 = arith.index_cast %get3A_1080 : i32 to index
        %get3A_1082 = arith.constant 432 : index
        %get3A_1083 = tpu.vector_load %arg13[%get3A_1081, %get3A_1082] {strides = array<i32>} : memref<1x512xf32, #tpu.memory_space<vmem>>, vector<1x16xf32>,
        %get3A_1084 = vector.shape_cast %get3A_1083 : vector<1x16xf32> to vector<16xf32>
        %mul3A_1085 = arith.mulf %mul3A_590, %get3A_1084 : vector<16xf32>
        %sub3A_1086 = arith.subf %get3A_1079, %mul3A_1085 : vector<16xf32>
        %swap3A_1087 = arith.constant 0 : i32
        %swap3A_1088 = arith.index_cast %swap3A_1087 : i32 to index
        %swap3A_1089 = arith.index_cast %add3A_200 : i32 to index
        %swap3A_1090 = arith.constant 432 : index
        %swap3A_1091 = tpu.vector_load %arg16[%swap3A_1088, %swap3A_1089, %swap3A_1090] {strides = array<i32>} : memref<1x32x512xf32, #tpu.memory_space<vmem>>, vector<1x1x16xf32>,
        %swap3A_1092 = vector.shape_cast %swap3A_1091 : vector<1x1x16xf32> to vector<16xf32>
        %swap3A_1093 = vector.shape_cast %sub3A_1086 : vector<16xf32> to vector<1x1x16xf32>
        tpu.vector_store %arg16[%swap3A_1088, %swap3A_1089, %swap3A_1090], %swap3A_1093 {strides = array<i32>} : memref<1x32x512xf32, #tpu.memory_space<vmem>>, vector<1x1x16xf32>,
        %get3A_1094 = arith.index_cast %add3A_200 : i32 to index
        %get3A_1095 = arith.constant 448 : index
        %get3A_1096 = tpu.vector_load %arg14[%get3A_1094, %get3A_1095] {strides = array<i32>} : memref<32x512xf32, #tpu.memory_space<vmem>>, vector<1x16xf32>,
        %get3A_1097 = vector.shape_cast %get3A_1096 : vector<1x16xf32> to vector<16xf32>
        %get3A_1098 = arith.constant 0 : i32
        %get3A_1099 = arith.index_cast %get3A_1098 : i32 to index
        %get3A_1100 = arith.constant 448 : index
        %get3A_1101 = tpu.vector_load %arg13[%get3A_1099, %get3A_1100] {strides = array<i32>} : memref<1x512xf32, #tpu.memory_space<vmem>>, vector<1x16xf32>,
        %get3A_1102 = vector.shape_cast %get3A_1101 : vector<1x16xf32> to vector<16xf32>
        %mul3A_1103 = arith.mulf %mul3A_590, %get3A_1102 : vector<16xf32>
        %sub3A_1104 = arith.subf %get3A_1097, %mul3A_1103 : vector<16xf32>
        %swap3A_1105 = arith.constant 0 : i32
        %swap3A_1106 = arith.index_cast %swap3A_1105 : i32 to index
        %swap3A_1107 = arith.index_cast %add3A_200 : i32 to index
        %swap3A_1108 = arith.constant 448 : index
        %swap3A_1109 = tpu.vector_load %arg16[%swap3A_1106, %swap3A_1107, %swap3A_1108] {strides = array<i32>} : memref<1x32x512xf32, #tpu.memory_space<vmem>>, vector<1x1x16xf32>,
        %swap3A_1110 = vector.shape_cast %swap3A_1109 : vector<1x1x16xf32> to vector<16xf32>
        %swap3A_1111 = vector.shape_cast %sub3A_1104 : vector<16xf32> to vector<1x1x16xf32>
        tpu.vector_store %arg16[%swap3A_1106, %swap3A_1107, %swap3A_1108], %swap3A_1111 {strides = array<i32>} : memref<1x32x512xf32, #tpu.memory_space<vmem>>, vector<1x1x16xf32>,
        %get3A_1112 = arith.index_cast %add3A_200 : i32 to index
        %get3A_1113 = arith.constant 464 : index
        %get3A_1114 = tpu.vector_load %arg14[%get3A_1112, %get3A_1113] {strides = array<i32>} : memref<32x512xf32, #tpu.memory_space<vmem>>, vector<1x16xf32>,
        %get3A_1115 = vector.shape_cast %get3A_1114 : vector<1x16xf32> to vector<16xf32>
        %get3A_1116 = arith.constant 0 : i32
        %get3A_1117 = arith.index_cast %get3A_1116 : i32 to index
        %get3A_1118 = arith.constant 464 : index
        %get3A_1119 = tpu.vector_load %arg13[%get3A_1117, %get3A_1118] {strides = array<i32>} : memref<1x512xf32, #tpu.memory_space<vmem>>, vector<1x16xf32>,
        %get3A_1120 = vector.shape_cast %get3A_1119 : vector<1x16xf32> to vector<16xf32>
        %mul3A_1121 = arith.mulf %mul3A_590, %get3A_1120 : vector<16xf32>
        %sub3A_1122 = arith.subf %get3A_1115, %mul3A_1121 : vector<16xf32>
        %swap3A_1123 = arith.constant 0 : i32
        %swap3A_1124 = arith.index_cast %swap3A_1123 : i32 to index
        %swap3A_1125 = arith.index_cast %add3A_200 : i32 to index
        %swap3A_1126 = arith.constant 464 : index
        %swap3A_1127 = tpu.vector_load %arg16[%swap3A_1124, %swap3A_1125, %swap3A_1126] {strides = array<i32>} : memref<1x32x512xf32, #tpu.memory_space<vmem>>, vector<1x1x16xf32>,
        %swap3A_1128 = vector.shape_cast %swap3A_1127 : vector<1x1x16xf32> to vector<16xf32>
        %swap3A_1129 = vector.shape_cast %sub3A_1122 : vector<16xf32> to vector<1x1x16xf32>
        tpu.vector_store %arg16[%swap3A_1124, %swap3A_1125, %swap3A_1126], %swap3A_1129 {strides = array<i32>} : memref<1x32x512xf32, #tpu.memory_space<vmem>>, vector<1x1x16xf32>,
        %get3A_1130 = arith.index_cast %add3A_200 : i32 to index
        %get3A_1131 = arith.constant 480 : index
        %get3A_1132 = tpu.vector_load %arg14[%get3A_1130, %get3A_1131] {strides = array<i32>} : memref<32x512xf32, #tpu.memory_space<vmem>>, vector<1x16xf32>,
        %get3A_1133 = vector.shape_cast %get3A_1132 : vector<1x16xf32> to vector<16xf32>
        %get3A_1134 = arith.constant 0 : i32
        %get3A_1135 = arith.index_cast %get3A_1134 : i32 to index
        %get3A_1136 = arith.constant 480 : index
        %get3A_1137 = tpu.vector_load %arg13[%get3A_1135, %get3A_1136] {strides = array<i32>} : memref<1x512xf32, #tpu.memory_space<vmem>>, vector<1x16xf32>,
        %get3A_1138 = vector.shape_cast %get3A_1137 : vector<1x16xf32> to vector<16xf32>
        %mul3A_1139 = arith.mulf %mul3A_590, %get3A_1138 : vector<16xf32>
        %sub3A_1140 = arith.subf %get3A_1133, %mul3A_1139 : vector<16xf32>
        %swap3A_1141 = arith.constant 0 : i32
        %swap3A_1142 = arith.index_cast %swap3A_1141 : i32 to index
        %swap3A_1143 = arith.index_cast %add3A_200 : i32 to index
        %swap3A_1144 = arith.constant 480 : index
        %swap3A_1145 = tpu.vector_load %arg16[%swap3A_1142, %swap3A_1143, %swap3A_1144] {strides = array<i32>} : memref<1x32x512xf32, #tpu.memory_space<vmem>>, vector<1x1x16xf32>,
        %swap3A_1146 = vector.shape_cast %swap3A_1145 : vector<1x1x16xf32> to vector<16xf32>
        %swap3A_1147 = vector.shape_cast %sub3A_1140 : vector<16xf32> to vector<1x1x16xf32>
        tpu.vector_store %arg16[%swap3A_1142, %swap3A_1143, %swap3A_1144], %swap3A_1147 {strides = array<i32>} : memref<1x32x512xf32, #tpu.memory_space<vmem>>, vector<1x1x16xf32>,
        %get3A_1148 = arith.index_cast %add3A_200 : i32 to index
        %get3A_1149 = arith.constant 496 : index
        %get3A_1150 = tpu.vector_load %arg14[%get3A_1148, %get3A_1149] {strides = array<i32>} : memref<32x512xf32, #tpu.memory_space<vmem>>, vector<1x16xf32>,
        %get3A_1151 = vector.shape_cast %get3A_1150 : vector<1x16xf32> to vector<16xf32>
        %get3A_1152 = arith.constant 0 : i32
        %get3A_1153 = arith.index_cast %get3A_1152 : i32 to index
        %get3A_1154 = arith.constant 496 : index
        %get3A_1155 = tpu.vector_load %arg13[%get3A_1153, %get3A_1154] {strides = array<i32>} : memref<1x512xf32, #tpu.memory_space<vmem>>, vector<1x16xf32>,
        %get3A_1156 = vector.shape_cast %get3A_1155 : vector<1x16xf32> to vector<16xf32>
        %mul3A_1157 = arith.mulf %mul3A_590, %get3A_1156 : vector<16xf32>
        %sub3A_1158 = arith.subf %get3A_1151, %mul3A_1157 : vector<16xf32>
        %swap3A_1159 = arith.constant 0 : i32
        %swap3A_1160 = arith.index_cast %swap3A_1159 : i32 to index
        %swap3A_1161 = arith.index_cast %add3A_200 : i32 to index
        %swap3A_1162 = arith.constant 496 : index
        %swap3A_1163 = tpu.vector_load %arg16[%swap3A_1160, %swap3A_1161, %swap3A_1162] {strides = array<i32>} : memref<1x32x512xf32, #tpu.memory_space<vmem>>, vector<1x1x16xf32>,
        %swap3A_1164 = vector.shape_cast %swap3A_1163 : vector<1x1x16xf32> to vector<16xf32>
        %swap3A_1165 = vector.shape_cast %sub3A_1158 : vector<16xf32> to vector<1x1x16xf32>
        tpu.vector_store %arg16[%swap3A_1160, %swap3A_1161, %swap3A_1162], %swap3A_1165 {strides = array<i32>} : memref<1x32x512xf32, #tpu.memory_space<vmem>>, vector<1x1x16xf32>,
      }
      %scan3A_105 = arith.constant 32 : i32
      %add3A_106 = arith.constant 6 : i32
      %add3A_107 = arith.addi %add3A_106, %mul3A_79 : i32
      %multiple_of3A_108 = tpu.assume_multiple %mul3A_2, 8 : i32
      %dma_start3A_109 = arith.constant 0 : i32
      %dma_start3A_110 = tpu.memref_slice %arg8[%add3A_107, %multiple_of3A_108, %dma_start3A_109] : memref<77x1024x512xf32, #tpu.memory_space<hbm>> -> memref<1x32x512xf32, #tpu.memory_space<hbm>>
      %dma_start3A_111 = arith.constant 0 : i32
      %dma_start3A_112 = tpu.memref_slice %arg8[%add3A_107, %multiple_of3A_108, %dma_start3A_111] : memref<77x1024x512xf32, #tpu.memory_space<hbm>> -> memref<1x32x512xf32, #tpu.memory_space<hbm>>
      tpu.enqueue_dma source(%arg16 : memref<1x32x512xf32, #tpu.memory_space<vmem>>) target(%dma_start3A_112 : memref<1x32x512xf32, #tpu.memory_space<hbm>>) target_semaphore(%arg22 : memref<!tpu.dma_semaphore, #tpu.memory_space<semaphore_mem>>)
      %add3A_113 = arith.constant 0 : i32
      %add3A_114 = arith.addi %add3A, %add3A_113 : i32
      %lt3A_115 = arith.constant 6 : i32
      %lt3A_116 = arith.cmpi slt, %add3A_114, %lt3A_115 : i32
      %add3A_117 = arith.constant 16 : i32
      %add3A_118 = arith.addi %add3A_117, %add3A_114 : i32
      %select_n3A = arith.select %lt3A_116, %add3A_114, %add3A_118 : i32
      %lt3A_119 = arith.constant 61 : i32
      %lt3A_120 = arith.cmpi slt, %add3A_114, %lt3A_119 : i32
      %convert_element_type3A_121 = arith.extui %lt3A_120 : i1 to i32
      %cond3A_122 = arith.constant 0 : i32
      %cond3A_123 = arith.cmpi ne, %convert_element_type3A_121, %cond3A_122 : i32
      scf.if %cond3A_123 {
        %mul3A_196 = arith.constant 4 : i32
        %mul3A_197 = arith.muli %mul3A_196, %mul3A_79 : i32
        %add3A_198 = arith.constant 0 : i32
        %add3A_199 = arith.addi %mul3A_197, %add3A_198 : i32
        %mul3A_200 = arith.constant 16 : i32
        %mul3A_201 = arith.muli %add3A_199, %mul3A_200 : i32
        %multiple_of3A_202 = tpu.assume_multiple %mul3A_201, 8 : i32
        %dma_start3A_203 = arith.constant 0 : i32
        %dma_start3A_204 = tpu.memref_slice %arg8[%select_n3A, %multiple_of3A_202, %dma_start3A_203] : memref<77x1024x512xf32, #tpu.memory_space<hbm>> -> memref<1x16x512xf32, #tpu.memory_space<hbm>>
        %dma_start3A_205 = arith.constant 0 : i32
        %dma_start3A_206 = tpu.memref_slice %arg8[%select_n3A, %multiple_of3A_202, %dma_start3A_205] : memref<77x1024x512xf32, #tpu.memory_space<hbm>> -> memref<1x16x512xf32, #tpu.memory_space<hbm>>
        tpu.enqueue_dma source(%arg19 : memref<1x16x512xf32, #tpu.memory_space<vmem>>) target(%dma_start3A_206 : memref<1x16x512xf32, #tpu.memory_space<hbm>>) target_semaphore(%arg23 : memref<!tpu.dma_semaphore, #tpu.memory_space<semaphore_mem>>)
        %mul3A_207 = arith.constant 4 : i32
        %mul3A_208 = arith.muli %mul3A_207, %mul3A_79 : i32
        %add3A_209 = arith.constant 1 : i32
        %add3A_210 = arith.addi %mul3A_208, %add3A_209 : i32
        %mul3A_211 = arith.constant 16 : i32
        %mul3A_212 = arith.muli %add3A_210, %mul3A_211 : i32
        %multiple_of3A_213 = tpu.assume_multiple %mul3A_212, 8 : i32
        %dma_start3A_214 = arith.constant 0 : i32
        %dma_start3A_215 = tpu.memref_slice %arg8[%select_n3A, %multiple_of3A_213, %dma_start3A_214] : memref<77x1024x512xf32, #tpu.memory_space<hbm>> -> memref<1x16x512xf32, #tpu.memory_space<hbm>>
        %dma_start3A_216 = arith.constant 0 : i32
        %dma_start3A_217 = tpu.memref_slice %arg8[%select_n3A, %multiple_of3A_213, %dma_start3A_216] : memref<77x1024x512xf32, #tpu.memory_space<hbm>> -> memref<1x16x512xf32, #tpu.memory_space<hbm>>
        tpu.enqueue_dma source(%arg19 : memref<1x16x512xf32, #tpu.memory_space<vmem>>) target(%dma_start3A_217 : memref<1x16x512xf32, #tpu.memory_space<hbm>>) target_semaphore(%arg23 : memref<!tpu.dma_semaphore, #tpu.memory_space<semaphore_mem>>)
        %mul3A_218 = arith.constant 4 : i32
        %mul3A_219 = arith.muli %mul3A_218, %mul3A_79 : i32
        %add3A_220 = arith.constant 2 : i32
        %add3A_221 = arith.addi %mul3A_219, %add3A_220 : i32
        %mul3A_222 = arith.constant 16 : i32
        %mul3A_223 = arith.muli %add3A_221, %mul3A_222 : i32
        %multiple_of3A_224 = tpu.assume_multiple %mul3A_223, 8 : i32
        %dma_start3A_225 = arith.constant 0 : i32
        %dma_start3A_226 = tpu.memref_slice %arg8[%select_n3A, %multiple_of3A_224, %dma_start3A_225] : memref<77x1024x512xf32, #tpu.memory_space<hbm>> -> memref<1x16x512xf32, #tpu.memory_space<hbm>>
        %dma_start3A_227 = arith.constant 0 : i32
        %dma_start3A_228 = tpu.memref_slice %arg8[%select_n3A, %multiple_of3A_224, %dma_start3A_227] : memref<77x1024x512xf32, #tpu.memory_space<hbm>> -> memref<1x16x512xf32, #tpu.memory_space<hbm>>
        tpu.enqueue_dma source(%arg19 : memref<1x16x512xf32, #tpu.memory_space<vmem>>) target(%dma_start3A_228 : memref<1x16x512xf32, #tpu.memory_space<hbm>>) target_semaphore(%arg23 : memref<!tpu.dma_semaphore, #tpu.memory_space<semaphore_mem>>)
        %mul3A_229 = arith.constant 4 : i32
        %mul3A_230 = arith.muli %mul3A_229, %mul3A_79 : i32
        %add3A_231 = arith.constant 3 : i32
        %add3A_232 = arith.addi %mul3A_230, %add3A_231 : i32
        %mul3A_233 = arith.constant 16 : i32
        %mul3A_234 = arith.muli %add3A_232, %mul3A_233 : i32
        %multiple_of3A_235 = tpu.assume_multiple %mul3A_234, 8 : i32
        %dma_start3A_236 = arith.constant 0 : i32
        %dma_start3A_237 = tpu.memref_slice %arg8[%select_n3A, %multiple_of3A_235, %dma_start3A_236] : memref<77x1024x512xf32, #tpu.memory_space<hbm>> -> memref<1x16x512xf32, #tpu.memory_space<hbm>>
        %dma_start3A_238 = arith.constant 0 : i32
        %dma_start3A_239 = tpu.memref_slice %arg8[%select_n3A, %multiple_of3A_235, %dma_start3A_238] : memref<77x1024x512xf32, #tpu.memory_space<hbm>> -> memref<1x16x512xf32, #tpu.memory_space<hbm>>
        tpu.enqueue_dma source(%arg19 : memref<1x16x512xf32, #tpu.memory_space<vmem>>) target(%dma_start3A_239 : memref<1x16x512xf32, #tpu.memory_space<hbm>>) target_semaphore(%arg23 : memref<!tpu.dma_semaphore, #tpu.memory_space<semaphore_mem>>)
      } else {
      }
      %add3A_124 = arith.constant 32 : i32
      %add3A_125 = arith.addi %add3A, %add3A_124 : i32
      %lt3A_126 = arith.constant 6 : i32
      %lt3A_127 = arith.cmpi slt, %add3A_125, %lt3A_126 : i32
      %add3A_128 = arith.constant 16 : i32
      %add3A_129 = arith.addi %add3A_128, %add3A_125 : i32
      %select_n3A_130 = arith.select %lt3A_127, %add3A_125, %add3A_129 : i32
      %lt3A_131 = arith.constant 61 : i32
      %lt3A_132 = arith.cmpi slt, %add3A_125, %lt3A_131 : i32
      %convert_element_type3A_133 = arith.extui %lt3A_132 : i1 to i32
      %cond3A_134 = arith.constant 0 : i32
      %cond3A_135 = arith.cmpi ne, %convert_element_type3A_133, %cond3A_134 : i32
      scf.if %cond3A_135 {
        %mul3A_196 = arith.constant 4 : i32
        %mul3A_197 = arith.muli %mul3A_196, %mul3A_79 : i32
        %add3A_198 = arith.constant 0 : i32
        %add3A_199 = arith.addi %mul3A_197, %add3A_198 : i32
        %mul3A_200 = arith.constant 16 : i32
        %mul3A_201 = arith.muli %add3A_199, %mul3A_200 : i32
        %multiple_of3A_202 = tpu.assume_multiple %mul3A_201, 8 : i32
        %dma_start3A_203 = arith.constant 0 : i32
        %dma_start3A_204 = tpu.memref_slice %arg8[%select_n3A_130, %multiple_of3A_202, %dma_start3A_203] : memref<77x1024x512xf32, #tpu.memory_space<hbm>> -> memref<1x16x512xf32, #tpu.memory_space<hbm>>
        %dma_start3A_205 = arith.constant 0 : i32
        %dma_start3A_206 = tpu.memref_slice %arg8[%select_n3A_130, %multiple_of3A_202, %dma_start3A_205] : memref<77x1024x512xf32, #tpu.memory_space<hbm>> -> memref<1x16x512xf32, #tpu.memory_space<hbm>>
        tpu.enqueue_dma source(%arg20 : memref<1x16x512xf32, #tpu.memory_space<vmem>>) target(%dma_start3A_206 : memref<1x16x512xf32, #tpu.memory_space<hbm>>) target_semaphore(%arg23 : memref<!tpu.dma_semaphore, #tpu.memory_space<semaphore_mem>>)
        %mul3A_207 = arith.constant 4 : i32
        %mul3A_208 = arith.muli %mul3A_207, %mul3A_79 : i32
        %add3A_209 = arith.constant 1 : i32
        %add3A_210 = arith.addi %mul3A_208, %add3A_209 : i32
        %mul3A_211 = arith.constant 16 : i32
        %mul3A_212 = arith.muli %add3A_210, %mul3A_211 : i32
        %multiple_of3A_213 = tpu.assume_multiple %mul3A_212, 8 : i32
        %dma_start3A_214 = arith.constant 0 : i32
        %dma_start3A_215 = tpu.memref_slice %arg8[%select_n3A_130, %multiple_of3A_213, %dma_start3A_214] : memref<77x1024x512xf32, #tpu.memory_space<hbm>> -> memref<1x16x512xf32, #tpu.memory_space<hbm>>
        %dma_start3A_216 = arith.constant 0 : i32
        %dma_start3A_217 = tpu.memref_slice %arg8[%select_n3A_130, %multiple_of3A_213, %dma_start3A_216] : memref<77x1024x512xf32, #tpu.memory_space<hbm>> -> memref<1x16x512xf32, #tpu.memory_space<hbm>>
        tpu.enqueue_dma source(%arg20 : memref<1x16x512xf32, #tpu.memory_space<vmem>>) target(%dma_start3A_217 : memref<1x16x512xf32, #tpu.memory_space<hbm>>) target_semaphore(%arg23 : memref<!tpu.dma_semaphore, #tpu.memory_space<semaphore_mem>>)
        %mul3A_218 = arith.constant 4 : i32
        %mul3A_219 = arith.muli %mul3A_218, %mul3A_79 : i32
        %add3A_220 = arith.constant 2 : i32
        %add3A_221 = arith.addi %mul3A_219, %add3A_220 : i32
        %mul3A_222 = arith.constant 16 : i32
        %mul3A_223 = arith.muli %add3A_221, %mul3A_222 : i32
        %multiple_of3A_224 = tpu.assume_multiple %mul3A_223, 8 : i32
        %dma_start3A_225 = arith.constant 0 : i32
        %dma_start3A_226 = tpu.memref_slice %arg8[%select_n3A_130, %multiple_of3A_224, %dma_start3A_225] : memref<77x1024x512xf32, #tpu.memory_space<hbm>> -> memref<1x16x512xf32, #tpu.memory_space<hbm>>
        %dma_start3A_227 = arith.constant 0 : i32
        %dma_start3A_228 = tpu.memref_slice %arg8[%select_n3A_130, %multiple_of3A_224, %dma_start3A_227] : memref<77x1024x512xf32, #tpu.memory_space<hbm>> -> memref<1x16x512xf32, #tpu.memory_space<hbm>>
        tpu.enqueue_dma source(%arg20 : memref<1x16x512xf32, #tpu.memory_space<vmem>>) target(%dma_start3A_228 : memref<1x16x512xf32, #tpu.memory_space<hbm>>) target_semaphore(%arg23 : memref<!tpu.dma_semaphore, #tpu.memory_space<semaphore_mem>>)
        %mul3A_229 = arith.constant 4 : i32
        %mul3A_230 = arith.muli %mul3A_229, %mul3A_79 : i32
        %add3A_231 = arith.constant 3 : i32
        %add3A_232 = arith.addi %mul3A_230, %add3A_231 : i32
        %mul3A_233 = arith.constant 16 : i32
        %mul3A_234 = arith.muli %add3A_232, %mul3A_233 : i32
        %multiple_of3A_235 = tpu.assume_multiple %mul3A_234, 8 : i32
        %dma_start3A_236 = arith.constant 0 : i32
        %dma_start3A_237 = tpu.memref_slice %arg8[%select_n3A_130, %multiple_of3A_235, %dma_start3A_236] : memref<77x1024x512xf32, #tpu.memory_space<hbm>> -> memref<1x16x512xf32, #tpu.memory_space<hbm>>
        %dma_start3A_238 = arith.constant 0 : i32
        %dma_start3A_239 = tpu.memref_slice %arg8[%select_n3A_130, %multiple_of3A_235, %dma_start3A_238] : memref<77x1024x512xf32, #tpu.memory_space<hbm>> -> memref<1x16x512xf32, #tpu.memory_space<hbm>>
        tpu.enqueue_dma source(%arg20 : memref<1x16x512xf32, #tpu.memory_space<vmem>>) target(%dma_start3A_239 : memref<1x16x512xf32, #tpu.memory_space<hbm>>) target_semaphore(%arg23 : memref<!tpu.dma_semaphore, #tpu.memory_space<semaphore_mem>>)
      } else {
      }
      %add3A_136 = arith.constant 2 : i32
      %add3A_137 = arith.addi %mul3A_79, %add3A_136 : i32
      %lt3A_138 = arith.constant 16 : i32
      %lt3A_139 = arith.cmpi slt, %add3A_137, %lt3A_138 : i32
      %convert_element_type3A_140 = arith.extui %lt3A_139 : i1 to i32
      %cond3A_141 = arith.constant 0 : i32
      %cond3A_142 = arith.cmpi ne, %convert_element_type3A_140, %cond3A_141 : i32
      scf.if %cond3A_142 {
        %add3A_196 = arith.constant 2 : i32
        %add3A_197 = arith.addi %mul3A_79, %add3A_196 : i32
        %get3A_198 = arith.constant 0 : index
        %get3A_199 = tpu.vector_load %arg9[%get3A_198] {strides = array<i32>} : memref<32xi32, #tpu.memory_space<vmem>>, vector<16xi32>,
        %get3A_200 = vector.shape_cast %get3A_199 : vector<16xi32> to vector<16xi32>
        %add3A_201 = vector.broadcast %add3A_197 : i32 to vector<16xi32>
        %add3A_202 = arith.addi %get3A_200, %add3A_201 : vector<16xi32>
        %swap3A_203 = arith.constant 0 : index
        %swap3A_204 = tpu.vector_load %arg10[%swap3A_203] {strides = array<i32>} : memref<32xi32, #tpu.memory_space<vmem>>, vector<16xi32>,
        %swap3A_205 = vector.shape_cast %swap3A_204 : vector<16xi32> to vector<16xi32>
        %swap3A_206 = vector.shape_cast %add3A_202 : vector<16xi32> to vector<16xi32>
        tpu.vector_store %arg10[%swap3A_203], %swap3A_206 {strides = array<i32>} : memref<32xi32, #tpu.memory_space<vmem>>, vector<16xi32>,
        %get3A_207 = arith.constant 16 : index
        %get3A_208 = tpu.vector_load %arg9[%get3A_207] {strides = array<i32>} : memref<32xi32, #tpu.memory_space<vmem>>, vector<16xi32>,
        %get3A_209 = vector.shape_cast %get3A_208 : vector<16xi32> to vector<16xi32>
        %add3A_210 = vector.broadcast %add3A_197 : i32 to vector<16xi32>
        %add3A_211 = arith.addi %get3A_209, %add3A_210 : vector<16xi32>
        %swap3A_212 = arith.constant 16 : index
        %swap3A_213 = tpu.vector_load %arg10[%swap3A_212] {strides = array<i32>} : memref<32xi32, #tpu.memory_space<vmem>>, vector<16xi32>,
        %swap3A_214 = vector.shape_cast %swap3A_213 : vector<16xi32> to vector<16xi32>
        %swap3A_215 = vector.shape_cast %add3A_211 : vector<16xi32> to vector<16xi32>
        tpu.vector_store %arg10[%swap3A_212], %swap3A_215 {strides = array<i32>} : memref<32xi32, #tpu.memory_space<vmem>>, vector<16xi32>,
      } else {
      }
      %add3A_143 = arith.constant 1 : i32
      %add3A_144 = arith.addi %mul3A_79, %add3A_143 : i32
      %add3A_145 = arith.constant 2 : i32
      %add3A_146 = arith.addi %mul3A_79, %add3A_145 : i32
      %lt3A_147 = arith.constant 16 : i32
      %lt3A_148 = arith.cmpi slt, %add3A_146, %lt3A_147 : i32
      %ge3A_149 = arith.constant 2 : i32
      %ge3A_150 = arith.cmpi sge, %mul3A_79, %ge3A_149 : i32
      %dma_wait3A_151 = arith.constant 0 : i32
      %dma_wait3A_152 = arith.constant 0 : i32
      %dma_wait3A_153 = tpu.memref_slice %arg3[%dma_wait3A_151, %dma_wait3A_152] : memref<16000x512xf32, #tpu.memory_space<hbm>> -> memref<16000x512xf32, #tpu.memory_space<hbm>>
      tpu.wait_indirect_dma semaphore(%arg21 : memref<!tpu.dma_semaphore, #tpu.memory_space<semaphore_mem>>) src(%dma_wait3A_153 : memref<16000x512xf32, #tpu.memory_space<hbm>>) dst(%arg15 : memref<32x512xf32, #tpu.memory_space<vmem>>)
      %convert_element_type3A_154 = arith.extui %lt3A_148 : i1 to i32
      %cond3A_155 = arith.constant 0 : i32
      %cond3A_156 = arith.cmpi ne, %convert_element_type3A_154, %cond3A_155 : i32
      scf.if %cond3A_156 {
        %dma_start3A_196 = arith.constant 0 : i32
        %dma_start3A_197 = arith.constant 0 : i32
        %dma_start3A_198 = tpu.memref_slice %arg3[%dma_start3A_196, %dma_start3A_197] : memref<16000x512xf32, #tpu.memory_space<hbm>> -> memref<16000x512xf32, #tpu.memory_space<hbm>>
        tpu.enqueue_indirect_dma source(%dma_start3A_198 : memref<16000x512xf32, #tpu.memory_space<hbm>>) target(%arg14 : memref<32x512xf32, #tpu.memory_space<vmem>>) offsets(%arg10 : memref<32xi32, #tpu.memory_space<vmem>>) semaphore(%arg21 : memref<!tpu.dma_semaphore, #tpu.memory_space<semaphore_mem>>)
      } else {
      }
      %convert_element_type3A_157 = arith.extui %ge3A_150 : i1 to i32
      %cond3A_158 = arith.constant 0 : i32
      %cond3A_159 = arith.cmpi ne, %convert_element_type3A_157, %cond3A_158 : i32
      scf.if %cond3A_159 {
        %multiple_of3A_196 = tpu.assume_multiple %mul3A_2, 8 : i32
        %dma_wait3A_197 = arith.constant 6 : i32
        %dma_wait3A_198 = arith.constant 0 : i32
        %dma_wait3A_199 = tpu.memref_slice %arg8[%dma_wait3A_197, %multiple_of3A_196, %dma_wait3A_198] : memref<77x1024x512xf32, #tpu.memory_space<hbm>> -> memref<1x32x512xf32, #tpu.memory_space<hbm>>
        %dma_wait3A_200 = arith.constant 6 : i32
        %dma_wait3A_201 = arith.constant 0 : i32
        %dma_wait3A_202 = tpu.memref_slice %arg8[%dma_wait3A_200, %multiple_of3A_196, %dma_wait3A_201] : memref<77x1024x512xf32, #tpu.memory_space<hbm>> -> memref<1x32x512xf32, #tpu.memory_space<hbm>>
        tpu.wait_dma2 semaphore(%arg22 : memref<!tpu.dma_semaphore, #tpu.memory_space<semaphore_mem>>) src(%arg17 : memref<1x32x512xf32, #tpu.memory_space<vmem>>) dst(%dma_wait3A_202 : memref<1x32x512xf32, #tpu.memory_space<hbm>>)
      } else {
      }
      %scan3A_160 = arith.constant 0 : i32
      %scan3A_161 = arith.constant 32 : i32
      %scan3A_162 = arith.addi %scan3A_160, %scan3A_161 : i32
      %scan3A_163 = arith.constant 1 : i32
      scf.for %scan3A_196 = %scan3A_160 to %scan3A_162 step %scan3A_163  : i32 {
        %mul3A_197 = arith.constant 1 : i32
        %mul3A_198 = arith.muli %scan3A_196, %mul3A_197 : i32
        %add3A_199 = arith.constant 0 : i32
        %add3A_200 = arith.addi %add3A_199, %mul3A_198 : i32
        %lt3A_201 = arith.constant 16 : i32
        %lt3A_202 = arith.cmpi slt, %add3A_200, %lt3A_201 : i32
        %select_n3A_203 = arith.select %lt3A_202, %get3A_38, %get3A_41 : vector<16xf32>
        %and3A = arith.constant 15 : i32
        %and3A_204 = arith.andi %add3A_200, %and3A : i32
        %broadcast_in_dim3A_205 = vector.broadcast %and3A_204 : i32 to vector<16xi32>
        %broadcast_in_dim3A_206 = vector.shape_cast %broadcast_in_dim3A_205 : vector<16xi32> to vector<16x1xi32>
        %gather3A = vector.shape_cast %broadcast_in_dim3A_206 : vector<16x1xi32> to vector<16xi32>
        %gather3A_207 = tpu.dynamic_gather %select_n3A_203[%gather3A] in [0] : vector<16xf32>, vector<16xi32> -> vector<16xf32>
        %get3A_208 = arith.index_cast %add3A_200 : i32 to index
        %get3A_209 = arith.constant 0 : index
        %get3A_210 = tpu.vector_load %arg15[%get3A_208, %get3A_209] {strides = array<i32>} : memref<32x512xf32, #tpu.memory_space<vmem>>, vector<1x16xf32>,
        %get3A_211 = vector.shape_cast %get3A_210 : vector<1x16xf32> to vector<16xf32>
        %get3A_212 = arith.constant 0 : i32
        %get3A_213 = arith.index_cast %get3A_212 : i32 to index
        %get3A_214 = arith.constant 0 : index
        %get3A_215 = tpu.vector_load %arg13[%get3A_213, %get3A_214] {strides = array<i32>} : memref<1x512xf32, #tpu.memory_space<vmem>>, vector<1x16xf32>,
        %get3A_216 = vector.shape_cast %get3A_215 : vector<1x16xf32> to vector<16xf32>
        %mul3A_217 = arith.mulf %get3A_211, %get3A_216 : vector<16xf32>
        %add3A_218 = arith.addf %broadcast_in_dim3A_3, %mul3A_217 : vector<16xf32>
        %get3A_219 = arith.index_cast %add3A_200 : i32 to index
        %get3A_220 = arith.constant 16 : index
        %get3A_221 = tpu.vector_load %arg15[%get3A_219, %get3A_220] {strides = array<i32>} : memref<32x512xf32, #tpu.memory_space<vmem>>, vector<1x16xf32>,
        %get3A_222 = vector.shape_cast %get3A_221 : vector<1x16xf32> to vector<16xf32>
        %get3A_223 = arith.constant 0 : i32
        %get3A_224 = arith.index_cast %get3A_223 : i32 to index
        %get3A_225 = arith.constant 16 : index
        %get3A_226 = tpu.vector_load %arg13[%get3A_224, %get3A_225] {strides = array<i32>} : memref<1x512xf32, #tpu.memory_space<vmem>>, vector<1x16xf32>,
        %get3A_227 = vector.shape_cast %get3A_226 : vector<1x16xf32> to vector<16xf32>
        %mul3A_228 = arith.mulf %get3A_222, %get3A_227 : vector<16xf32>
        %add3A_229 = arith.addf %broadcast_in_dim3A_3, %mul3A_228 : vector<16xf32>
        %get3A_230 = arith.index_cast %add3A_200 : i32 to index
        %get3A_231 = arith.constant 32 : index
        %get3A_232 = tpu.vector_load %arg15[%get3A_230, %get3A_231] {strides = array<i32>} : memref<32x512xf32, #tpu.memory_space<vmem>>, vector<1x16xf32>,
        %get3A_233 = vector.shape_cast %get3A_232 : vector<1x16xf32> to vector<16xf32>
        %get3A_234 = arith.constant 0 : i32
        %get3A_235 = arith.index_cast %get3A_234 : i32 to index
        %get3A_236 = arith.constant 32 : index
        %get3A_237 = tpu.vector_load %arg13[%get3A_235, %get3A_236] {strides = array<i32>} : memref<1x512xf32, #tpu.memory_space<vmem>>, vector<1x16xf32>,
        %get3A_238 = vector.shape_cast %get3A_237 : vector<1x16xf32> to vector<16xf32>
        %mul3A_239 = arith.mulf %get3A_233, %get3A_238 : vector<16xf32>
        %add3A_240 = arith.addf %broadcast_in_dim3A_3, %mul3A_239 : vector<16xf32>
        %get3A_241 = arith.index_cast %add3A_200 : i32 to index
        %get3A_242 = arith.constant 48 : index
        %get3A_243 = tpu.vector_load %arg15[%get3A_241, %get3A_242] {strides = array<i32>} : memref<32x512xf32, #tpu.memory_space<vmem>>, vector<1x16xf32>,
        %get3A_244 = vector.shape_cast %get3A_243 : vector<1x16xf32> to vector<16xf32>
        %get3A_245 = arith.constant 0 : i32
        %get3A_246 = arith.index_cast %get3A_245 : i32 to index
        %get3A_247 = arith.constant 48 : index
        %get3A_248 = tpu.vector_load %arg13[%get3A_246, %get3A_247] {strides = array<i32>} : memref<1x512xf32, #tpu.memory_space<vmem>>, vector<1x16xf32>,
        %get3A_249 = vector.shape_cast %get3A_248 : vector<1x16xf32> to vector<16xf32>
        %mul3A_250 = arith.mulf %get3A_244, %get3A_249 : vector<16xf32>
        %add3A_251 = arith.addf %broadcast_in_dim3A_3, %mul3A_250 : vector<16xf32>
        %get3A_252 = arith.index_cast %add3A_200 : i32 to index
        %get3A_253 = arith.constant 64 : index
        %get3A_254 = tpu.vector_load %arg15[%get3A_252, %get3A_253] {strides = array<i32>} : memref<32x512xf32, #tpu.memory_space<vmem>>, vector<1x16xf32>,
        %get3A_255 = vector.shape_cast %get3A_254 : vector<1x16xf32> to vector<16xf32>
        %get3A_256 = arith.constant 0 : i32
        %get3A_257 = arith.index_cast %get3A_256 : i32 to index
        %get3A_258 = arith.constant 64 : index
        %get3A_259 = tpu.vector_load %arg13[%get3A_257, %get3A_258] {strides = array<i32>} : memref<1x512xf32, #tpu.memory_space<vmem>>, vector<1x16xf32>,
        %get3A_260 = vector.shape_cast %get3A_259 : vector<1x16xf32> to vector<16xf32>
        %mul3A_261 = arith.mulf %get3A_255, %get3A_260 : vector<16xf32>
        %add3A_262 = arith.addf %add3A_218, %mul3A_261 : vector<16xf32>
        %get3A_263 = arith.index_cast %add3A_200 : i32 to index
        %get3A_264 = arith.constant 80 : index
        %get3A_265 = tpu.vector_load %arg15[%get3A_263, %get3A_264] {strides = array<i32>} : memref<32x512xf32, #tpu.memory_space<vmem>>, vector<1x16xf32>,
        %get3A_266 = vector.shape_cast %get3A_265 : vector<1x16xf32> to vector<16xf32>
        %get3A_267 = arith.constant 0 : i32
        %get3A_268 = arith.index_cast %get3A_267 : i32 to index
        %get3A_269 = arith.constant 80 : index
        %get3A_270 = tpu.vector_load %arg13[%get3A_268, %get3A_269] {strides = array<i32>} : memref<1x512xf32, #tpu.memory_space<vmem>>, vector<1x16xf32>,
        %get3A_271 = vector.shape_cast %get3A_270 : vector<1x16xf32> to vector<16xf32>
        %mul3A_272 = arith.mulf %get3A_266, %get3A_271 : vector<16xf32>
        %add3A_273 = arith.addf %add3A_229, %mul3A_272 : vector<16xf32>
        %get3A_274 = arith.index_cast %add3A_200 : i32 to index
        %get3A_275 = arith.constant 96 : index
        %get3A_276 = tpu.vector_load %arg15[%get3A_274, %get3A_275] {strides = array<i32>} : memref<32x512xf32, #tpu.memory_space<vmem>>, vector<1x16xf32>,
        %get3A_277 = vector.shape_cast %get3A_276 : vector<1x16xf32> to vector<16xf32>
        %get3A_278 = arith.constant 0 : i32
        %get3A_279 = arith.index_cast %get3A_278 : i32 to index
        %get3A_280 = arith.constant 96 : index
        %get3A_281 = tpu.vector_load %arg13[%get3A_279, %get3A_280] {strides = array<i32>} : memref<1x512xf32, #tpu.memory_space<vmem>>, vector<1x16xf32>,
        %get3A_282 = vector.shape_cast %get3A_281 : vector<1x16xf32> to vector<16xf32>
        %mul3A_283 = arith.mulf %get3A_277, %get3A_282 : vector<16xf32>
        %add3A_284 = arith.addf %add3A_240, %mul3A_283 : vector<16xf32>
        %get3A_285 = arith.index_cast %add3A_200 : i32 to index
        %get3A_286 = arith.constant 112 : index
        %get3A_287 = tpu.vector_load %arg15[%get3A_285, %get3A_286] {strides = array<i32>} : memref<32x512xf32, #tpu.memory_space<vmem>>, vector<1x16xf32>,
        %get3A_288 = vector.shape_cast %get3A_287 : vector<1x16xf32> to vector<16xf32>
        %get3A_289 = arith.constant 0 : i32
        %get3A_290 = arith.index_cast %get3A_289 : i32 to index
        %get3A_291 = arith.constant 112 : index
        %get3A_292 = tpu.vector_load %arg13[%get3A_290, %get3A_291] {strides = array<i32>} : memref<1x512xf32, #tpu.memory_space<vmem>>, vector<1x16xf32>,
        %get3A_293 = vector.shape_cast %get3A_292 : vector<1x16xf32> to vector<16xf32>
        %mul3A_294 = arith.mulf %get3A_288, %get3A_293 : vector<16xf32>
        %add3A_295 = arith.addf %add3A_251, %mul3A_294 : vector<16xf32>
        %get3A_296 = arith.index_cast %add3A_200 : i32 to index
        %get3A_297 = arith.constant 128 : index
        %get3A_298 = tpu.vector_load %arg15[%get3A_296, %get3A_297] {strides = array<i32>} : memref<32x512xf32, #tpu.memory_space<vmem>>, vector<1x16xf32>,
        %get3A_299 = vector.shape_cast %get3A_298 : vector<1x16xf32> to vector<16xf32>
        %get3A_300 = arith.constant 0 : i32
        %get3A_301 = arith.index_cast %get3A_300 : i32 to index
        %get3A_302 = arith.constant 128 : index
        %get3A_303 = tpu.vector_load %arg13[%get3A_301, %get3A_302] {strides = array<i32>} : memref<1x512xf32, #tpu.memory_space<vmem>>, vector<1x16xf32>,
        %get3A_304 = vector.shape_cast %get3A_303 : vector<1x16xf32> to vector<16xf32>
        %mul3A_305 = arith.mulf %get3A_299, %get3A_304 : vector<16xf32>
        %add3A_306 = arith.addf %add3A_262, %mul3A_305 : vector<16xf32>
        %get3A_307 = arith.index_cast %add3A_200 : i32 to index
        %get3A_308 = arith.constant 144 : index
        %get3A_309 = tpu.vector_load %arg15[%get3A_307, %get3A_308] {strides = array<i32>} : memref<32x512xf32, #tpu.memory_space<vmem>>, vector<1x16xf32>,
        %get3A_310 = vector.shape_cast %get3A_309 : vector<1x16xf32> to vector<16xf32>
        %get3A_311 = arith.constant 0 : i32
        %get3A_312 = arith.index_cast %get3A_311 : i32 to index
        %get3A_313 = arith.constant 144 : index
        %get3A_314 = tpu.vector_load %arg13[%get3A_312, %get3A_313] {strides = array<i32>} : memref<1x512xf32, #tpu.memory_space<vmem>>, vector<1x16xf32>,
        %get3A_315 = vector.shape_cast %get3A_314 : vector<1x16xf32> to vector<16xf32>
        %mul3A_316 = arith.mulf %get3A_310, %get3A_315 : vector<16xf32>
        %add3A_317 = arith.addf %add3A_273, %mul3A_316 : vector<16xf32>
        %get3A_318 = arith.index_cast %add3A_200 : i32 to index
        %get3A_319 = arith.constant 160 : index
        %get3A_320 = tpu.vector_load %arg15[%get3A_318, %get3A_319] {strides = array<i32>} : memref<32x512xf32, #tpu.memory_space<vmem>>, vector<1x16xf32>,
        %get3A_321 = vector.shape_cast %get3A_320 : vector<1x16xf32> to vector<16xf32>
        %get3A_322 = arith.constant 0 : i32
        %get3A_323 = arith.index_cast %get3A_322 : i32 to index
        %get3A_324 = arith.constant 160 : index
        %get3A_325 = tpu.vector_load %arg13[%get3A_323, %get3A_324] {strides = array<i32>} : memref<1x512xf32, #tpu.memory_space<vmem>>, vector<1x16xf32>,
        %get3A_326 = vector.shape_cast %get3A_325 : vector<1x16xf32> to vector<16xf32>
        %mul3A_327 = arith.mulf %get3A_321, %get3A_326 : vector<16xf32>
        %add3A_328 = arith.addf %add3A_284, %mul3A_327 : vector<16xf32>
        %get3A_329 = arith.index_cast %add3A_200 : i32 to index
        %get3A_330 = arith.constant 176 : index
        %get3A_331 = tpu.vector_load %arg15[%get3A_329, %get3A_330] {strides = array<i32>} : memref<32x512xf32, #tpu.memory_space<vmem>>, vector<1x16xf32>,
        %get3A_332 = vector.shape_cast %get3A_331 : vector<1x16xf32> to vector<16xf32>
        %get3A_333 = arith.constant 0 : i32
        %get3A_334 = arith.index_cast %get3A_333 : i32 to index
        %get3A_335 = arith.constant 176 : index
        %get3A_336 = tpu.vector_load %arg13[%get3A_334, %get3A_335] {strides = array<i32>} : memref<1x512xf32, #tpu.memory_space<vmem>>, vector<1x16xf32>,
        %get3A_337 = vector.shape_cast %get3A_336 : vector<1x16xf32> to vector<16xf32>
        %mul3A_338 = arith.mulf %get3A_332, %get3A_337 : vector<16xf32>
        %add3A_339 = arith.addf %add3A_295, %mul3A_338 : vector<16xf32>
        %get3A_340 = arith.index_cast %add3A_200 : i32 to index
        %get3A_341 = arith.constant 192 : index
        %get3A_342 = tpu.vector_load %arg15[%get3A_340, %get3A_341] {strides = array<i32>} : memref<32x512xf32, #tpu.memory_space<vmem>>, vector<1x16xf32>,
        %get3A_343 = vector.shape_cast %get3A_342 : vector<1x16xf32> to vector<16xf32>
        %get3A_344 = arith.constant 0 : i32
        %get3A_345 = arith.index_cast %get3A_344 : i32 to index
        %get3A_346 = arith.constant 192 : index
        %get3A_347 = tpu.vector_load %arg13[%get3A_345, %get3A_346] {strides = array<i32>} : memref<1x512xf32, #tpu.memory_space<vmem>>, vector<1x16xf32>,
        %get3A_348 = vector.shape_cast %get3A_347 : vector<1x16xf32> to vector<16xf32>
        %mul3A_349 = arith.mulf %get3A_343, %get3A_348 : vector<16xf32>
        %add3A_350 = arith.addf %add3A_306, %mul3A_349 : vector<16xf32>
        %get3A_351 = arith.index_cast %add3A_200 : i32 to index
        %get3A_352 = arith.constant 208 : index
        %get3A_353 = tpu.vector_load %arg15[%get3A_351, %get3A_352] {strides = array<i32>} : memref<32x512xf32, #tpu.memory_space<vmem>>, vector<1x16xf32>,
        %get3A_354 = vector.shape_cast %get3A_353 : vector<1x16xf32> to vector<16xf32>
        %get3A_355 = arith.constant 0 : i32
        %get3A_356 = arith.index_cast %get3A_355 : i32 to index
        %get3A_357 = arith.constant 208 : index
        %get3A_358 = tpu.vector_load %arg13[%get3A_356, %get3A_357] {strides = array<i32>} : memref<1x512xf32, #tpu.memory_space<vmem>>, vector<1x16xf32>,
        %get3A_359 = vector.shape_cast %get3A_358 : vector<1x16xf32> to vector<16xf32>
        %mul3A_360 = arith.mulf %get3A_354, %get3A_359 : vector<16xf32>
        %add3A_361 = arith.addf %add3A_317, %mul3A_360 : vector<16xf32>
        %get3A_362 = arith.index_cast %add3A_200 : i32 to index
        %get3A_363 = arith.constant 224 : index
        %get3A_364 = tpu.vector_load %arg15[%get3A_362, %get3A_363] {strides = array<i32>} : memref<32x512xf32, #tpu.memory_space<vmem>>, vector<1x16xf32>,
        %get3A_365 = vector.shape_cast %get3A_364 : vector<1x16xf32> to vector<16xf32>
        %get3A_366 = arith.constant 0 : i32
        %get3A_367 = arith.index_cast %get3A_366 : i32 to index
        %get3A_368 = arith.constant 224 : index
        %get3A_369 = tpu.vector_load %arg13[%get3A_367, %get3A_368] {strides = array<i32>} : memref<1x512xf32, #tpu.memory_space<vmem>>, vector<1x16xf32>,
        %get3A_370 = vector.shape_cast %get3A_369 : vector<1x16xf32> to vector<16xf32>
        %mul3A_371 = arith.mulf %get3A_365, %get3A_370 : vector<16xf32>
        %add3A_372 = arith.addf %add3A_328, %mul3A_371 : vector<16xf32>
        %get3A_373 = arith.index_cast %add3A_200 : i32 to index
        %get3A_374 = arith.constant 240 : index
        %get3A_375 = tpu.vector_load %arg15[%get3A_373, %get3A_374] {strides = array<i32>} : memref<32x512xf32, #tpu.memory_space<vmem>>, vector<1x16xf32>,
        %get3A_376 = vector.shape_cast %get3A_375 : vector<1x16xf32> to vector<16xf32>
        %get3A_377 = arith.constant 0 : i32
        %get3A_378 = arith.index_cast %get3A_377 : i32 to index
        %get3A_379 = arith.constant 240 : index
        %get3A_380 = tpu.vector_load %arg13[%get3A_378, %get3A_379] {strides = array<i32>} : memref<1x512xf32, #tpu.memory_space<vmem>>, vector<1x16xf32>,
        %get3A_381 = vector.shape_cast %get3A_380 : vector<1x16xf32> to vector<16xf32>
        %mul3A_382 = arith.mulf %get3A_376, %get3A_381 : vector<16xf32>
        %add3A_383 = arith.addf %add3A_339, %mul3A_382 : vector<16xf32>
        %get3A_384 = arith.index_cast %add3A_200 : i32 to index
        %get3A_385 = arith.constant 256 : index
        %get3A_386 = tpu.vector_load %arg15[%get3A_384, %get3A_385] {strides = array<i32>} : memref<32x512xf32, #tpu.memory_space<vmem>>, vector<1x16xf32>,
        %get3A_387 = vector.shape_cast %get3A_386 : vector<1x16xf32> to vector<16xf32>
        %get3A_388 = arith.constant 0 : i32
        %get3A_389 = arith.index_cast %get3A_388 : i32 to index
        %get3A_390 = arith.constant 256 : index
        %get3A_391 = tpu.vector_load %arg13[%get3A_389, %get3A_390] {strides = array<i32>} : memref<1x512xf32, #tpu.memory_space<vmem>>, vector<1x16xf32>,
        %get3A_392 = vector.shape_cast %get3A_391 : vector<1x16xf32> to vector<16xf32>
        %mul3A_393 = arith.mulf %get3A_387, %get3A_392 : vector<16xf32>
        %add3A_394 = arith.addf %add3A_350, %mul3A_393 : vector<16xf32>
        %get3A_395 = arith.index_cast %add3A_200 : i32 to index
        %get3A_396 = arith.constant 272 : index
        %get3A_397 = tpu.vector_load %arg15[%get3A_395, %get3A_396] {strides = array<i32>} : memref<32x512xf32, #tpu.memory_space<vmem>>, vector<1x16xf32>,
        %get3A_398 = vector.shape_cast %get3A_397 : vector<1x16xf32> to vector<16xf32>
        %get3A_399 = arith.constant 0 : i32
        %get3A_400 = arith.index_cast %get3A_399 : i32 to index
        %get3A_401 = arith.constant 272 : index
        %get3A_402 = tpu.vector_load %arg13[%get3A_400, %get3A_401] {strides = array<i32>} : memref<1x512xf32, #tpu.memory_space<vmem>>, vector<1x16xf32>,
        %get3A_403 = vector.shape_cast %get3A_402 : vector<1x16xf32> to vector<16xf32>
        %mul3A_404 = arith.mulf %get3A_398, %get3A_403 : vector<16xf32>
        %add3A_405 = arith.addf %add3A_361, %mul3A_404 : vector<16xf32>
        %get3A_406 = arith.index_cast %add3A_200 : i32 to index
        %get3A_407 = arith.constant 288 : index
        %get3A_408 = tpu.vector_load %arg15[%get3A_406, %get3A_407] {strides = array<i32>} : memref<32x512xf32, #tpu.memory_space<vmem>>, vector<1x16xf32>,
        %get3A_409 = vector.shape_cast %get3A_408 : vector<1x16xf32> to vector<16xf32>
        %get3A_410 = arith.constant 0 : i32
        %get3A_411 = arith.index_cast %get3A_410 : i32 to index
        %get3A_412 = arith.constant 288 : index
        %get3A_413 = tpu.vector_load %arg13[%get3A_411, %get3A_412] {strides = array<i32>} : memref<1x512xf32, #tpu.memory_space<vmem>>, vector<1x16xf32>,
        %get3A_414 = vector.shape_cast %get3A_413 : vector<1x16xf32> to vector<16xf32>
        %mul3A_415 = arith.mulf %get3A_409, %get3A_414 : vector<16xf32>
        %add3A_416 = arith.addf %add3A_372, %mul3A_415 : vector<16xf32>
        %get3A_417 = arith.index_cast %add3A_200 : i32 to index
        %get3A_418 = arith.constant 304 : index
        %get3A_419 = tpu.vector_load %arg15[%get3A_417, %get3A_418] {strides = array<i32>} : memref<32x512xf32, #tpu.memory_space<vmem>>, vector<1x16xf32>,
        %get3A_420 = vector.shape_cast %get3A_419 : vector<1x16xf32> to vector<16xf32>
        %get3A_421 = arith.constant 0 : i32
        %get3A_422 = arith.index_cast %get3A_421 : i32 to index
        %get3A_423 = arith.constant 304 : index
        %get3A_424 = tpu.vector_load %arg13[%get3A_422, %get3A_423] {strides = array<i32>} : memref<1x512xf32, #tpu.memory_space<vmem>>, vector<1x16xf32>,
        %get3A_425 = vector.shape_cast %get3A_424 : vector<1x16xf32> to vector<16xf32>
        %mul3A_426 = arith.mulf %get3A_420, %get3A_425 : vector<16xf32>
        %add3A_427 = arith.addf %add3A_383, %mul3A_426 : vector<16xf32>
        %get3A_428 = arith.index_cast %add3A_200 : i32 to index
        %get3A_429 = arith.constant 320 : index
        %get3A_430 = tpu.vector_load %arg15[%get3A_428, %get3A_429] {strides = array<i32>} : memref<32x512xf32, #tpu.memory_space<vmem>>, vector<1x16xf32>,
        %get3A_431 = vector.shape_cast %get3A_430 : vector<1x16xf32> to vector<16xf32>
        %get3A_432 = arith.constant 0 : i32
        %get3A_433 = arith.index_cast %get3A_432 : i32 to index
        %get3A_434 = arith.constant 320 : index
        %get3A_435 = tpu.vector_load %arg13[%get3A_433, %get3A_434] {strides = array<i32>} : memref<1x512xf32, #tpu.memory_space<vmem>>, vector<1x16xf32>,
        %get3A_436 = vector.shape_cast %get3A_435 : vector<1x16xf32> to vector<16xf32>
        %mul3A_437 = arith.mulf %get3A_431, %get3A_436 : vector<16xf32>
        %add3A_438 = arith.addf %add3A_394, %mul3A_437 : vector<16xf32>
        %get3A_439 = arith.index_cast %add3A_200 : i32 to index
        %get3A_440 = arith.constant 336 : index
        %get3A_441 = tpu.vector_load %arg15[%get3A_439, %get3A_440] {strides = array<i32>} : memref<32x512xf32, #tpu.memory_space<vmem>>, vector<1x16xf32>,
        %get3A_442 = vector.shape_cast %get3A_441 : vector<1x16xf32> to vector<16xf32>
        %get3A_443 = arith.constant 0 : i32
        %get3A_444 = arith.index_cast %get3A_443 : i32 to index
        %get3A_445 = arith.constant 336 : index
        %get3A_446 = tpu.vector_load %arg13[%get3A_444, %get3A_445] {strides = array<i32>} : memref<1x512xf32, #tpu.memory_space<vmem>>, vector<1x16xf32>,
        %get3A_447 = vector.shape_cast %get3A_446 : vector<1x16xf32> to vector<16xf32>
        %mul3A_448 = arith.mulf %get3A_442, %get3A_447 : vector<16xf32>
        %add3A_449 = arith.addf %add3A_405, %mul3A_448 : vector<16xf32>
        %get3A_450 = arith.index_cast %add3A_200 : i32 to index
        %get3A_451 = arith.constant 352 : index
        %get3A_452 = tpu.vector_load %arg15[%get3A_450, %get3A_451] {strides = array<i32>} : memref<32x512xf32, #tpu.memory_space<vmem>>, vector<1x16xf32>,
        %get3A_453 = vector.shape_cast %get3A_452 : vector<1x16xf32> to vector<16xf32>
        %get3A_454 = arith.constant 0 : i32
        %get3A_455 = arith.index_cast %get3A_454 : i32 to index
        %get3A_456 = arith.constant 352 : index
        %get3A_457 = tpu.vector_load %arg13[%get3A_455, %get3A_456] {strides = array<i32>} : memref<1x512xf32, #tpu.memory_space<vmem>>, vector<1x16xf32>,
        %get3A_458 = vector.shape_cast %get3A_457 : vector<1x16xf32> to vector<16xf32>
        %mul3A_459 = arith.mulf %get3A_453, %get3A_458 : vector<16xf32>
        %add3A_460 = arith.addf %add3A_416, %mul3A_459 : vector<16xf32>
        %get3A_461 = arith.index_cast %add3A_200 : i32 to index
        %get3A_462 = arith.constant 368 : index
        %get3A_463 = tpu.vector_load %arg15[%get3A_461, %get3A_462] {strides = array<i32>} : memref<32x512xf32, #tpu.memory_space<vmem>>, vector<1x16xf32>,
        %get3A_464 = vector.shape_cast %get3A_463 : vector<1x16xf32> to vector<16xf32>
        %get3A_465 = arith.constant 0 : i32
        %get3A_466 = arith.index_cast %get3A_465 : i32 to index
        %get3A_467 = arith.constant 368 : index
        %get3A_468 = tpu.vector_load %arg13[%get3A_466, %get3A_467] {strides = array<i32>} : memref<1x512xf32, #tpu.memory_space<vmem>>, vector<1x16xf32>,
        %get3A_469 = vector.shape_cast %get3A_468 : vector<1x16xf32> to vector<16xf32>
        %mul3A_470 = arith.mulf %get3A_464, %get3A_469 : vector<16xf32>
        %add3A_471 = arith.addf %add3A_427, %mul3A_470 : vector<16xf32>
        %get3A_472 = arith.index_cast %add3A_200 : i32 to index
        %get3A_473 = arith.constant 384 : index
        %get3A_474 = tpu.vector_load %arg15[%get3A_472, %get3A_473] {strides = array<i32>} : memref<32x512xf32, #tpu.memory_space<vmem>>, vector<1x16xf32>,
        %get3A_475 = vector.shape_cast %get3A_474 : vector<1x16xf32> to vector<16xf32>
        %get3A_476 = arith.constant 0 : i32
        %get3A_477 = arith.index_cast %get3A_476 : i32 to index
        %get3A_478 = arith.constant 384 : index
        %get3A_479 = tpu.vector_load %arg13[%get3A_477, %get3A_478] {strides = array<i32>} : memref<1x512xf32, #tpu.memory_space<vmem>>, vector<1x16xf32>,
        %get3A_480 = vector.shape_cast %get3A_479 : vector<1x16xf32> to vector<16xf32>
        %mul3A_481 = arith.mulf %get3A_475, %get3A_480 : vector<16xf32>
        %add3A_482 = arith.addf %add3A_438, %mul3A_481 : vector<16xf32>
        %get3A_483 = arith.index_cast %add3A_200 : i32 to index
        %get3A_484 = arith.constant 400 : index
        %get3A_485 = tpu.vector_load %arg15[%get3A_483, %get3A_484] {strides = array<i32>} : memref<32x512xf32, #tpu.memory_space<vmem>>, vector<1x16xf32>,
        %get3A_486 = vector.shape_cast %get3A_485 : vector<1x16xf32> to vector<16xf32>
        %get3A_487 = arith.constant 0 : i32
        %get3A_488 = arith.index_cast %get3A_487 : i32 to index
        %get3A_489 = arith.constant 400 : index
        %get3A_490 = tpu.vector_load %arg13[%get3A_488, %get3A_489] {strides = array<i32>} : memref<1x512xf32, #tpu.memory_space<vmem>>, vector<1x16xf32>,
        %get3A_491 = vector.shape_cast %get3A_490 : vector<1x16xf32> to vector<16xf32>
        %mul3A_492 = arith.mulf %get3A_486, %get3A_491 : vector<16xf32>
        %add3A_493 = arith.addf %add3A_449, %mul3A_492 : vector<16xf32>
        %get3A_494 = arith.index_cast %add3A_200 : i32 to index
        %get3A_495 = arith.constant 416 : index
        %get3A_496 = tpu.vector_load %arg15[%get3A_494, %get3A_495] {strides = array<i32>} : memref<32x512xf32, #tpu.memory_space<vmem>>, vector<1x16xf32>,
        %get3A_497 = vector.shape_cast %get3A_496 : vector<1x16xf32> to vector<16xf32>
        %get3A_498 = arith.constant 0 : i32
        %get3A_499 = arith.index_cast %get3A_498 : i32 to index
        %get3A_500 = arith.constant 416 : index
        %get3A_501 = tpu.vector_load %arg13[%get3A_499, %get3A_500] {strides = array<i32>} : memref<1x512xf32, #tpu.memory_space<vmem>>, vector<1x16xf32>,
        %get3A_502 = vector.shape_cast %get3A_501 : vector<1x16xf32> to vector<16xf32>
        %mul3A_503 = arith.mulf %get3A_497, %get3A_502 : vector<16xf32>
        %add3A_504 = arith.addf %add3A_460, %mul3A_503 : vector<16xf32>
        %get3A_505 = arith.index_cast %add3A_200 : i32 to index
        %get3A_506 = arith.constant 432 : index
        %get3A_507 = tpu.vector_load %arg15[%get3A_505, %get3A_506] {strides = array<i32>} : memref<32x512xf32, #tpu.memory_space<vmem>>, vector<1x16xf32>,
        %get3A_508 = vector.shape_cast %get3A_507 : vector<1x16xf32> to vector<16xf32>
        %get3A_509 = arith.constant 0 : i32
        %get3A_510 = arith.index_cast %get3A_509 : i32 to index
        %get3A_511 = arith.constant 432 : index
        %get3A_512 = tpu.vector_load %arg13[%get3A_510, %get3A_511] {strides = array<i32>} : memref<1x512xf32, #tpu.memory_space<vmem>>, vector<1x16xf32>,
        %get3A_513 = vector.shape_cast %get3A_512 : vector<1x16xf32> to vector<16xf32>
        %mul3A_514 = arith.mulf %get3A_508, %get3A_513 : vector<16xf32>
        %add3A_515 = arith.addf %add3A_471, %mul3A_514 : vector<16xf32>
        %get3A_516 = arith.index_cast %add3A_200 : i32 to index
        %get3A_517 = arith.constant 448 : index
        %get3A_518 = tpu.vector_load %arg15[%get3A_516, %get3A_517] {strides = array<i32>} : memref<32x512xf32, #tpu.memory_space<vmem>>, vector<1x16xf32>,
        %get3A_519 = vector.shape_cast %get3A_518 : vector<1x16xf32> to vector<16xf32>
        %get3A_520 = arith.constant 0 : i32
        %get3A_521 = arith.index_cast %get3A_520 : i32 to index
        %get3A_522 = arith.constant 448 : index
        %get3A_523 = tpu.vector_load %arg13[%get3A_521, %get3A_522] {strides = array<i32>} : memref<1x512xf32, #tpu.memory_space<vmem>>, vector<1x16xf32>,
        %get3A_524 = vector.shape_cast %get3A_523 : vector<1x16xf32> to vector<16xf32>
        %mul3A_525 = arith.mulf %get3A_519, %get3A_524 : vector<16xf32>
        %add3A_526 = arith.addf %add3A_482, %mul3A_525 : vector<16xf32>
        %get3A_527 = arith.index_cast %add3A_200 : i32 to index
        %get3A_528 = arith.constant 464 : index
        %get3A_529 = tpu.vector_load %arg15[%get3A_527, %get3A_528] {strides = array<i32>} : memref<32x512xf32, #tpu.memory_space<vmem>>, vector<1x16xf32>,
        %get3A_530 = vector.shape_cast %get3A_529 : vector<1x16xf32> to vector<16xf32>
        %get3A_531 = arith.constant 0 : i32
        %get3A_532 = arith.index_cast %get3A_531 : i32 to index
        %get3A_533 = arith.constant 464 : index
        %get3A_534 = tpu.vector_load %arg13[%get3A_532, %get3A_533] {strides = array<i32>} : memref<1x512xf32, #tpu.memory_space<vmem>>, vector<1x16xf32>,
        %get3A_535 = vector.shape_cast %get3A_534 : vector<1x16xf32> to vector<16xf32>
        %mul3A_536 = arith.mulf %get3A_530, %get3A_535 : vector<16xf32>
        %add3A_537 = arith.addf %add3A_493, %mul3A_536 : vector<16xf32>
        %get3A_538 = arith.index_cast %add3A_200 : i32 to index
        %get3A_539 = arith.constant 480 : index
        %get3A_540 = tpu.vector_load %arg15[%get3A_538, %get3A_539] {strides = array<i32>} : memref<32x512xf32, #tpu.memory_space<vmem>>, vector<1x16xf32>,
        %get3A_541 = vector.shape_cast %get3A_540 : vector<1x16xf32> to vector<16xf32>
        %get3A_542 = arith.constant 0 : i32
        %get3A_543 = arith.index_cast %get3A_542 : i32 to index
        %get3A_544 = arith.constant 480 : index
        %get3A_545 = tpu.vector_load %arg13[%get3A_543, %get3A_544] {strides = array<i32>} : memref<1x512xf32, #tpu.memory_space<vmem>>, vector<1x16xf32>,
        %get3A_546 = vector.shape_cast %get3A_545 : vector<1x16xf32> to vector<16xf32>
        %mul3A_547 = arith.mulf %get3A_541, %get3A_546 : vector<16xf32>
        %add3A_548 = arith.addf %add3A_504, %mul3A_547 : vector<16xf32>
        %get3A_549 = arith.index_cast %add3A_200 : i32 to index
        %get3A_550 = arith.constant 496 : index
        %get3A_551 = tpu.vector_load %arg15[%get3A_549, %get3A_550] {strides = array<i32>} : memref<32x512xf32, #tpu.memory_space<vmem>>, vector<1x16xf32>,
        %get3A_552 = vector.shape_cast %get3A_551 : vector<1x16xf32> to vector<16xf32>
        %get3A_553 = arith.constant 0 : i32
        %get3A_554 = arith.index_cast %get3A_553 : i32 to index
        %get3A_555 = arith.constant 496 : index
        %get3A_556 = tpu.vector_load %arg13[%get3A_554, %get3A_555] {strides = array<i32>} : memref<1x512xf32, #tpu.memory_space<vmem>>, vector<1x16xf32>,
        %get3A_557 = vector.shape_cast %get3A_556 : vector<1x16xf32> to vector<16xf32>
        %mul3A_558 = arith.mulf %get3A_552, %get3A_557 : vector<16xf32>
        %add3A_559 = arith.addf %add3A_515, %mul3A_558 : vector<16xf32>
        %add3A_560 = arith.addf %add3A_526, %add3A_537 : vector<16xf32>
        %add3A_561 = arith.addf %add3A_548, %add3A_559 : vector<16xf32>
        %add3A_562 = arith.addf %add3A_560, %add3A_561 : vector<16xf32>
        %xor3A = arith.constant 8 : i32
        %xor3A_563 = vector.broadcast %xor3A : i32 to vector<16xi32>
        %xor3A_564 = arith.xori %iota3A, %xor3A_563 : vector<16xi32>
        %broadcast_in_dim3A_565 = vector.shape_cast %xor3A_564 : vector<16xi32> to vector<16x1xi32>
        %gather3A_566 = vector.shape_cast %broadcast_in_dim3A_565 : vector<16x1xi32> to vector<16xi32>
        %gather3A_567 = tpu.dynamic_gather %add3A_562[%gather3A_566] in [0] : vector<16xf32>, vector<16xi32> -> vector<16xf32>
        %add3A_568 = arith.addf %add3A_562, %gather3A_567 : vector<16xf32>
        %xor3A_569 = arith.constant 4 : i32
        %xor3A_570 = vector.broadcast %xor3A_569 : i32 to vector<16xi32>
        %xor3A_571 = arith.xori %iota3A, %xor3A_570 : vector<16xi32>
        %broadcast_in_dim3A_572 = vector.shape_cast %xor3A_571 : vector<16xi32> to vector<16x1xi32>
        %gather3A_573 = vector.shape_cast %broadcast_in_dim3A_572 : vector<16x1xi32> to vector<16xi32>
        %gather3A_574 = tpu.dynamic_gather %add3A_568[%gather3A_573] in [0] : vector<16xf32>, vector<16xi32> -> vector<16xf32>
        %add3A_575 = arith.addf %add3A_568, %gather3A_574 : vector<16xf32>
        %xor3A_576 = arith.constant 2 : i32
        %xor3A_577 = vector.broadcast %xor3A_576 : i32 to vector<16xi32>
        %xor3A_578 = arith.xori %iota3A, %xor3A_577 : vector<16xi32>
        %broadcast_in_dim3A_579 = vector.shape_cast %xor3A_578 : vector<16xi32> to vector<16x1xi32>
        %gather3A_580 = vector.shape_cast %broadcast_in_dim3A_579 : vector<16x1xi32> to vector<16xi32>
        %gather3A_581 = tpu.dynamic_gather %add3A_575[%gather3A_580] in [0] : vector<16xf32>, vector<16xi32> -> vector<16xf32>
        %add3A_582 = arith.addf %add3A_575, %gather3A_581 : vector<16xf32>
        %xor3A_583 = arith.constant 1 : i32
        %xor3A_584 = vector.broadcast %xor3A_583 : i32 to vector<16xi32>
        %xor3A_585 = arith.xori %iota3A, %xor3A_584 : vector<16xi32>
        %broadcast_in_dim3A_586 = vector.shape_cast %xor3A_585 : vector<16xi32> to vector<16x1xi32>
        %gather3A_587 = vector.shape_cast %broadcast_in_dim3A_586 : vector<16x1xi32> to vector<16xi32>
        %gather3A_588 = tpu.dynamic_gather %add3A_582[%gather3A_587] in [0] : vector<16xf32>, vector<16xi32> -> vector<16xf32>
        %add3A_589 = arith.addf %add3A_582, %gather3A_588 : vector<16xf32>
        %mul3A_590 = arith.mulf %gather3A_207, %add3A_589 : vector<16xf32>
        %get3A_591 = arith.index_cast %add3A_200 : i32 to index
        %get3A_592 = arith.constant 0 : index
        %get3A_593 = tpu.vector_load %arg15[%get3A_591, %get3A_592] {strides = array<i32>} : memref<32x512xf32, #tpu.memory_space<vmem>>, vector<1x16xf32>,
        %get3A_594 = vector.shape_cast %get3A_593 : vector<1x16xf32> to vector<16xf32>
        %get3A_595 = arith.constant 0 : i32
        %get3A_596 = arith.index_cast %get3A_595 : i32 to index
        %get3A_597 = arith.constant 0 : index
        %get3A_598 = tpu.vector_load %arg13[%get3A_596, %get3A_597] {strides = array<i32>} : memref<1x512xf32, #tpu.memory_space<vmem>>, vector<1x16xf32>,
        %get3A_599 = vector.shape_cast %get3A_598 : vector<1x16xf32> to vector<16xf32>
        %mul3A_600 = arith.mulf %mul3A_590, %get3A_599 : vector<16xf32>
        %sub3A = arith.subf %get3A_594, %mul3A_600 : vector<16xf32>
        %swap3A_601 = arith.constant 0 : i32
        %swap3A_602 = arith.index_cast %swap3A_601 : i32 to index
        %swap3A_603 = arith.index_cast %add3A_200 : i32 to index
        %swap3A_604 = arith.constant 0 : index
        %swap3A_605 = tpu.vector_load %arg17[%swap3A_602, %swap3A_603, %swap3A_604] {strides = array<i32>} : memref<1x32x512xf32, #tpu.memory_space<vmem>>, vector<1x1x16xf32>,
        %swap3A_606 = vector.shape_cast %swap3A_605 : vector<1x1x16xf32> to vector<16xf32>
        %swap3A_607 = vector.shape_cast %sub3A : vector<16xf32> to vector<1x1x16xf32>
        tpu.vector_store %arg17[%swap3A_602, %swap3A_603, %swap3A_604], %swap3A_607 {strides = array<i32>} : memref<1x32x512xf32, #tpu.memory_space<vmem>>, vector<1x1x16xf32>,
        %get3A_608 = arith.index_cast %add3A_200 : i32 to index
        %get3A_609 = arith.constant 16 : index
        %get3A_610 = tpu.vector_load %arg15[%get3A_608, %get3A_609] {strides = array<i32>} : memref<32x512xf32, #tpu.memory_space<vmem>>, vector<1x16xf32>,
        %get3A_611 = vector.shape_cast %get3A_610 : vector<1x16xf32> to vector<16xf32>
        %get3A_612 = arith.constant 0 : i32
        %get3A_613 = arith.index_cast %get3A_612 : i32 to index
        %get3A_614 = arith.constant 16 : index
        %get3A_615 = tpu.vector_load %arg13[%get3A_613, %get3A_614] {strides = array<i32>} : memref<1x512xf32, #tpu.memory_space<vmem>>, vector<1x16xf32>,
        %get3A_616 = vector.shape_cast %get3A_615 : vector<1x16xf32> to vector<16xf32>
        %mul3A_617 = arith.mulf %mul3A_590, %get3A_616 : vector<16xf32>
        %sub3A_618 = arith.subf %get3A_611, %mul3A_617 : vector<16xf32>
        %swap3A_619 = arith.constant 0 : i32
        %swap3A_620 = arith.index_cast %swap3A_619 : i32 to index
        %swap3A_621 = arith.index_cast %add3A_200 : i32 to index
        %swap3A_622 = arith.constant 16 : index
        %swap3A_623 = tpu.vector_load %arg17[%swap3A_620, %swap3A_621, %swap3A_622] {strides = array<i32>} : memref<1x32x512xf32, #tpu.memory_space<vmem>>, vector<1x1x16xf32>,
        %swap3A_624 = vector.shape_cast %swap3A_623 : vector<1x1x16xf32> to vector<16xf32>
        %swap3A_625 = vector.shape_cast %sub3A_618 : vector<16xf32> to vector<1x1x16xf32>
        tpu.vector_store %arg17[%swap3A_620, %swap3A_621, %swap3A_622], %swap3A_625 {strides = array<i32>} : memref<1x32x512xf32, #tpu.memory_space<vmem>>, vector<1x1x16xf32>,
        %get3A_626 = arith.index_cast %add3A_200 : i32 to index
        %get3A_627 = arith.constant 32 : index
        %get3A_628 = tpu.vector_load %arg15[%get3A_626, %get3A_627] {strides = array<i32>} : memref<32x512xf32, #tpu.memory_space<vmem>>, vector<1x16xf32>,
        %get3A_629 = vector.shape_cast %get3A_628 : vector<1x16xf32> to vector<16xf32>
        %get3A_630 = arith.constant 0 : i32
        %get3A_631 = arith.index_cast %get3A_630 : i32 to index
        %get3A_632 = arith.constant 32 : index
        %get3A_633 = tpu.vector_load %arg13[%get3A_631, %get3A_632] {strides = array<i32>} : memref<1x512xf32, #tpu.memory_space<vmem>>, vector<1x16xf32>,
        %get3A_634 = vector.shape_cast %get3A_633 : vector<1x16xf32> to vector<16xf32>
        %mul3A_635 = arith.mulf %mul3A_590, %get3A_634 : vector<16xf32>
        %sub3A_636 = arith.subf %get3A_629, %mul3A_635 : vector<16xf32>
        %swap3A_637 = arith.constant 0 : i32
        %swap3A_638 = arith.index_cast %swap3A_637 : i32 to index
        %swap3A_639 = arith.index_cast %add3A_200 : i32 to index
        %swap3A_640 = arith.constant 32 : index
        %swap3A_641 = tpu.vector_load %arg17[%swap3A_638, %swap3A_639, %swap3A_640] {strides = array<i32>} : memref<1x32x512xf32, #tpu.memory_space<vmem>>, vector<1x1x16xf32>,
        %swap3A_642 = vector.shape_cast %swap3A_641 : vector<1x1x16xf32> to vector<16xf32>
        %swap3A_643 = vector.shape_cast %sub3A_636 : vector<16xf32> to vector<1x1x16xf32>
        tpu.vector_store %arg17[%swap3A_638, %swap3A_639, %swap3A_640], %swap3A_643 {strides = array<i32>} : memref<1x32x512xf32, #tpu.memory_space<vmem>>, vector<1x1x16xf32>,
        %get3A_644 = arith.index_cast %add3A_200 : i32 to index
        %get3A_645 = arith.constant 48 : index
        %get3A_646 = tpu.vector_load %arg15[%get3A_644, %get3A_645] {strides = array<i32>} : memref<32x512xf32, #tpu.memory_space<vmem>>, vector<1x16xf32>,
        %get3A_647 = vector.shape_cast %get3A_646 : vector<1x16xf32> to vector<16xf32>
        %get3A_648 = arith.constant 0 : i32
        %get3A_649 = arith.index_cast %get3A_648 : i32 to index
        %get3A_650 = arith.constant 48 : index
        %get3A_651 = tpu.vector_load %arg13[%get3A_649, %get3A_650] {strides = array<i32>} : memref<1x512xf32, #tpu.memory_space<vmem>>, vector<1x16xf32>,
        %get3A_652 = vector.shape_cast %get3A_651 : vector<1x16xf32> to vector<16xf32>
        %mul3A_653 = arith.mulf %mul3A_590, %get3A_652 : vector<16xf32>
        %sub3A_654 = arith.subf %get3A_647, %mul3A_653 : vector<16xf32>
        %swap3A_655 = arith.constant 0 : i32
        %swap3A_656 = arith.index_cast %swap3A_655 : i32 to index
        %swap3A_657 = arith.index_cast %add3A_200 : i32 to index
        %swap3A_658 = arith.constant 48 : index
        %swap3A_659 = tpu.vector_load %arg17[%swap3A_656, %swap3A_657, %swap3A_658] {strides = array<i32>} : memref<1x32x512xf32, #tpu.memory_space<vmem>>, vector<1x1x16xf32>,
        %swap3A_660 = vector.shape_cast %swap3A_659 : vector<1x1x16xf32> to vector<16xf32>
        %swap3A_661 = vector.shape_cast %sub3A_654 : vector<16xf32> to vector<1x1x16xf32>
        tpu.vector_store %arg17[%swap3A_656, %swap3A_657, %swap3A_658], %swap3A_661 {strides = array<i32>} : memref<1x32x512xf32, #tpu.memory_space<vmem>>, vector<1x1x16xf32>,
        %get3A_662 = arith.index_cast %add3A_200 : i32 to index
        %get3A_663 = arith.constant 64 : index
        %get3A_664 = tpu.vector_load %arg15[%get3A_662, %get3A_663] {strides = array<i32>} : memref<32x512xf32, #tpu.memory_space<vmem>>, vector<1x16xf32>,
        %get3A_665 = vector.shape_cast %get3A_664 : vector<1x16xf32> to vector<16xf32>
        %get3A_666 = arith.constant 0 : i32
        %get3A_667 = arith.index_cast %get3A_666 : i32 to index
        %get3A_668 = arith.constant 64 : index
        %get3A_669 = tpu.vector_load %arg13[%get3A_667, %get3A_668] {strides = array<i32>} : memref<1x512xf32, #tpu.memory_space<vmem>>, vector<1x16xf32>,
        %get3A_670 = vector.shape_cast %get3A_669 : vector<1x16xf32> to vector<16xf32>
        %mul3A_671 = arith.mulf %mul3A_590, %get3A_670 : vector<16xf32>
        %sub3A_672 = arith.subf %get3A_665, %mul3A_671 : vector<16xf32>
        %swap3A_673 = arith.constant 0 : i32
        %swap3A_674 = arith.index_cast %swap3A_673 : i32 to index
        %swap3A_675 = arith.index_cast %add3A_200 : i32 to index
        %swap3A_676 = arith.constant 64 : index
        %swap3A_677 = tpu.vector_load %arg17[%swap3A_674, %swap3A_675, %swap3A_676] {strides = array<i32>} : memref<1x32x512xf32, #tpu.memory_space<vmem>>, vector<1x1x16xf32>,
        %swap3A_678 = vector.shape_cast %swap3A_677 : vector<1x1x16xf32> to vector<16xf32>
        %swap3A_679 = vector.shape_cast %sub3A_672 : vector<16xf32> to vector<1x1x16xf32>
        tpu.vector_store %arg17[%swap3A_674, %swap3A_675, %swap3A_676], %swap3A_679 {strides = array<i32>} : memref<1x32x512xf32, #tpu.memory_space<vmem>>, vector<1x1x16xf32>,
        %get3A_680 = arith.index_cast %add3A_200 : i32 to index
        %get3A_681 = arith.constant 80 : index
        %get3A_682 = tpu.vector_load %arg15[%get3A_680, %get3A_681] {strides = array<i32>} : memref<32x512xf32, #tpu.memory_space<vmem>>, vector<1x16xf32>,
        %get3A_683 = vector.shape_cast %get3A_682 : vector<1x16xf32> to vector<16xf32>
        %get3A_684 = arith.constant 0 : i32
        %get3A_685 = arith.index_cast %get3A_684 : i32 to index
        %get3A_686 = arith.constant 80 : index
        %get3A_687 = tpu.vector_load %arg13[%get3A_685, %get3A_686] {strides = array<i32>} : memref<1x512xf32, #tpu.memory_space<vmem>>, vector<1x16xf32>,
        %get3A_688 = vector.shape_cast %get3A_687 : vector<1x16xf32> to vector<16xf32>
        %mul3A_689 = arith.mulf %mul3A_590, %get3A_688 : vector<16xf32>
        %sub3A_690 = arith.subf %get3A_683, %mul3A_689 : vector<16xf32>
        %swap3A_691 = arith.constant 0 : i32
        %swap3A_692 = arith.index_cast %swap3A_691 : i32 to index
        %swap3A_693 = arith.index_cast %add3A_200 : i32 to index
        %swap3A_694 = arith.constant 80 : index
        %swap3A_695 = tpu.vector_load %arg17[%swap3A_692, %swap3A_693, %swap3A_694] {strides = array<i32>} : memref<1x32x512xf32, #tpu.memory_space<vmem>>, vector<1x1x16xf32>,
        %swap3A_696 = vector.shape_cast %swap3A_695 : vector<1x1x16xf32> to vector<16xf32>
        %swap3A_697 = vector.shape_cast %sub3A_690 : vector<16xf32> to vector<1x1x16xf32>
        tpu.vector_store %arg17[%swap3A_692, %swap3A_693, %swap3A_694], %swap3A_697 {strides = array<i32>} : memref<1x32x512xf32, #tpu.memory_space<vmem>>, vector<1x1x16xf32>,
        %get3A_698 = arith.index_cast %add3A_200 : i32 to index
        %get3A_699 = arith.constant 96 : index
        %get3A_700 = tpu.vector_load %arg15[%get3A_698, %get3A_699] {strides = array<i32>} : memref<32x512xf32, #tpu.memory_space<vmem>>, vector<1x16xf32>,
        %get3A_701 = vector.shape_cast %get3A_700 : vector<1x16xf32> to vector<16xf32>
        %get3A_702 = arith.constant 0 : i32
        %get3A_703 = arith.index_cast %get3A_702 : i32 to index
        %get3A_704 = arith.constant 96 : index
        %get3A_705 = tpu.vector_load %arg13[%get3A_703, %get3A_704] {strides = array<i32>} : memref<1x512xf32, #tpu.memory_space<vmem>>, vector<1x16xf32>,
        %get3A_706 = vector.shape_cast %get3A_705 : vector<1x16xf32> to vector<16xf32>
        %mul3A_707 = arith.mulf %mul3A_590, %get3A_706 : vector<16xf32>
        %sub3A_708 = arith.subf %get3A_701, %mul3A_707 : vector<16xf32>
        %swap3A_709 = arith.constant 0 : i32
        %swap3A_710 = arith.index_cast %swap3A_709 : i32 to index
        %swap3A_711 = arith.index_cast %add3A_200 : i32 to index
        %swap3A_712 = arith.constant 96 : index
        %swap3A_713 = tpu.vector_load %arg17[%swap3A_710, %swap3A_711, %swap3A_712] {strides = array<i32>} : memref<1x32x512xf32, #tpu.memory_space<vmem>>, vector<1x1x16xf32>,
        %swap3A_714 = vector.shape_cast %swap3A_713 : vector<1x1x16xf32> to vector<16xf32>
        %swap3A_715 = vector.shape_cast %sub3A_708 : vector<16xf32> to vector<1x1x16xf32>
        tpu.vector_store %arg17[%swap3A_710, %swap3A_711, %swap3A_712], %swap3A_715 {strides = array<i32>} : memref<1x32x512xf32, #tpu.memory_space<vmem>>, vector<1x1x16xf32>,
        %get3A_716 = arith.index_cast %add3A_200 : i32 to index
        %get3A_717 = arith.constant 112 : index
        %get3A_718 = tpu.vector_load %arg15[%get3A_716, %get3A_717] {strides = array<i32>} : memref<32x512xf32, #tpu.memory_space<vmem>>, vector<1x16xf32>,
        %get3A_719 = vector.shape_cast %get3A_718 : vector<1x16xf32> to vector<16xf32>
        %get3A_720 = arith.constant 0 : i32
        %get3A_721 = arith.index_cast %get3A_720 : i32 to index
        %get3A_722 = arith.constant 112 : index
        %get3A_723 = tpu.vector_load %arg13[%get3A_721, %get3A_722] {strides = array<i32>} : memref<1x512xf32, #tpu.memory_space<vmem>>, vector<1x16xf32>,
        %get3A_724 = vector.shape_cast %get3A_723 : vector<1x16xf32> to vector<16xf32>
        %mul3A_725 = arith.mulf %mul3A_590, %get3A_724 : vector<16xf32>
        %sub3A_726 = arith.subf %get3A_719, %mul3A_725 : vector<16xf32>
        %swap3A_727 = arith.constant 0 : i32
        %swap3A_728 = arith.index_cast %swap3A_727 : i32 to index
        %swap3A_729 = arith.index_cast %add3A_200 : i32 to index
        %swap3A_730 = arith.constant 112 : index
        %swap3A_731 = tpu.vector_load %arg17[%swap3A_728, %swap3A_729, %swap3A_730] {strides = array<i32>} : memref<1x32x512xf32, #tpu.memory_space<vmem>>, vector<1x1x16xf32>,
        %swap3A_732 = vector.shape_cast %swap3A_731 : vector<1x1x16xf32> to vector<16xf32>
        %swap3A_733 = vector.shape_cast %sub3A_726 : vector<16xf32> to vector<1x1x16xf32>
        tpu.vector_store %arg17[%swap3A_728, %swap3A_729, %swap3A_730], %swap3A_733 {strides = array<i32>} : memref<1x32x512xf32, #tpu.memory_space<vmem>>, vector<1x1x16xf32>,
        %get3A_734 = arith.index_cast %add3A_200 : i32 to index
        %get3A_735 = arith.constant 128 : index
        %get3A_736 = tpu.vector_load %arg15[%get3A_734, %get3A_735] {strides = array<i32>} : memref<32x512xf32, #tpu.memory_space<vmem>>, vector<1x16xf32>,
        %get3A_737 = vector.shape_cast %get3A_736 : vector<1x16xf32> to vector<16xf32>
        %get3A_738 = arith.constant 0 : i32
        %get3A_739 = arith.index_cast %get3A_738 : i32 to index
        %get3A_740 = arith.constant 128 : index
        %get3A_741 = tpu.vector_load %arg13[%get3A_739, %get3A_740] {strides = array<i32>} : memref<1x512xf32, #tpu.memory_space<vmem>>, vector<1x16xf32>,
        %get3A_742 = vector.shape_cast %get3A_741 : vector<1x16xf32> to vector<16xf32>
        %mul3A_743 = arith.mulf %mul3A_590, %get3A_742 : vector<16xf32>
        %sub3A_744 = arith.subf %get3A_737, %mul3A_743 : vector<16xf32>
        %swap3A_745 = arith.constant 0 : i32
        %swap3A_746 = arith.index_cast %swap3A_745 : i32 to index
        %swap3A_747 = arith.index_cast %add3A_200 : i32 to index
        %swap3A_748 = arith.constant 128 : index
        %swap3A_749 = tpu.vector_load %arg17[%swap3A_746, %swap3A_747, %swap3A_748] {strides = array<i32>} : memref<1x32x512xf32, #tpu.memory_space<vmem>>, vector<1x1x16xf32>,
        %swap3A_750 = vector.shape_cast %swap3A_749 : vector<1x1x16xf32> to vector<16xf32>
        %swap3A_751 = vector.shape_cast %sub3A_744 : vector<16xf32> to vector<1x1x16xf32>
        tpu.vector_store %arg17[%swap3A_746, %swap3A_747, %swap3A_748], %swap3A_751 {strides = array<i32>} : memref<1x32x512xf32, #tpu.memory_space<vmem>>, vector<1x1x16xf32>,
        %get3A_752 = arith.index_cast %add3A_200 : i32 to index
        %get3A_753 = arith.constant 144 : index
        %get3A_754 = tpu.vector_load %arg15[%get3A_752, %get3A_753] {strides = array<i32>} : memref<32x512xf32, #tpu.memory_space<vmem>>, vector<1x16xf32>,
        %get3A_755 = vector.shape_cast %get3A_754 : vector<1x16xf32> to vector<16xf32>
        %get3A_756 = arith.constant 0 : i32
        %get3A_757 = arith.index_cast %get3A_756 : i32 to index
        %get3A_758 = arith.constant 144 : index
        %get3A_759 = tpu.vector_load %arg13[%get3A_757, %get3A_758] {strides = array<i32>} : memref<1x512xf32, #tpu.memory_space<vmem>>, vector<1x16xf32>,
        %get3A_760 = vector.shape_cast %get3A_759 : vector<1x16xf32> to vector<16xf32>
        %mul3A_761 = arith.mulf %mul3A_590, %get3A_760 : vector<16xf32>
        %sub3A_762 = arith.subf %get3A_755, %mul3A_761 : vector<16xf32>
        %swap3A_763 = arith.constant 0 : i32
        %swap3A_764 = arith.index_cast %swap3A_763 : i32 to index
        %swap3A_765 = arith.index_cast %add3A_200 : i32 to index
        %swap3A_766 = arith.constant 144 : index
        %swap3A_767 = tpu.vector_load %arg17[%swap3A_764, %swap3A_765, %swap3A_766] {strides = array<i32>} : memref<1x32x512xf32, #tpu.memory_space<vmem>>, vector<1x1x16xf32>,
        %swap3A_768 = vector.shape_cast %swap3A_767 : vector<1x1x16xf32> to vector<16xf32>
        %swap3A_769 = vector.shape_cast %sub3A_762 : vector<16xf32> to vector<1x1x16xf32>
        tpu.vector_store %arg17[%swap3A_764, %swap3A_765, %swap3A_766], %swap3A_769 {strides = array<i32>} : memref<1x32x512xf32, #tpu.memory_space<vmem>>, vector<1x1x16xf32>,
        %get3A_770 = arith.index_cast %add3A_200 : i32 to index
        %get3A_771 = arith.constant 160 : index
        %get3A_772 = tpu.vector_load %arg15[%get3A_770, %get3A_771] {strides = array<i32>} : memref<32x512xf32, #tpu.memory_space<vmem>>, vector<1x16xf32>,
        %get3A_773 = vector.shape_cast %get3A_772 : vector<1x16xf32> to vector<16xf32>
        %get3A_774 = arith.constant 0 : i32
        %get3A_775 = arith.index_cast %get3A_774 : i32 to index
        %get3A_776 = arith.constant 160 : index
        %get3A_777 = tpu.vector_load %arg13[%get3A_775, %get3A_776] {strides = array<i32>} : memref<1x512xf32, #tpu.memory_space<vmem>>, vector<1x16xf32>,
        %get3A_778 = vector.shape_cast %get3A_777 : vector<1x16xf32> to vector<16xf32>
        %mul3A_779 = arith.mulf %mul3A_590, %get3A_778 : vector<16xf32>
        %sub3A_780 = arith.subf %get3A_773, %mul3A_779 : vector<16xf32>
        %swap3A_781 = arith.constant 0 : i32
        %swap3A_782 = arith.index_cast %swap3A_781 : i32 to index
        %swap3A_783 = arith.index_cast %add3A_200 : i32 to index
        %swap3A_784 = arith.constant 160 : index
        %swap3A_785 = tpu.vector_load %arg17[%swap3A_782, %swap3A_783, %swap3A_784] {strides = array<i32>} : memref<1x32x512xf32, #tpu.memory_space<vmem>>, vector<1x1x16xf32>,
        %swap3A_786 = vector.shape_cast %swap3A_785 : vector<1x1x16xf32> to vector<16xf32>
        %swap3A_787 = vector.shape_cast %sub3A_780 : vector<16xf32> to vector<1x1x16xf32>
        tpu.vector_store %arg17[%swap3A_782, %swap3A_783, %swap3A_784], %swap3A_787 {strides = array<i32>} : memref<1x32x512xf32, #tpu.memory_space<vmem>>, vector<1x1x16xf32>,
        %get3A_788 = arith.index_cast %add3A_200 : i32 to index
        %get3A_789 = arith.constant 176 : index
        %get3A_790 = tpu.vector_load %arg15[%get3A_788, %get3A_789] {strides = array<i32>} : memref<32x512xf32, #tpu.memory_space<vmem>>, vector<1x16xf32>,
        %get3A_791 = vector.shape_cast %get3A_790 : vector<1x16xf32> to vector<16xf32>
        %get3A_792 = arith.constant 0 : i32
        %get3A_793 = arith.index_cast %get3A_792 : i32 to index
        %get3A_794 = arith.constant 176 : index
        %get3A_795 = tpu.vector_load %arg13[%get3A_793, %get3A_794] {strides = array<i32>} : memref<1x512xf32, #tpu.memory_space<vmem>>, vector<1x16xf32>,
        %get3A_796 = vector.shape_cast %get3A_795 : vector<1x16xf32> to vector<16xf32>
        %mul3A_797 = arith.mulf %mul3A_590, %get3A_796 : vector<16xf32>
        %sub3A_798 = arith.subf %get3A_791, %mul3A_797 : vector<16xf32>
        %swap3A_799 = arith.constant 0 : i32
        %swap3A_800 = arith.index_cast %swap3A_799 : i32 to index
        %swap3A_801 = arith.index_cast %add3A_200 : i32 to index
        %swap3A_802 = arith.constant 176 : index
        %swap3A_803 = tpu.vector_load %arg17[%swap3A_800, %swap3A_801, %swap3A_802] {strides = array<i32>} : memref<1x32x512xf32, #tpu.memory_space<vmem>>, vector<1x1x16xf32>,
        %swap3A_804 = vector.shape_cast %swap3A_803 : vector<1x1x16xf32> to vector<16xf32>
        %swap3A_805 = vector.shape_cast %sub3A_798 : vector<16xf32> to vector<1x1x16xf32>
        tpu.vector_store %arg17[%swap3A_800, %swap3A_801, %swap3A_802], %swap3A_805 {strides = array<i32>} : memref<1x32x512xf32, #tpu.memory_space<vmem>>, vector<1x1x16xf32>,
        %get3A_806 = arith.index_cast %add3A_200 : i32 to index
        %get3A_807 = arith.constant 192 : index
        %get3A_808 = tpu.vector_load %arg15[%get3A_806, %get3A_807] {strides = array<i32>} : memref<32x512xf32, #tpu.memory_space<vmem>>, vector<1x16xf32>,
        %get3A_809 = vector.shape_cast %get3A_808 : vector<1x16xf32> to vector<16xf32>
        %get3A_810 = arith.constant 0 : i32
        %get3A_811 = arith.index_cast %get3A_810 : i32 to index
        %get3A_812 = arith.constant 192 : index
        %get3A_813 = tpu.vector_load %arg13[%get3A_811, %get3A_812] {strides = array<i32>} : memref<1x512xf32, #tpu.memory_space<vmem>>, vector<1x16xf32>,
        %get3A_814 = vector.shape_cast %get3A_813 : vector<1x16xf32> to vector<16xf32>
        %mul3A_815 = arith.mulf %mul3A_590, %get3A_814 : vector<16xf32>
        %sub3A_816 = arith.subf %get3A_809, %mul3A_815 : vector<16xf32>
        %swap3A_817 = arith.constant 0 : i32
        %swap3A_818 = arith.index_cast %swap3A_817 : i32 to index
        %swap3A_819 = arith.index_cast %add3A_200 : i32 to index
        %swap3A_820 = arith.constant 192 : index
        %swap3A_821 = tpu.vector_load %arg17[%swap3A_818, %swap3A_819, %swap3A_820] {strides = array<i32>} : memref<1x32x512xf32, #tpu.memory_space<vmem>>, vector<1x1x16xf32>,
        %swap3A_822 = vector.shape_cast %swap3A_821 : vector<1x1x16xf32> to vector<16xf32>
        %swap3A_823 = vector.shape_cast %sub3A_816 : vector<16xf32> to vector<1x1x16xf32>
        tpu.vector_store %arg17[%swap3A_818, %swap3A_819, %swap3A_820], %swap3A_823 {strides = array<i32>} : memref<1x32x512xf32, #tpu.memory_space<vmem>>, vector<1x1x16xf32>,
        %get3A_824 = arith.index_cast %add3A_200 : i32 to index
        %get3A_825 = arith.constant 208 : index
        %get3A_826 = tpu.vector_load %arg15[%get3A_824, %get3A_825] {strides = array<i32>} : memref<32x512xf32, #tpu.memory_space<vmem>>, vector<1x16xf32>,
        %get3A_827 = vector.shape_cast %get3A_826 : vector<1x16xf32> to vector<16xf32>
        %get3A_828 = arith.constant 0 : i32
        %get3A_829 = arith.index_cast %get3A_828 : i32 to index
        %get3A_830 = arith.constant 208 : index
        %get3A_831 = tpu.vector_load %arg13[%get3A_829, %get3A_830] {strides = array<i32>} : memref<1x512xf32, #tpu.memory_space<vmem>>, vector<1x16xf32>,
        %get3A_832 = vector.shape_cast %get3A_831 : vector<1x16xf32> to vector<16xf32>
        %mul3A_833 = arith.mulf %mul3A_590, %get3A_832 : vector<16xf32>
        %sub3A_834 = arith.subf %get3A_827, %mul3A_833 : vector<16xf32>
        %swap3A_835 = arith.constant 0 : i32
        %swap3A_836 = arith.index_cast %swap3A_835 : i32 to index
        %swap3A_837 = arith.index_cast %add3A_200 : i32 to index
        %swap3A_838 = arith.constant 208 : index
        %swap3A_839 = tpu.vector_load %arg17[%swap3A_836, %swap3A_837, %swap3A_838] {strides = array<i32>} : memref<1x32x512xf32, #tpu.memory_space<vmem>>, vector<1x1x16xf32>,
        %swap3A_840 = vector.shape_cast %swap3A_839 : vector<1x1x16xf32> to vector<16xf32>
        %swap3A_841 = vector.shape_cast %sub3A_834 : vector<16xf32> to vector<1x1x16xf32>
        tpu.vector_store %arg17[%swap3A_836, %swap3A_837, %swap3A_838], %swap3A_841 {strides = array<i32>} : memref<1x32x512xf32, #tpu.memory_space<vmem>>, vector<1x1x16xf32>,
        %get3A_842 = arith.index_cast %add3A_200 : i32 to index
        %get3A_843 = arith.constant 224 : index
        %get3A_844 = tpu.vector_load %arg15[%get3A_842, %get3A_843] {strides = array<i32>} : memref<32x512xf32, #tpu.memory_space<vmem>>, vector<1x16xf32>,
        %get3A_845 = vector.shape_cast %get3A_844 : vector<1x16xf32> to vector<16xf32>
        %get3A_846 = arith.constant 0 : i32
        %get3A_847 = arith.index_cast %get3A_846 : i32 to index
        %get3A_848 = arith.constant 224 : index
        %get3A_849 = tpu.vector_load %arg13[%get3A_847, %get3A_848] {strides = array<i32>} : memref<1x512xf32, #tpu.memory_space<vmem>>, vector<1x16xf32>,
        %get3A_850 = vector.shape_cast %get3A_849 : vector<1x16xf32> to vector<16xf32>
        %mul3A_851 = arith.mulf %mul3A_590, %get3A_850 : vector<16xf32>
        %sub3A_852 = arith.subf %get3A_845, %mul3A_851 : vector<16xf32>
        %swap3A_853 = arith.constant 0 : i32
        %swap3A_854 = arith.index_cast %swap3A_853 : i32 to index
        %swap3A_855 = arith.index_cast %add3A_200 : i32 to index
        %swap3A_856 = arith.constant 224 : index
        %swap3A_857 = tpu.vector_load %arg17[%swap3A_854, %swap3A_855, %swap3A_856] {strides = array<i32>} : memref<1x32x512xf32, #tpu.memory_space<vmem>>, vector<1x1x16xf32>,
        %swap3A_858 = vector.shape_cast %swap3A_857 : vector<1x1x16xf32> to vector<16xf32>
        %swap3A_859 = vector.shape_cast %sub3A_852 : vector<16xf32> to vector<1x1x16xf32>
        tpu.vector_store %arg17[%swap3A_854, %swap3A_855, %swap3A_856], %swap3A_859 {strides = array<i32>} : memref<1x32x512xf32, #tpu.memory_space<vmem>>, vector<1x1x16xf32>,
        %get3A_860 = arith.index_cast %add3A_200 : i32 to index
        %get3A_861 = arith.constant 240 : index
        %get3A_862 = tpu.vector_load %arg15[%get3A_860, %get3A_861] {strides = array<i32>} : memref<32x512xf32, #tpu.memory_space<vmem>>, vector<1x16xf32>,
        %get3A_863 = vector.shape_cast %get3A_862 : vector<1x16xf32> to vector<16xf32>
        %get3A_864 = arith.constant 0 : i32
        %get3A_865 = arith.index_cast %get3A_864 : i32 to index
        %get3A_866 = arith.constant 240 : index
        %get3A_867 = tpu.vector_load %arg13[%get3A_865, %get3A_866] {strides = array<i32>} : memref<1x512xf32, #tpu.memory_space<vmem>>, vector<1x16xf32>,
        %get3A_868 = vector.shape_cast %get3A_867 : vector<1x16xf32> to vector<16xf32>
        %mul3A_869 = arith.mulf %mul3A_590, %get3A_868 : vector<16xf32>
        %sub3A_870 = arith.subf %get3A_863, %mul3A_869 : vector<16xf32>
        %swap3A_871 = arith.constant 0 : i32
        %swap3A_872 = arith.index_cast %swap3A_871 : i32 to index
        %swap3A_873 = arith.index_cast %add3A_200 : i32 to index
        %swap3A_874 = arith.constant 240 : index
        %swap3A_875 = tpu.vector_load %arg17[%swap3A_872, %swap3A_873, %swap3A_874] {strides = array<i32>} : memref<1x32x512xf32, #tpu.memory_space<vmem>>, vector<1x1x16xf32>,
        %swap3A_876 = vector.shape_cast %swap3A_875 : vector<1x1x16xf32> to vector<16xf32>
        %swap3A_877 = vector.shape_cast %sub3A_870 : vector<16xf32> to vector<1x1x16xf32>
        tpu.vector_store %arg17[%swap3A_872, %swap3A_873, %swap3A_874], %swap3A_877 {strides = array<i32>} : memref<1x32x512xf32, #tpu.memory_space<vmem>>, vector<1x1x16xf32>,
        %get3A_878 = arith.index_cast %add3A_200 : i32 to index
        %get3A_879 = arith.constant 256 : index
        %get3A_880 = tpu.vector_load %arg15[%get3A_878, %get3A_879] {strides = array<i32>} : memref<32x512xf32, #tpu.memory_space<vmem>>, vector<1x16xf32>,
        %get3A_881 = vector.shape_cast %get3A_880 : vector<1x16xf32> to vector<16xf32>
        %get3A_882 = arith.constant 0 : i32
        %get3A_883 = arith.index_cast %get3A_882 : i32 to index
        %get3A_884 = arith.constant 256 : index
        %get3A_885 = tpu.vector_load %arg13[%get3A_883, %get3A_884] {strides = array<i32>} : memref<1x512xf32, #tpu.memory_space<vmem>>, vector<1x16xf32>,
        %get3A_886 = vector.shape_cast %get3A_885 : vector<1x16xf32> to vector<16xf32>
        %mul3A_887 = arith.mulf %mul3A_590, %get3A_886 : vector<16xf32>
        %sub3A_888 = arith.subf %get3A_881, %mul3A_887 : vector<16xf32>
        %swap3A_889 = arith.constant 0 : i32
        %swap3A_890 = arith.index_cast %swap3A_889 : i32 to index
        %swap3A_891 = arith.index_cast %add3A_200 : i32 to index
        %swap3A_892 = arith.constant 256 : index
        %swap3A_893 = tpu.vector_load %arg17[%swap3A_890, %swap3A_891, %swap3A_892] {strides = array<i32>} : memref<1x32x512xf32, #tpu.memory_space<vmem>>, vector<1x1x16xf32>,
        %swap3A_894 = vector.shape_cast %swap3A_893 : vector<1x1x16xf32> to vector<16xf32>
        %swap3A_895 = vector.shape_cast %sub3A_888 : vector<16xf32> to vector<1x1x16xf32>
        tpu.vector_store %arg17[%swap3A_890, %swap3A_891, %swap3A_892], %swap3A_895 {strides = array<i32>} : memref<1x32x512xf32, #tpu.memory_space<vmem>>, vector<1x1x16xf32>,
        %get3A_896 = arith.index_cast %add3A_200 : i32 to index
        %get3A_897 = arith.constant 272 : index
        %get3A_898 = tpu.vector_load %arg15[%get3A_896, %get3A_897] {strides = array<i32>} : memref<32x512xf32, #tpu.memory_space<vmem>>, vector<1x16xf32>,
        %get3A_899 = vector.shape_cast %get3A_898 : vector<1x16xf32> to vector<16xf32>
        %get3A_900 = arith.constant 0 : i32
        %get3A_901 = arith.index_cast %get3A_900 : i32 to index
        %get3A_902 = arith.constant 272 : index
        %get3A_903 = tpu.vector_load %arg13[%get3A_901, %get3A_902] {strides = array<i32>} : memref<1x512xf32, #tpu.memory_space<vmem>>, vector<1x16xf32>,
        %get3A_904 = vector.shape_cast %get3A_903 : vector<1x16xf32> to vector<16xf32>
        %mul3A_905 = arith.mulf %mul3A_590, %get3A_904 : vector<16xf32>
        %sub3A_906 = arith.subf %get3A_899, %mul3A_905 : vector<16xf32>
        %swap3A_907 = arith.constant 0 : i32
        %swap3A_908 = arith.index_cast %swap3A_907 : i32 to index
        %swap3A_909 = arith.index_cast %add3A_200 : i32 to index
        %swap3A_910 = arith.constant 272 : index
        %swap3A_911 = tpu.vector_load %arg17[%swap3A_908, %swap3A_909, %swap3A_910] {strides = array<i32>} : memref<1x32x512xf32, #tpu.memory_space<vmem>>, vector<1x1x16xf32>,
        %swap3A_912 = vector.shape_cast %swap3A_911 : vector<1x1x16xf32> to vector<16xf32>
        %swap3A_913 = vector.shape_cast %sub3A_906 : vector<16xf32> to vector<1x1x16xf32>
        tpu.vector_store %arg17[%swap3A_908, %swap3A_909, %swap3A_910], %swap3A_913 {strides = array<i32>} : memref<1x32x512xf32, #tpu.memory_space<vmem>>, vector<1x1x16xf32>,
        %get3A_914 = arith.index_cast %add3A_200 : i32 to index
        %get3A_915 = arith.constant 288 : index
        %get3A_916 = tpu.vector_load %arg15[%get3A_914, %get3A_915] {strides = array<i32>} : memref<32x512xf32, #tpu.memory_space<vmem>>, vector<1x16xf32>,
        %get3A_917 = vector.shape_cast %get3A_916 : vector<1x16xf32> to vector<16xf32>
        %get3A_918 = arith.constant 0 : i32
        %get3A_919 = arith.index_cast %get3A_918 : i32 to index
        %get3A_920 = arith.constant 288 : index
        %get3A_921 = tpu.vector_load %arg13[%get3A_919, %get3A_920] {strides = array<i32>} : memref<1x512xf32, #tpu.memory_space<vmem>>, vector<1x16xf32>,
        %get3A_922 = vector.shape_cast %get3A_921 : vector<1x16xf32> to vector<16xf32>
        %mul3A_923 = arith.mulf %mul3A_590, %get3A_922 : vector<16xf32>
        %sub3A_924 = arith.subf %get3A_917, %mul3A_923 : vector<16xf32>
        %swap3A_925 = arith.constant 0 : i32
        %swap3A_926 = arith.index_cast %swap3A_925 : i32 to index
        %swap3A_927 = arith.index_cast %add3A_200 : i32 to index
        %swap3A_928 = arith.constant 288 : index
        %swap3A_929 = tpu.vector_load %arg17[%swap3A_926, %swap3A_927, %swap3A_928] {strides = array<i32>} : memref<1x32x512xf32, #tpu.memory_space<vmem>>, vector<1x1x16xf32>,
        %swap3A_930 = vector.shape_cast %swap3A_929 : vector<1x1x16xf32> to vector<16xf32>
        %swap3A_931 = vector.shape_cast %sub3A_924 : vector<16xf32> to vector<1x1x16xf32>
        tpu.vector_store %arg17[%swap3A_926, %swap3A_927, %swap3A_928], %swap3A_931 {strides = array<i32>} : memref<1x32x512xf32, #tpu.memory_space<vmem>>, vector<1x1x16xf32>,
        %get3A_932 = arith.index_cast %add3A_200 : i32 to index
        %get3A_933 = arith.constant 304 : index
        %get3A_934 = tpu.vector_load %arg15[%get3A_932, %get3A_933] {strides = array<i32>} : memref<32x512xf32, #tpu.memory_space<vmem>>, vector<1x16xf32>,
        %get3A_935 = vector.shape_cast %get3A_934 : vector<1x16xf32> to vector<16xf32>
        %get3A_936 = arith.constant 0 : i32
        %get3A_937 = arith.index_cast %get3A_936 : i32 to index
        %get3A_938 = arith.constant 304 : index
        %get3A_939 = tpu.vector_load %arg13[%get3A_937, %get3A_938] {strides = array<i32>} : memref<1x512xf32, #tpu.memory_space<vmem>>, vector<1x16xf32>,
        %get3A_940 = vector.shape_cast %get3A_939 : vector<1x16xf32> to vector<16xf32>
        %mul3A_941 = arith.mulf %mul3A_590, %get3A_940 : vector<16xf32>
        %sub3A_942 = arith.subf %get3A_935, %mul3A_941 : vector<16xf32>
        %swap3A_943 = arith.constant 0 : i32
        %swap3A_944 = arith.index_cast %swap3A_943 : i32 to index
        %swap3A_945 = arith.index_cast %add3A_200 : i32 to index
        %swap3A_946 = arith.constant 304 : index
        %swap3A_947 = tpu.vector_load %arg17[%swap3A_944, %swap3A_945, %swap3A_946] {strides = array<i32>} : memref<1x32x512xf32, #tpu.memory_space<vmem>>, vector<1x1x16xf32>,
        %swap3A_948 = vector.shape_cast %swap3A_947 : vector<1x1x16xf32> to vector<16xf32>
        %swap3A_949 = vector.shape_cast %sub3A_942 : vector<16xf32> to vector<1x1x16xf32>
        tpu.vector_store %arg17[%swap3A_944, %swap3A_945, %swap3A_946], %swap3A_949 {strides = array<i32>} : memref<1x32x512xf32, #tpu.memory_space<vmem>>, vector<1x1x16xf32>,
        %get3A_950 = arith.index_cast %add3A_200 : i32 to index
        %get3A_951 = arith.constant 320 : index
        %get3A_952 = tpu.vector_load %arg15[%get3A_950, %get3A_951] {strides = array<i32>} : memref<32x512xf32, #tpu.memory_space<vmem>>, vector<1x16xf32>,
        %get3A_953 = vector.shape_cast %get3A_952 : vector<1x16xf32> to vector<16xf32>
        %get3A_954 = arith.constant 0 : i32
        %get3A_955 = arith.index_cast %get3A_954 : i32 to index
        %get3A_956 = arith.constant 320 : index
        %get3A_957 = tpu.vector_load %arg13[%get3A_955, %get3A_956] {strides = array<i32>} : memref<1x512xf32, #tpu.memory_space<vmem>>, vector<1x16xf32>,
        %get3A_958 = vector.shape_cast %get3A_957 : vector<1x16xf32> to vector<16xf32>
        %mul3A_959 = arith.mulf %mul3A_590, %get3A_958 : vector<16xf32>
        %sub3A_960 = arith.subf %get3A_953, %mul3A_959 : vector<16xf32>
        %swap3A_961 = arith.constant 0 : i32
        %swap3A_962 = arith.index_cast %swap3A_961 : i32 to index
        %swap3A_963 = arith.index_cast %add3A_200 : i32 to index
        %swap3A_964 = arith.constant 320 : index
        %swap3A_965 = tpu.vector_load %arg17[%swap3A_962, %swap3A_963, %swap3A_964] {strides = array<i32>} : memref<1x32x512xf32, #tpu.memory_space<vmem>>, vector<1x1x16xf32>,
        %swap3A_966 = vector.shape_cast %swap3A_965 : vector<1x1x16xf32> to vector<16xf32>
        %swap3A_967 = vector.shape_cast %sub3A_960 : vector<16xf32> to vector<1x1x16xf32>
        tpu.vector_store %arg17[%swap3A_962, %swap3A_963, %swap3A_964], %swap3A_967 {strides = array<i32>} : memref<1x32x512xf32, #tpu.memory_space<vmem>>, vector<1x1x16xf32>,
        %get3A_968 = arith.index_cast %add3A_200 : i32 to index
        %get3A_969 = arith.constant 336 : index
        %get3A_970 = tpu.vector_load %arg15[%get3A_968, %get3A_969] {strides = array<i32>} : memref<32x512xf32, #tpu.memory_space<vmem>>, vector<1x16xf32>,
        %get3A_971 = vector.shape_cast %get3A_970 : vector<1x16xf32> to vector<16xf32>
        %get3A_972 = arith.constant 0 : i32
        %get3A_973 = arith.index_cast %get3A_972 : i32 to index
        %get3A_974 = arith.constant 336 : index
        %get3A_975 = tpu.vector_load %arg13[%get3A_973, %get3A_974] {strides = array<i32>} : memref<1x512xf32, #tpu.memory_space<vmem>>, vector<1x16xf32>,
        %get3A_976 = vector.shape_cast %get3A_975 : vector<1x16xf32> to vector<16xf32>
        %mul3A_977 = arith.mulf %mul3A_590, %get3A_976 : vector<16xf32>
        %sub3A_978 = arith.subf %get3A_971, %mul3A_977 : vector<16xf32>
        %swap3A_979 = arith.constant 0 : i32
        %swap3A_980 = arith.index_cast %swap3A_979 : i32 to index
        %swap3A_981 = arith.index_cast %add3A_200 : i32 to index
        %swap3A_982 = arith.constant 336 : index
        %swap3A_983 = tpu.vector_load %arg17[%swap3A_980, %swap3A_981, %swap3A_982] {strides = array<i32>} : memref<1x32x512xf32, #tpu.memory_space<vmem>>, vector<1x1x16xf32>,
        %swap3A_984 = vector.shape_cast %swap3A_983 : vector<1x1x16xf32> to vector<16xf32>
        %swap3A_985 = vector.shape_cast %sub3A_978 : vector<16xf32> to vector<1x1x16xf32>
        tpu.vector_store %arg17[%swap3A_980, %swap3A_981, %swap3A_982], %swap3A_985 {strides = array<i32>} : memref<1x32x512xf32, #tpu.memory_space<vmem>>, vector<1x1x16xf32>,
        %get3A_986 = arith.index_cast %add3A_200 : i32 to index
        %get3A_987 = arith.constant 352 : index
        %get3A_988 = tpu.vector_load %arg15[%get3A_986, %get3A_987] {strides = array<i32>} : memref<32x512xf32, #tpu.memory_space<vmem>>, vector<1x16xf32>,
        %get3A_989 = vector.shape_cast %get3A_988 : vector<1x16xf32> to vector<16xf32>
        %get3A_990 = arith.constant 0 : i32
        %get3A_991 = arith.index_cast %get3A_990 : i32 to index
        %get3A_992 = arith.constant 352 : index
        %get3A_993 = tpu.vector_load %arg13[%get3A_991, %get3A_992] {strides = array<i32>} : memref<1x512xf32, #tpu.memory_space<vmem>>, vector<1x16xf32>,
        %get3A_994 = vector.shape_cast %get3A_993 : vector<1x16xf32> to vector<16xf32>
        %mul3A_995 = arith.mulf %mul3A_590, %get3A_994 : vector<16xf32>
        %sub3A_996 = arith.subf %get3A_989, %mul3A_995 : vector<16xf32>
        %swap3A_997 = arith.constant 0 : i32
        %swap3A_998 = arith.index_cast %swap3A_997 : i32 to index
        %swap3A_999 = arith.index_cast %add3A_200 : i32 to index
        %swap3A_1000 = arith.constant 352 : index
        %swap3A_1001 = tpu.vector_load %arg17[%swap3A_998, %swap3A_999, %swap3A_1000] {strides = array<i32>} : memref<1x32x512xf32, #tpu.memory_space<vmem>>, vector<1x1x16xf32>,
        %swap3A_1002 = vector.shape_cast %swap3A_1001 : vector<1x1x16xf32> to vector<16xf32>
        %swap3A_1003 = vector.shape_cast %sub3A_996 : vector<16xf32> to vector<1x1x16xf32>
        tpu.vector_store %arg17[%swap3A_998, %swap3A_999, %swap3A_1000], %swap3A_1003 {strides = array<i32>} : memref<1x32x512xf32, #tpu.memory_space<vmem>>, vector<1x1x16xf32>,
        %get3A_1004 = arith.index_cast %add3A_200 : i32 to index
        %get3A_1005 = arith.constant 368 : index
        %get3A_1006 = tpu.vector_load %arg15[%get3A_1004, %get3A_1005] {strides = array<i32>} : memref<32x512xf32, #tpu.memory_space<vmem>>, vector<1x16xf32>,
        %get3A_1007 = vector.shape_cast %get3A_1006 : vector<1x16xf32> to vector<16xf32>
        %get3A_1008 = arith.constant 0 : i32
        %get3A_1009 = arith.index_cast %get3A_1008 : i32 to index
        %get3A_1010 = arith.constant 368 : index
        %get3A_1011 = tpu.vector_load %arg13[%get3A_1009, %get3A_1010] {strides = array<i32>} : memref<1x512xf32, #tpu.memory_space<vmem>>, vector<1x16xf32>,
        %get3A_1012 = vector.shape_cast %get3A_1011 : vector<1x16xf32> to vector<16xf32>
        %mul3A_1013 = arith.mulf %mul3A_590, %get3A_1012 : vector<16xf32>
        %sub3A_1014 = arith.subf %get3A_1007, %mul3A_1013 : vector<16xf32>
        %swap3A_1015 = arith.constant 0 : i32
        %swap3A_1016 = arith.index_cast %swap3A_1015 : i32 to index
        %swap3A_1017 = arith.index_cast %add3A_200 : i32 to index
        %swap3A_1018 = arith.constant 368 : index
        %swap3A_1019 = tpu.vector_load %arg17[%swap3A_1016, %swap3A_1017, %swap3A_1018] {strides = array<i32>} : memref<1x32x512xf32, #tpu.memory_space<vmem>>, vector<1x1x16xf32>,
        %swap3A_1020 = vector.shape_cast %swap3A_1019 : vector<1x1x16xf32> to vector<16xf32>
        %swap3A_1021 = vector.shape_cast %sub3A_1014 : vector<16xf32> to vector<1x1x16xf32>
        tpu.vector_store %arg17[%swap3A_1016, %swap3A_1017, %swap3A_1018], %swap3A_1021 {strides = array<i32>} : memref<1x32x512xf32, #tpu.memory_space<vmem>>, vector<1x1x16xf32>,
        %get3A_1022 = arith.index_cast %add3A_200 : i32 to index
        %get3A_1023 = arith.constant 384 : index
        %get3A_1024 = tpu.vector_load %arg15[%get3A_1022, %get3A_1023] {strides = array<i32>} : memref<32x512xf32, #tpu.memory_space<vmem>>, vector<1x16xf32>,
        %get3A_1025 = vector.shape_cast %get3A_1024 : vector<1x16xf32> to vector<16xf32>
        %get3A_1026 = arith.constant 0 : i32
        %get3A_1027 = arith.index_cast %get3A_1026 : i32 to index
        %get3A_1028 = arith.constant 384 : index
        %get3A_1029 = tpu.vector_load %arg13[%get3A_1027, %get3A_1028] {strides = array<i32>} : memref<1x512xf32, #tpu.memory_space<vmem>>, vector<1x16xf32>,
        %get3A_1030 = vector.shape_cast %get3A_1029 : vector<1x16xf32> to vector<16xf32>
        %mul3A_1031 = arith.mulf %mul3A_590, %get3A_1030 : vector<16xf32>
        %sub3A_1032 = arith.subf %get3A_1025, %mul3A_1031 : vector<16xf32>
        %swap3A_1033 = arith.constant 0 : i32
        %swap3A_1034 = arith.index_cast %swap3A_1033 : i32 to index
        %swap3A_1035 = arith.index_cast %add3A_200 : i32 to index
        %swap3A_1036 = arith.constant 384 : index
        %swap3A_1037 = tpu.vector_load %arg17[%swap3A_1034, %swap3A_1035, %swap3A_1036] {strides = array<i32>} : memref<1x32x512xf32, #tpu.memory_space<vmem>>, vector<1x1x16xf32>,
        %swap3A_1038 = vector.shape_cast %swap3A_1037 : vector<1x1x16xf32> to vector<16xf32>
        %swap3A_1039 = vector.shape_cast %sub3A_1032 : vector<16xf32> to vector<1x1x16xf32>
        tpu.vector_store %arg17[%swap3A_1034, %swap3A_1035, %swap3A_1036], %swap3A_1039 {strides = array<i32>} : memref<1x32x512xf32, #tpu.memory_space<vmem>>, vector<1x1x16xf32>,
        %get3A_1040 = arith.index_cast %add3A_200 : i32 to index
        %get3A_1041 = arith.constant 400 : index
        %get3A_1042 = tpu.vector_load %arg15[%get3A_1040, %get3A_1041] {strides = array<i32>} : memref<32x512xf32, #tpu.memory_space<vmem>>, vector<1x16xf32>,
        %get3A_1043 = vector.shape_cast %get3A_1042 : vector<1x16xf32> to vector<16xf32>
        %get3A_1044 = arith.constant 0 : i32
        %get3A_1045 = arith.index_cast %get3A_1044 : i32 to index
        %get3A_1046 = arith.constant 400 : index
        %get3A_1047 = tpu.vector_load %arg13[%get3A_1045, %get3A_1046] {strides = array<i32>} : memref<1x512xf32, #tpu.memory_space<vmem>>, vector<1x16xf32>,
        %get3A_1048 = vector.shape_cast %get3A_1047 : vector<1x16xf32> to vector<16xf32>
        %mul3A_1049 = arith.mulf %mul3A_590, %get3A_1048 : vector<16xf32>
        %sub3A_1050 = arith.subf %get3A_1043, %mul3A_1049 : vector<16xf32>
        %swap3A_1051 = arith.constant 0 : i32
        %swap3A_1052 = arith.index_cast %swap3A_1051 : i32 to index
        %swap3A_1053 = arith.index_cast %add3A_200 : i32 to index
        %swap3A_1054 = arith.constant 400 : index
        %swap3A_1055 = tpu.vector_load %arg17[%swap3A_1052, %swap3A_1053, %swap3A_1054] {strides = array<i32>} : memref<1x32x512xf32, #tpu.memory_space<vmem>>, vector<1x1x16xf32>,
        %swap3A_1056 = vector.shape_cast %swap3A_1055 : vector<1x1x16xf32> to vector<16xf32>
        %swap3A_1057 = vector.shape_cast %sub3A_1050 : vector<16xf32> to vector<1x1x16xf32>
        tpu.vector_store %arg17[%swap3A_1052, %swap3A_1053, %swap3A_1054], %swap3A_1057 {strides = array<i32>} : memref<1x32x512xf32, #tpu.memory_space<vmem>>, vector<1x1x16xf32>,
        %get3A_1058 = arith.index_cast %add3A_200 : i32 to index
        %get3A_1059 = arith.constant 416 : index
        %get3A_1060 = tpu.vector_load %arg15[%get3A_1058, %get3A_1059] {strides = array<i32>} : memref<32x512xf32, #tpu.memory_space<vmem>>, vector<1x16xf32>,
        %get3A_1061 = vector.shape_cast %get3A_1060 : vector<1x16xf32> to vector<16xf32>
        %get3A_1062 = arith.constant 0 : i32
        %get3A_1063 = arith.index_cast %get3A_1062 : i32 to index
        %get3A_1064 = arith.constant 416 : index
        %get3A_1065 = tpu.vector_load %arg13[%get3A_1063, %get3A_1064] {strides = array<i32>} : memref<1x512xf32, #tpu.memory_space<vmem>>, vector<1x16xf32>,
        %get3A_1066 = vector.shape_cast %get3A_1065 : vector<1x16xf32> to vector<16xf32>
        %mul3A_1067 = arith.mulf %mul3A_590, %get3A_1066 : vector<16xf32>
        %sub3A_1068 = arith.subf %get3A_1061, %mul3A_1067 : vector<16xf32>
        %swap3A_1069 = arith.constant 0 : i32
        %swap3A_1070 = arith.index_cast %swap3A_1069 : i32 to index
        %swap3A_1071 = arith.index_cast %add3A_200 : i32 to index
        %swap3A_1072 = arith.constant 416 : index
        %swap3A_1073 = tpu.vector_load %arg17[%swap3A_1070, %swap3A_1071, %swap3A_1072] {strides = array<i32>} : memref<1x32x512xf32, #tpu.memory_space<vmem>>, vector<1x1x16xf32>,
        %swap3A_1074 = vector.shape_cast %swap3A_1073 : vector<1x1x16xf32> to vector<16xf32>
        %swap3A_1075 = vector.shape_cast %sub3A_1068 : vector<16xf32> to vector<1x1x16xf32>
        tpu.vector_store %arg17[%swap3A_1070, %swap3A_1071, %swap3A_1072], %swap3A_1075 {strides = array<i32>} : memref<1x32x512xf32, #tpu.memory_space<vmem>>, vector<1x1x16xf32>,
        %get3A_1076 = arith.index_cast %add3A_200 : i32 to index
        %get3A_1077 = arith.constant 432 : index
        %get3A_1078 = tpu.vector_load %arg15[%get3A_1076, %get3A_1077] {strides = array<i32>} : memref<32x512xf32, #tpu.memory_space<vmem>>, vector<1x16xf32>,
        %get3A_1079 = vector.shape_cast %get3A_1078 : vector<1x16xf32> to vector<16xf32>
        %get3A_1080 = arith.constant 0 : i32
        %get3A_1081 = arith.index_cast %get3A_1080 : i32 to index
        %get3A_1082 = arith.constant 432 : index
        %get3A_1083 = tpu.vector_load %arg13[%get3A_1081, %get3A_1082] {strides = array<i32>} : memref<1x512xf32, #tpu.memory_space<vmem>>, vector<1x16xf32>,
        %get3A_1084 = vector.shape_cast %get3A_1083 : vector<1x16xf32> to vector<16xf32>
        %mul3A_1085 = arith.mulf %mul3A_590, %get3A_1084 : vector<16xf32>
        %sub3A_1086 = arith.subf %get3A_1079, %mul3A_1085 : vector<16xf32>
        %swap3A_1087 = arith.constant 0 : i32
        %swap3A_1088 = arith.index_cast %swap3A_1087 : i32 to index
        %swap3A_1089 = arith.index_cast %add3A_200 : i32 to index
        %swap3A_1090 = arith.constant 432 : index
        %swap3A_1091 = tpu.vector_load %arg17[%swap3A_1088, %swap3A_1089, %swap3A_1090] {strides = array<i32>} : memref<1x32x512xf32, #tpu.memory_space<vmem>>, vector<1x1x16xf32>,
        %swap3A_1092 = vector.shape_cast %swap3A_1091 : vector<1x1x16xf32> to vector<16xf32>
        %swap3A_1093 = vector.shape_cast %sub3A_1086 : vector<16xf32> to vector<1x1x16xf32>
        tpu.vector_store %arg17[%swap3A_1088, %swap3A_1089, %swap3A_1090], %swap3A_1093 {strides = array<i32>} : memref<1x32x512xf32, #tpu.memory_space<vmem>>, vector<1x1x16xf32>,
        %get3A_1094 = arith.index_cast %add3A_200 : i32 to index
        %get3A_1095 = arith.constant 448 : index
        %get3A_1096 = tpu.vector_load %arg15[%get3A_1094, %get3A_1095] {strides = array<i32>} : memref<32x512xf32, #tpu.memory_space<vmem>>, vector<1x16xf32>,
        %get3A_1097 = vector.shape_cast %get3A_1096 : vector<1x16xf32> to vector<16xf32>
        %get3A_1098 = arith.constant 0 : i32
        %get3A_1099 = arith.index_cast %get3A_1098 : i32 to index
        %get3A_1100 = arith.constant 448 : index
        %get3A_1101 = tpu.vector_load %arg13[%get3A_1099, %get3A_1100] {strides = array<i32>} : memref<1x512xf32, #tpu.memory_space<vmem>>, vector<1x16xf32>,
        %get3A_1102 = vector.shape_cast %get3A_1101 : vector<1x16xf32> to vector<16xf32>
        %mul3A_1103 = arith.mulf %mul3A_590, %get3A_1102 : vector<16xf32>
        %sub3A_1104 = arith.subf %get3A_1097, %mul3A_1103 : vector<16xf32>
        %swap3A_1105 = arith.constant 0 : i32
        %swap3A_1106 = arith.index_cast %swap3A_1105 : i32 to index
        %swap3A_1107 = arith.index_cast %add3A_200 : i32 to index
        %swap3A_1108 = arith.constant 448 : index
        %swap3A_1109 = tpu.vector_load %arg17[%swap3A_1106, %swap3A_1107, %swap3A_1108] {strides = array<i32>} : memref<1x32x512xf32, #tpu.memory_space<vmem>>, vector<1x1x16xf32>,
        %swap3A_1110 = vector.shape_cast %swap3A_1109 : vector<1x1x16xf32> to vector<16xf32>
        %swap3A_1111 = vector.shape_cast %sub3A_1104 : vector<16xf32> to vector<1x1x16xf32>
        tpu.vector_store %arg17[%swap3A_1106, %swap3A_1107, %swap3A_1108], %swap3A_1111 {strides = array<i32>} : memref<1x32x512xf32, #tpu.memory_space<vmem>>, vector<1x1x16xf32>,
        %get3A_1112 = arith.index_cast %add3A_200 : i32 to index
        %get3A_1113 = arith.constant 464 : index
        %get3A_1114 = tpu.vector_load %arg15[%get3A_1112, %get3A_1113] {strides = array<i32>} : memref<32x512xf32, #tpu.memory_space<vmem>>, vector<1x16xf32>,
        %get3A_1115 = vector.shape_cast %get3A_1114 : vector<1x16xf32> to vector<16xf32>
        %get3A_1116 = arith.constant 0 : i32
        %get3A_1117 = arith.index_cast %get3A_1116 : i32 to index
        %get3A_1118 = arith.constant 464 : index
        %get3A_1119 = tpu.vector_load %arg13[%get3A_1117, %get3A_1118] {strides = array<i32>} : memref<1x512xf32, #tpu.memory_space<vmem>>, vector<1x16xf32>,
        %get3A_1120 = vector.shape_cast %get3A_1119 : vector<1x16xf32> to vector<16xf32>
        %mul3A_1121 = arith.mulf %mul3A_590, %get3A_1120 : vector<16xf32>
        %sub3A_1122 = arith.subf %get3A_1115, %mul3A_1121 : vector<16xf32>
        %swap3A_1123 = arith.constant 0 : i32
        %swap3A_1124 = arith.index_cast %swap3A_1123 : i32 to index
        %swap3A_1125 = arith.index_cast %add3A_200 : i32 to index
        %swap3A_1126 = arith.constant 464 : index
        %swap3A_1127 = tpu.vector_load %arg17[%swap3A_1124, %swap3A_1125, %swap3A_1126] {strides = array<i32>} : memref<1x32x512xf32, #tpu.memory_space<vmem>>, vector<1x1x16xf32>,
        %swap3A_1128 = vector.shape_cast %swap3A_1127 : vector<1x1x16xf32> to vector<16xf32>
        %swap3A_1129 = vector.shape_cast %sub3A_1122 : vector<16xf32> to vector<1x1x16xf32>
        tpu.vector_store %arg17[%swap3A_1124, %swap3A_1125, %swap3A_1126], %swap3A_1129 {strides = array<i32>} : memref<1x32x512xf32, #tpu.memory_space<vmem>>, vector<1x1x16xf32>,
        %get3A_1130 = arith.index_cast %add3A_200 : i32 to index
        %get3A_1131 = arith.constant 480 : index
        %get3A_1132 = tpu.vector_load %arg15[%get3A_1130, %get3A_1131] {strides = array<i32>} : memref<32x512xf32, #tpu.memory_space<vmem>>, vector<1x16xf32>,
        %get3A_1133 = vector.shape_cast %get3A_1132 : vector<1x16xf32> to vector<16xf32>
        %get3A_1134 = arith.constant 0 : i32
        %get3A_1135 = arith.index_cast %get3A_1134 : i32 to index
        %get3A_1136 = arith.constant 480 : index
        %get3A_1137 = tpu.vector_load %arg13[%get3A_1135, %get3A_1136] {strides = array<i32>} : memref<1x512xf32, #tpu.memory_space<vmem>>, vector<1x16xf32>,
        %get3A_1138 = vector.shape_cast %get3A_1137 : vector<1x16xf32> to vector<16xf32>
        %mul3A_1139 = arith.mulf %mul3A_590, %get3A_1138 : vector<16xf32>
        %sub3A_1140 = arith.subf %get3A_1133, %mul3A_1139 : vector<16xf32>
        %swap3A_1141 = arith.constant 0 : i32
        %swap3A_1142 = arith.index_cast %swap3A_1141 : i32 to index
        %swap3A_1143 = arith.index_cast %add3A_200 : i32 to index
        %swap3A_1144 = arith.constant 480 : index
        %swap3A_1145 = tpu.vector_load %arg17[%swap3A_1142, %swap3A_1143, %swap3A_1144] {strides = array<i32>} : memref<1x32x512xf32, #tpu.memory_space<vmem>>, vector<1x1x16xf32>,
        %swap3A_1146 = vector.shape_cast %swap3A_1145 : vector<1x1x16xf32> to vector<16xf32>
        %swap3A_1147 = vector.shape_cast %sub3A_1140 : vector<16xf32> to vector<1x1x16xf32>
        tpu.vector_store %arg17[%swap3A_1142, %swap3A_1143, %swap3A_1144], %swap3A_1147 {strides = array<i32>} : memref<1x32x512xf32, #tpu.memory_space<vmem>>, vector<1x1x16xf32>,
        %get3A_1148 = arith.index_cast %add3A_200 : i32 to index
        %get3A_1149 = arith.constant 496 : index
        %get3A_1150 = tpu.vector_load %arg15[%get3A_1148, %get3A_1149] {strides = array<i32>} : memref<32x512xf32, #tpu.memory_space<vmem>>, vector<1x16xf32>,
        %get3A_1151 = vector.shape_cast %get3A_1150 : vector<1x16xf32> to vector<16xf32>
        %get3A_1152 = arith.constant 0 : i32
        %get3A_1153 = arith.index_cast %get3A_1152 : i32 to index
        %get3A_1154 = arith.constant 496 : index
        %get3A_1155 = tpu.vector_load %arg13[%get3A_1153, %get3A_1154] {strides = array<i32>} : memref<1x512xf32, #tpu.memory_space<vmem>>, vector<1x16xf32>,
        %get3A_1156 = vector.shape_cast %get3A_1155 : vector<1x16xf32> to vector<16xf32>
        %mul3A_1157 = arith.mulf %mul3A_590, %get3A_1156 : vector<16xf32>
        %sub3A_1158 = arith.subf %get3A_1151, %mul3A_1157 : vector<16xf32>
        %swap3A_1159 = arith.constant 0 : i32
        %swap3A_1160 = arith.index_cast %swap3A_1159 : i32 to index
        %swap3A_1161 = arith.index_cast %add3A_200 : i32 to index
        %swap3A_1162 = arith.constant 496 : index
        %swap3A_1163 = tpu.vector_load %arg17[%swap3A_1160, %swap3A_1161, %swap3A_1162] {strides = array<i32>} : memref<1x32x512xf32, #tpu.memory_space<vmem>>, vector<1x1x16xf32>,
        %swap3A_1164 = vector.shape_cast %swap3A_1163 : vector<1x1x16xf32> to vector<16xf32>
        %swap3A_1165 = vector.shape_cast %sub3A_1158 : vector<16xf32> to vector<1x1x16xf32>
        tpu.vector_store %arg17[%swap3A_1160, %swap3A_1161, %swap3A_1162], %swap3A_1165 {strides = array<i32>} : memref<1x32x512xf32, #tpu.memory_space<vmem>>, vector<1x1x16xf32>,
      }
      %scan3A_164 = arith.constant 32 : i32
      %add3A_165 = arith.constant 6 : i32
      %add3A_166 = arith.addi %add3A_165, %add3A_144 : i32
      %multiple_of3A_167 = tpu.assume_multiple %mul3A_2, 8 : i32
      %dma_start3A_168 = arith.constant 0 : i32
      %dma_start3A_169 = tpu.memref_slice %arg8[%add3A_166, %multiple_of3A_167, %dma_start3A_168] : memref<77x1024x512xf32, #tpu.memory_space<hbm>> -> memref<1x32x512xf32, #tpu.memory_space<hbm>>
      %dma_start3A_170 = arith.constant 0 : i32
      %dma_start3A_171 = tpu.memref_slice %arg8[%add3A_166, %multiple_of3A_167, %dma_start3A_170] : memref<77x1024x512xf32, #tpu.memory_space<hbm>> -> memref<1x32x512xf32, #tpu.memory_space<hbm>>
      tpu.enqueue_dma source(%arg17 : memref<1x32x512xf32, #tpu.memory_space<vmem>>) target(%dma_start3A_171 : memref<1x32x512xf32, #tpu.memory_space<hbm>>) target_semaphore(%arg22 : memref<!tpu.dma_semaphore, #tpu.memory_space<semaphore_mem>>)
      %add3A_172 = arith.constant 0 : i32
      %add3A_173 = arith.addi %add3A, %add3A_172 : i32
      %lt3A_174 = arith.constant 6 : i32
      %lt3A_175 = arith.cmpi slt, %add3A_173, %lt3A_174 : i32
      %add3A_176 = arith.constant 16 : i32
      %add3A_177 = arith.addi %add3A_176, %add3A_173 : i32
      %select_n3A_178 = arith.select %lt3A_175, %add3A_173, %add3A_177 : i32
      %lt3A_179 = arith.constant 61 : i32
      %lt3A_180 = arith.cmpi slt, %add3A_173, %lt3A_179 : i32
      %convert_element_type3A_181 = arith.extui %lt3A_180 : i1 to i32
      %cond3A_182 = arith.constant 0 : i32
      %cond3A_183 = arith.cmpi ne, %convert_element_type3A_181, %cond3A_182 : i32
      scf.if %cond3A_183 {
        %mul3A_196 = arith.constant 4 : i32
        %mul3A_197 = arith.muli %mul3A_196, %add3A_144 : i32
        %add3A_198 = arith.constant 0 : i32
        %add3A_199 = arith.addi %mul3A_197, %add3A_198 : i32
        %mul3A_200 = arith.constant 16 : i32
        %mul3A_201 = arith.muli %add3A_199, %mul3A_200 : i32
        %multiple_of3A_202 = tpu.assume_multiple %mul3A_201, 8 : i32
        %dma_start3A_203 = arith.constant 0 : i32
        %dma_start3A_204 = tpu.memref_slice %arg8[%select_n3A_178, %multiple_of3A_202, %dma_start3A_203] : memref<77x1024x512xf32, #tpu.memory_space<hbm>> -> memref<1x16x512xf32, #tpu.memory_space<hbm>>
        %dma_start3A_205 = arith.constant 0 : i32
        %dma_start3A_206 = tpu.memref_slice %arg8[%select_n3A_178, %multiple_of3A_202, %dma_start3A_205] : memref<77x1024x512xf32, #tpu.memory_space<hbm>> -> memref<1x16x512xf32, #tpu.memory_space<hbm>>
        tpu.enqueue_dma source(%arg19 : memref<1x16x512xf32, #tpu.memory_space<vmem>>) target(%dma_start3A_206 : memref<1x16x512xf32, #tpu.memory_space<hbm>>) target_semaphore(%arg23 : memref<!tpu.dma_semaphore, #tpu.memory_space<semaphore_mem>>)
        %mul3A_207 = arith.constant 4 : i32
        %mul3A_208 = arith.muli %mul3A_207, %add3A_144 : i32
        %add3A_209 = arith.constant 1 : i32
        %add3A_210 = arith.addi %mul3A_208, %add3A_209 : i32
        %mul3A_211 = arith.constant 16 : i32
        %mul3A_212 = arith.muli %add3A_210, %mul3A_211 : i32
        %multiple_of3A_213 = tpu.assume_multiple %mul3A_212, 8 : i32
        %dma_start3A_214 = arith.constant 0 : i32
        %dma_start3A_215 = tpu.memref_slice %arg8[%select_n3A_178, %multiple_of3A_213, %dma_start3A_214] : memref<77x1024x512xf32, #tpu.memory_space<hbm>> -> memref<1x16x512xf32, #tpu.memory_space<hbm>>
        %dma_start3A_216 = arith.constant 0 : i32
        %dma_start3A_217 = tpu.memref_slice %arg8[%select_n3A_178, %multiple_of3A_213, %dma_start3A_216] : memref<77x1024x512xf32, #tpu.memory_space<hbm>> -> memref<1x16x512xf32, #tpu.memory_space<hbm>>
        tpu.enqueue_dma source(%arg19 : memref<1x16x512xf32, #tpu.memory_space<vmem>>) target(%dma_start3A_217 : memref<1x16x512xf32, #tpu.memory_space<hbm>>) target_semaphore(%arg23 : memref<!tpu.dma_semaphore, #tpu.memory_space<semaphore_mem>>)
        %mul3A_218 = arith.constant 4 : i32
        %mul3A_219 = arith.muli %mul3A_218, %add3A_144 : i32
        %add3A_220 = arith.constant 2 : i32
        %add3A_221 = arith.addi %mul3A_219, %add3A_220 : i32
        %mul3A_222 = arith.constant 16 : i32
        %mul3A_223 = arith.muli %add3A_221, %mul3A_222 : i32
        %multiple_of3A_224 = tpu.assume_multiple %mul3A_223, 8 : i32
        %dma_start3A_225 = arith.constant 0 : i32
        %dma_start3A_226 = tpu.memref_slice %arg8[%select_n3A_178, %multiple_of3A_224, %dma_start3A_225] : memref<77x1024x512xf32, #tpu.memory_space<hbm>> -> memref<1x16x512xf32, #tpu.memory_space<hbm>>
        %dma_start3A_227 = arith.constant 0 : i32
        %dma_start3A_228 = tpu.memref_slice %arg8[%select_n3A_178, %multiple_of3A_224, %dma_start3A_227] : memref<77x1024x512xf32, #tpu.memory_space<hbm>> -> memref<1x16x512xf32, #tpu.memory_space<hbm>>
        tpu.enqueue_dma source(%arg19 : memref<1x16x512xf32, #tpu.memory_space<vmem>>) target(%dma_start3A_228 : memref<1x16x512xf32, #tpu.memory_space<hbm>>) target_semaphore(%arg23 : memref<!tpu.dma_semaphore, #tpu.memory_space<semaphore_mem>>)
        %mul3A_229 = arith.constant 4 : i32
        %mul3A_230 = arith.muli %mul3A_229, %add3A_144 : i32
        %add3A_231 = arith.constant 3 : i32
        %add3A_232 = arith.addi %mul3A_230, %add3A_231 : i32
        %mul3A_233 = arith.constant 16 : i32
        %mul3A_234 = arith.muli %add3A_232, %mul3A_233 : i32
        %multiple_of3A_235 = tpu.assume_multiple %mul3A_234, 8 : i32
        %dma_start3A_236 = arith.constant 0 : i32
        %dma_start3A_237 = tpu.memref_slice %arg8[%select_n3A_178, %multiple_of3A_235, %dma_start3A_236] : memref<77x1024x512xf32, #tpu.memory_space<hbm>> -> memref<1x16x512xf32, #tpu.memory_space<hbm>>
        %dma_start3A_238 = arith.constant 0 : i32
        %dma_start3A_239 = tpu.memref_slice %arg8[%select_n3A_178, %multiple_of3A_235, %dma_start3A_238] : memref<77x1024x512xf32, #tpu.memory_space<hbm>> -> memref<1x16x512xf32, #tpu.memory_space<hbm>>
        tpu.enqueue_dma source(%arg19 : memref<1x16x512xf32, #tpu.memory_space<vmem>>) target(%dma_start3A_239 : memref<1x16x512xf32, #tpu.memory_space<hbm>>) target_semaphore(%arg23 : memref<!tpu.dma_semaphore, #tpu.memory_space<semaphore_mem>>)
      } else {
      }
      %add3A_184 = arith.constant 32 : i32
      %add3A_185 = arith.addi %add3A, %add3A_184 : i32
      %lt3A_186 = arith.constant 6 : i32
      %lt3A_187 = arith.cmpi slt, %add3A_185, %lt3A_186 : i32
      %add3A_188 = arith.constant 16 : i32
      %add3A_189 = arith.addi %add3A_188, %add3A_185 : i32
      %select_n3A_190 = arith.select %lt3A_187, %add3A_185, %add3A_189 : i32
      %lt3A_191 = arith.constant 61 : i32
      %lt3A_192 = arith.cmpi slt, %add3A_185, %lt3A_191 : i32
      %convert_element_type3A_193 = arith.extui %lt3A_192 : i1 to i32
      %cond3A_194 = arith.constant 0 : i32
      %cond3A_195 = arith.cmpi ne, %convert_element_type3A_193, %cond3A_194 : i32
      scf.if %cond3A_195 {
        %mul3A_196 = arith.constant 4 : i32
        %mul3A_197 = arith.muli %mul3A_196, %add3A_144 : i32
        %add3A_198 = arith.constant 0 : i32
        %add3A_199 = arith.addi %mul3A_197, %add3A_198 : i32
        %mul3A_200 = arith.constant 16 : i32
        %mul3A_201 = arith.muli %add3A_199, %mul3A_200 : i32
        %multiple_of3A_202 = tpu.assume_multiple %mul3A_201, 8 : i32
        %dma_start3A_203 = arith.constant 0 : i32
        %dma_start3A_204 = tpu.memref_slice %arg8[%select_n3A_190, %multiple_of3A_202, %dma_start3A_203] : memref<77x1024x512xf32, #tpu.memory_space<hbm>> -> memref<1x16x512xf32, #tpu.memory_space<hbm>>
        %dma_start3A_205 = arith.constant 0 : i32
        %dma_start3A_206 = tpu.memref_slice %arg8[%select_n3A_190, %multiple_of3A_202, %dma_start3A_205] : memref<77x1024x512xf32, #tpu.memory_space<hbm>> -> memref<1x16x512xf32, #tpu.memory_space<hbm>>
        tpu.enqueue_dma source(%arg20 : memref<1x16x512xf32, #tpu.memory_space<vmem>>) target(%dma_start3A_206 : memref<1x16x512xf32, #tpu.memory_space<hbm>>) target_semaphore(%arg23 : memref<!tpu.dma_semaphore, #tpu.memory_space<semaphore_mem>>)
        %mul3A_207 = arith.constant 4 : i32
        %mul3A_208 = arith.muli %mul3A_207, %add3A_144 : i32
        %add3A_209 = arith.constant 1 : i32
        %add3A_210 = arith.addi %mul3A_208, %add3A_209 : i32
        %mul3A_211 = arith.constant 16 : i32
        %mul3A_212 = arith.muli %add3A_210, %mul3A_211 : i32
        %multiple_of3A_213 = tpu.assume_multiple %mul3A_212, 8 : i32
        %dma_start3A_214 = arith.constant 0 : i32
        %dma_start3A_215 = tpu.memref_slice %arg8[%select_n3A_190, %multiple_of3A_213, %dma_start3A_214] : memref<77x1024x512xf32, #tpu.memory_space<hbm>> -> memref<1x16x512xf32, #tpu.memory_space<hbm>>
        %dma_start3A_216 = arith.constant 0 : i32
        %dma_start3A_217 = tpu.memref_slice %arg8[%select_n3A_190, %multiple_of3A_213, %dma_start3A_216] : memref<77x1024x512xf32, #tpu.memory_space<hbm>> -> memref<1x16x512xf32, #tpu.memory_space<hbm>>
        tpu.enqueue_dma source(%arg20 : memref<1x16x512xf32, #tpu.memory_space<vmem>>) target(%dma_start3A_217 : memref<1x16x512xf32, #tpu.memory_space<hbm>>) target_semaphore(%arg23 : memref<!tpu.dma_semaphore, #tpu.memory_space<semaphore_mem>>)
        %mul3A_218 = arith.constant 4 : i32
        %mul3A_219 = arith.muli %mul3A_218, %add3A_144 : i32
        %add3A_220 = arith.constant 2 : i32
        %add3A_221 = arith.addi %mul3A_219, %add3A_220 : i32
        %mul3A_222 = arith.constant 16 : i32
        %mul3A_223 = arith.muli %add3A_221, %mul3A_222 : i32
        %multiple_of3A_224 = tpu.assume_multiple %mul3A_223, 8 : i32
        %dma_start3A_225 = arith.constant 0 : i32
        %dma_start3A_226 = tpu.memref_slice %arg8[%select_n3A_190, %multiple_of3A_224, %dma_start3A_225] : memref<77x1024x512xf32, #tpu.memory_space<hbm>> -> memref<1x16x512xf32, #tpu.memory_space<hbm>>
        %dma_start3A_227 = arith.constant 0 : i32
        %dma_start3A_228 = tpu.memref_slice %arg8[%select_n3A_190, %multiple_of3A_224, %dma_start3A_227] : memref<77x1024x512xf32, #tpu.memory_space<hbm>> -> memref<1x16x512xf32, #tpu.memory_space<hbm>>
        tpu.enqueue_dma source(%arg20 : memref<1x16x512xf32, #tpu.memory_space<vmem>>) target(%dma_start3A_228 : memref<1x16x512xf32, #tpu.memory_space<hbm>>) target_semaphore(%arg23 : memref<!tpu.dma_semaphore, #tpu.memory_space<semaphore_mem>>)
        %mul3A_229 = arith.constant 4 : i32
        %mul3A_230 = arith.muli %mul3A_229, %add3A_144 : i32
        %add3A_231 = arith.constant 3 : i32
        %add3A_232 = arith.addi %mul3A_230, %add3A_231 : i32
        %mul3A_233 = arith.constant 16 : i32
        %mul3A_234 = arith.muli %add3A_232, %mul3A_233 : i32
        %multiple_of3A_235 = tpu.assume_multiple %mul3A_234, 8 : i32
        %dma_start3A_236 = arith.constant 0 : i32
        %dma_start3A_237 = tpu.memref_slice %arg8[%select_n3A_190, %multiple_of3A_235, %dma_start3A_236] : memref<77x1024x512xf32, #tpu.memory_space<hbm>> -> memref<1x16x512xf32, #tpu.memory_space<hbm>>
        %dma_start3A_238 = arith.constant 0 : i32
        %dma_start3A_239 = tpu.memref_slice %arg8[%select_n3A_190, %multiple_of3A_235, %dma_start3A_238] : memref<77x1024x512xf32, #tpu.memory_space<hbm>> -> memref<1x16x512xf32, #tpu.memory_space<hbm>>
        tpu.enqueue_dma source(%arg20 : memref<1x16x512xf32, #tpu.memory_space<vmem>>) target(%dma_start3A_239 : memref<1x16x512xf32, #tpu.memory_space<hbm>>) target_semaphore(%arg23 : memref<!tpu.dma_semaphore, #tpu.memory_space<semaphore_mem>>)
      } else {
      }
    }
    %scan3A_45 = arith.constant 8 : i32
    %multiple_of3A_46 = tpu.assume_multiple %mul3A_2, 8 : i32
    %dma_wait3A = arith.constant 6 : i32
    %dma_wait3A_47 = arith.constant 0 : i32
    %dma_wait3A_48 = tpu.memref_slice %arg8[%dma_wait3A, %multiple_of3A_46, %dma_wait3A_47] : memref<77x1024x512xf32, #tpu.memory_space<hbm>> -> memref<1x32x512xf32, #tpu.memory_space<hbm>>
    %dma_wait3A_49 = arith.constant 6 : i32
    %dma_wait3A_50 = arith.constant 0 : i32
    %dma_wait3A_51 = tpu.memref_slice %arg8[%dma_wait3A_49, %multiple_of3A_46, %dma_wait3A_50] : memref<77x1024x512xf32, #tpu.memory_space<hbm>> -> memref<1x32x512xf32, #tpu.memory_space<hbm>>
    tpu.wait_dma2 semaphore(%arg22 : memref<!tpu.dma_semaphore, #tpu.memory_space<semaphore_mem>>) src(%arg16 : memref<1x32x512xf32, #tpu.memory_space<vmem>>) dst(%dma_wait3A_51 : memref<1x32x512xf32, #tpu.memory_space<hbm>>)
    %multiple_of3A_52 = tpu.assume_multiple %mul3A_2, 8 : i32
    %dma_wait3A_53 = arith.constant 6 : i32
    %dma_wait3A_54 = arith.constant 0 : i32
    %dma_wait3A_55 = tpu.memref_slice %arg8[%dma_wait3A_53, %multiple_of3A_52, %dma_wait3A_54] : memref<77x1024x512xf32, #tpu.memory_space<hbm>> -> memref<1x32x512xf32, #tpu.memory_space<hbm>>
    %dma_wait3A_56 = arith.constant 6 : i32
    %dma_wait3A_57 = arith.constant 0 : i32
    %dma_wait3A_58 = tpu.memref_slice %arg8[%dma_wait3A_56, %multiple_of3A_52, %dma_wait3A_57] : memref<77x1024x512xf32, #tpu.memory_space<hbm>> -> memref<1x32x512xf32, #tpu.memory_space<hbm>>
    tpu.wait_dma2 semaphore(%arg22 : memref<!tpu.dma_semaphore, #tpu.memory_space<semaphore_mem>>) src(%arg16 : memref<1x32x512xf32, #tpu.memory_space<vmem>>) dst(%dma_wait3A_58 : memref<1x32x512xf32, #tpu.memory_space<hbm>>)
    %add3A_59 = arith.constant 0 : i32
    %add3A_60 = arith.addi %add3A, %add3A_59 : i32
    %lt3A_61 = arith.constant 61 : i32
    %lt3A_62 = arith.cmpi slt, %add3A_60, %lt3A_61 : i32
    %convert_element_type3A_63 = arith.extui %lt3A_62 : i1 to i32
    %cond3A_64 = arith.constant 0 : i32
    %cond3A_65 = arith.cmpi ne, %convert_element_type3A_63, %cond3A_64 : i32
    scf.if %cond3A_65 {
      %scan3A_73 = arith.constant 0 : i32
      %scan3A_74 = arith.constant 64 : i32
      %scan3A_75 = arith.addi %scan3A_73, %scan3A_74 : i32
      %scan3A_76 = arith.constant 1 : i32
      scf.for %scan3A_78 = %scan3A_73 to %scan3A_75 step %scan3A_76  : i32 {
        %mul3A_79 = arith.constant 1 : i32
        %mul3A_80 = arith.muli %scan3A_78, %mul3A_79 : i32
        %add3A_81 = arith.constant 0 : i32
        %add3A_82 = arith.addi %add3A_81, %mul3A_80 : i32
        %dma_wait3A_83 = arith.constant 0 : i32
        %dma_wait3A_84 = arith.constant 0 : i32
        %dma_wait3A_85 = arith.constant 0 : i32
        %dma_wait3A_86 = tpu.memref_slice %arg8[%dma_wait3A_83, %dma_wait3A_84, %dma_wait3A_85] : memref<77x1024x512xf32, #tpu.memory_space<hbm>> -> memref<1x16x512xf32, #tpu.memory_space<hbm>>
        %dma_wait3A_87 = arith.constant 0 : i32
        %dma_wait3A_88 = arith.constant 0 : i32
        %dma_wait3A_89 = arith.constant 0 : i32
        %dma_wait3A_90 = tpu.memref_slice %arg8[%dma_wait3A_87, %dma_wait3A_88, %dma_wait3A_89] : memref<77x1024x512xf32, #tpu.memory_space<hbm>> -> memref<1x16x512xf32, #tpu.memory_space<hbm>>
        tpu.wait_dma2 semaphore(%arg23 : memref<!tpu.dma_semaphore, #tpu.memory_space<semaphore_mem>>) src(%arg19 : memref<1x16x512xf32, #tpu.memory_space<vmem>>) dst(%dma_wait3A_90 : memref<1x16x512xf32, #tpu.memory_space<hbm>>)
      }
      %scan3A_77 = arith.constant 64 : i32
    } else {
    }
    %add3A_66 = arith.constant 32 : i32
    %add3A_67 = arith.addi %add3A, %add3A_66 : i32
    %lt3A_68 = arith.constant 61 : i32
    %lt3A_69 = arith.cmpi slt, %add3A_67, %lt3A_68 : i32
    %convert_element_type3A_70 = arith.extui %lt3A_69 : i1 to i32
    %cond3A_71 = arith.constant 0 : i32
    %cond3A_72 = arith.cmpi ne, %convert_element_type3A_70, %cond3A_71 : i32
    scf.if %cond3A_72 {
      %scan3A_73 = arith.constant 0 : i32
      %scan3A_74 = arith.constant 64 : i32
      %scan3A_75 = arith.addi %scan3A_73, %scan3A_74 : i32
      %scan3A_76 = arith.constant 1 : i32
      scf.for %scan3A_78 = %scan3A_73 to %scan3A_75 step %scan3A_76  : i32 {
        %mul3A_79 = arith.constant 1 : i32
        %mul3A_80 = arith.muli %scan3A_78, %mul3A_79 : i32
        %add3A_81 = arith.constant 0 : i32
        %add3A_82 = arith.addi %add3A_81, %mul3A_80 : i32
        %dma_wait3A_83 = arith.constant 0 : i32
        %dma_wait3A_84 = arith.constant 0 : i32
        %dma_wait3A_85 = arith.constant 0 : i32
        %dma_wait3A_86 = tpu.memref_slice %arg8[%dma_wait3A_83, %dma_wait3A_84, %dma_wait3A_85] : memref<77x1024x512xf32, #tpu.memory_space<hbm>> -> memref<1x16x512xf32, #tpu.memory_space<hbm>>
        %dma_wait3A_87 = arith.constant 0 : i32
        %dma_wait3A_88 = arith.constant 0 : i32
        %dma_wait3A_89 = arith.constant 0 : i32
        %dma_wait3A_90 = tpu.memref_slice %arg8[%dma_wait3A_87, %dma_wait3A_88, %dma_wait3A_89] : memref<77x1024x512xf32, #tpu.memory_space<hbm>> -> memref<1x16x512xf32, #tpu.memory_space<hbm>>
        tpu.wait_dma2 semaphore(%arg23 : memref<!tpu.dma_semaphore, #tpu.memory_space<semaphore_mem>>) src(%arg20 : memref<1x16x512xf32, #tpu.memory_space<vmem>>) dst(%dma_wait3A_90 : memref<1x16x512xf32, #tpu.memory_space<hbm>>)
      }
      %scan3A_77 = arith.constant 64 : i32
    } else {
    }
    return
  }
}

</mosaic_0001>

<sc_bundles>
// kernel: kernel.3.cloned.1.call-start
scs
__scs_entry_jumppad:
0x0: {  	(pc) =	sbr.rel $0x88, $3  }
0x1: {  	(tag) =	ssettag $0x0;
	lr =	simm.s32 $0x1  }
0x2: {  	[smem:$0x3F9C] =	sst lr;
	_ =	strace $0xD0000000  }
0x3: {  	_ = 	snop  }
0x4: {  	_ = 	snop  }
0x5: {  	_ = 	snop  }
0x6: {  	_ = 	snop  }
0x7: {  	_ = 	snop  }
__scs_overlays_trampoline_lowered:
0x8: {  	[smem:$0x3FAB] =	sst s0  }
0x9: {  	[smem:$0x3FAC] =	sst s1  }
0xa: {  	[smem:$0x3FAD] =	sst s2  }
0xb: {  	[smem:$0x3FAE] =	sst s3  }
0xc: {  	[smem:$0x3FAF] =	sst s4  }
0xd: {  	[smem:$0x3FB0] =	sst s5  }
0xe: {  	[smem:$0x3FB1] =	sst s6  }
0xf: {  	[smem:$0x3FB2] =	sst s7  }
0x10: {  	[smem:$0x3FB3] =	sst s8  }
0x11: {  	[smem:$0x3FB4] =	sst s9;
	s0 =	simm.s32 @!p0 $0x0  }
0x12: {  	s1 =	sld [smem:$0x3F9A];
	s0 =	simm.s32 @p0 $0x1  }
0x13: {  	[smem:$0x3FB5] =	sst s0;
	s0 =	simm.s32 @!p1 $0x0  }
0x14: {  	s2 =	sld [smem:$0x3F99];
	s0 =	simm.s32 @p1 $0x1  }
0x15: {  	[smem:$0x3FB6] =	sst s0;
	s0 =	simm.s32 @!p2 $0x0  }
0x16: {  	s3 =	sld [smem:$0x3FDB];
	s0 =	simm.s32 @p2 $0x1  }
0x17: {  	s4 =	simm.s32 $0x1BF5;
	[smem:$0x3FB8] =	sst s0  }
0x18: {  	s0 =	sld [smem:$0x3F9B];
	_ =	swait.ge [sflag:s4], $0x0  }
0x19: {  	s7 =	sld [smem:$0x3F9C]  }
0x1a: {  	s8 =	sadd.s32 $0xFFFFE003, lr  }
0x1b: {  	s9 =	sadd.s32 $0xFFFFFEF7, lr;
	s5 =	simm.s32 $0xFFFFFFFF;
	p2 =	slt.u32 s8, $0xFFFFF086  }
0x1c: {  	p1 =	slt.u32 s9, $0xF7A;
	s5 =	simm.s32 @!p2 $0x0  }
0x1d: {  	s5 =	simm.s32 @p1 $0x1;
	p0 =	seq.s32 s7, s2  }
0x1e: {  	s7 =	smul.u32 @!p0 $0xF7A, s2;
	p2 =	seq.s32 @!p0 s5, $0x0  }
0x1f: {  	s9 =	smul.u32 $0xF7A, s1;
	s8 =	simm.s32 @!p0 $0x1BF5;
	p2 =	por !p2, p0  }
0x20: {  	[sflag:s8] =	ssyncset.s32 @!p0 $0xFFFFF086;
	s6 =	sadd.s32 @!p0 s3, s7;
	s7 =	simm.s32 @!p0 $0x108  }
0x21: {  	s3 =	sadd.s32 s3, s9;
	s6 =	sadd.s32 @!p0 $0x88, s6;
	s7 =	simm.s32 @p2 $0x1082  }
0x22: {  	[simem:s7], [sflag:s8] =	dma.local @!p0 [hbm:s6], $0xF7A  }
0x23: {  	s9 =	sor.u32 $0xD0000000, s2;
	s6 =	simm.s32 $0x108;
	_ =	swait.ge @!p0 [sflag:s8], $0x0  }
0x24: {  	s3 =	sadd.s32 $0x88, s3;
	s6 =	simm.s32 @!p1 $0x1082;
	[sflag:s4] =	ssyncset.s32 $0xFFFFF086  }
0x25: {  	[simem:s6], [sflag:s4] =	dma.local [hbm:s3], $0xF7A  }
0x26: {  	[smem:$0x3F9C] =	sst s1;
	(tag) =	ssettag s2;
	_ =	strace s9  }
0x27: {  	s1 =	sld [smem:$0x3FAC]  }
0x28: {  	s2 =	sld [smem:$0x3FAD]  }
0x29: {  	s4 =	sld [smem:$0x3FAF]  }
0x2a: {  	p0 =	seq.s32 s5, $0x0;
	s5 =	sld [smem:$0x3FB0]  }
0x2b: {  	s6 =	sld [smem:$0x3FB1]  }
0x2c: {  	s7 =	sld [smem:$0x3FB2]  }
0x2d: {  	s3 =	simm.s32 $0x108;
	s8 =	sld [smem:$0x3FB3]  }
0x2e: {  	s3 =	simm.s32 @!p0 $0x1082;
	s9 =	sld [smem:$0x3FB4]  }
0x2f: {  	lr =	sadd.s32 s0, s3;
	s0 =	sld [smem:$0x3FAB]  }
0x30: {  	s3 =	sld [smem:$0x3FAE]  }
0x31: {  	[smem:$0x3FB7] =	sst s10  }
0x32: {  	s10 =	sld [smem:$0x3FB5];
	_ =	sdelay $0x3  }
0x33: {  	p0 =	seq.s32 s10, $0x1;
	s10 =	sld [smem:$0x3FB7];
	_ =	sdelay $0x3  }
0x34: {  	[smem:$0x3FB7] =	sst s10  }
0x35: {  	s10 =	sld [smem:$0x3FB6];
	_ =	sdelay $0x3  }
0x36: {  	p1 =	seq.s32 s10, $0x1;
	s10 =	sld [smem:$0x3FB7];
	_ =	sdelay $0x3  }
0x37: {  	[smem:$0x3FB7] =	sst s10  }
0x38: {  	s10 =	sld [smem:$0x3FB8]  }
0x39: {  	_ = 	snop;
	(pc) =	sbr.ind lr, $3  }
0x3a: {  	_ = 	snop  }
0x3b: {  	_ = 	snop  }
0x3c: {  	p2 =	seq.s32 s10, $0x1;
	s10 =	sld [smem:$0x3FB7]  }
0x3d: {  	_ =	shalt  }
0x3e: {  	_ =	shalt  }
0x3f: {  	_ =	shalt  }
0x40: {  	_ =	shalt  }
0x41: {  	_ =	shalt  }
0x42: {  	_ =	shalt  }
0x43: {  	_ =	shalt  }
0x44: {  	_ =	shalt  }
0x45: {  	_ =	shalt  }
0x46: {  	_ =	shalt  }
0x47: {  	_ =	shalt  }
0x48: {  	_ =	shalt  }
0x49: {  	_ =	shalt  }
0x4a: {  	_ =	shalt  }
0x4b: {  	_ =	shalt  }
0x4c: {  	_ =	shalt  }
0x4d: {  	_ =	shalt  }
0x4e: {  	_ =	shalt  }
0x4f: {  	_ =	shalt  }
0x50: {  	_ =	shalt  }
0x51: {  	_ =	shalt  }
0x52: {  	_ =	shalt  }
0x53: {  	_ =	shalt  }
0x54: {  	_ =	shalt  }
0x55: {  	_ =	shalt  }
0x56: {  	_ =	shalt  }
0x57: {  	_ =	shalt  }
0x58: {  	_ =	shalt  }
0x59: {  	_ =	shalt  }
0x5a: {  	_ =	shalt  }
0x5b: {  	_ =	shalt  }
0x5c: {  	_ =	shalt  }
0x5d: {  	_ =	shalt  }
0x5e: {  	_ =	shalt  }
0x5f: {  	_ =	shalt  }
0x60: {  	_ =	shalt  }
0x61: {  	_ =	shalt  }
0x62: {  	_ =	shalt  }
0x63: {  	_ =	shalt  }
0x64: {  	_ =	shalt  }
0x65: {  	_ =	shalt  }
0x66: {  	_ =	shalt  }
0x67: {  	_ =	shalt  }
0x68: {  	_ =	shalt  }
0x69: {  	_ =	shalt  }
0x6a: {  	_ =	shalt  }
0x6b: {  	_ =	shalt  }
0x6c: {  	_ =	shalt  }
0x6d: {  	_ =	shalt  }
0x6e: {  	_ =	shalt  }
0x6f: {  	_ =	shalt  }
0x70: {  	_ =	shalt  }
0x71: {  	_ =	shalt  }
0x72: {  	_ =	shalt  }
0x73: {  	_ =	shalt  }
0x74: {  	_ =	shalt  }
0x75: {  	_ =	shalt  }
0x76: {  	_ =	shalt  }
0x77: {  	_ =	shalt  }
0x78: {  	_ =	shalt  }
0x79: {  	_ =	shalt  }
0x7a: {  	_ =	shalt  }
0x7b: {  	_ =	shalt  }
0x7c: {  	_ =	shalt  }
0x7d: {  	_ =	shalt  }
0x7e: {  	_ =	shalt  }
0x7f: {  	_ =	shalt  }
0x80: {  	_ =	shalt  }
0x81: {  	_ =	shalt  }
0x82: {  	_ =	shalt  }
0x83: {  	_ =	shalt  }
0x84: {  	_ =	shalt  }
0x85: {  	_ =	shalt  }
0x86: {  	_ =	shalt  }
0x87: {  	_ =	shalt  }
.Lfunc_end0:
.L_simem_size_0:
called_computation_lowered:
.L_overlay_start_0:
0x88: {  	s2 =	sld [smem:$0x3FD9]  }
0x89: {  	s3 =	sld [smem:$0x3FFE];
	_ =	sdelay $0x1  }
0x8a: {  	s1 =	srdreg.scid  }
0x8b: {  	s0 =	sand.u32 $0x1, s1  }
0x8c: {  	s17 =	sshll.u32 s0, $0xA;
	s2 =	sadd.s32 s3, s2  }
0x8d: {  	s2 =	sadd.s32 s2, s17  }
0x8e: {  	[smem:$0x3FC3] =	sst s2  }
0x8f: {  	_ = 	snop  }
0x90: {  	s2 =	sld [smem:$0x3FC8]  }
0x91: {  	s18 =	sld [smem:$0x3FC5]  }
0x92: {  	s4 =	sld [smem:$0x3FD0];
	(tm) =	ssettm $0x1  }
0x93: {  	s5 =	sld [smem:$0x3FFB];
	_ =	sdelay $0x3  }
0x94: {  	_ =	strace s5  }
0x95: {  	s5 =	sld [smem:$0x3FFC];
	_ =	sdelay $0x3  }
0x96: {  	_ =	strace s5  }
0x97: {  	s5 =	sld [smem:$0x3FFD];
	_ =	sdelay $0x3  }
0x98: {  	_ =	strace s5  }
0x99: {  	_ =	strace $0x8FFFFFFF  }
0x9a: {  	s19 =	sld [smem:$0x3FDB];
	_ =	sdelay $0x1  }
0x9b: {  	s6 =	simm.s32 $_scs_section_size  }
0x9c: {  	s7 =	simm.s32 $_size__tile_overlayer_lowered;
	s8 =	simm.s32 $_tile_overlayer_lowered  }
0x9d: {  	s22 =	simm.s32 $0x1BFF;
	s21 =	sshll.u32 s8, $0x1;
	s5 =	sadd.s32 s6, s19  }
0x9e: {  	s9 =	simm.s32 $0x0;
	s20 =	sshll.u32 s7, $0x1;
	s7 =	sadd.s32 s21, s5  }
0x9f: {  	[timem:s9], [sflag:s22] =	dma.local [hbm:s7], s20  }
0xa0: {  	_ =	swait.ge [sflag:s22], s20  }
0xa1: {  	s6 =	ssub.s32 $0x0, s20;
	[sflag:s22] =	ssyncset.done $0x0  }
0xa2: {  	[sflag:s22] =	ssyncadd.s32 s6;
	_ =	sdelay $0x1  }
0xa3: {  	s23 =	simm.s32 $0x1B8B  }
0xa4: {  	_ =	swait.ge [sflag:s23], $0x1  }
0xa5: {  	[sflag:s23] =	ssyncset.done $0x0  }
0xa6: {  	s25 =	simm.s32 $0x1B8E;
	s24 =	sld [smem:$0x3FFE];
	[sflag:s23] =	ssyncadd.s32 $0xFFFFFFFF  }
0xa7: {  	s26 =	simm.s32 $execute0_lowered;
	[smem:$0x3FD2] =	sst s25  }
0xa8: {  	s7 =	sshll.u32 s26, $0x1;
	_ =	strace $0x80000046;
	[dreg:$0x1] =	wrdreg $0xFFFFFFFF  }
0xa9: {  	s28 =	simm.s32 $_size_execute0_lowered;
	s5 =	sadd.s32 s5, s7;
	[dreg:$0x0] =	wrdreg $0x0  }
0xaa: {  	s7 =	sshll.u32 s28, $0x1;
	[dreg:$0x2] =	wrdreg s5  }
0xab: {  	[dreg:$0x3] =	wrdreg s7  }
0xac: {  	[dreg:$0x4] =	wrdreg $0xC0  }
0xad: {  	_ =	task [dreg:s9], $0x5FFFF  }
0xae: {  	[dreg:$0x1] =	wrdreg $0xFFFFFFFF  }
0xaf: {  	[dreg:$0x0] =	wrdreg $0x60  }
0xb0: {  	[dreg:$0x2] =	wrdreg s24  }
0xb1: {  	[dreg:$0x3] =	wrdreg s2  }
0xb2: {  	[dreg:$0x4] =	wrdreg s18  }
0xb3: {  	[dreg:$0x5] =	wrdreg s4  }
0xb4: {  	[dreg:$0x6] =	wrdreg $0x9  }
0xb5: {  	_ =	task.clear_ibuf [dreg:s9], $0x7FFFF;
	_ =	strace $0x90000046  }
0xb6: {  	s29 =	simm.s32 $0x9;
	_ =	strace $0x80000048  }
0xb7: {  	_ =	swait.ge [sflag:s29], $0x1  }
0xb8: {  	[sflag:s29] =	ssyncadd.s32 $0xFFFFFFFF  }
0xb9: {  	_ =	strace $0x90000048  }
0xba: {  	_ =	sfence  }
0xbb: {  	s30 =	sld [smem:$0x0];
	_ =	sdelay $0x2  }
0xbc: {  	s31 =	sshll.u32 s1, $0xD;
	s1 =	sshrl.u32 s1, $0x2  }
0xbd: {  	s3 =	sand.u32 $0x4000, s31;
	s1 =	sadd.s32 s1, s30  }
0xbe: {  	s0 =	sor.u32 s3, s0;
	s1 =	sshll.u32 s1, $0x11  }
0xbf: {  	s0 =	sor.u32 s1, s0  }
0xc0: {  	s0 =	sadd.s32 $0x8F2B, s0  }
0xc1: {  	[sflag:s0] =	ssyncadd.remote.s32 $0x1  }
0xc2: {  	_ =	sfence.sel $0xFFFF  }
0xc3: {  	[dreg:$0x0] =	wrdreg $0xFFFFFFFF;
	(pc) =	sbr.abs _section_cstart, $3  }
0xc4: {  	[dreg:$0x1] =	wrdreg $0xFFFFFFFF  }
0xc5: {  	_ =	task.clear_ibuf [dreg:s9], $0x2FFFF;
	_ =	strace $0x9FFFFFFF  }
0xc6: {  	(tm) =	ssettm $0x7FFFFFFF  }
0xc7: {  	_ =	shalt  }
tec
execute0_lowered:
.L_overlay_start_1:
0x0: {  	(tag) =	ssettag $0x1  }
0x1: {  	s0 =	rddreg [dreg:$0x0]  }
0x2: {  	s1 =	rddreg [dreg:$0x1]  }
0x3: {  	s4 =	rddreg [dreg:$0x3]  }
0x4: {  	s5 =	simm.s32 $0x0;
	s2 =	srdreg.scid;
	s8 =	stileid.u32  }
0x5: {  	s10 =	simm.s32 $0x7400;
	s17 =	simm.s32 $0x7C00;
	s18 =	simm.s32 $0x8400  }
0x6: {  	[smem:$0x7FF] =	sst s5;
	s2 =	sand.u32 $0x1, s2;
	s3 =	sshll.u32 s8, $0x1  }
0x7: {  	s6 =	sadd.s32 $0x800, s0;
	s7 =	sadd.s32 $0xA00, s0;
	p0 =	slt.u32 s8, $0x3  }
0x8: {  	s9 =	sadd.s32 $0x100, s1;
	_ =	strace $0x80000047;
	[dreg:$0x5] =	wrdreg s6  }
0x9: {  	s29 =	sadd.s32 $0x880, s0;
	s30 =	sadd.s32 $0x900, s0;
	[dreg:$0x6] =	wrdreg s7  }
0xa: {  	s3 =	sor.u32 s2, s3;
	s2 =	ssub.s32 $0x2, s2;
	[dreg:$0x9] =	wrdreg s29  }
0xb: {  	[dreg:$0xa] =	wrdreg s30;
	s19 =	sshll.u32 s3, $0x2;
	s20 =	sshrl.u32 s2, $0x1  }
0xc: {  	s7 =	sadd.s32 $0x2, s3;
	s23 =	sadd.s32 $0x22, s3;
	s28 =	sshll.u32 s3, $0xE  }
0xd: {  	v0 =	vimm.s32 $0xFEDCBA98;
	s6 =	sadd.s32 s19, s0;
	s2 =	ssub.s32 s2, s20;
	s7 =	smov.u32 @p0 s3  }
0xe: {  	v1 =	vimm.s32 $0x76543210;
	v0 =	vunpack.c.l.s4.s8 v0;
	s24 =	sshll.u32 s23, $0x9;
	s8 =	sshll.u32 s23, $0x7;
	s13 =	sor.u32 $0x300000, s28  }
0xf: {  	v2 =	vimm.s32 $0xBA98FEDC;
	v1 =	vunpack.c.l.s4.s8 v1;
	s16 =	sor.u32 $0x380000, s28;
	s0 =	sadd.s32 $0x980, s0;
	s19 =	simm.s32 $0x18400  }
0x10: {  	v3 =	vimm.s32 $0x32107654;
	v4 =	vimm.s32 $0xDCFE98BA;
	v0 =	vunpack.c.0.s8.s32 v0;
	s23 =	simm.s32 $0x2;
	s20 =	simm.s32 $0x3;
	s21 =	sadd.s32 $0x600, s6  }
0x11: {  	v5 =	vimm.s32 $0xEFCDAB89;
	v2 =	vunpack.c.l.s4.s8 v2;
	v1 =	vunpack.c.0.s8.s32 v1;
	s6 =	sadd.s32 $0x400, s6;
	s22 =	sshll.u32 s7, $0x9;
	s7 =	sshll.u32 s7, $0x7  }
0x12: {  	v3 =	vunpack.c.l.s4.s8 v3;
	v4 =	vunpack.c.l.s4.s8 v4;
	s25 =	sand.u32 $0xF000, s24;
	s26 =	sand.u32 $0x380, s8;
	[dreg:$0xb] =	wrdreg s0;
	v0 =	vand.u32 $0xF, v0  }
0x13: {  	v2 =	vunpack.c.0.s8.s32 v2;
	s8 =	sshll.u32 s3, $0x13;
	s31 =	smax.u32 s2, $0x1;
	[dreg:$0x7] =	wrdreg s21;
	v0 =	vcombine.low v0, v1;
	v1 =	vimm.s32 $0x54761032  }
0x14: {  	v3 =	vunpack.c.0.s8.s32 v3;
	s2 =	simm.s32 $0x1;
	s24 =	simm.s32 $0xC400;
	[dreg:$0x8] =	wrdreg s6;
	v6 =	vunpack.c.l.s4.s8 v1;
	v1 =	vimm.s32 $0x67452301  }
.Ltmp0:
0x15: {  	v7 =	vlaneseq.u32;
	v5 =	vunpack.c.l.s4.s8 v5;
	s6 =	sand.u32 $0x7000, s22;
	s7 =	sand.u32 $0x380, s7;
	v8 =	vunpack.c.l.s4.s8 v1;
	(pc) =	sbr.rel .LBB2_1-.Ltmp0, $4  }
0x16: {  	s14 =	sadd.s32 $0x800000, s8;
	s15 =	sadd.s32 $0x1800000, s8;
	[dreg:$0xc] =	wrdreg s31;
	v1 =	vcombine.low v3, v2;
	v2 =	vunpack.c.0.s8.s32 v4;
	v4 =	vshrl.u32 v7, $0x3  }
0x17: {  	s6 =	sor.u32 s7, s6;
	s14 =	smov.u32 @p0 s8;
	p0 =	sgt.u32 s3, $0x1C;
	v3 =	vunpack.c.0.s8.s32 v6;
	v6 =	vunpack.c.0.s8.s32 v5;
	v8 =	vunpack.c.0.s8.s32 v8  }
0x18: {  	vm0 =	vmmov $0xffff;
	s7 =	simm.s32 $0x6400;
	s11 =	sor.u32 $0x10400, s6;
	s6 =	sor.u32 s26, s25;
	v4 =	vmul.u32 $0x8, v4;
	v5 =	vor.u32 $0x8, v7  }
0x19: {  	s8 =	simm.s32 $0x6C00;
	s3 =	simm.s32 $0x0;
	s12 =	sor.u32 $0x10400, s6;
	v2 =	vcombine.low v3, v2;
	v3 =	vand.u32 $0x7, v7;
	v6 =	vcombine.low v8, v6  }
.LBB2_23:
0x1a: {  	s3 =	sadd.s32 $0x1, s3;
	s0 =	rddreg [dreg:$0xc]  }
0x1b: {  	p1 =	sne.s32 s3, s0  }
.Ltmp1:
0x1c: {  	_ = 	snop;
	(pc) =	sbr.rel @!p1 .LBB2_24-.Ltmp1, $1  }
0x1d: {  	_ =	sdelay $0x3  }
.LBB2_1:
0x1e: {  	[dreg:$0xd] =	wrdreg s3  }
0x1f: {  	s0 =	rddreg [dreg:$0x7];
	s3 =	simm.s32 $0x4  }
0x20: {  	[tilespmem:s5], [sflag:$0x4] =	stream.linear.gather [hbm4b:s0+s5], $0x20, $0x38;
	[tilespmem:$0x1C400] =	vst v63  }
0x21: {  	_ =	swait.ge [sflag:s3], $0x20  }
0x22: {  	[sflag:s3] =	ssyncset.done $0x0  }
0x23: {  	[sflag:s3] =	ssyncadd.s32 $0xFFFFFFE0  }
0x24: {  	v7 =	vld [tilespmem:$0x0];
	_ =	sdelay $0x4  }
0x25: {  	v8 =	vshll.u32 v7, $0x2  }
0x26: {  	v9 =	vand.u32 $0x7, v7;
	v8 =	vand.u32 $0xFFFFFFE0, v8  }
0x27: {  	v8 =	vor.u32 v9, v8  }
0x28: {  	v9 =	vperm.xlane v8, v3  }
0x29: {  	v10 =	vld [tilespmem:$0x10]  }
0x2a: {  	v9 =	vadd.s32 v4, v9;
	_ =	sdelay $0x1  }
0x2b: {  	v8 =	vperm.xlane v8, v5  }
0x2c: {  	[tilespmem:$0x80] =	vst v7  }
0x2d: {  	s28 =	simm.s32 $0x400;
	[tilespmem:$0x90] =	vst v10;
	v7 =	vadd.s32 v4, v8  }
0x2e: {  	[tilespmem:s28], [sflag:$0x1] =	stream.indirect_vreg.gather [hbm4b:s1+s5], $0x80, v9, vm0, $0xb8;
	[tilespmem:$0x1C400] =	vst v63  }
0x2f: {  	s29 =	simm.s32 $0xC00  }
0x30: {  	[tilespmem:s29], [sflag:$0x1] =	stream.indirect_vreg.gather [hbm4b:s9+s5], $0x80, v9, vm0, $0xb8;
	[tilespmem:$0x1C400] =	vst v63  }
0x31: {  	s30 =	simm.s32 $0x1400  }
0x32: {  	[tilespmem:s30], [sflag:$0x1] =	stream.indirect_vreg.gather [hbm4b:s1+s5], $0x80, v7, vm0, $0xb8;
	[tilespmem:$0x1C400] =	vst v63  }
0x33: {  	s31 =	simm.s32 $0x1C00  }
0x34: {  	[tilespmem:s31], [sflag:$0x1] =	stream.indirect_vreg.gather [hbm4b:s9+s5], $0x80, v7, vm0, $0xb8;
	[tilespmem:$0x1C400] =	vst v63  }
0x35: {  	v7 =	vld [tilespmem:$0x90];
	_ =	sdelay $0x4  }
0x36: {  	v8 =	vshll.u32 v7, $0x2  }
0x37: {  	v7 =	vand.u32 $0x7, v7;
	v8 =	vand.u32 $0xFFFFFFE0, v8  }
0x38: {  	v7 =	vor.u32 v7, v8  }
0x39: {  	v8 =	vperm.xlane v7, v3;
	_ =	sdelay $0x1  }
0x3a: {  	v8 =	vadd.s32 v4, v8;
	_ =	sdelay $0x1  }
0x3b: {  	v7 =	vperm.xlane v7, v5;
	_ =	sdelay $0x1  }
0x3c: {  	s6 =	simm.s32 $0x2400;
	v7 =	vadd.s32 v4, v7  }
0x3d: {  	[tilespmem:s6], [sflag:$0x1] =	stream.indirect_vreg.gather [hbm4b:s1+s5], $0x80, v8, vm0, $0xb8;
	[tilespmem:$0x1C400] =	vst v63  }
0x3e: {  	s21 =	simm.s32 $0x2C00  }
0x3f: {  	[tilespmem:s21], [sflag:$0x1] =	stream.indirect_vreg.gather [hbm4b:s9+s5], $0x80, v8, vm0, $0xb8;
	[tilespmem:$0x1C400] =	vst v63  }
0x40: {  	s22 =	simm.s32 $0x3400  }
0x41: {  	[tilespmem:s22], [sflag:$0x1] =	stream.indirect_vreg.gather [hbm4b:s1+s5], $0x80, v7, vm0, $0xb8;
	[tilespmem:$0x1C400] =	vst v63  }
0x42: {  	s25 =	simm.s32 $0x3C00  }
0x43: {  	[tilespmem:s25], [sflag:$0x1] =	stream.indirect_vreg.gather [hbm4b:s9+s5], $0x80, v7, vm0, $0xb8;
	[tilespmem:$0x1C400] =	vst v63  }
0x44: {  	s26 =	rddreg [dreg:$0x8];
	s6 =	simm.s32 $0x180  }
0x45: {  	[tilespmem:s6], [sflag:$0x4] =	stream.linear.gather [hbm4b:s26+s5], $0x20, $0x38;
	[tilespmem:$0x1C400] =	vst v63  }
0x46: {  	_ =	swait.ge [sflag:s3], $0x20  }
0x47: {  	[sflag:s3] =	ssyncset.done $0x0  }
0x48: {  	[sflag:s3] =	ssyncadd.s32 $0xFFFFFFE0  }
0x49: {  	s29 =	simm.s32 $0x200;
	s28 =	rddreg [dreg:$0x2]  }
0x4a: {  	[tilespmem:s29], [sflag:$0x4] =	stream.linear.gather [hbm4b:s28+s5], $0x200, $0x38;
	[tilespmem:$0x1C400] =	vst v63  }
0x4b: {  	_ =	swait.ge [sflag:s3], $0x200  }
0x4c: {  	[sflag:s3] =	ssyncset.done $0x0  }
0x4d: {  	s31 =	simm.s32 $0x10400;
	s30 =	rddreg [dreg:$0x5];
	[sflag:s3] =	ssyncadd.s32 $0xFFFFFE00  }
0x4e: {  	[tilespmem:s31], [sflag:$0x4] =	stream.linear.gather [hbm4b:s30+s5], $0x300, $0x38;
	[tilespmem:$0x1C400] =	vst v63  }
0x4f: {  	s21 =	simm.s32 $0x10800;
	s6 =	rddreg [dreg:$0x9]  }
0x50: {  	[tilespmem:s21], [sflag:$0x4] =	stream.linear.gather [hbm4b:s6+s5], $0x300, $0x38;
	[tilespmem:$0x1C400] =	vst v63  }
0x51: {  	s25 =	simm.s32 $0x10C00;
	s22 =	rddreg [dreg:$0xa]  }
0x52: {  	[tilespmem:s25], [sflag:$0x4] =	stream.linear.gather [hbm4b:s22+s5], $0x300, $0x38;
	[tilespmem:$0x1C400] =	vst v63  }
0x53: {  	s28 =	simm.s32 $0x11000;
	s26 =	rddreg [dreg:$0xb]  }
0x54: {  	[tilespmem:s28], [sflag:$0x4] =	stream.linear.gather [hbm4b:s26+s5], $0x300, $0x38;
	[tilespmem:$0x1C400] =	vst v63  }
0x55: {  	_ =	swait.ge [sflag:s3], $0xC00  }
0x56: {  	[sflag:s3] =	ssyncset.done $0x0  }
0x57: {  	s30 =	simm.s32 $0x11400;
	s29 =	rddreg [dreg:$0x6];
	[sflag:s3] =	ssyncadd.s32 $0xFFFFF400  }
0x58: {  	[tilespmem:s30], [sflag:$0x4] =	stream.linear.gather [hbm4b:s29+s5], $0x7000, $0x38;
	[tilespmem:$0x1C400] =	vst v63  }
0x59: {  	_ =	swait.ge [sflag:s3], $0x7000  }
0x5a: {  	[sflag:s3] =	ssyncset.done $0x0  }
0x5b: {  	[sflag:s3] =	ssyncadd.s32 $0xFFFF9000  }
0x5c: {  	v7 =	vld [tilespmem:s11+$0x0];
	_ =	sdelay $0x2  }
0x5d: {  	s31 =	sand.u32 $0x1000, s5;
	s21 =	sand.u32 $0x380, s5  }
0x5e: {  	s0 =	sor.u32 s21, s31  }
0x5f: {  	[tilespmem:s0+$0x18400] =	vst v7  }
0x60: {  	v7 =	vld [tilespmem:s11+$0x10];
	_ =	sdelay $0x4  }
0x61: {  	[tilespmem:s0+$0x18410] =	vst v7  }
0x62: {  	v7 =	vld [tilespmem:s11+$0x20];
	_ =	sdelay $0x4  }
0x63: {  	[tilespmem:s0+$0x18420] =	vst v7  }
0x64: {  	v7 =	vld [tilespmem:s11+$0x30];
	_ =	sdelay $0x4  }
0x65: {  	[tilespmem:s0+$0x18430] =	vst v7  }
0x66: {  	v7 =	vld [tilespmem:s11+$0x40];
	_ =	sdelay $0x4  }
0x67: {  	[tilespmem:s0+$0x18440] =	vst v7  }
0x68: {  	v7 =	vld [tilespmem:s11+$0x50];
	_ =	sdelay $0x4  }
0x69: {  	[tilespmem:s0+$0x18450] =	vst v7  }
0x6a: {  	v7 =	vld [tilespmem:s11+$0x60];
	_ =	sdelay $0x4  }
0x6b: {  	[tilespmem:s0+$0x18460] =	vst v7  }
0x6c: {  	v7 =	vld [tilespmem:s11+$0x70];
	_ =	sdelay $0x4  }
0x6d: {  	[tilespmem:s0+$0x18470] =	vst v7  }
0x6e: {  	v7 =	vld [tilespmem:s11+$0x400];
	_ =	sdelay $0x4  }
0x6f: {  	[tilespmem:s0+$0x18800] =	vst v7  }
0x70: {  	v7 =	vld [tilespmem:s11+$0x410];
	_ =	sdelay $0x4  }
0x71: {  	[tilespmem:s0+$0x18810] =	vst v7  }
0x72: {  	v7 =	vld [tilespmem:s11+$0x420];
	_ =	sdelay $0x4  }
0x73: {  	[tilespmem:s0+$0x18820] =	vst v7  }
0x74: {  	v7 =	vld [tilespmem:s11+$0x430];
	_ =	sdelay $0x4  }
0x75: {  	[tilespmem:s0+$0x18830] =	vst v7  }
0x76: {  	v7 =	vld [tilespmem:s11+$0x440];
	_ =	sdelay $0x4  }
0x77: {  	[tilespmem:s0+$0x18840] =	vst v7  }
0x78: {  	v7 =	vld [tilespmem:s11+$0x450];
	_ =	sdelay $0x4  }
0x79: {  	[tilespmem:s0+$0x18850] =	vst v7  }
0x7a: {  	v7 =	vld [tilespmem:s11+$0x460];
	_ =	sdelay $0x4  }
0x7b: {  	[tilespmem:s0+$0x18860] =	vst v7  }
0x7c: {  	v7 =	vld [tilespmem:s11+$0x470];
	_ =	sdelay $0x4  }
0x7d: {  	[tilespmem:s0+$0x18870] =	vst v7  }
0x7e: {  	v7 =	vld [tilespmem:s11+$0x800];
	_ =	sdelay $0x4  }
0x7f: {  	[tilespmem:s0+$0x18C00] =	vst v7  }
0x80: {  	v7 =	vld [tilespmem:s11+$0x810];
	_ =	sdelay $0x4  }
0x81: {  	[tilespmem:s0+$0x18C10] =	vst v7  }
0x82: {  	v7 =	vld [tilespmem:s11+$0x820];
	_ =	sdelay $0x4  }
0x83: {  	[tilespmem:s0+$0x18C20] =	vst v7  }
0x84: {  	v7 =	vld [tilespmem:s11+$0x830];
	_ =	sdelay $0x4  }
0x85: {  	[tilespmem:s0+$0x18C30] =	vst v7  }
0x86: {  	v7 =	vld [tilespmem:s11+$0x840];
	_ =	sdelay $0x4  }
0x87: {  	[tilespmem:s0+$0x18C40] =	vst v7  }
0x88: {  	v7 =	vld [tilespmem:s11+$0x850];
	_ =	sdelay $0x4  }
0x89: {  	[tilespmem:s0+$0x18C50] =	vst v7  }
0x8a: {  	v7 =	vld [tilespmem:s11+$0x860];
	_ =	sdelay $0x4  }
0x8b: {  	[tilespmem:s0+$0x18C60] =	vst v7  }
0x8c: {  	v7 =	vld [tilespmem:s11+$0x870];
	_ =	sdelay $0x4  }
0x8d: {  	[tilespmem:s0+$0x18C70] =	vst v7  }
0x8e: {  	v7 =	vld [tilespmem:s11+$0xC00];
	_ =	sdelay $0x4  }
0x8f: {  	[tilespmem:s0+$0x19000] =	vst v7  }
0x90: {  	v7 =	vld [tilespmem:s11+$0xC10];
	_ =	sdelay $0x4  }
0x91: {  	[tilespmem:s0+$0x19010] =	vst v7  }
0x92: {  	v7 =	vld [tilespmem:s11+$0xC20];
	_ =	sdelay $0x4  }
0x93: {  	[tilespmem:s0+$0x19020] =	vst v7  }
0x94: {  	v7 =	vld [tilespmem:s11+$0xC30];
	_ =	sdelay $0x4  }
0x95: {  	[tilespmem:s0+$0x19030] =	vst v7  }
0x96: {  	v7 =	vld [tilespmem:s11+$0xC40];
	_ =	sdelay $0x4  }
0x97: {  	[tilespmem:s0+$0x19040] =	vst v7  }
0x98: {  	v7 =	vld [tilespmem:s11+$0xC50];
	_ =	sdelay $0x4  }
0x99: {  	[tilespmem:s0+$0x19050] =	vst v7  }
0x9a: {  	v7 =	vld [tilespmem:s11+$0xC60];
	_ =	sdelay $0x4  }
0x9b: {  	[tilespmem:s0+$0x19060] =	vst v7  }
0x9c: {  	v7 =	vld [tilespmem:s11+$0xC70];
	_ =	sdelay $0x4  }
0x9d: {  	[tilespmem:s0+$0x19070] =	vst v7  }
0x9e: {  	s21 =	simm.s32 $0x0;
	s22 =	simm.s32 $0x400;
	s0 =	simm.s32 $0x200;
	v7 =	vld [tilespmem:s11+$0x0]  }
.LBB2_2:
0x9f: {  	p1 =	sne.s32 s22, $0x1E00  }
0xa0: {  	s21 =	sadd.s32 $0x80, s21  }
0xa1: {  	s25 =	sand.u32 $0x1000, s0;
	s0 =	smov.u32 s22;
	s26 =	sand.u32 $0x380, s21  }
0xa2: {  	s25 =	sor.u32 s26, s25  }
0xa3: {  	[tilespmem:s25+$0x18400] =	vst v7  }
0xa4: {  	v7 =	vld [tilespmem:s11+$0x10];
	_ =	sdelay $0x4  }
0xa5: {  	[tilespmem:s25+$0x18410] =	vst v7  }
0xa6: {  	v7 =	vld [tilespmem:s11+$0x20];
	_ =	sdelay $0x4  }
0xa7: {  	[tilespmem:s25+$0x18420] =	vst v7  }
0xa8: {  	v7 =	vld [tilespmem:s11+$0x30];
	_ =	sdelay $0x4  }
0xa9: {  	[tilespmem:s25+$0x18430] =	vst v7  }
0xaa: {  	v7 =	vld [tilespmem:s11+$0x40];
	_ =	sdelay $0x4  }
0xab: {  	[tilespmem:s25+$0x18440] =	vst v7  }
0xac: {  	v7 =	vld [tilespmem:s11+$0x50];
	_ =	sdelay $0x4  }
0xad: {  	[tilespmem:s25+$0x18450] =	vst v7  }
0xae: {  	v7 =	vld [tilespmem:s11+$0x60];
	_ =	sdelay $0x4  }
0xaf: {  	[tilespmem:s25+$0x18460] =	vst v7  }
0xb0: {  	v7 =	vld [tilespmem:s11+$0x70];
	_ =	sdelay $0x4  }
0xb1: {  	[tilespmem:s25+$0x18470] =	vst v7  }
0xb2: {  	v7 =	vld [tilespmem:s11+$0x400];
	_ =	sdelay $0x4  }
0xb3: {  	[tilespmem:s25+$0x18800] =	vst v7  }
0xb4: {  	v7 =	vld [tilespmem:s11+$0x410];
	_ =	sdelay $0x4  }
0xb5: {  	[tilespmem:s25+$0x18810] =	vst v7  }
0xb6: {  	v7 =	vld [tilespmem:s11+$0x420];
	_ =	sdelay $0x4  }
0xb7: {  	[tilespmem:s25+$0x18820] =	vst v7  }
0xb8: {  	v7 =	vld [tilespmem:s11+$0x430];
	_ =	sdelay $0x4  }
0xb9: {  	[tilespmem:s25+$0x18830] =	vst v7  }
0xba: {  	v7 =	vld [tilespmem:s11+$0x440];
	_ =	sdelay $0x4  }
0xbb: {  	[tilespmem:s25+$0x18840] =	vst v7  }
0xbc: {  	v7 =	vld [tilespmem:s11+$0x450];
	_ =	sdelay $0x4  }
0xbd: {  	[tilespmem:s25+$0x18850] =	vst v7  }
0xbe: {  	v7 =	vld [tilespmem:s11+$0x460];
	_ =	sdelay $0x4  }
0xbf: {  	[tilespmem:s25+$0x18860] =	vst v7  }
0xc0: {  	v7 =	vld [tilespmem:s11+$0x470];
	_ =	sdelay $0x4  }
0xc1: {  	[tilespmem:s25+$0x18870] =	vst v7  }
0xc2: {  	v7 =	vld [tilespmem:s11+$0x800];
	_ =	sdelay $0x4  }
0xc3: {  	[tilespmem:s25+$0x18C00] =	vst v7  }
0xc4: {  	v7 =	vld [tilespmem:s11+$0x810];
	_ =	sdelay $0x4  }
0xc5: {  	[tilespmem:s25+$0x18C10] =	vst v7  }
0xc6: {  	v7 =	vld [tilespmem:s11+$0x820];
	_ =	sdelay $0x4  }
0xc7: {  	[tilespmem:s25+$0x18C20] =	vst v7  }
0xc8: {  	v7 =	vld [tilespmem:s11+$0x830];
	_ =	sdelay $0x4  }
0xc9: {  	[tilespmem:s25+$0x18C30] =	vst v7  }
0xca: {  	v7 =	vld [tilespmem:s11+$0x840];
	_ =	sdelay $0x4  }
0xcb: {  	[tilespmem:s25+$0x18C40] =	vst v7  }
0xcc: {  	v7 =	vld [tilespmem:s11+$0x850];
	_ =	sdelay $0x4  }
0xcd: {  	[tilespmem:s25+$0x18C50] =	vst v7  }
0xce: {  	v7 =	vld [tilespmem:s11+$0x860];
	_ =	sdelay $0x4  }
0xcf: {  	[tilespmem:s25+$0x18C60] =	vst v7  }
0xd0: {  	v7 =	vld [tilespmem:s11+$0x870];
	_ =	sdelay $0x4  }
0xd1: {  	[tilespmem:s25+$0x18C70] =	vst v7  }
0xd2: {  	v7 =	vld [tilespmem:s11+$0xC00];
	_ =	sdelay $0x4  }
0xd3: {  	[tilespmem:s25+$0x19000] =	vst v7  }
0xd4: {  	v7 =	vld [tilespmem:s11+$0xC10];
	_ =	sdelay $0x4  }
0xd5: {  	[tilespmem:s25+$0x19010] =	vst v7  }
0xd6: {  	v7 =	vld [tilespmem:s11+$0xC20];
	_ =	sdelay $0x4  }
0xd7: {  	[tilespmem:s25+$0x19020] =	vst v7  }
0xd8: {  	v7 =	vld [tilespmem:s11+$0xC30];
	_ =	sdelay $0x4  }
0xd9: {  	[tilespmem:s25+$0x19030] =	vst v7  }
0xda: {  	v7 =	vld [tilespmem:s11+$0xC40];
	_ =	sdelay $0x4  }
0xdb: {  	[tilespmem:s25+$0x19040] =	vst v7  }
0xdc: {  	v7 =	vld [tilespmem:s11+$0xC50];
	_ =	sdelay $0x4  }
0xdd: {  	[tilespmem:s25+$0x19050] =	vst v7  }
0xde: {  	v7 =	vld [tilespmem:s11+$0xC60];
	_ =	sdelay $0x4  }
0xdf: {  	[tilespmem:s25+$0x19060] =	vst v7  }
0xe0: {  	v7 =	vld [tilespmem:s11+$0xC70];
	_ =	sdelay $0x1  }
.Ltmp2:
0xe1: {  	(pc) =	sbr.rel @p1 .LBB2_2-.Ltmp2, $3  }
0xe2: {  	_ =	sdelay $0x1  }
0xe3: {  	[tilespmem:s25+$0x19070] =	vst v7  }
0xe4: {  	s22 =	sadd.s32 $0x200, s22;
	v7 =	vld [tilespmem:s11+$0x0]  }
0xe5: {  	_ = 	snop  }
0xe6: {  	s21 =	sadd.s32 $0x80, s21  }
0xe7: {  	s0 =	sand.u32 $0x1000, s0;
	s21 =	sand.u32 $0x380, s21  }
0xe8: {  	s0 =	sor.u32 s21, s0  }
0xe9: {  	[tilespmem:s0+$0x18400] =	vst v7  }
0xea: {  	v7 =	vld [tilespmem:s11+$0x10];
	_ =	sdelay $0x4  }
0xeb: {  	[tilespmem:s0+$0x18410] =	vst v7  }
0xec: {  	v7 =	vld [tilespmem:s11+$0x20];
	_ =	sdelay $0x4  }
0xed: {  	[tilespmem:s0+$0x18420] =	vst v7  }
0xee: {  	v7 =	vld [tilespmem:s11+$0x30];
	_ =	sdelay $0x4  }
0xef: {  	[tilespmem:s0+$0x18430] =	vst v7  }
0xf0: {  	v7 =	vld [tilespmem:s11+$0x40];
	_ =	sdelay $0x4  }
0xf1: {  	[tilespmem:s0+$0x18440] =	vst v7  }
0xf2: {  	v7 =	vld [tilespmem:s11+$0x50];
	_ =	sdelay $0x4  }
0xf3: {  	[tilespmem:s0+$0x18450] =	vst v7  }
0xf4: {  	v7 =	vld [tilespmem:s11+$0x60];
	_ =	sdelay $0x4  }
0xf5: {  	[tilespmem:s0+$0x18460] =	vst v7  }
0xf6: {  	v7 =	vld [tilespmem:s11+$0x70];
	_ =	sdelay $0x4  }
0xf7: {  	[tilespmem:s0+$0x18470] =	vst v7  }
0xf8: {  	v7 =	vld [tilespmem:s11+$0x400];
	_ =	sdelay $0x4  }
0xf9: {  	[tilespmem:s0+$0x18800] =	vst v7  }
0xfa: {  	v7 =	vld [tilespmem:s11+$0x410];
	_ =	sdelay $0x4  }
0xfb: {  	[tilespmem:s0+$0x18810] =	vst v7  }
0xfc: {  	v7 =	vld [tilespmem:s11+$0x420];
	_ =	sdelay $0x4  }
0xfd: {  	[tilespmem:s0+$0x18820] =	vst v7  }
0xfe: {  	v7 =	vld [tilespmem:s11+$0x430];
	_ =	sdelay $0x4  }
0xff: {  	[tilespmem:s0+$0x18830] =	vst v7  }
0x100: {  	v7 =	vld [tilespmem:s11+$0x440];
	_ =	sdelay $0x4  }
0x101: {  	[tilespmem:s0+$0x18840] =	vst v7  }
0x102: {  	v7 =	vld [tilespmem:s11+$0x450];
	_ =	sdelay $0x4  }
0x103: {  	[tilespmem:s0+$0x18850] =	vst v7  }
0x104: {  	v7 =	vld [tilespmem:s11+$0x460];
	_ =	sdelay $0x4  }
0x105: {  	[tilespmem:s0+$0x18860] =	vst v7  }
0x106: {  	v7 =	vld [tilespmem:s11+$0x470];
	_ =	sdelay $0x4  }
0x107: {  	[tilespmem:s0+$0x18870] =	vst v7  }
0x108: {  	v7 =	vld [tilespmem:s11+$0x800];
	_ =	sdelay $0x4  }
0x109: {  	[tilespmem:s0+$0x18C00] =	vst v7  }
0x10a: {  	v7 =	vld [tilespmem:s11+$0x810];
	_ =	sdelay $0x4  }
0x10b: {  	[tilespmem:s0+$0x18C10] =	vst v7  }
0x10c: {  	v7 =	vld [tilespmem:s11+$0x820];
	_ =	sdelay $0x4  }
0x10d: {  	[tilespmem:s0+$0x18C20] =	vst v7  }
0x10e: {  	v7 =	vld [tilespmem:s11+$0x830];
	_ =	sdelay $0x4  }
0x10f: {  	[tilespmem:s0+$0x18C30] =	vst v7  }
0x110: {  	v7 =	vld [tilespmem:s11+$0x840];
	_ =	sdelay $0x4  }
0x111: {  	[tilespmem:s0+$0x18C40] =	vst v7  }
0x112: {  	v7 =	vld [tilespmem:s11+$0x850];
	_ =	sdelay $0x4  }
0x113: {  	[tilespmem:s0+$0x18C50] =	vst v7  }
0x114: {  	v7 =	vld [tilespmem:s11+$0x860];
	_ =	sdelay $0x4  }
0x115: {  	[tilespmem:s0+$0x18C60] =	vst v7  }
0x116: {  	v7 =	vld [tilespmem:s11+$0x870];
	_ =	sdelay $0x4  }
0x117: {  	[tilespmem:s0+$0x18C70] =	vst v7  }
0x118: {  	v7 =	vld [tilespmem:s11+$0xC00];
	_ =	sdelay $0x4  }
0x119: {  	[tilespmem:s0+$0x19000] =	vst v7  }
0x11a: {  	v7 =	vld [tilespmem:s11+$0xC10];
	_ =	sdelay $0x4  }
0x11b: {  	[tilespmem:s0+$0x19010] =	vst v7  }
0x11c: {  	v7 =	vld [tilespmem:s11+$0xC20];
	_ =	sdelay $0x4  }
0x11d: {  	[tilespmem:s0+$0x19020] =	vst v7  }
0x11e: {  	v7 =	vld [tilespmem:s11+$0xC30];
	_ =	sdelay $0x4  }
0x11f: {  	[tilespmem:s0+$0x19030] =	vst v7  }
0x120: {  	v7 =	vld [tilespmem:s11+$0xC40];
	_ =	sdelay $0x4  }
0x121: {  	[tilespmem:s0+$0x19040] =	vst v7  }
0x122: {  	v7 =	vld [tilespmem:s11+$0xC50];
	_ =	sdelay $0x4  }
0x123: {  	[tilespmem:s0+$0x19050] =	vst v7  }
0x124: {  	v7 =	vld [tilespmem:s11+$0xC60];
	_ =	sdelay $0x4  }
0x125: {  	[tilespmem:s0+$0x19060] =	vst v7  }
0x126: {  	v7 =	vld [tilespmem:s11+$0xC70]  }
.Ltmp3:
0x127: {  	_ = 	snop;
	(pc) =	sbr.rel @p0 .LBB2_7-.Ltmp3, $2  }
0x128: {  	_ =	sdelay $0x2  }
0x129: {  	[tilespmem:s0+$0x19070] =	vst v7;
	s0 =	simm.s32 $0x0  }
0x12a: {  	v7 =	vld [tilespmem:s12+$0x0];
	_ =	sdelay $0x2  }
0x12b: {  	s21 =	sand.u32 $0x1000, s0;
	s22 =	sand.u32 $0x380, s0  }
0x12c: {  	s21 =	sor.u32 s22, s21  }
0x12d: {  	[tilespmem:s21+$0x1A400] =	vst v7  }
0x12e: {  	v7 =	vld [tilespmem:s12+$0x10];
	_ =	sdelay $0x4  }
0x12f: {  	[tilespmem:s21+$0x1A410] =	vst v7  }
0x130: {  	v7 =	vld [tilespmem:s12+$0x20];
	_ =	sdelay $0x4  }
0x131: {  	[tilespmem:s21+$0x1A420] =	vst v7  }
0x132: {  	v7 =	vld [tilespmem:s12+$0x30];
	_ =	sdelay $0x4  }
0x133: {  	[tilespmem:s21+$0x1A430] =	vst v7  }
0x134: {  	v7 =	vld [tilespmem:s12+$0x40];
	_ =	sdelay $0x4  }
0x135: {  	[tilespmem:s21+$0x1A440] =	vst v7  }
0x136: {  	v7 =	vld [tilespmem:s12+$0x50];
	_ =	sdelay $0x4  }
0x137: {  	[tilespmem:s21+$0x1A450] =	vst v7  }
0x138: {  	v7 =	vld [tilespmem:s12+$0x60];
	_ =	sdelay $0x4  }
0x139: {  	[tilespmem:s21+$0x1A460] =	vst v7  }
0x13a: {  	v7 =	vld [tilespmem:s12+$0x70];
	_ =	sdelay $0x4  }
0x13b: {  	[tilespmem:s21+$0x1A470] =	vst v7  }
0x13c: {  	v7 =	vld [tilespmem:s12+$0x400];
	_ =	sdelay $0x4  }
0x13d: {  	[tilespmem:s21+$0x1A800] =	vst v7  }
0x13e: {  	v7 =	vld [tilespmem:s12+$0x410];
	_ =	sdelay $0x4  }
0x13f: {  	[tilespmem:s21+$0x1A810] =	vst v7  }
0x140: {  	v7 =	vld [tilespmem:s12+$0x420];
	_ =	sdelay $0x4  }
0x141: {  	[tilespmem:s21+$0x1A820] =	vst v7  }
0x142: {  	v7 =	vld [tilespmem:s12+$0x430];
	_ =	sdelay $0x4  }
0x143: {  	[tilespmem:s21+$0x1A830] =	vst v7  }
0x144: {  	v7 =	vld [tilespmem:s12+$0x440];
	_ =	sdelay $0x4  }
0x145: {  	[tilespmem:s21+$0x1A840] =	vst v7  }
0x146: {  	v7 =	vld [tilespmem:s12+$0x450];
	_ =	sdelay $0x4  }
0x147: {  	[tilespmem:s21+$0x1A850] =	vst v7  }
0x148: {  	v7 =	vld [tilespmem:s12+$0x460];
	_ =	sdelay $0x4  }
0x149: {  	[tilespmem:s21+$0x1A860] =	vst v7  }
0x14a: {  	v7 =	vld [tilespmem:s12+$0x470];
	_ =	sdelay $0x4  }
0x14b: {  	[tilespmem:s21+$0x1A870] =	vst v7  }
0x14c: {  	v7 =	vld [tilespmem:s12+$0x800];
	_ =	sdelay $0x4  }
0x14d: {  	[tilespmem:s21+$0x1AC00] =	vst v7  }
0x14e: {  	v7 =	vld [tilespmem:s12+$0x810];
	_ =	sdelay $0x4  }
0x14f: {  	[tilespmem:s21+$0x1AC10] =	vst v7  }
0x150: {  	v7 =	vld [tilespmem:s12+$0x820];
	_ =	sdelay $0x4  }
0x151: {  	[tilespmem:s21+$0x1AC20] =	vst v7  }
0x152: {  	v7 =	vld [tilespmem:s12+$0x830];
	_ =	sdelay $0x4  }
0x153: {  	[tilespmem:s21+$0x1AC30] =	vst v7  }
0x154: {  	v7 =	vld [tilespmem:s12+$0x840];
	_ =	sdelay $0x4  }
0x155: {  	[tilespmem:s21+$0x1AC40] =	vst v7  }
0x156: {  	v7 =	vld [tilespmem:s12+$0x850];
	_ =	sdelay $0x4  }
0x157: {  	[tilespmem:s21+$0x1AC50] =	vst v7  }
0x158: {  	v7 =	vld [tilespmem:s12+$0x860];
	_ =	sdelay $0x4  }
0x159: {  	[tilespmem:s21+$0x1AC60] =	vst v7  }
0x15a: {  	v7 =	vld [tilespmem:s12+$0x870];
	_ =	sdelay $0x4  }
0x15b: {  	[tilespmem:s21+$0x1AC70] =	vst v7  }
0x15c: {  	v7 =	vld [tilespmem:s12+$0xC00];
	_ =	sdelay $0x4  }
0x15d: {  	[tilespmem:s21+$0x1B000] =	vst v7  }
0x15e: {  	v7 =	vld [tilespmem:s12+$0xC10];
	_ =	sdelay $0x4  }
0x15f: {  	[tilespmem:s21+$0x1B010] =	vst v7  }
0x160: {  	v7 =	vld [tilespmem:s12+$0xC20];
	_ =	sdelay $0x4  }
0x161: {  	[tilespmem:s21+$0x1B020] =	vst v7  }
0x162: {  	v7 =	vld [tilespmem:s12+$0xC30];
	_ =	sdelay $0x4  }
0x163: {  	[tilespmem:s21+$0x1B030] =	vst v7  }
0x164: {  	v7 =	vld [tilespmem:s12+$0xC40];
	_ =	sdelay $0x4  }
0x165: {  	[tilespmem:s21+$0x1B040] =	vst v7  }
0x166: {  	v7 =	vld [tilespmem:s12+$0xC50];
	_ =	sdelay $0x4  }
0x167: {  	[tilespmem:s21+$0x1B050] =	vst v7  }
0x168: {  	v7 =	vld [tilespmem:s12+$0xC60];
	_ =	sdelay $0x4  }
0x169: {  	[tilespmem:s21+$0x1B060] =	vst v7  }
0x16a: {  	v7 =	vld [tilespmem:s12+$0xC70];
	_ =	sdelay $0x4  }
0x16b: {  	[tilespmem:s21+$0x1B070] =	vst v7  }
0x16c: {  	s22 =	simm.s32 $0x400;
	s21 =	simm.s32 $0x200;
	v7 =	vld [tilespmem:s12+$0x0]  }
.LBB2_5:
0x16d: {  	p1 =	sne.s32 s22, $0x1E00  }
0x16e: {  	s0 =	sadd.s32 $0x80, s0  }
0x16f: {  	s25 =	sand.u32 $0x1000, s21;
	s21 =	smov.u32 s22;
	s26 =	sand.u32 $0x380, s0  }
0x170: {  	s25 =	sor.u32 s26, s25  }
0x171: {  	[tilespmem:s25+$0x1A400] =	vst v7  }
0x172: {  	v7 =	vld [tilespmem:s12+$0x10];
	_ =	sdelay $0x4  }
0x173: {  	[tilespmem:s25+$0x1A410] =	vst v7  }
0x174: {  	v7 =	vld [tilespmem:s12+$0x20];
	_ =	sdelay $0x4  }
0x175: {  	[tilespmem:s25+$0x1A420] =	vst v7  }
0x176: {  	v7 =	vld [tilespmem:s12+$0x30];
	_ =	sdelay $0x4  }
0x177: {  	[tilespmem:s25+$0x1A430] =	vst v7  }
0x178: {  	v7 =	vld [tilespmem:s12+$0x40];
	_ =	sdelay $0x4  }
0x179: {  	[tilespmem:s25+$0x1A440] =	vst v7  }
0x17a: {  	v7 =	vld [tilespmem:s12+$0x50];
	_ =	sdelay $0x4  }
0x17b: {  	[tilespmem:s25+$0x1A450] =	vst v7  }
0x17c: {  	v7 =	vld [tilespmem:s12+$0x60];
	_ =	sdelay $0x4  }
0x17d: {  	[tilespmem:s25+$0x1A460] =	vst v7  }
0x17e: {  	v7 =	vld [tilespmem:s12+$0x70];
	_ =	sdelay $0x4  }
0x17f: {  	[tilespmem:s25+$0x1A470] =	vst v7  }
0x180: {  	v7 =	vld [tilespmem:s12+$0x400];
	_ =	sdelay $0x4  }
0x181: {  	[tilespmem:s25+$0x1A800] =	vst v7  }
0x182: {  	v7 =	vld [tilespmem:s12+$0x410];
	_ =	sdelay $0x4  }
0x183: {  	[tilespmem:s25+$0x1A810] =	vst v7  }
0x184: {  	v7 =	vld [tilespmem:s12+$0x420];
	_ =	sdelay $0x4  }
0x185: {  	[tilespmem:s25+$0x1A820] =	vst v7  }
0x186: {  	v7 =	vld [tilespmem:s12+$0x430];
	_ =	sdelay $0x4  }
0x187: {  	[tilespmem:s25+$0x1A830] =	vst v7  }
0x188: {  	v7 =	vld [tilespmem:s12+$0x440];
	_ =	sdelay $0x4  }
0x189: {  	[tilespmem:s25+$0x1A840] =	vst v7  }
0x18a: {  	v7 =	vld [tilespmem:s12+$0x450];
	_ =	sdelay $0x4  }
0x18b: {  	[tilespmem:s25+$0x1A850] =	vst v7  }
0x18c: {  	v7 =	vld [tilespmem:s12+$0x460];
	_ =	sdelay $0x4  }
0x18d: {  	[tilespmem:s25+$0x1A860] =	vst v7  }
0x18e: {  	v7 =	vld [tilespmem:s12+$0x470];
	_ =	sdelay $0x4  }
0x18f: {  	[tilespmem:s25+$0x1A870] =	vst v7  }
0x190: {  	v7 =	vld [tilespmem:s12+$0x800];
	_ =	sdelay $0x4  }
0x191: {  	[tilespmem:s25+$0x1AC00] =	vst v7  }
0x192: {  	v7 =	vld [tilespmem:s12+$0x810];
	_ =	sdelay $0x4  }
0x193: {  	[tilespmem:s25+$0x1AC10] =	vst v7  }
0x194: {  	v7 =	vld [tilespmem:s12+$0x820];
	_ =	sdelay $0x4  }
0x195: {  	[tilespmem:s25+$0x1AC20] =	vst v7  }
0x196: {  	v7 =	vld [tilespmem:s12+$0x830];
	_ =	sdelay $0x4  }
0x197: {  	[tilespmem:s25+$0x1AC30] =	vst v7  }
0x198: {  	v7 =	vld [tilespmem:s12+$0x840];
	_ =	sdelay $0x4  }
0x199: {  	[tilespmem:s25+$0x1AC40] =	vst v7  }
0x19a: {  	v7 =	vld [tilespmem:s12+$0x850];
	_ =	sdelay $0x4  }
0x19b: {  	[tilespmem:s25+$0x1AC50] =	vst v7  }
0x19c: {  	v7 =	vld [tilespmem:s12+$0x860];
	_ =	sdelay $0x4  }
0x19d: {  	[tilespmem:s25+$0x1AC60] =	vst v7  }
0x19e: {  	v7 =	vld [tilespmem:s12+$0x870];
	_ =	sdelay $0x4  }
0x19f: {  	[tilespmem:s25+$0x1AC70] =	vst v7  }
0x1a0: {  	v7 =	vld [tilespmem:s12+$0xC00];
	_ =	sdelay $0x4  }
0x1a1: {  	[tilespmem:s25+$0x1B000] =	vst v7  }
0x1a2: {  	v7 =	vld [tilespmem:s12+$0xC10];
	_ =	sdelay $0x4  }
0x1a3: {  	[tilespmem:s25+$0x1B010] =	vst v7  }
0x1a4: {  	v7 =	vld [tilespmem:s12+$0xC20];
	_ =	sdelay $0x4  }
0x1a5: {  	[tilespmem:s25+$0x1B020] =	vst v7  }
0x1a6: {  	v7 =	vld [tilespmem:s12+$0xC30];
	_ =	sdelay $0x4  }
0x1a7: {  	[tilespmem:s25+$0x1B030] =	vst v7  }
0x1a8: {  	v7 =	vld [tilespmem:s12+$0xC40];
	_ =	sdelay $0x4  }
0x1a9: {  	[tilespmem:s25+$0x1B040] =	vst v7  }
0x1aa: {  	v7 =	vld [tilespmem:s12+$0xC50];
	_ =	sdelay $0x4  }
0x1ab: {  	[tilespmem:s25+$0x1B050] =	vst v7  }
0x1ac: {  	v7 =	vld [tilespmem:s12+$0xC60];
	_ =	sdelay $0x4  }
0x1ad: {  	[tilespmem:s25+$0x1B060] =	vst v7  }
0x1ae: {  	v7 =	vld [tilespmem:s12+$0xC70];
	_ =	sdelay $0x1  }
.Ltmp4:
0x1af: {  	(pc) =	sbr.rel @p1 .LBB2_5-.Ltmp4, $3  }
0x1b0: {  	_ =	sdelay $0x1  }
0x1b1: {  	[tilespmem:s25+$0x1B070] =	vst v7  }
0x1b2: {  	s22 =	sadd.s32 $0x200, s22;
	v7 =	vld [tilespmem:s12+$0x0]  }
0x1b3: {  	_ = 	snop  }
0x1b4: {  	s0 =	sadd.s32 $0x80, s0  }
0x1b5: {  	s21 =	sand.u32 $0x1000, s21;
	s0 =	sand.u32 $0x380, s0  }
0x1b6: {  	s0 =	sor.u32 s0, s21  }
0x1b7: {  	[tilespmem:s0+$0x1A400] =	vst v7  }
0x1b8: {  	v7 =	vld [tilespmem:s12+$0x10];
	_ =	sdelay $0x4  }
0x1b9: {  	[tilespmem:s0+$0x1A410] =	vst v7  }
0x1ba: {  	v7 =	vld [tilespmem:s12+$0x20];
	_ =	sdelay $0x4  }
0x1bb: {  	[tilespmem:s0+$0x1A420] =	vst v7  }
0x1bc: {  	v7 =	vld [tilespmem:s12+$0x30];
	_ =	sdelay $0x4  }
0x1bd: {  	[tilespmem:s0+$0x1A430] =	vst v7  }
0x1be: {  	v7 =	vld [tilespmem:s12+$0x40];
	_ =	sdelay $0x4  }
0x1bf: {  	[tilespmem:s0+$0x1A440] =	vst v7  }
0x1c0: {  	v7 =	vld [tilespmem:s12+$0x50];
	_ =	sdelay $0x4  }
0x1c1: {  	[tilespmem:s0+$0x1A450] =	vst v7  }
0x1c2: {  	v7 =	vld [tilespmem:s12+$0x60];
	_ =	sdelay $0x4  }
0x1c3: {  	[tilespmem:s0+$0x1A460] =	vst v7  }
0x1c4: {  	v7 =	vld [tilespmem:s12+$0x70];
	_ =	sdelay $0x4  }
0x1c5: {  	[tilespmem:s0+$0x1A470] =	vst v7  }
0x1c6: {  	v7 =	vld [tilespmem:s12+$0x400];
	_ =	sdelay $0x4  }
0x1c7: {  	[tilespmem:s0+$0x1A800] =	vst v7  }
0x1c8: {  	v7 =	vld [tilespmem:s12+$0x410];
	_ =	sdelay $0x4  }
0x1c9: {  	[tilespmem:s0+$0x1A810] =	vst v7  }
0x1ca: {  	v7 =	vld [tilespmem:s12+$0x420];
	_ =	sdelay $0x4  }
0x1cb: {  	[tilespmem:s0+$0x1A820] =	vst v7  }
0x1cc: {  	v7 =	vld [tilespmem:s12+$0x430];
	_ =	sdelay $0x4  }
0x1cd: {  	[tilespmem:s0+$0x1A830] =	vst v7  }
0x1ce: {  	v7 =	vld [tilespmem:s12+$0x440];
	_ =	sdelay $0x4  }
0x1cf: {  	[tilespmem:s0+$0x1A840] =	vst v7  }
0x1d0: {  	v7 =	vld [tilespmem:s12+$0x450];
	_ =	sdelay $0x4  }
0x1d1: {  	[tilespmem:s0+$0x1A850] =	vst v7  }
0x1d2: {  	v7 =	vld [tilespmem:s12+$0x460];
	_ =	sdelay $0x4  }
0x1d3: {  	[tilespmem:s0+$0x1A860] =	vst v7  }
0x1d4: {  	v7 =	vld [tilespmem:s12+$0x470];
	_ =	sdelay $0x4  }
0x1d5: {  	[tilespmem:s0+$0x1A870] =	vst v7  }
0x1d6: {  	v7 =	vld [tilespmem:s12+$0x800];
	_ =	sdelay $0x4  }
0x1d7: {  	[tilespmem:s0+$0x1AC00] =	vst v7  }
0x1d8: {  	v7 =	vld [tilespmem:s12+$0x810];
	_ =	sdelay $0x4  }
0x1d9: {  	[tilespmem:s0+$0x1AC10] =	vst v7  }
0x1da: {  	v7 =	vld [tilespmem:s12+$0x820];
	_ =	sdelay $0x4  }
0x1db: {  	[tilespmem:s0+$0x1AC20] =	vst v7  }
0x1dc: {  	v7 =	vld [tilespmem:s12+$0x830];
	_ =	sdelay $0x4  }
0x1dd: {  	[tilespmem:s0+$0x1AC30] =	vst v7  }
0x1de: {  	v7 =	vld [tilespmem:s12+$0x840];
	_ =	sdelay $0x4  }
0x1df: {  	[tilespmem:s0+$0x1AC40] =	vst v7  }
0x1e0: {  	v7 =	vld [tilespmem:s12+$0x850];
	_ =	sdelay $0x4  }
0x1e1: {  	[tilespmem:s0+$0x1AC50] =	vst v7  }
0x1e2: {  	v7 =	vld [tilespmem:s12+$0x860];
	_ =	sdelay $0x4  }
0x1e3: {  	[tilespmem:s0+$0x1AC60] =	vst v7  }
0x1e4: {  	v7 =	vld [tilespmem:s12+$0x870];
	_ =	sdelay $0x4  }
0x1e5: {  	[tilespmem:s0+$0x1AC70] =	vst v7  }
0x1e6: {  	v7 =	vld [tilespmem:s12+$0xC00];
	_ =	sdelay $0x4  }
0x1e7: {  	[tilespmem:s0+$0x1B000] =	vst v7  }
0x1e8: {  	v7 =	vld [tilespmem:s12+$0xC10];
	_ =	sdelay $0x4  }
0x1e9: {  	[tilespmem:s0+$0x1B010] =	vst v7  }
0x1ea: {  	v7 =	vld [tilespmem:s12+$0xC20];
	_ =	sdelay $0x4  }
0x1eb: {  	[tilespmem:s0+$0x1B020] =	vst v7  }
0x1ec: {  	v7 =	vld [tilespmem:s12+$0xC30];
	_ =	sdelay $0x4  }
0x1ed: {  	[tilespmem:s0+$0x1B030] =	vst v7  }
0x1ee: {  	v7 =	vld [tilespmem:s12+$0xC40];
	_ =	sdelay $0x4  }
0x1ef: {  	[tilespmem:s0+$0x1B040] =	vst v7  }
0x1f0: {  	v7 =	vld [tilespmem:s12+$0xC50];
	_ =	sdelay $0x4  }
0x1f1: {  	[tilespmem:s0+$0x1B050] =	vst v7  }
0x1f2: {  	v7 =	vld [tilespmem:s12+$0xC60];
	_ =	sdelay $0x4  }
0x1f3: {  	[tilespmem:s0+$0x1B060] =	vst v7  }
0x1f4: {  	v7 =	vld [tilespmem:s12+$0xC70];
	_ =	sdelay $0x4  }
0x1f5: {  	[tilespmem:s0+$0x1B070] =	vst v7  }
.LBB2_7:
0x1f6: {  	v7 =	vld [tilespmem:$0x180]  }
0x1f7: {  	s21 =	simm.s32 $0x0;
	v8 =	vld [tilespmem:$0x190];
	s22 =	simm.s32 $0x0  }
.LBB2_8:
0x1f8: {  	v9 =	vld [tilespmem:$0x0];
	_ =	sdelay $0x3  }
0x1f9: {  	s25 =	sshllo.u32 s22, $0x1  }
0x1fa: {  	v9 =	vadd.s32 s25, v9  }
0x1fb: {  	v10 =	vld [tilespmem:$0x10];
	v11 =	vshll.u32 v9, $0x2  }
0x1fc: {  	v12 =	vand.u32 $0x7, v9;
	v11 =	vand.u32 $0xFFFFFFE0, v11  }
0x1fd: {  	v11 =	vor.u32 v12, v11  }
0x1fe: {  	v12 =	vperm.xlane v11, v3;
	_ =	sdelay $0x1  }
0x1ff: {  	[tilespmem:$0x100] =	vst v9;
	v9 =	vadd.s32 s25, v10;
	v10 =	vadd.s32 v4, v12  }
0x200: {  	[tilespmem:$0x110] =	vst v9  }
0x201: {  	_ =	swait.ge [sflag:s2], $0x4000;
	v9 =	vperm.xlane v11, v5  }
0x202: {  	[sflag:s2] =	ssyncset.done $0x0  }
0x203: {  	s0 =	simm.s32 $0x4400;
	[sflag:s2] =	ssyncadd.s32 $0xFFFFC000;
	v9 =	vadd.s32 v4, v9  }
0x204: {  	[tilespmem:s0], [sflag:$0x1] =	stream.indirect_vreg.gather [hbm4b:s1+s5], $0x80, v10, vm0, $0xb8;
	[tilespmem:$0x1C400] =	vst v63  }
0x205: {  	s6 =	simm.s32 $0x4C00  }
0x206: {  	[tilespmem:s6], [sflag:$0x1] =	stream.indirect_vreg.gather [hbm4b:s9+s5], $0x80, v10, vm0, $0xb8;
	[tilespmem:$0x1C400] =	vst v63  }
0x207: {  	s26 =	simm.s32 $0x5400  }
0x208: {  	[tilespmem:s26], [sflag:$0x1] =	stream.indirect_vreg.gather [hbm4b:s1+s5], $0x80, v9, vm0, $0xb8;
	[tilespmem:$0x1C400] =	vst v63  }
0x209: {  	s3 =	simm.s32 $0x5C00  }
0x20a: {  	[tilespmem:s3], [sflag:$0x1] =	stream.indirect_vreg.gather [hbm4b:s9+s5], $0x80, v9, vm0, $0xb8;
	[tilespmem:$0x1C400] =	vst v63  }
0x20b: {  	v9 =	vld [tilespmem:$0x110];
	_ =	sdelay $0x4  }
0x20c: {  	v10 =	vshll.u32 v9, $0x2  }
0x20d: {  	v9 =	vand.u32 $0x7, v9;
	v10 =	vand.u32 $0xFFFFFFE0, v10  }
0x20e: {  	v9 =	vor.u32 v9, v10  }
0x20f: {  	v10 =	vperm.xlane v9, v3;
	_ =	sdelay $0x1  }
0x210: {  	v10 =	vadd.s32 v4, v10;
	_ =	sdelay $0x1  }
0x211: {  	v9 =	vperm.xlane v9, v5;
	_ =	sdelay $0x1  }
0x212: {  	v9 =	vadd.s32 v4, v9  }
0x213: {  	[tilespmem:s7], [sflag:$0x1] =	stream.indirect_vreg.gather [hbm4b:s1+s5], $0x80, v10, vm0, $0xb8;
	[tilespmem:$0x1C400] =	vst v63  }
0x214: {  	_ = 	snop  }
0x215: {  	[tilespmem:s8], [sflag:$0x1] =	stream.indirect_vreg.gather [hbm4b:s9+s5], $0x80, v10, vm0, $0xb8;
	[tilespmem:$0x1C400] =	vst v63  }
0x216: {  	p1 =	seq.s32 s22, $0x0  }
0x217: {  	[tilespmem:s10], [sflag:$0x1] =	stream.indirect_vreg.gather [hbm4b:s1+s5], $0x80, v9, vm0, $0xb8;
	[tilespmem:$0x1C400] =	vst v63  }
0x218: {  	s0 =	simm.s32 @!p1 $0x2  }
0x219: {  	[tilespmem:s17], [sflag:$0x1] =	stream.indirect_vreg.gather [hbm4b:s9+s5], $0x80, v9, vm0, $0xb8;
	[tilespmem:$0x1C400] =	vst v63  }
0x21a: {  	_ =	swait.ge @!p1 [sflag:s0], $0x4000  }
0x21b: {  	[sflag:s0] =	ssyncset.done @!p1 $0x0  }
0x21c: {  	[sflag:s0] =	ssyncadd.s32 @!p1 $0xFFFFC000  }
0x21d: {  	v20 =	vld [tilespmem:$0x3C0]  }
0x21e: {  	v21 =	vld [tilespmem:$0x3D0]  }
0x21f: {  	v11 =	vld [tilespmem:$0x3E0]  }
0x220: {  	v10 =	vld [tilespmem:$0x3F0]  }
0x221: {  	v24 =	vld [tilespmem:$0x380]  }
0x222: {  	v25 =	vld [tilespmem:$0x390]  }
0x223: {  	v13 =	vld [tilespmem:$0x3A0]  }
0x224: {  	v12 =	vld [tilespmem:$0x3B0]  }
0x225: {  	v27 =	vld [tilespmem:$0x340]  }
0x226: {  	v28 =	vld [tilespmem:$0x350]  }
0x227: {  	v14 =	vld [tilespmem:$0x360]  }
0x228: {  	v9 =	vld [tilespmem:$0x370]  }
0x229: {  	v30 =	vld [tilespmem:$0x300]  }
0x22a: {  	v31 =	vld [tilespmem:$0x310]  }
0x22b: {  	v17 =	vld [tilespmem:$0x320]  }
0x22c: {  	v16 =	vld [tilespmem:$0x330]  }
0x22d: {  	v32 =	vld [tilespmem:$0x2C0]  }
0x22e: {  	v33 =	vld [tilespmem:$0x2D0]  }
0x22f: {  	v19 =	vld [tilespmem:$0x2E0]  }
0x230: {  	v18 =	vld [tilespmem:$0x2F0]  }
0x231: {  	v34 =	vld [tilespmem:$0x280]  }
0x232: {  	v35 =	vld [tilespmem:$0x290]  }
0x233: {  	v23 =	vld [tilespmem:$0x2A0]  }
0x234: {  	v22 =	vld [tilespmem:$0x2B0]  }
0x235: {  	v36 =	vld [tilespmem:$0x240]  }
0x236: {  	v37 =	vld [tilespmem:$0x250]  }
0x237: {  	v29 =	vld [tilespmem:$0x260]  }
0x238: {  	v26 =	vld [tilespmem:$0x270]  }
0x239: {  	v38 =	vld [tilespmem:$0x210]  }
0x23a: {  	s6 =	sand.u32 $0x3000, s21;
	s26 =	sand.u32 $0x380, s21;
	v40 =	vld [tilespmem:$0x220]  }
0x23b: {  	s29 =	sor.u32 s26, s6;
	v39 =	vld [tilespmem:$0x230]  }
0x23c: {  	v52 =	vld [tilespmem:s29+$0x1040]  }
0x23d: {  	v53 =	vld [tilespmem:s29+$0x1050]  }
0x23e: {  	v54 =	vld [tilespmem:s29+$0x1000]  }
0x23f: {  	v55 =	vld [tilespmem:s29+$0x1010]  }
0x240: {  	v48 =	vld [tilespmem:s29+$0xC40]  }
0x241: {  	v50 =	vld [tilespmem:s29+$0xC50]  }
0x242: {  	v45 =	vld [tilespmem:s29+$0xC00]  }
0x243: {  	v49 =	vld [tilespmem:s29+$0xC10]  }
0x244: {  	v42 =	vld [tilespmem:s29+$0x840]  }
0x245: {  	v46 =	vld [tilespmem:s29+$0x850]  }
0x246: {  	v41 =	vld [tilespmem:s29+$0x800]  }
0x247: {  	v43 =	vld [tilespmem:s29+$0x810]  }
0x248: {  	v44 =	vld [tilespmem:s29+$0x440]  }
0x249: {  	v47 =	vld [tilespmem:s29+$0x450]  }
0x24a: {  	v15 =	vld [tilespmem:s29+$0x400]  }
0x24b: {  	s28 =	sshll.u32 s22, $0x1;
	s30 =	simm.s32 $0x1;
	v51 =	vld [tilespmem:s29+$0x410];
	v20 =	vmul.f32 v20, v52;
	v21 =	vmul.f32 v21, v53  }
0x24c: {  	s31 =	simm.s32 $0x0;
	s26 =	simm.s32 $0x0;
	s0 =	simm.s32 $0x0;
	v52 =	vld [tilespmem:s29+$0x420];
	v24 =	vmul.f32 v24, v54;
	v25 =	vmul.f32 v25, v55  }
.LBB2_9:
0x24d: {  	p2 =	sne.s32 s30, $0x1F;
	v53 =	vld [tilespmem:s29+$0x430];
	v48 =	vmul.f32 v27, v48;
	v28 =	vmul.f32 v28, v50  }
0x24e: {  	v30 =	vmul.f32 v30, v45;
	v31 =	vmul.f32 v31, v49;
	v27 =	vld [tilespmem:$0x200]  }
0x24f: {  	v32 =	vmul.f32 v32, v42;
	v33 =	vmul.f32 v33, v46;
	v45 =	vld [tilespmem:s29+$0x460]  }
0x250: {  	v34 =	vmul.f32 v34, v41;
	v35 =	vmul.f32 v35, v43;
	v42 =	vld [tilespmem:s29+$0x470]  }
0x251: {  	v36 =	vmul.f32 v36, v44;
	v37 =	vmul.f32 v37, v47;
	v41 =	vld [tilespmem:s29+$0x820]  }
0x252: {  	v38 =	vmul.f32 v38, v51;
	v40 =	vmul.f32 v40, v52;
	v43 =	vld [tilespmem:s29+$0x830]  }
0x253: {  	v39 =	vmul.f32 v39, v53;
	v44 =	vmul.f32 v27, v15;
	v46 =	vld [tilespmem:s29+$0x860]  }
0x254: {  	v38 =	vadd.f32 $0.0e+00, v38;
	v40 =	vadd.f32 $0.0e+00, v40;
	v29 =	vmul.f32 v29, v45;
	v45 =	vld [tilespmem:s29+$0x870]  }
0x255: {  	v39 =	vadd.f32 $0.0e+00, v39;
	v44 =	vadd.f32 $0.0e+00, v44;
	v26 =	vmul.f32 v26, v42;
	v42 =	vld [tilespmem:s29+$0xC20]  }
0x256: {  	v37 =	vadd.f32 v37, v38;
	v29 =	vadd.f32 v29, v40;
	v23 =	vmul.f32 v23, v41;
	v38 =	vld [tilespmem:s29+$0xC30]  }
0x257: {  	v36 =	vadd.f32 v36, v44;
	v26 =	vadd.f32 v26, v39;
	v22 =	vmul.f32 v22, v43;
	v39 =	vld [tilespmem:s29+$0xC60]  }
0x258: {  	v35 =	vadd.f32 v35, v37;
	v23 =	vadd.f32 v23, v29;
	v19 =	vmul.f32 v19, v46;
	v29 =	vld [tilespmem:s29+$0xC70]  }
0x259: {  	v34 =	vadd.f32 v34, v36;
	v22 =	vadd.f32 v22, v26;
	v18 =	vmul.f32 v18, v45;
	v26 =	vld [tilespmem:s29+$0x1020]  }
0x25a: {  	v33 =	vadd.f32 v33, v35;
	v19 =	vadd.f32 v19, v23;
	v17 =	vmul.f32 v17, v42;
	v23 =	vld [tilespmem:s29+$0x1030]  }
0x25b: {  	v32 =	vadd.f32 v32, v34;
	v18 =	vadd.f32 v18, v22;
	v16 =	vmul.f32 v16, v38;
	v22 =	vld [tilespmem:s29+$0x1060]  }
0x25c: {  	v31 =	vadd.f32 v31, v33;
	v17 =	vadd.f32 v17, v19;
	v14 =	vmul.f32 v14, v39;
	v19 =	vld [tilespmem:s29+$0x1070]  }
0x25d: {  	v30 =	vadd.f32 v30, v32;
	v16 =	vadd.f32 v16, v18;
	v18 =	vmul.f32 v9, v29;
	v9 =	vld [tilespmem:s29+$0x1070]  }
0x25e: {  	v28 =	vadd.f32 v28, v31;
	v14 =	vadd.f32 v14, v17;
	v13 =	vmul.f32 v13, v26  }
0x25f: {  	v17 =	vadd.f32 v48, v30;
	v16 =	vadd.f32 v18, v16;
	v12 =	vmul.f32 v12, v23  }
0x260: {  	v18 =	vadd.f32 v25, v28;
	v13 =	vadd.f32 v13, v14;
	v11 =	vmul.f32 v11, v22  }
0x261: {  	v14 =	vadd.f32 v24, v17;
	v12 =	vadd.f32 v12, v16;
	v10 =	vmul.f32 v10, v19  }
0x262: {  	v16 =	vadd.f32 v21, v18;
	v11 =	vadd.f32 v11, v13  }
0x263: {  	v13 =	vadd.f32 v20, v14;
	v10 =	vadd.f32 v10, v12;
	_ =	sdelay $0x1  }
0x264: {  	v12 =	vadd.f32 v16, v13;
	v10 =	vadd.f32 v10, v11;
	_ =	sdelay $0x1  }
0x265: {  	v10 =	vadd.f32 v10, v12;
	_ =	sdelay $0x1  }
0x266: {  	v11 =	vperm.xlane v10, v0;
	_ =	sdelay $0x1  }
0x267: {  	v10 =	vadd.f32 v10, v11;
	_ =	sdelay $0x1  }
0x268: {  	v11 =	vperm.xlane v10, v1;
	_ =	sdelay $0x1  }
0x269: {  	v10 =	vadd.f32 v10, v11;
	_ =	sdelay $0x1  }
0x26a: {  	v11 =	vperm.xlane v10, v2;
	_ =	sdelay $0x1  }
0x26b: {  	v10 =	vadd.f32 v10, v11;
	_ =	sdelay $0x1  }
0x26c: {  	p3 =	slt.u32 s26, $0x10;
	v11 =	vperm.xlane v10, v6  }
0x26d: {  	v13 =	vmov s26;
	s26 =	smov.u32 s30;
	v12 =	vpsel p3, v7, v8  }
0x26e: {  	v12 =	vperm.xlane v12, v13;
	v10 =	vadd.f32 v10, v11;
	_ =	sdelay $0x1  }
0x26f: {  	v10 =	vmul.f32 v10, v12;
	_ =	sdelay $0x1  }
0x270: {  	v11 =	vmul.f32 v10, v27;
	_ =	sdelay $0x1  }
0x271: {  	v11 =	vsub.f32 v15, v11;
	_ =	sdelay $0x1  }
0x272: {  	[tilespmem:s29+$0x8400] =	vst v11  }
0x273: {  	v11 =	vld [tilespmem:$0x210];
	_ =	sdelay $0x1  }
0x274: {  	v12 =	vld [tilespmem:s29+$0x410];
	_ =	sdelay $0x2  }
0x275: {  	v11 =	vmul.f32 v10, v11;
	_ =	sdelay $0x1  }
0x276: {  	v11 =	vsub.f32 v12, v11;
	_ =	sdelay $0x1  }
0x277: {  	[tilespmem:s29+$0x8410] =	vst v11  }
0x278: {  	v11 =	vld [tilespmem:$0x220];
	_ =	sdelay $0x1  }
0x279: {  	v12 =	vld [tilespmem:s29+$0x420];
	_ =	sdelay $0x2  }
0x27a: {  	v11 =	vmul.f32 v11, v10;
	_ =	sdelay $0x1  }
0x27b: {  	v11 =	vsub.f32 v12, v11;
	_ =	sdelay $0x1  }
0x27c: {  	[tilespmem:s29+$0x8420] =	vst v11  }
0x27d: {  	v11 =	vld [tilespmem:$0x230];
	_ =	sdelay $0x1  }
0x27e: {  	v12 =	vld [tilespmem:s29+$0x430];
	_ =	sdelay $0x2  }
0x27f: {  	v11 =	vmul.f32 v11, v10;
	_ =	sdelay $0x1  }
0x280: {  	v11 =	vsub.f32 v12, v11;
	_ =	sdelay $0x1  }
0x281: {  	[tilespmem:s29+$0x8430] =	vst v11  }
0x282: {  	v11 =	vld [tilespmem:$0x240];
	_ =	sdelay $0x1  }
0x283: {  	v12 =	vld [tilespmem:s29+$0x440];
	_ =	sdelay $0x2  }
0x284: {  	v11 =	vmul.f32 v11, v10;
	_ =	sdelay $0x1  }
0x285: {  	v11 =	vsub.f32 v12, v11;
	_ =	sdelay $0x1  }
0x286: {  	[tilespmem:s29+$0x8440] =	vst v11  }
0x287: {  	v11 =	vld [tilespmem:$0x250];
	_ =	sdelay $0x1  }
0x288: {  	v12 =	vld [tilespmem:s29+$0x450];
	_ =	sdelay $0x2  }
0x289: {  	v11 =	vmul.f32 v11, v10;
	_ =	sdelay $0x1  }
0x28a: {  	v11 =	vsub.f32 v12, v11;
	_ =	sdelay $0x1  }
0x28b: {  	[tilespmem:s29+$0x8450] =	vst v11  }
0x28c: {  	v11 =	vld [tilespmem:$0x260];
	_ =	sdelay $0x1  }
0x28d: {  	v12 =	vld [tilespmem:s29+$0x460];
	_ =	sdelay $0x2  }
0x28e: {  	v11 =	vmul.f32 v11, v10;
	_ =	sdelay $0x1  }
0x28f: {  	v11 =	vsub.f32 v12, v11;
	_ =	sdelay $0x1  }
0x290: {  	[tilespmem:s29+$0x8460] =	vst v11  }
0x291: {  	v11 =	vld [tilespmem:$0x270];
	_ =	sdelay $0x1  }
0x292: {  	v12 =	vld [tilespmem:s29+$0x470];
	_ =	sdelay $0x2  }
0x293: {  	v11 =	vmul.f32 v11, v10;
	_ =	sdelay $0x1  }
0x294: {  	v11 =	vsub.f32 v12, v11;
	_ =	sdelay $0x1  }
0x295: {  	[tilespmem:s29+$0x8470] =	vst v11  }
0x296: {  	v11 =	vld [tilespmem:$0x280];
	_ =	sdelay $0x1  }
0x297: {  	v12 =	vld [tilespmem:s29+$0x800];
	_ =	sdelay $0x2  }
0x298: {  	v11 =	vmul.f32 v11, v10;
	_ =	sdelay $0x1  }
0x299: {  	v11 =	vsub.f32 v12, v11;
	_ =	sdelay $0x1  }
0x29a: {  	[tilespmem:s29+$0x8800] =	vst v11  }
0x29b: {  	v11 =	vld [tilespmem:$0x290];
	_ =	sdelay $0x1  }
0x29c: {  	v12 =	vld [tilespmem:s29+$0x810];
	_ =	sdelay $0x2  }
0x29d: {  	v11 =	vmul.f32 v11, v10;
	_ =	sdelay $0x1  }
0x29e: {  	v11 =	vsub.f32 v12, v11;
	_ =	sdelay $0x1  }
0x29f: {  	[tilespmem:s29+$0x8810] =	vst v11  }
0x2a0: {  	v11 =	vld [tilespmem:$0x2A0];
	_ =	sdelay $0x1  }
0x2a1: {  	v12 =	vld [tilespmem:s29+$0x820];
	_ =	sdelay $0x2  }
0x2a2: {  	v11 =	vmul.f32 v11, v10;
	_ =	sdelay $0x1  }
0x2a3: {  	v11 =	vsub.f32 v12, v11;
	_ =	sdelay $0x1  }
0x2a4: {  	[tilespmem:s29+$0x8820] =	vst v11  }
0x2a5: {  	v11 =	vld [tilespmem:$0x2B0];
	_ =	sdelay $0x1  }
0x2a6: {  	v12 =	vld [tilespmem:s29+$0x830];
	_ =	sdelay $0x2  }
0x2a7: {  	v11 =	vmul.f32 v11, v10;
	_ =	sdelay $0x1  }
0x2a8: {  	v11 =	vsub.f32 v12, v11;
	_ =	sdelay $0x1  }
0x2a9: {  	[tilespmem:s29+$0x8830] =	vst v11  }
0x2aa: {  	v11 =	vld [tilespmem:$0x2C0];
	_ =	sdelay $0x1  }
0x2ab: {  	v12 =	vld [tilespmem:s29+$0x840];
	_ =	sdelay $0x2  }
0x2ac: {  	v11 =	vmul.f32 v11, v10;
	_ =	sdelay $0x1  }
0x2ad: {  	v11 =	vsub.f32 v12, v11;
	_ =	sdelay $0x1  }
0x2ae: {  	[tilespmem:s29+$0x8840] =	vst v11  }
0x2af: {  	v11 =	vld [tilespmem:$0x2D0];
	_ =	sdelay $0x1  }
0x2b0: {  	v12 =	vld [tilespmem:s29+$0x850];
	_ =	sdelay $0x2  }
0x2b1: {  	v11 =	vmul.f32 v11, v10;
	_ =	sdelay $0x1  }
0x2b2: {  	v11 =	vsub.f32 v12, v11;
	_ =	sdelay $0x1  }
0x2b3: {  	[tilespmem:s29+$0x8850] =	vst v11  }
0x2b4: {  	v11 =	vld [tilespmem:$0x2E0];
	_ =	sdelay $0x1  }
0x2b5: {  	v12 =	vld [tilespmem:s29+$0x860];
	_ =	sdelay $0x2  }
0x2b6: {  	v11 =	vmul.f32 v11, v10;
	_ =	sdelay $0x1  }
0x2b7: {  	v11 =	vsub.f32 v12, v11;
	_ =	sdelay $0x1  }
0x2b8: {  	[tilespmem:s29+$0x8860] =	vst v11  }
0x2b9: {  	v11 =	vld [tilespmem:$0x2F0];
	_ =	sdelay $0x1  }
0x2ba: {  	v12 =	vld [tilespmem:s29+$0x870];
	_ =	sdelay $0x2  }
0x2bb: {  	v11 =	vmul.f32 v11, v10;
	_ =	sdelay $0x1  }
0x2bc: {  	v11 =	vsub.f32 v12, v11;
	_ =	sdelay $0x1  }
0x2bd: {  	[tilespmem:s29+$0x8870] =	vst v11  }
0x2be: {  	v11 =	vld [tilespmem:$0x300];
	_ =	sdelay $0x1  }
0x2bf: {  	v12 =	vld [tilespmem:s29+$0xC00];
	_ =	sdelay $0x2  }
0x2c0: {  	v11 =	vmul.f32 v11, v10;
	_ =	sdelay $0x1  }
0x2c1: {  	v11 =	vsub.f32 v12, v11;
	_ =	sdelay $0x1  }
0x2c2: {  	[tilespmem:s29+$0x8C00] =	vst v11  }
0x2c3: {  	v11 =	vld [tilespmem:$0x310];
	_ =	sdelay $0x1  }
0x2c4: {  	v12 =	vld [tilespmem:s29+$0xC10];
	_ =	sdelay $0x2  }
0x2c5: {  	v11 =	vmul.f32 v11, v10;
	_ =	sdelay $0x1  }
0x2c6: {  	v11 =	vsub.f32 v12, v11;
	_ =	sdelay $0x1  }
0x2c7: {  	[tilespmem:s29+$0x8C10] =	vst v11  }
0x2c8: {  	v11 =	vld [tilespmem:$0x320];
	_ =	sdelay $0x1  }
0x2c9: {  	v12 =	vld [tilespmem:s29+$0xC20];
	_ =	sdelay $0x2  }
0x2ca: {  	v11 =	vmul.f32 v11, v10;
	_ =	sdelay $0x1  }
0x2cb: {  	v11 =	vsub.f32 v12, v11;
	_ =	sdelay $0x1  }
0x2cc: {  	[tilespmem:s29+$0x8C20] =	vst v11  }
0x2cd: {  	v11 =	vld [tilespmem:$0x330];
	_ =	sdelay $0x1  }
0x2ce: {  	v12 =	vld [tilespmem:s29+$0xC30];
	_ =	sdelay $0x2  }
0x2cf: {  	v11 =	vmul.f32 v11, v10;
	_ =	sdelay $0x1  }
0x2d0: {  	v11 =	vsub.f32 v12, v11;
	_ =	sdelay $0x1  }
0x2d1: {  	[tilespmem:s29+$0x8C30] =	vst v11  }
0x2d2: {  	v11 =	vld [tilespmem:$0x340];
	_ =	sdelay $0x1  }
0x2d3: {  	v12 =	vld [tilespmem:s29+$0xC40];
	_ =	sdelay $0x2  }
0x2d4: {  	v11 =	vmul.f32 v11, v10;
	_ =	sdelay $0x1  }
0x2d5: {  	v11 =	vsub.f32 v12, v11;
	_ =	sdelay $0x1  }
0x2d6: {  	[tilespmem:s29+$0x8C40] =	vst v11  }
0x2d7: {  	v11 =	vld [tilespmem:$0x350];
	_ =	sdelay $0x1  }
0x2d8: {  	v12 =	vld [tilespmem:s29+$0xC50];
	_ =	sdelay $0x2  }
0x2d9: {  	v11 =	vmul.f32 v11, v10;
	_ =	sdelay $0x1  }
0x2da: {  	v11 =	vsub.f32 v12, v11;
	_ =	sdelay $0x1  }
0x2db: {  	[tilespmem:s29+$0x8C50] =	vst v11  }
0x2dc: {  	v11 =	vld [tilespmem:$0x360];
	_ =	sdelay $0x1  }
0x2dd: {  	v12 =	vld [tilespmem:s29+$0xC60];
	_ =	sdelay $0x2  }
0x2de: {  	v11 =	vmul.f32 v11, v10;
	_ =	sdelay $0x1  }
0x2df: {  	v11 =	vsub.f32 v12, v11;
	_ =	sdelay $0x1  }
0x2e0: {  	[tilespmem:s29+$0x8C60] =	vst v11  }
0x2e1: {  	v11 =	vld [tilespmem:$0x370];
	_ =	sdelay $0x1  }
0x2e2: {  	v12 =	vld [tilespmem:s29+$0xC70];
	_ =	sdelay $0x2  }
0x2e3: {  	v11 =	vmul.f32 v11, v10;
	_ =	sdelay $0x1  }
0x2e4: {  	v11 =	vsub.f32 v12, v11;
	_ =	sdelay $0x1  }
0x2e5: {  	[tilespmem:s29+$0x8C70] =	vst v11  }
0x2e6: {  	v11 =	vld [tilespmem:$0x380];
	_ =	sdelay $0x1  }
0x2e7: {  	v12 =	vld [tilespmem:s29+$0x1000];
	_ =	sdelay $0x2  }
0x2e8: {  	v11 =	vmul.f32 v11, v10;
	_ =	sdelay $0x1  }
0x2e9: {  	v11 =	vsub.f32 v12, v11;
	_ =	sdelay $0x1  }
0x2ea: {  	[tilespmem:s29+$0x9000] =	vst v11  }
0x2eb: {  	v11 =	vld [tilespmem:$0x390];
	_ =	sdelay $0x1  }
0x2ec: {  	v12 =	vld [tilespmem:s29+$0x1010];
	_ =	sdelay $0x2  }
0x2ed: {  	v11 =	vmul.f32 v11, v10;
	_ =	sdelay $0x1  }
0x2ee: {  	v11 =	vsub.f32 v12, v11;
	_ =	sdelay $0x1  }
0x2ef: {  	[tilespmem:s29+$0x9010] =	vst v11  }
0x2f0: {  	v11 =	vld [tilespmem:$0x3A0];
	_ =	sdelay $0x1  }
0x2f1: {  	v12 =	vld [tilespmem:s29+$0x1020];
	_ =	sdelay $0x2  }
0x2f2: {  	v11 =	vmul.f32 v11, v10;
	_ =	sdelay $0x1  }
0x2f3: {  	v11 =	vsub.f32 v12, v11;
	_ =	sdelay $0x1  }
0x2f4: {  	[tilespmem:s29+$0x9020] =	vst v11  }
0x2f5: {  	v11 =	vld [tilespmem:$0x3B0];
	_ =	sdelay $0x1  }
0x2f6: {  	v12 =	vld [tilespmem:s29+$0x1030];
	_ =	sdelay $0x2  }
0x2f7: {  	v11 =	vmul.f32 v11, v10;
	_ =	sdelay $0x1  }
0x2f8: {  	v11 =	vsub.f32 v12, v11;
	_ =	sdelay $0x1  }
0x2f9: {  	[tilespmem:s29+$0x9030] =	vst v11  }
0x2fa: {  	v11 =	vld [tilespmem:$0x3C0];
	_ =	sdelay $0x1  }
0x2fb: {  	v12 =	vld [tilespmem:s29+$0x1040];
	_ =	sdelay $0x2  }
0x2fc: {  	v11 =	vmul.f32 v11, v10;
	_ =	sdelay $0x1  }
0x2fd: {  	v11 =	vsub.f32 v12, v11;
	_ =	sdelay $0x1  }
0x2fe: {  	[tilespmem:s29+$0x9040] =	vst v11  }
0x2ff: {  	v11 =	vld [tilespmem:$0x3D0];
	_ =	sdelay $0x1  }
0x300: {  	v12 =	vld [tilespmem:s29+$0x1050];
	_ =	sdelay $0x2  }
0x301: {  	v11 =	vmul.f32 v11, v10;
	_ =	sdelay $0x1  }
0x302: {  	v11 =	vsub.f32 v12, v11;
	_ =	sdelay $0x1  }
0x303: {  	[tilespmem:s29+$0x9050] =	vst v11  }
0x304: {  	v11 =	vld [tilespmem:$0x3E0];
	_ =	sdelay $0x1  }
0x305: {  	v12 =	vld [tilespmem:s29+$0x1060];
	_ =	sdelay $0x2  }
0x306: {  	v11 =	vmul.f32 v11, v10;
	_ =	sdelay $0x1  }
0x307: {  	v11 =	vsub.f32 v12, v11;
	_ =	sdelay $0x1  }
0x308: {  	[tilespmem:s29+$0x9060] =	vst v11  }
0x309: {  	v11 =	vld [tilespmem:$0x3F0];
	_ =	sdelay $0x4  }
0x30a: {  	v10 =	vmul.f32 v11, v10;
	_ =	sdelay $0x1  }
0x30b: {  	v9 =	vsub.f32 v9, v10;
	_ =	sdelay $0x1  }
0x30c: {  	[tilespmem:s29+$0x9070] =	vst v9  }
0x30d: {  	v20 =	vld [tilespmem:$0x3C0]  }
0x30e: {  	v21 =	vld [tilespmem:$0x3D0]  }
0x30f: {  	v11 =	vld [tilespmem:$0x3E0]  }
0x310: {  	v10 =	vld [tilespmem:$0x3F0]  }
0x311: {  	v24 =	vld [tilespmem:$0x380]  }
0x312: {  	v25 =	vld [tilespmem:$0x390]  }
0x313: {  	v13 =	vld [tilespmem:$0x3A0]  }
0x314: {  	v12 =	vld [tilespmem:$0x3B0]  }
0x315: {  	v27 =	vld [tilespmem:$0x340]  }
0x316: {  	v28 =	vld [tilespmem:$0x350]  }
0x317: {  	v14 =	vld [tilespmem:$0x360]  }
0x318: {  	v9 =	vld [tilespmem:$0x370]  }
0x319: {  	v30 =	vld [tilespmem:$0x300]  }
0x31a: {  	v31 =	vld [tilespmem:$0x310]  }
0x31b: {  	v17 =	vld [tilespmem:$0x320]  }
0x31c: {  	v16 =	vld [tilespmem:$0x330]  }
0x31d: {  	v32 =	vld [tilespmem:$0x2C0]  }
0x31e: {  	v33 =	vld [tilespmem:$0x2D0]  }
0x31f: {  	v19 =	vld [tilespmem:$0x2E0]  }
0x320: {  	v18 =	vld [tilespmem:$0x2F0]  }
0x321: {  	v34 =	vld [tilespmem:$0x280]  }
0x322: {  	v35 =	vld [tilespmem:$0x290]  }
0x323: {  	v23 =	vld [tilespmem:$0x2A0]  }
0x324: {  	v22 =	vld [tilespmem:$0x2B0]  }
0x325: {  	v36 =	vld [tilespmem:$0x240]  }
0x326: {  	v37 =	vld [tilespmem:$0x250]  }
0x327: {  	v29 =	vld [tilespmem:$0x260]  }
0x328: {  	v26 =	vld [tilespmem:$0x270]  }
0x329: {  	s31 =	sadd.s32 $0x80, s31;
	s0 =	sadd.s32 $0x200, s0;
	v38 =	vld [tilespmem:$0x210]  }
0x32a: {  	s3 =	sand.u32 $0x380, s31;
	s29 =	sand.u32 $0x3000, s0;
	v40 =	vld [tilespmem:$0x220]  }
0x32b: {  	s29 =	sor.u32 s3, s29;
	v39 =	vld [tilespmem:$0x230]  }
0x32c: {  	v52 =	vld [tilespmem:s29+$0x1040]  }
0x32d: {  	v53 =	vld [tilespmem:s29+$0x1050]  }
0x32e: {  	v54 =	vld [tilespmem:s29+$0x1000]  }
0x32f: {  	v55 =	vld [tilespmem:s29+$0x1010]  }
0x330: {  	v48 =	vld [tilespmem:s29+$0xC40]  }
0x331: {  	v50 =	vld [tilespmem:s29+$0xC50]  }
0x332: {  	v45 =	vld [tilespmem:s29+$0xC00]  }
0x333: {  	v49 =	vld [tilespmem:s29+$0xC10]  }
0x334: {  	v42 =	vld [tilespmem:s29+$0x840]  }
0x335: {  	v46 =	vld [tilespmem:s29+$0x850]  }
0x336: {  	v41 =	vld [tilespmem:s29+$0x800]  }
0x337: {  	v43 =	vld [tilespmem:s29+$0x810]  }
.Ltmp5:
0x338: {  	v44 =	vld [tilespmem:s29+$0x440];
	(pc) =	sbr.rel @p2 .LBB2_9-.Ltmp5, $4  }
0x339: {  	v47 =	vld [tilespmem:s29+$0x450]  }
0x33a: {  	v15 =	vld [tilespmem:s29+$0x400]  }
0x33b: {  	v20 =	vmul.f32 v20, v52;
	v21 =	vmul.f32 v21, v53;
	v51 =	vld [tilespmem:s29+$0x410]  }
0x33c: {  	s30 =	sadd.s32 $0x1, s30;
	v24 =	vmul.f32 v24, v54;
	v25 =	vmul.f32 v25, v55;
	v52 =	vld [tilespmem:s29+$0x420]  }
0x33d: {  	v53 =	vld [tilespmem:s29+$0x430];
	v27 =	vmul.f32 v27, v48;
	v28 =	vmul.f32 v28, v50  }
0x33e: {  	v48 =	vld [tilespmem:$0x200];
	v30 =	vmul.f32 v30, v45;
	v31 =	vmul.f32 v31, v49  }
0x33f: {  	v63 =	vld [tilespmem:s29+$0x460];
	v32 =	vmul.f32 v32, v42;
	v33 =	vmul.f32 v33, v46  }
0x340: {  	v49 =	vld [tilespmem:s29+$0x470];
	v34 =	vmul.f32 v34, v41;
	v35 =	vmul.f32 v35, v43  }
0x341: {  	v36 =	vmul.f32 v36, v44;
	v50 =	vld [tilespmem:s29+$0x820];
	v37 =	vmul.f32 v37, v47  }
0x342: {  	v38 =	vmul.f32 v38, v51;
	v51 =	vld [tilespmem:s29+$0x830];
	v40 =	vmul.f32 v40, v52  }
0x343: {  	v52 =	vmul.f32 v48, v15;
	v39 =	vmul.f32 v39, v53;
	v53 =	vld [tilespmem:s29+$0x860]  }
0x344: {  	v54 =	vld [tilespmem:s29+$0x870];
	v38 =	vadd.f32 $0.0e+00, v38;
	v29 =	vmul.f32 v29, v63;
	v40 =	vadd.f32 $0.0e+00, v40  }
0x345: {  	v55 =	vld [tilespmem:s29+$0xC20];
	v26 =	vmul.f32 v26, v49;
	v44 =	vadd.f32 $0.0e+00, v52;
	v39 =	vadd.f32 $0.0e+00, v39  }
0x346: {  	v56 =	vld [tilespmem:s29+$0xC30];
	v23 =	vmul.f32 v23, v50;
	v37 =	vadd.f32 v37, v38;
	v29 =	vadd.f32 v29, v40  }
0x347: {  	v57 =	vld [tilespmem:s29+$0xC60];
	v22 =	vmul.f32 v22, v51;
	v36 =	vadd.f32 v36, v44;
	v26 =	vadd.f32 v26, v39  }
0x348: {  	v58 =	vld [tilespmem:s29+$0xC70];
	v35 =	vadd.f32 v35, v37;
	v23 =	vadd.f32 v23, v29;
	v19 =	vmul.f32 v19, v53  }
0x349: {  	v59 =	vld [tilespmem:s29+$0x1020];
	v18 =	vmul.f32 v18, v54;
	v34 =	vadd.f32 v34, v36;
	v22 =	vadd.f32 v22, v26  }
0x34a: {  	v60 =	vld [tilespmem:s29+$0x1030];
	v17 =	vmul.f32 v17, v55;
	v33 =	vadd.f32 v33, v35;
	v19 =	vadd.f32 v19, v23  }
0x34b: {  	v61 =	vld [tilespmem:s29+$0x1060];
	v16 =	vmul.f32 v16, v56;
	v32 =	vadd.f32 v32, v34;
	v18 =	vadd.f32 v18, v22  }
0x34c: {  	v62 =	vld [tilespmem:s29+$0x1070];
	v14 =	vmul.f32 v14, v57;
	v31 =	vadd.f32 v31, v33;
	v17 =	vadd.f32 v17, v19  }
0x34d: {  	v9 =	vmul.f32 v9, v58;
	v30 =	vadd.f32 v30, v32;
	v16 =	vadd.f32 v16, v18  }
0x34e: {  	v13 =	vmul.f32 v13, v59;
	v63 =	vadd.f32 v28, v31;
	v14 =	vadd.f32 v14, v17  }
0x34f: {  	v12 =	vmul.f32 v12, v60;
	v28 =	vadd.f32 v27, v30;
	v9 =	vadd.f32 v9, v16  }
0x350: {  	v11 =	vmul.f32 v11, v61;
	v29 =	vadd.f32 v25, v63;
	v13 =	vadd.f32 v13, v14  }
0x351: {  	v10 =	vmul.f32 v10, v62;
	v30 =	vadd.f32 v24, v28;
	v9 =	vadd.f32 v12, v9  }
0x352: {  	v31 =	vadd.f32 v21, v29;
	v11 =	vadd.f32 v11, v13  }
0x353: {  	v32 =	vadd.f32 v20, v30;
	v9 =	vadd.f32 v10, v9;
	_ =	sdelay $0x1  }
0x354: {  	v10 =	vadd.f32 v31, v32;
	v9 =	vadd.f32 v9, v11;
	_ =	sdelay $0x1  }
0x355: {  	v9 =	vadd.f32 v9, v10;
	_ =	sdelay $0x1  }
0x356: {  	v10 =	vperm.xlane v9, v0;
	_ =	sdelay $0x1  }
0x357: {  	v9 =	vadd.f32 v9, v10;
	_ =	sdelay $0x1  }
0x358: {  	v10 =	vperm.xlane v9, v1;
	_ =	sdelay $0x1  }
0x359: {  	v9 =	vadd.f32 v9, v10;
	_ =	sdelay $0x1  }
0x35a: {  	v10 =	vperm.xlane v9, v2;
	_ =	sdelay $0x1  }
0x35b: {  	v9 =	vadd.f32 v9, v10;
	_ =	sdelay $0x1  }
0x35c: {  	p2 =	slt.u32 s26, $0x10;
	v10 =	vperm.xlane v9, v6  }
0x35d: {  	v33 =	vmov s26;
	v11 =	vpsel p2, v7, v8  }
0x35e: {  	v11 =	vperm.xlane v11, v33;
	v9 =	vadd.f32 v9, v10;
	_ =	sdelay $0x1  }
0x35f: {  	v9 =	vmul.f32 v9, v11;
	_ =	sdelay $0x1  }
0x360: {  	v10 =	vmul.f32 v9, v48;
	_ =	sdelay $0x1  }
0x361: {  	v11 =	vsub.f32 v15, v10;
	_ =	sdelay $0x1  }
0x362: {  	[tilespmem:s29+$0x8400] =	vst v11  }
0x363: {  	v11 =	vld [tilespmem:$0x210];
	_ =	sdelay $0x1  }
0x364: {  	v34 =	vld [tilespmem:s29+$0x410];
	_ =	sdelay $0x2  }
0x365: {  	v11 =	vmul.f32 v9, v11;
	_ =	sdelay $0x1  }
0x366: {  	v11 =	vsub.f32 v34, v11;
	_ =	sdelay $0x1  }
0x367: {  	[tilespmem:s29+$0x8410] =	vst v11  }
0x368: {  	v11 =	vld [tilespmem:$0x220];
	_ =	sdelay $0x1  }
0x369: {  	v35 =	vld [tilespmem:s29+$0x420];
	_ =	sdelay $0x2  }
0x36a: {  	v11 =	vmul.f32 v11, v9;
	_ =	sdelay $0x1  }
0x36b: {  	v11 =	vsub.f32 v35, v11;
	_ =	sdelay $0x1  }
0x36c: {  	[tilespmem:s29+$0x8420] =	vst v11  }
0x36d: {  	v11 =	vld [tilespmem:$0x230];
	_ =	sdelay $0x1  }
0x36e: {  	v36 =	vld [tilespmem:s29+$0x430];
	_ =	sdelay $0x2  }
0x36f: {  	v11 =	vmul.f32 v11, v9;
	_ =	sdelay $0x1  }
0x370: {  	v11 =	vsub.f32 v36, v11;
	_ =	sdelay $0x1  }
0x371: {  	[tilespmem:s29+$0x8430] =	vst v11  }
0x372: {  	v11 =	vld [tilespmem:$0x240];
	_ =	sdelay $0x1  }
0x373: {  	v37 =	vld [tilespmem:s29+$0x440];
	_ =	sdelay $0x2  }
0x374: {  	v11 =	vmul.f32 v11, v9;
	_ =	sdelay $0x1  }
0x375: {  	v11 =	vsub.f32 v37, v11;
	_ =	sdelay $0x1  }
0x376: {  	[tilespmem:s29+$0x8440] =	vst v11  }
0x377: {  	v11 =	vld [tilespmem:$0x250];
	_ =	sdelay $0x1  }
0x378: {  	v38 =	vld [tilespmem:s29+$0x450];
	_ =	sdelay $0x2  }
0x379: {  	v11 =	vmul.f32 v11, v9;
	_ =	sdelay $0x1  }
0x37a: {  	v11 =	vsub.f32 v38, v11;
	_ =	sdelay $0x1  }
0x37b: {  	[tilespmem:s29+$0x8450] =	vst v11  }
0x37c: {  	v11 =	vld [tilespmem:$0x260];
	_ =	sdelay $0x1  }
0x37d: {  	v39 =	vld [tilespmem:s29+$0x460];
	_ =	sdelay $0x2  }
0x37e: {  	v11 =	vmul.f32 v11, v9;
	_ =	sdelay $0x1  }
0x37f: {  	v11 =	vsub.f32 v39, v11;
	_ =	sdelay $0x1  }
0x380: {  	[tilespmem:s29+$0x8460] =	vst v11  }
0x381: {  	v11 =	vld [tilespmem:$0x270];
	_ =	sdelay $0x1  }
0x382: {  	v40 =	vld [tilespmem:s29+$0x470];
	_ =	sdelay $0x2  }
0x383: {  	v11 =	vmul.f32 v11, v9;
	_ =	sdelay $0x1  }
0x384: {  	v11 =	vsub.f32 v40, v11;
	_ =	sdelay $0x1  }
0x385: {  	[tilespmem:s29+$0x8470] =	vst v11  }
0x386: {  	v11 =	vld [tilespmem:$0x280];
	_ =	sdelay $0x1  }
0x387: {  	v41 =	vld [tilespmem:s29+$0x800];
	_ =	sdelay $0x2  }
0x388: {  	v11 =	vmul.f32 v11, v9;
	_ =	sdelay $0x1  }
0x389: {  	v11 =	vsub.f32 v41, v11;
	_ =	sdelay $0x1  }
0x38a: {  	[tilespmem:s29+$0x8800] =	vst v11  }
0x38b: {  	v11 =	vld [tilespmem:$0x290];
	_ =	sdelay $0x1  }
0x38c: {  	v42 =	vld [tilespmem:s29+$0x810];
	_ =	sdelay $0x2  }
0x38d: {  	v11 =	vmul.f32 v11, v9;
	_ =	sdelay $0x1  }
0x38e: {  	v11 =	vsub.f32 v42, v11;
	_ =	sdelay $0x1  }
0x38f: {  	[tilespmem:s29+$0x8810] =	vst v11  }
0x390: {  	v11 =	vld [tilespmem:$0x2A0];
	_ =	sdelay $0x1  }
0x391: {  	v43 =	vld [tilespmem:s29+$0x820];
	_ =	sdelay $0x2  }
0x392: {  	v11 =	vmul.f32 v11, v9;
	_ =	sdelay $0x1  }
0x393: {  	v11 =	vsub.f32 v43, v11;
	_ =	sdelay $0x1  }
0x394: {  	[tilespmem:s29+$0x8820] =	vst v11  }
0x395: {  	v11 =	vld [tilespmem:$0x2B0];
	_ =	sdelay $0x1  }
0x396: {  	v44 =	vld [tilespmem:s29+$0x830];
	_ =	sdelay $0x2  }
0x397: {  	v11 =	vmul.f32 v11, v9;
	_ =	sdelay $0x1  }
0x398: {  	v11 =	vsub.f32 v44, v11;
	_ =	sdelay $0x1  }
0x399: {  	[tilespmem:s29+$0x8830] =	vst v11  }
0x39a: {  	v11 =	vld [tilespmem:$0x2C0];
	_ =	sdelay $0x1  }
0x39b: {  	v45 =	vld [tilespmem:s29+$0x840];
	_ =	sdelay $0x2  }
0x39c: {  	v11 =	vmul.f32 v11, v9;
	_ =	sdelay $0x1  }
0x39d: {  	v11 =	vsub.f32 v45, v11;
	_ =	sdelay $0x1  }
0x39e: {  	[tilespmem:s29+$0x8840] =	vst v11  }
0x39f: {  	v11 =	vld [tilespmem:$0x2D0];
	_ =	sdelay $0x1  }
0x3a0: {  	v46 =	vld [tilespmem:s29+$0x850];
	_ =	sdelay $0x2  }
0x3a1: {  	v11 =	vmul.f32 v11, v9;
	_ =	sdelay $0x1  }
0x3a2: {  	v11 =	vsub.f32 v46, v11;
	_ =	sdelay $0x1  }
0x3a3: {  	[tilespmem:s29+$0x8850] =	vst v11  }
0x3a4: {  	v11 =	vld [tilespmem:$0x2E0];
	_ =	sdelay $0x1  }
0x3a5: {  	v47 =	vld [tilespmem:s29+$0x860];
	_ =	sdelay $0x2  }
0x3a6: {  	v11 =	vmul.f32 v11, v9;
	_ =	sdelay $0x1  }
0x3a7: {  	v11 =	vsub.f32 v47, v11;
	_ =	sdelay $0x1  }
0x3a8: {  	[tilespmem:s29+$0x8860] =	vst v11  }
0x3a9: {  	v11 =	vld [tilespmem:$0x2F0];
	_ =	sdelay $0x1  }
0x3aa: {  	v48 =	vld [tilespmem:s29+$0x870];
	_ =	sdelay $0x2  }
0x3ab: {  	v11 =	vmul.f32 v11, v9;
	_ =	sdelay $0x1  }
0x3ac: {  	v11 =	vsub.f32 v48, v11;
	_ =	sdelay $0x1  }
0x3ad: {  	[tilespmem:s29+$0x8870] =	vst v11  }
0x3ae: {  	v11 =	vld [tilespmem:$0x300];
	_ =	sdelay $0x1  }
0x3af: {  	v49 =	vld [tilespmem:s29+$0xC00];
	_ =	sdelay $0x2  }
0x3b0: {  	v11 =	vmul.f32 v11, v9;
	_ =	sdelay $0x1  }
0x3b1: {  	v11 =	vsub.f32 v49, v11;
	_ =	sdelay $0x1  }
0x3b2: {  	[tilespmem:s29+$0x8C00] =	vst v11  }
0x3b3: {  	v11 =	vld [tilespmem:$0x310];
	_ =	sdelay $0x1  }
0x3b4: {  	v50 =	vld [tilespmem:s29+$0xC10];
	_ =	sdelay $0x2  }
0x3b5: {  	v11 =	vmul.f32 v11, v9;
	_ =	sdelay $0x1  }
0x3b6: {  	v11 =	vsub.f32 v50, v11;
	_ =	sdelay $0x1  }
0x3b7: {  	[tilespmem:s29+$0x8C10] =	vst v11  }
0x3b8: {  	v11 =	vld [tilespmem:$0x320];
	_ =	sdelay $0x1  }
0x3b9: {  	v51 =	vld [tilespmem:s29+$0xC20];
	_ =	sdelay $0x2  }
0x3ba: {  	v11 =	vmul.f32 v11, v9;
	_ =	sdelay $0x1  }
0x3bb: {  	v11 =	vsub.f32 v51, v11;
	_ =	sdelay $0x1  }
0x3bc: {  	[tilespmem:s29+$0x8C20] =	vst v11  }
0x3bd: {  	v11 =	vld [tilespmem:$0x330];
	_ =	sdelay $0x1  }
0x3be: {  	v52 =	vld [tilespmem:s29+$0xC30];
	_ =	sdelay $0x2  }
0x3bf: {  	v11 =	vmul.f32 v11, v9;
	_ =	sdelay $0x1  }
0x3c0: {  	v11 =	vsub.f32 v52, v11;
	_ =	sdelay $0x1  }
0x3c1: {  	[tilespmem:s29+$0x8C30] =	vst v11  }
0x3c2: {  	v11 =	vld [tilespmem:$0x340];
	_ =	sdelay $0x1  }
0x3c3: {  	v53 =	vld [tilespmem:s29+$0xC40];
	_ =	sdelay $0x2  }
0x3c4: {  	v11 =	vmul.f32 v11, v9;
	_ =	sdelay $0x1  }
0x3c5: {  	v11 =	vsub.f32 v53, v11;
	_ =	sdelay $0x1  }
0x3c6: {  	[tilespmem:s29+$0x8C40] =	vst v11  }
0x3c7: {  	v11 =	vld [tilespmem:$0x350];
	_ =	sdelay $0x1  }
0x3c8: {  	v54 =	vld [tilespmem:s29+$0xC50];
	_ =	sdelay $0x2  }
0x3c9: {  	v11 =	vmul.f32 v11, v9;
	_ =	sdelay $0x1  }
0x3ca: {  	v11 =	vsub.f32 v54, v11;
	_ =	sdelay $0x1  }
0x3cb: {  	[tilespmem:s29+$0x8C50] =	vst v11  }
0x3cc: {  	v11 =	vld [tilespmem:$0x360];
	_ =	sdelay $0x1  }
0x3cd: {  	v55 =	vld [tilespmem:s29+$0xC60];
	_ =	sdelay $0x2  }
0x3ce: {  	v11 =	vmul.f32 v11, v9;
	_ =	sdelay $0x1  }
0x3cf: {  	v11 =	vsub.f32 v55, v11;
	_ =	sdelay $0x1  }
0x3d0: {  	[tilespmem:s29+$0x8C60] =	vst v11  }
0x3d1: {  	v11 =	vld [tilespmem:$0x370];
	_ =	sdelay $0x1  }
0x3d2: {  	v56 =	vld [tilespmem:s29+$0xC70];
	_ =	sdelay $0x2  }
0x3d3: {  	v11 =	vmul.f32 v11, v9;
	_ =	sdelay $0x1  }
0x3d4: {  	v11 =	vsub.f32 v56, v11;
	_ =	sdelay $0x1  }
0x3d5: {  	[tilespmem:s29+$0x8C70] =	vst v11  }
0x3d6: {  	v11 =	vld [tilespmem:$0x380];
	_ =	sdelay $0x1  }
0x3d7: {  	v57 =	vld [tilespmem:s29+$0x1000];
	_ =	sdelay $0x2  }
0x3d8: {  	v11 =	vmul.f32 v11, v9;
	_ =	sdelay $0x1  }
0x3d9: {  	v11 =	vsub.f32 v57, v11;
	_ =	sdelay $0x1  }
0x3da: {  	[tilespmem:s29+$0x9000] =	vst v11  }
0x3db: {  	v11 =	vld [tilespmem:$0x390];
	_ =	sdelay $0x1  }
0x3dc: {  	v58 =	vld [tilespmem:s29+$0x1010];
	_ =	sdelay $0x2  }
0x3dd: {  	v11 =	vmul.f32 v11, v9;
	_ =	sdelay $0x1  }
0x3de: {  	v11 =	vsub.f32 v58, v11;
	_ =	sdelay $0x1  }
0x3df: {  	[tilespmem:s29+$0x9010] =	vst v11  }
0x3e0: {  	v11 =	vld [tilespmem:$0x3A0];
	_ =	sdelay $0x1  }
0x3e1: {  	v59 =	vld [tilespmem:s29+$0x1020];
	_ =	sdelay $0x2  }
0x3e2: {  	v11 =	vmul.f32 v11, v9;
	_ =	sdelay $0x1  }
0x3e3: {  	v11 =	vsub.f32 v59, v11;
	_ =	sdelay $0x1  }
0x3e4: {  	[tilespmem:s29+$0x9020] =	vst v11  }
0x3e5: {  	v11 =	vld [tilespmem:$0x3B0];
	_ =	sdelay $0x1  }
0x3e6: {  	v60 =	vld [tilespmem:s29+$0x1030];
	_ =	sdelay $0x2  }
0x3e7: {  	v11 =	vmul.f32 v11, v9;
	_ =	sdelay $0x1  }
0x3e8: {  	v11 =	vsub.f32 v60, v11;
	_ =	sdelay $0x1  }
0x3e9: {  	[tilespmem:s29+$0x9030] =	vst v11  }
0x3ea: {  	v11 =	vld [tilespmem:$0x3C0];
	_ =	sdelay $0x1  }
0x3eb: {  	v61 =	vld [tilespmem:s29+$0x1040];
	_ =	sdelay $0x2  }
0x3ec: {  	v11 =	vmul.f32 v11, v9;
	_ =	sdelay $0x1  }
0x3ed: {  	v11 =	vsub.f32 v61, v11;
	_ =	sdelay $0x1  }
0x3ee: {  	[tilespmem:s29+$0x9040] =	vst v11  }
0x3ef: {  	v11 =	vld [tilespmem:$0x3D0];
	_ =	sdelay $0x1  }
0x3f0: {  	v62 =	vld [tilespmem:s29+$0x1050];
	_ =	sdelay $0x2  }
0x3f1: {  	v11 =	vmul.f32 v11, v9;
	_ =	sdelay $0x1  }
0x3f2: {  	v11 =	vsub.f32 v62, v11;
	_ =	sdelay $0x1  }
0x3f3: {  	[tilespmem:s29+$0x9050] =	vst v11  }
0x3f4: {  	v11 =	vld [tilespmem:$0x3E0];
	_ =	sdelay $0x1  }
0x3f5: {  	v63 =	vld [tilespmem:s29+$0x1060];
	_ =	sdelay $0x2  }
0x3f6: {  	v11 =	vmul.f32 v11, v9;
	_ =	sdelay $0x1  }
0x3f7: {  	v11 =	vsub.f32 v63, v11;
	_ =	sdelay $0x1  }
0x3f8: {  	[tilespmem:s29+$0x9060] =	vst v11  }
0x3f9: {  	v11 =	vld [tilespmem:$0x3F0];
	_ =	sdelay $0x1  }
0x3fa: {  	v10 =	vld [tilespmem:s29+$0x1070];
	_ =	sdelay $0x2  }
0x3fb: {  	v9 =	vmul.f32 v11, v9  }
0x3fc: {  	s26 =	sshll.u32 s22, $0x14  }
0x3fd: {  	s0 =	sadd.s32 s13, s26;
	v9 =	vsub.f32 v10, v9  }
0x3fe: {  	s0 =	sshrl.u32 s0, $0x3  }
0x3ff: {  	s0 =	sadd.s32 s4, s0;
	[tilespmem:s29+$0x9070] =	vst v9  }
0x400: {  	[hbm4b:s0+s5] =	stream.linear.scatter [tilespmem:s18], [sflag:$0x2], $0x4000, $0x38;
	[tilespmem:$0x1C400] =	vst v63  }
0x401: {  	s0 =	sshll.u32 s22, $0x10  }
0x402: {  	s3 =	sor.u32 s14, s0  }
0x403: {  	s3 =	sshrl.u32 s3, $0x3  }
0x404: {  	s3 =	sadd.s32 s4, s3  }
0x405: {  	[hbm4b:s3+s5] =	stream.linear.scatter [tilespmem:s19], [sflag:$0x3], $0x2000, $0x38;
	[tilespmem:$0x1C400] =	vst v63  }
0x406: {  	s3 =	sor.u32 $0x2000, s0  }
0x407: {  	s31 =	sor.u32 s14, s3  }
0x408: {  	s29 =	sshrl.u32 s31, $0x3  }
0x409: {  	s29 =	sadd.s32 s4, s29  }
0x40a: {  	[hbm4b:s29+s5] =	stream.linear.scatter [tilespmem:s19], [sflag:$0x3], $0x2000, $0x38;
	[tilespmem:$0x1C400] =	vst v63  }
0x40b: {  	s29 =	sor.u32 $0x4000, s0  }
0x40c: {  	s30 =	sor.u32 s14, s29  }
0x40d: {  	s30 =	sshrl.u32 s30, $0x3  }
0x40e: {  	s30 =	sadd.s32 s4, s30  }
0x40f: {  	[hbm4b:s30+s5] =	stream.linear.scatter [tilespmem:s19], [sflag:$0x3], $0x2000, $0x38;
	[tilespmem:$0x1C400] =	vst v63  }
0x410: {  	s30 =	sor.u32 $0x6000, s0  }
0x411: {  	s31 =	sor.u32 s14, s30  }
0x412: {  	s0 =	sor.u32 @!p0 s15, s0;
	s31 =	sshrl.u32 s31, $0x3  }
0x413: {  	s0 =	sshrl.u32 @!p0 s0, $0x3;
	s31 =	sadd.s32 s4, s31  }
0x414: {  	[hbm4b:s31+s5] =	stream.linear.scatter [tilespmem:s19], [sflag:$0x3], $0x2000, $0x38;
	[tilespmem:$0x1C400] =	vst v63  }
0x415: {  	s6 =	simm.s32 @!p0 $0x1A400;
	s0 =	sadd.s32 @!p0 s4, s0;
	s31 =	simm.s32 @!p0 $0x0  }
0x416: {  	[hbm4b:s0+s31] =	stream.linear.scatter @!p0 [tilespmem:s6], [sflag:$0x3], $0x2000, $0x38;
	[tilespmem:$0x1C400] =	vst v63  }
0x417: {  	s0 =	sor.u32 @!p0 s15, s3  }
0x418: {  	s0 =	sshrl.u32 @!p0 s0, $0x3  }
0x419: {  	s0 =	sadd.s32 @!p0 s4, s0  }
0x41a: {  	[hbm4b:s0+s31] =	stream.linear.scatter @!p0 [tilespmem:s6], [sflag:$0x3], $0x2000, $0x38;
	[tilespmem:$0x1C400] =	vst v63  }
0x41b: {  	s0 =	sor.u32 @!p0 s15, s29  }
0x41c: {  	s0 =	sshrl.u32 @!p0 s0, $0x3  }
0x41d: {  	p2 =	sne.s32 s22, $0x7;
	s0 =	sadd.s32 @!p0 s4, s0  }
0x41e: {  	[hbm4b:s0+s31] =	stream.linear.scatter @!p0 [tilespmem:s6], [sflag:$0x3], $0x2000, $0x38;
	[tilespmem:$0x1C400] =	vst v63  }
.Ltmp6:
0x41f: {  	_ = 	snop;
	(pc) =	sbr.rel @p2 .LBB2_12-.Ltmp6, $4  }
0x420: {  	s0 =	sor.u32 @!p0 s15, s30  }
0x421: {  	s0 =	sshrl.u32 @!p0 s0, $0x3  }
0x422: {  	s0 =	sadd.s32 @!p0 s4, s0  }
0x423: {  	[hbm4b:s0+s31] =	stream.linear.scatter @!p0 [tilespmem:s6], [sflag:$0x3], $0x2000, $0x38;
	[tilespmem:$0x1C400] =	vst v63  }
.Ltmp7:
0x424: {  	(pc) =	sbr.rel .LBB2_13-.Ltmp7, $4  }
0x425: {  	_ = 	snop  }
0x426: {  	_ =	swait.ge [sflag:s2], $0x4000  }
0x427: {  	[sflag:s2] =	ssyncset.done $0x0  }
0x428: {  	[sflag:s2] =	ssyncadd.s32 $0xFFFFC000  }
.LBB2_12:
0x429: {  	v9 =	vld [tilespmem:$0x0];
	_ =	sdelay $0x3  }
0x42a: {  	s0 =	sadd.s32 $0x2, s28  }
0x42b: {  	v9 =	vadd.s32 s0, v9  }
0x42c: {  	v10 =	vld [tilespmem:$0x10];
	v11 =	vshll.u32 v9, $0x2  }
0x42d: {  	v12 =	vand.u32 $0x7, v9;
	v11 =	vand.u32 $0xFFFFFFE0, v11  }
0x42e: {  	v11 =	vor.u32 v12, v11  }
0x42f: {  	v12 =	vperm.xlane v11, v3;
	_ =	sdelay $0x1  }
0x430: {  	[tilespmem:$0x80] =	vst v9;
	v9 =	vadd.s32 s0, v10;
	v10 =	vadd.s32 v4, v12  }
0x431: {  	[tilespmem:$0x90] =	vst v9  }
0x432: {  	_ =	swait.ge [sflag:s2], $0x4000;
	v9 =	vperm.xlane v11, v5  }
0x433: {  	[sflag:s2] =	ssyncset.done $0x0  }
0x434: {  	s30 =	simm.s32 $0x400;
	[sflag:s2] =	ssyncadd.s32 $0xFFFFC000;
	v9 =	vadd.s32 v4, v9  }
0x435: {  	[tilespmem:s30], [sflag:$0x1] =	stream.indirect_vreg.gather [hbm4b:s1+s5], $0x80, v10, vm0, $0xb8;
	[tilespmem:$0x1C400] =	vst v63  }
0x436: {  	s31 =	simm.s32 $0xC00  }
0x437: {  	[tilespmem:s31], [sflag:$0x1] =	stream.indirect_vreg.gather [hbm4b:s9+s5], $0x80, v10, vm0, $0xb8;
	[tilespmem:$0x1C400] =	vst v63  }
0x438: {  	s3 =	simm.s32 $0x1400  }
0x439: {  	[tilespmem:s3], [sflag:$0x1] =	stream.indirect_vreg.gather [hbm4b:s1+s5], $0x80, v9, vm0, $0xb8;
	[tilespmem:$0x1C400] =	vst v63  }
0x43a: {  	s6 =	simm.s32 $0x1C00  }
0x43b: {  	[tilespmem:s6], [sflag:$0x1] =	stream.indirect_vreg.gather [hbm4b:s9+s5], $0x80, v9, vm0, $0xb8;
	[tilespmem:$0x1C400] =	vst v63  }
0x43c: {  	v9 =	vld [tilespmem:$0x90];
	_ =	sdelay $0x4  }
0x43d: {  	v10 =	vshll.u32 v9, $0x2  }
0x43e: {  	v9 =	vand.u32 $0x7, v9;
	v10 =	vand.u32 $0xFFFFFFE0, v10  }
0x43f: {  	v9 =	vor.u32 v9, v10  }
0x440: {  	v10 =	vperm.xlane v9, v3;
	_ =	sdelay $0x1  }
0x441: {  	v10 =	vadd.s32 v4, v10;
	_ =	sdelay $0x2  }
0x442: {  	v9 =	vperm.xlane v9, v5  }
0x443: {  	s28 =	simm.s32 $0x2400  }
0x444: {  	v9 =	vadd.s32 v4, v9;
	[tilespmem:s28], [sflag:$0x1] =	stream.indirect_vreg.gather [hbm4b:s1+s5], $0x80, v10, vm0, $0xb8;
	[tilespmem:$0x1C400] =	vst v63  }
0x445: {  	s29 =	simm.s32 $0x2C00  }
0x446: {  	[tilespmem:s29], [sflag:$0x1] =	stream.indirect_vreg.gather [hbm4b:s9+s5], $0x80, v10, vm0, $0xb8;
	[tilespmem:$0x1C400] =	vst v63  }
.Ltmp8:
0x447: {  	_ = 	snop;
	(pc) =	sbr.rel @p1 .LBB2_14-.Ltmp8, $4  }
0x448: {  	s30 =	simm.s32 $0x3400  }
0x449: {  	[tilespmem:s30], [sflag:$0x1] =	stream.indirect_vreg.gather [hbm4b:s1+s5], $0x80, v9, vm0, $0xb8;
	[tilespmem:$0x1C400] =	vst v63  }
0x44a: {  	s31 =	simm.s32 $0x3C00  }
0x44b: {  	[tilespmem:s31], [sflag:$0x1] =	stream.indirect_vreg.gather [hbm4b:s9+s5], $0x80, v9, vm0, $0xb8;
	[tilespmem:$0x1C400] =	vst v63  }
.LBB2_13:
0x44c: {  	_ =	swait.ge [sflag:s23], $0x4000  }
0x44d: {  	[sflag:s23] =	ssyncset.done $0x0  }
0x44e: {  	[sflag:s23] =	ssyncadd.s32 $0xFFFFC000  }
.LBB2_14:
0x44f: {  	v20 =	vld [tilespmem:$0x3C0]  }
0x450: {  	v21 =	vld [tilespmem:$0x3D0]  }
0x451: {  	v11 =	vld [tilespmem:$0x3E0]  }
0x452: {  	v10 =	vld [tilespmem:$0x3F0]  }
0x453: {  	v24 =	vld [tilespmem:$0x380]  }
0x454: {  	v25 =	vld [tilespmem:$0x390]  }
0x455: {  	v13 =	vld [tilespmem:$0x3A0]  }
0x456: {  	v12 =	vld [tilespmem:$0x3B0]  }
0x457: {  	v27 =	vld [tilespmem:$0x340]  }
0x458: {  	v28 =	vld [tilespmem:$0x350]  }
0x459: {  	v14 =	vld [tilespmem:$0x360]  }
0x45a: {  	v9 =	vld [tilespmem:$0x370]  }
0x45b: {  	v30 =	vld [tilespmem:$0x300]  }
0x45c: {  	v31 =	vld [tilespmem:$0x310]  }
0x45d: {  	v17 =	vld [tilespmem:$0x320]  }
0x45e: {  	v16 =	vld [tilespmem:$0x330]  }
0x45f: {  	v32 =	vld [tilespmem:$0x2C0]  }
0x460: {  	v33 =	vld [tilespmem:$0x2D0]  }
0x461: {  	v19 =	vld [tilespmem:$0x2E0]  }
0x462: {  	v18 =	vld [tilespmem:$0x2F0]  }
0x463: {  	v34 =	vld [tilespmem:$0x280]  }
0x464: {  	v35 =	vld [tilespmem:$0x290]  }
0x465: {  	v23 =	vld [tilespmem:$0x2A0]  }
0x466: {  	v22 =	vld [tilespmem:$0x2B0]  }
0x467: {  	v36 =	vld [tilespmem:$0x240]  }
0x468: {  	v37 =	vld [tilespmem:$0x250]  }
0x469: {  	v29 =	vld [tilespmem:$0x260]  }
0x46a: {  	v26 =	vld [tilespmem:$0x270]  }
0x46b: {  	s29 =	simm.s32 $0x0;
	v38 =	vld [tilespmem:$0x210]  }
0x46c: {  	v40 =	vld [tilespmem:$0x220];
	s0 =	sand.u32 $0x3000, s29;
	s3 =	sand.u32 $0x380, s29  }
0x46d: {  	v39 =	vld [tilespmem:$0x230];
	s28 =	sor.u32 s3, s0  }
0x46e: {  	v52 =	vld [tilespmem:s28+$0x5040]  }
0x46f: {  	v53 =	vld [tilespmem:s28+$0x5050]  }
0x470: {  	v54 =	vld [tilespmem:s28+$0x5000]  }
0x471: {  	v55 =	vld [tilespmem:s28+$0x5010]  }
0x472: {  	v48 =	vld [tilespmem:s28+$0x4C40]  }
0x473: {  	v51 =	vld [tilespmem:s28+$0x4C50]  }
0x474: {  	v45 =	vld [tilespmem:s28+$0x4C00]  }
0x475: {  	v49 =	vld [tilespmem:s28+$0x4C10]  }
0x476: {  	v42 =	vld [tilespmem:s28+$0x4840]  }
0x477: {  	v46 =	vld [tilespmem:s28+$0x4850]  }
0x478: {  	v41 =	vld [tilespmem:s28+$0x4800]  }
0x479: {  	v43 =	vld [tilespmem:s28+$0x4810]  }
0x47a: {  	v44 =	vld [tilespmem:s28+$0x4440]  }
0x47b: {  	v47 =	vld [tilespmem:s28+$0x4450]  }
0x47c: {  	v15 =	vld [tilespmem:s28+$0x4400]  }
0x47d: {  	v50 =	vld [tilespmem:s28+$0x4410];
	v20 =	vmul.f32 v20, v52;
	v21 =	vmul.f32 v21, v53  }
0x47e: {  	s30 =	simm.s32 $0x1;
	s31 =	simm.s32 $0x0;
	s0 =	simm.s32 $0x0;
	v52 =	vld [tilespmem:s28+$0x4420];
	v24 =	vmul.f32 v24, v54;
	v25 =	vmul.f32 v25, v55  }
.LBB2_15:
0x47f: {  	p1 =	sne.s32 s30, $0x1F;
	v53 =	vld [tilespmem:s28+$0x4430];
	v48 =	vmul.f32 v27, v48;
	v28 =	vmul.f32 v28, v51  }
0x480: {  	v30 =	vmul.f32 v30, v45;
	v31 =	vmul.f32 v31, v49;
	v27 =	vld [tilespmem:$0x200]  }
0x481: {  	v32 =	vmul.f32 v32, v42;
	v33 =	vmul.f32 v33, v46;
	v45 =	vld [tilespmem:s28+$0x4460]  }
0x482: {  	v34 =	vmul.f32 v34, v41;
	v35 =	vmul.f32 v35, v43;
	v42 =	vld [tilespmem:s28+$0x4470]  }
0x483: {  	v36 =	vmul.f32 v36, v44;
	v37 =	vmul.f32 v37, v47;
	v41 =	vld [tilespmem:s28+$0x4820]  }
0x484: {  	v38 =	vmul.f32 v38, v50;
	v40 =	vmul.f32 v40, v52;
	v43 =	vld [tilespmem:s28+$0x4830]  }
0x485: {  	v39 =	vmul.f32 v39, v53;
	v44 =	vmul.f32 v27, v15;
	v46 =	vld [tilespmem:s28+$0x4860]  }
0x486: {  	v38 =	vadd.f32 $0.0e+00, v38;
	v40 =	vadd.f32 $0.0e+00, v40;
	v29 =	vmul.f32 v29, v45;
	v45 =	vld [tilespmem:s28+$0x4870]  }
0x487: {  	v39 =	vadd.f32 $0.0e+00, v39;
	v44 =	vadd.f32 $0.0e+00, v44;
	v26 =	vmul.f32 v26, v42;
	v42 =	vld [tilespmem:s28+$0x4C20]  }
0x488: {  	v37 =	vadd.f32 v37, v38;
	v29 =	vadd.f32 v29, v40;
	v23 =	vmul.f32 v23, v41;
	v38 =	vld [tilespmem:s28+$0x4C30]  }
0x489: {  	v36 =	vadd.f32 v36, v44;
	v26 =	vadd.f32 v26, v39;
	v22 =	vmul.f32 v22, v43;
	v39 =	vld [tilespmem:s28+$0x4C60]  }
0x48a: {  	v35 =	vadd.f32 v35, v37;
	v23 =	vadd.f32 v23, v29;
	v19 =	vmul.f32 v19, v46;
	v29 =	vld [tilespmem:s28+$0x4C70]  }
0x48b: {  	v34 =	vadd.f32 v34, v36;
	v22 =	vadd.f32 v22, v26;
	v18 =	vmul.f32 v18, v45;
	v26 =	vld [tilespmem:s28+$0x5020]  }
0x48c: {  	v33 =	vadd.f32 v33, v35;
	v19 =	vadd.f32 v19, v23;
	v17 =	vmul.f32 v17, v42;
	v23 =	vld [tilespmem:s28+$0x5030]  }
0x48d: {  	v32 =	vadd.f32 v32, v34;
	v18 =	vadd.f32 v18, v22;
	v16 =	vmul.f32 v16, v38;
	v22 =	vld [tilespmem:s28+$0x5060]  }
0x48e: {  	v31 =	vadd.f32 v31, v33;
	v17 =	vadd.f32 v17, v19;
	v14 =	vmul.f32 v14, v39;
	v19 =	vld [tilespmem:s28+$0x5070]  }
0x48f: {  	v30 =	vadd.f32 v30, v32;
	v16 =	vadd.f32 v16, v18;
	v18 =	vmul.f32 v9, v29;
	v9 =	vld [tilespmem:s28+$0x5070]  }
0x490: {  	v28 =	vadd.f32 v28, v31;
	v14 =	vadd.f32 v14, v17;
	v13 =	vmul.f32 v13, v26  }
0x491: {  	v17 =	vadd.f32 v48, v30;
	v16 =	vadd.f32 v18, v16;
	v12 =	vmul.f32 v12, v23  }
0x492: {  	v18 =	vadd.f32 v25, v28;
	v13 =	vadd.f32 v13, v14;
	v11 =	vmul.f32 v11, v22  }
0x493: {  	v14 =	vadd.f32 v24, v17;
	v12 =	vadd.f32 v12, v16;
	v10 =	vmul.f32 v10, v19  }
0x494: {  	v16 =	vadd.f32 v21, v18;
	v11 =	vadd.f32 v11, v13  }
0x495: {  	v13 =	vadd.f32 v20, v14;
	v10 =	vadd.f32 v10, v12;
	_ =	sdelay $0x1  }
0x496: {  	v12 =	vadd.f32 v16, v13;
	v10 =	vadd.f32 v10, v11;
	_ =	sdelay $0x1  }
0x497: {  	v10 =	vadd.f32 v10, v12;
	_ =	sdelay $0x1  }
0x498: {  	v11 =	vperm.xlane v10, v0;
	_ =	sdelay $0x1  }
0x499: {  	v10 =	vadd.f32 v10, v11;
	_ =	sdelay $0x1  }
0x49a: {  	v11 =	vperm.xlane v10, v1;
	_ =	sdelay $0x1  }
0x49b: {  	v10 =	vadd.f32 v10, v11;
	_ =	sdelay $0x1  }
0x49c: {  	v11 =	vperm.xlane v10, v2;
	_ =	sdelay $0x1  }
0x49d: {  	v10 =	vadd.f32 v10, v11;
	_ =	sdelay $0x1  }
0x49e: {  	p2 =	slt.u32 s29, $0x10;
	v11 =	vperm.xlane v10, v6  }
0x49f: {  	v13 =	vmov s29;
	s29 =	smov.u32 s30;
	v12 =	vpsel p2, v7, v8  }
0x4a0: {  	v12 =	vperm.xlane v12, v13;
	v10 =	vadd.f32 v10, v11;
	_ =	sdelay $0x1  }
0x4a1: {  	v10 =	vmul.f32 v10, v12;
	_ =	sdelay $0x1  }
0x4a2: {  	v11 =	vmul.f32 v10, v27;
	_ =	sdelay $0x1  }
0x4a3: {  	v11 =	vsub.f32 v15, v11;
	_ =	sdelay $0x1  }
0x4a4: {  	[tilespmem:s28+$0xC400] =	vst v11  }
0x4a5: {  	v11 =	vld [tilespmem:$0x210];
	_ =	sdelay $0x1  }
0x4a6: {  	v12 =	vld [tilespmem:s28+$0x4410];
	_ =	sdelay $0x2  }
0x4a7: {  	v11 =	vmul.f32 v10, v11;
	_ =	sdelay $0x1  }
0x4a8: {  	v11 =	vsub.f32 v12, v11;
	_ =	sdelay $0x1  }
0x4a9: {  	[tilespmem:s28+$0xC410] =	vst v11  }
0x4aa: {  	v11 =	vld [tilespmem:$0x220];
	_ =	sdelay $0x1  }
0x4ab: {  	v12 =	vld [tilespmem:s28+$0x4420];
	_ =	sdelay $0x2  }
0x4ac: {  	v11 =	vmul.f32 v11, v10;
	_ =	sdelay $0x1  }
0x4ad: {  	v11 =	vsub.f32 v12, v11;
	_ =	sdelay $0x1  }
0x4ae: {  	[tilespmem:s28+$0xC420] =	vst v11  }
0x4af: {  	v11 =	vld [tilespmem:$0x230];
	_ =	sdelay $0x1  }
0x4b0: {  	v12 =	vld [tilespmem:s28+$0x4430];
	_ =	sdelay $0x2  }
0x4b1: {  	v11 =	vmul.f32 v11, v10;
	_ =	sdelay $0x1  }
0x4b2: {  	v11 =	vsub.f32 v12, v11;
	_ =	sdelay $0x1  }
0x4b3: {  	[tilespmem:s28+$0xC430] =	vst v11  }
0x4b4: {  	v11 =	vld [tilespmem:$0x240];
	_ =	sdelay $0x1  }
0x4b5: {  	v12 =	vld [tilespmem:s28+$0x4440];
	_ =	sdelay $0x2  }
0x4b6: {  	v11 =	vmul.f32 v11, v10;
	_ =	sdelay $0x1  }
0x4b7: {  	v11 =	vsub.f32 v12, v11;
	_ =	sdelay $0x1  }
0x4b8: {  	[tilespmem:s28+$0xC440] =	vst v11  }
0x4b9: {  	v11 =	vld [tilespmem:$0x250];
	_ =	sdelay $0x1  }
0x4ba: {  	v12 =	vld [tilespmem:s28+$0x4450];
	_ =	sdelay $0x2  }
0x4bb: {  	v11 =	vmul.f32 v11, v10;
	_ =	sdelay $0x1  }
0x4bc: {  	v11 =	vsub.f32 v12, v11;
	_ =	sdelay $0x1  }
0x4bd: {  	[tilespmem:s28+$0xC450] =	vst v11  }
0x4be: {  	v11 =	vld [tilespmem:$0x260];
	_ =	sdelay $0x1  }
0x4bf: {  	v12 =	vld [tilespmem:s28+$0x4460];
	_ =	sdelay $0x2  }
0x4c0: {  	v11 =	vmul.f32 v11, v10;
	_ =	sdelay $0x1  }
0x4c1: {  	v11 =	vsub.f32 v12, v11;
	_ =	sdelay $0x1  }
0x4c2: {  	[tilespmem:s28+$0xC460] =	vst v11  }
0x4c3: {  	v11 =	vld [tilespmem:$0x270];
	_ =	sdelay $0x1  }
0x4c4: {  	v12 =	vld [tilespmem:s28+$0x4470];
	_ =	sdelay $0x2  }
0x4c5: {  	v11 =	vmul.f32 v11, v10;
	_ =	sdelay $0x1  }
0x4c6: {  	v11 =	vsub.f32 v12, v11;
	_ =	sdelay $0x1  }
0x4c7: {  	[tilespmem:s28+$0xC470] =	vst v11  }
0x4c8: {  	v11 =	vld [tilespmem:$0x280];
	_ =	sdelay $0x1  }
0x4c9: {  	v12 =	vld [tilespmem:s28+$0x4800];
	_ =	sdelay $0x2  }
0x4ca: {  	v11 =	vmul.f32 v11, v10;
	_ =	sdelay $0x1  }
0x4cb: {  	v11 =	vsub.f32 v12, v11;
	_ =	sdelay $0x1  }
0x4cc: {  	[tilespmem:s28+$0xC800] =	vst v11  }
0x4cd: {  	v11 =	vld [tilespmem:$0x290];
	_ =	sdelay $0x1  }
0x4ce: {  	v12 =	vld [tilespmem:s28+$0x4810];
	_ =	sdelay $0x2  }
0x4cf: {  	v11 =	vmul.f32 v11, v10;
	_ =	sdelay $0x1  }
0x4d0: {  	v11 =	vsub.f32 v12, v11;
	_ =	sdelay $0x1  }
0x4d1: {  	[tilespmem:s28+$0xC810] =	vst v11  }
0x4d2: {  	v11 =	vld [tilespmem:$0x2A0];
	_ =	sdelay $0x1  }
0x4d3: {  	v12 =	vld [tilespmem:s28+$0x4820];
	_ =	sdelay $0x2  }
0x4d4: {  	v11 =	vmul.f32 v11, v10;
	_ =	sdelay $0x1  }
0x4d5: {  	v11 =	vsub.f32 v12, v11;
	_ =	sdelay $0x1  }
0x4d6: {  	[tilespmem:s28+$0xC820] =	vst v11  }
0x4d7: {  	v11 =	vld [tilespmem:$0x2B0];
	_ =	sdelay $0x1  }
0x4d8: {  	v12 =	vld [tilespmem:s28+$0x4830];
	_ =	sdelay $0x2  }
0x4d9: {  	v11 =	vmul.f32 v11, v10;
	_ =	sdelay $0x1  }
0x4da: {  	v11 =	vsub.f32 v12, v11;
	_ =	sdelay $0x1  }
0x4db: {  	[tilespmem:s28+$0xC830] =	vst v11  }
0x4dc: {  	v11 =	vld [tilespmem:$0x2C0];
	_ =	sdelay $0x1  }
0x4dd: {  	v12 =	vld [tilespmem:s28+$0x4840];
	_ =	sdelay $0x2  }
0x4de: {  	v11 =	vmul.f32 v11, v10;
	_ =	sdelay $0x1  }
0x4df: {  	v11 =	vsub.f32 v12, v11;
	_ =	sdelay $0x1  }
0x4e0: {  	[tilespmem:s28+$0xC840] =	vst v11  }
0x4e1: {  	v11 =	vld [tilespmem:$0x2D0];
	_ =	sdelay $0x1  }
0x4e2: {  	v12 =	vld [tilespmem:s28+$0x4850];
	_ =	sdelay $0x2  }
0x4e3: {  	v11 =	vmul.f32 v11, v10;
	_ =	sdelay $0x1  }
0x4e4: {  	v11 =	vsub.f32 v12, v11;
	_ =	sdelay $0x1  }
0x4e5: {  	[tilespmem:s28+$0xC850] =	vst v11  }
0x4e6: {  	v11 =	vld [tilespmem:$0x2E0];
	_ =	sdelay $0x1  }
0x4e7: {  	v12 =	vld [tilespmem:s28+$0x4860];
	_ =	sdelay $0x2  }
0x4e8: {  	v11 =	vmul.f32 v11, v10;
	_ =	sdelay $0x1  }
0x4e9: {  	v11 =	vsub.f32 v12, v11;
	_ =	sdelay $0x1  }
0x4ea: {  	[tilespmem:s28+$0xC860] =	vst v11  }
0x4eb: {  	v11 =	vld [tilespmem:$0x2F0];
	_ =	sdelay $0x1  }
0x4ec: {  	v12 =	vld [tilespmem:s28+$0x4870];
	_ =	sdelay $0x2  }
0x4ed: {  	v11 =	vmul.f32 v11, v10;
	_ =	sdelay $0x1  }
0x4ee: {  	v11 =	vsub.f32 v12, v11;
	_ =	sdelay $0x1  }
0x4ef: {  	[tilespmem:s28+$0xC870] =	vst v11  }
0x4f0: {  	v11 =	vld [tilespmem:$0x300];
	_ =	sdelay $0x1  }
0x4f1: {  	v12 =	vld [tilespmem:s28+$0x4C00];
	_ =	sdelay $0x2  }
0x4f2: {  	v11 =	vmul.f32 v11, v10;
	_ =	sdelay $0x1  }
0x4f3: {  	v11 =	vsub.f32 v12, v11;
	_ =	sdelay $0x1  }
0x4f4: {  	[tilespmem:s28+$0xCC00] =	vst v11  }
0x4f5: {  	v11 =	vld [tilespmem:$0x310];
	_ =	sdelay $0x1  }
0x4f6: {  	v12 =	vld [tilespmem:s28+$0x4C10];
	_ =	sdelay $0x2  }
0x4f7: {  	v11 =	vmul.f32 v11, v10;
	_ =	sdelay $0x1  }
0x4f8: {  	v11 =	vsub.f32 v12, v11;
	_ =	sdelay $0x1  }
0x4f9: {  	[tilespmem:s28+$0xCC10] =	vst v11  }
0x4fa: {  	v11 =	vld [tilespmem:$0x320];
	_ =	sdelay $0x1  }
0x4fb: {  	v12 =	vld [tilespmem:s28+$0x4C20];
	_ =	sdelay $0x2  }
0x4fc: {  	v11 =	vmul.f32 v11, v10;
	_ =	sdelay $0x1  }
0x4fd: {  	v11 =	vsub.f32 v12, v11;
	_ =	sdelay $0x1  }
0x4fe: {  	[tilespmem:s28+$0xCC20] =	vst v11  }
0x4ff: {  	v11 =	vld [tilespmem:$0x330];
	_ =	sdelay $0x1  }
0x500: {  	v12 =	vld [tilespmem:s28+$0x4C30];
	_ =	sdelay $0x2  }
0x501: {  	v11 =	vmul.f32 v11, v10;
	_ =	sdelay $0x1  }
0x502: {  	v11 =	vsub.f32 v12, v11;
	_ =	sdelay $0x1  }
0x503: {  	[tilespmem:s28+$0xCC30] =	vst v11  }
0x504: {  	v11 =	vld [tilespmem:$0x340];
	_ =	sdelay $0x1  }
0x505: {  	v12 =	vld [tilespmem:s28+$0x4C40];
	_ =	sdelay $0x2  }
0x506: {  	v11 =	vmul.f32 v11, v10;
	_ =	sdelay $0x1  }
0x507: {  	v11 =	vsub.f32 v12, v11;
	_ =	sdelay $0x1  }
0x508: {  	[tilespmem:s28+$0xCC40] =	vst v11  }
0x509: {  	v11 =	vld [tilespmem:$0x350];
	_ =	sdelay $0x1  }
0x50a: {  	v12 =	vld [tilespmem:s28+$0x4C50];
	_ =	sdelay $0x2  }
0x50b: {  	v11 =	vmul.f32 v11, v10;
	_ =	sdelay $0x1  }
0x50c: {  	v11 =	vsub.f32 v12, v11;
	_ =	sdelay $0x1  }
0x50d: {  	[tilespmem:s28+$0xCC50] =	vst v11  }
0x50e: {  	v11 =	vld [tilespmem:$0x360];
	_ =	sdelay $0x1  }
0x50f: {  	v12 =	vld [tilespmem:s28+$0x4C60];
	_ =	sdelay $0x2  }
0x510: {  	v11 =	vmul.f32 v11, v10;
	_ =	sdelay $0x1  }
0x511: {  	v11 =	vsub.f32 v12, v11;
	_ =	sdelay $0x1  }
0x512: {  	[tilespmem:s28+$0xCC60] =	vst v11  }
0x513: {  	v11 =	vld [tilespmem:$0x370];
	_ =	sdelay $0x1  }
0x514: {  	v12 =	vld [tilespmem:s28+$0x4C70];
	_ =	sdelay $0x2  }
0x515: {  	v11 =	vmul.f32 v11, v10;
	_ =	sdelay $0x1  }
0x516: {  	v11 =	vsub.f32 v12, v11;
	_ =	sdelay $0x1  }
0x517: {  	[tilespmem:s28+$0xCC70] =	vst v11  }
0x518: {  	v11 =	vld [tilespmem:$0x380];
	_ =	sdelay $0x1  }
0x519: {  	v12 =	vld [tilespmem:s28+$0x5000];
	_ =	sdelay $0x2  }
0x51a: {  	v11 =	vmul.f32 v11, v10;
	_ =	sdelay $0x1  }
0x51b: {  	v11 =	vsub.f32 v12, v11;
	_ =	sdelay $0x1  }
0x51c: {  	[tilespmem:s28+$0xD000] =	vst v11  }
0x51d: {  	v11 =	vld [tilespmem:$0x390];
	_ =	sdelay $0x1  }
0x51e: {  	v12 =	vld [tilespmem:s28+$0x5010];
	_ =	sdelay $0x2  }
0x51f: {  	v11 =	vmul.f32 v11, v10;
	_ =	sdelay $0x1  }
0x520: {  	v11 =	vsub.f32 v12, v11;
	_ =	sdelay $0x1  }
0x521: {  	[tilespmem:s28+$0xD010] =	vst v11  }
0x522: {  	v11 =	vld [tilespmem:$0x3A0];
	_ =	sdelay $0x1  }
0x523: {  	v12 =	vld [tilespmem:s28+$0x5020];
	_ =	sdelay $0x2  }
0x524: {  	v11 =	vmul.f32 v11, v10;
	_ =	sdelay $0x1  }
0x525: {  	v11 =	vsub.f32 v12, v11;
	_ =	sdelay $0x1  }
0x526: {  	[tilespmem:s28+$0xD020] =	vst v11  }
0x527: {  	v11 =	vld [tilespmem:$0x3B0];
	_ =	sdelay $0x1  }
0x528: {  	v12 =	vld [tilespmem:s28+$0x5030];
	_ =	sdelay $0x2  }
0x529: {  	v11 =	vmul.f32 v11, v10;
	_ =	sdelay $0x1  }
0x52a: {  	v11 =	vsub.f32 v12, v11;
	_ =	sdelay $0x1  }
0x52b: {  	[tilespmem:s28+$0xD030] =	vst v11  }
0x52c: {  	v11 =	vld [tilespmem:$0x3C0];
	_ =	sdelay $0x1  }
0x52d: {  	v12 =	vld [tilespmem:s28+$0x5040];
	_ =	sdelay $0x2  }
0x52e: {  	v11 =	vmul.f32 v11, v10;
	_ =	sdelay $0x1  }
0x52f: {  	v11 =	vsub.f32 v12, v11;
	_ =	sdelay $0x1  }
0x530: {  	[tilespmem:s28+$0xD040] =	vst v11  }
0x531: {  	v11 =	vld [tilespmem:$0x3D0];
	_ =	sdelay $0x1  }
0x532: {  	v12 =	vld [tilespmem:s28+$0x5050];
	_ =	sdelay $0x2  }
0x533: {  	v11 =	vmul.f32 v11, v10;
	_ =	sdelay $0x1  }
0x534: {  	v11 =	vsub.f32 v12, v11;
	_ =	sdelay $0x1  }
0x535: {  	[tilespmem:s28+$0xD050] =	vst v11  }
0x536: {  	v11 =	vld [tilespmem:$0x3E0];
	_ =	sdelay $0x1  }
0x537: {  	v12 =	vld [tilespmem:s28+$0x5060];
	_ =	sdelay $0x2  }
0x538: {  	v11 =	vmul.f32 v11, v10;
	_ =	sdelay $0x1  }
0x539: {  	v11 =	vsub.f32 v12, v11;
	_ =	sdelay $0x1  }
0x53a: {  	[tilespmem:s28+$0xD060] =	vst v11  }
0x53b: {  	v11 =	vld [tilespmem:$0x3F0];
	_ =	sdelay $0x4  }
0x53c: {  	v10 =	vmul.f32 v11, v10;
	_ =	sdelay $0x1  }
0x53d: {  	v9 =	vsub.f32 v9, v10;
	_ =	sdelay $0x1  }
0x53e: {  	[tilespmem:s28+$0xD070] =	vst v9  }
0x53f: {  	v20 =	vld [tilespmem:$0x3C0]  }
0x540: {  	v21 =	vld [tilespmem:$0x3D0]  }
0x541: {  	v11 =	vld [tilespmem:$0x3E0]  }
0x542: {  	v10 =	vld [tilespmem:$0x3F0]  }
0x543: {  	v24 =	vld [tilespmem:$0x380]  }
0x544: {  	v25 =	vld [tilespmem:$0x390]  }
0x545: {  	v13 =	vld [tilespmem:$0x3A0]  }
0x546: {  	v12 =	vld [tilespmem:$0x3B0]  }
0x547: {  	v27 =	vld [tilespmem:$0x340]  }
0x548: {  	v28 =	vld [tilespmem:$0x350]  }
0x549: {  	v14 =	vld [tilespmem:$0x360]  }
0x54a: {  	v9 =	vld [tilespmem:$0x370]  }
0x54b: {  	v30 =	vld [tilespmem:$0x300]  }
0x54c: {  	v31 =	vld [tilespmem:$0x310]  }
0x54d: {  	v17 =	vld [tilespmem:$0x320]  }
0x54e: {  	v16 =	vld [tilespmem:$0x330]  }
0x54f: {  	v32 =	vld [tilespmem:$0x2C0]  }
0x550: {  	v33 =	vld [tilespmem:$0x2D0]  }
0x551: {  	v19 =	vld [tilespmem:$0x2E0]  }
0x552: {  	v18 =	vld [tilespmem:$0x2F0]  }
0x553: {  	v34 =	vld [tilespmem:$0x280]  }
0x554: {  	v35 =	vld [tilespmem:$0x290]  }
0x555: {  	v23 =	vld [tilespmem:$0x2A0]  }
0x556: {  	v22 =	vld [tilespmem:$0x2B0]  }
0x557: {  	v36 =	vld [tilespmem:$0x240]  }
0x558: {  	v37 =	vld [tilespmem:$0x250]  }
0x559: {  	v29 =	vld [tilespmem:$0x260]  }
0x55a: {  	v26 =	vld [tilespmem:$0x270]  }
0x55b: {  	s31 =	sadd.s32 $0x80, s31;
	s0 =	sadd.s32 $0x200, s0;
	v38 =	vld [tilespmem:$0x210]  }
0x55c: {  	s3 =	sand.u32 $0x3000, s0;
	s6 =	sand.u32 $0x380, s31;
	v40 =	vld [tilespmem:$0x220]  }
0x55d: {  	s28 =	sor.u32 s6, s3;
	v39 =	vld [tilespmem:$0x230]  }
0x55e: {  	v52 =	vld [tilespmem:s28+$0x5040]  }
0x55f: {  	v53 =	vld [tilespmem:s28+$0x5050]  }
0x560: {  	v54 =	vld [tilespmem:s28+$0x5000]  }
0x561: {  	v55 =	vld [tilespmem:s28+$0x5010]  }
0x562: {  	v48 =	vld [tilespmem:s28+$0x4C40]  }
0x563: {  	v51 =	vld [tilespmem:s28+$0x4C50]  }
0x564: {  	v45 =	vld [tilespmem:s28+$0x4C00]  }
0x565: {  	v49 =	vld [tilespmem:s28+$0x4C10]  }
0x566: {  	v42 =	vld [tilespmem:s28+$0x4840]  }
0x567: {  	v46 =	vld [tilespmem:s28+$0x4850]  }
0x568: {  	v41 =	vld [tilespmem:s28+$0x4800]  }
0x569: {  	v43 =	vld [tilespmem:s28+$0x4810]  }
.Ltmp9:
0x56a: {  	v44 =	vld [tilespmem:s28+$0x4440];
	(pc) =	sbr.rel @p1 .LBB2_15-.Ltmp9, $4  }
0x56b: {  	v47 =	vld [tilespmem:s28+$0x4450]  }
0x56c: {  	v15 =	vld [tilespmem:s28+$0x4400]  }
0x56d: {  	v20 =	vmul.f32 v20, v52;
	v21 =	vmul.f32 v21, v53;
	v50 =	vld [tilespmem:s28+$0x4410]  }
0x56e: {  	s30 =	sadd.s32 $0x1, s30;
	v24 =	vmul.f32 v24, v54;
	v25 =	vmul.f32 v25, v55;
	v52 =	vld [tilespmem:s28+$0x4420]  }
0x56f: {  	v53 =	vld [tilespmem:s28+$0x4430];
	v27 =	vmul.f32 v27, v48;
	v28 =	vmul.f32 v28, v51  }
0x570: {  	v48 =	vld [tilespmem:$0x200];
	v30 =	vmul.f32 v30, v45;
	v31 =	vmul.f32 v31, v49  }
0x571: {  	v62 =	vld [tilespmem:s28+$0x4460];
	v32 =	vmul.f32 v32, v42;
	v33 =	vmul.f32 v33, v46  }
0x572: {  	v63 =	vld [tilespmem:s28+$0x4470];
	v34 =	vmul.f32 v34, v41;
	v35 =	vmul.f32 v35, v43  }
0x573: {  	v36 =	vmul.f32 v36, v44;
	v49 =	vld [tilespmem:s28+$0x4820];
	v37 =	vmul.f32 v37, v47  }
0x574: {  	v51 =	vld [tilespmem:s28+$0x4830];
	v38 =	vmul.f32 v38, v50;
	v40 =	vmul.f32 v40, v52  }
0x575: {  	v52 =	vmul.f32 v48, v15;
	v39 =	vmul.f32 v39, v53;
	v53 =	vld [tilespmem:s28+$0x4860]  }
0x576: {  	v54 =	vld [tilespmem:s28+$0x4870];
	v38 =	vadd.f32 $0.0e+00, v38;
	v29 =	vmul.f32 v29, v62;
	v40 =	vadd.f32 $0.0e+00, v40  }
0x577: {  	v55 =	vld [tilespmem:s28+$0x4C20];
	v26 =	vmul.f32 v26, v63;
	v44 =	vadd.f32 $0.0e+00, v52;
	v39 =	vadd.f32 $0.0e+00, v39  }
0x578: {  	v56 =	vld [tilespmem:s28+$0x4C30];
	v23 =	vmul.f32 v23, v49;
	v37 =	vadd.f32 v37, v38;
	v29 =	vadd.f32 v29, v40  }
0x579: {  	v57 =	vld [tilespmem:s28+$0x4C60];
	v22 =	vmul.f32 v22, v51;
	v36 =	vadd.f32 v36, v44;
	v26 =	vadd.f32 v26, v39  }
0x57a: {  	v58 =	vld [tilespmem:s28+$0x4C70];
	v35 =	vadd.f32 v35, v37;
	v23 =	vadd.f32 v23, v29;
	v19 =	vmul.f32 v19, v53  }
0x57b: {  	v59 =	vld [tilespmem:s28+$0x5020];
	v18 =	vmul.f32 v18, v54;
	v34 =	vadd.f32 v34, v36;
	v22 =	vadd.f32 v22, v26  }
0x57c: {  	v60 =	vld [tilespmem:s28+$0x5030];
	v17 =	vmul.f32 v17, v55;
	v33 =	vadd.f32 v33, v35;
	v19 =	vadd.f32 v19, v23  }
0x57d: {  	v61 =	vld [tilespmem:s28+$0x5060];
	v16 =	vmul.f32 v16, v56;
	v32 =	vadd.f32 v32, v34;
	v18 =	vadd.f32 v18, v22  }
0x57e: {  	v14 =	vmul.f32 v14, v57;
	v62 =	vld [tilespmem:s28+$0x5070];
	v31 =	vadd.f32 v31, v33;
	v17 =	vadd.f32 v17, v19  }
0x57f: {  	v9 =	vmul.f32 v9, v58;
	v30 =	vadd.f32 v30, v32;
	v16 =	vadd.f32 v16, v18  }
0x580: {  	v13 =	vmul.f32 v13, v59;
	v63 =	vadd.f32 v28, v31;
	v14 =	vadd.f32 v14, v17  }
0x581: {  	v12 =	vmul.f32 v12, v60;
	v28 =	vadd.f32 v27, v30;
	v9 =	vadd.f32 v9, v16  }
0x582: {  	v11 =	vmul.f32 v11, v61;
	v29 =	vadd.f32 v25, v63;
	v13 =	vadd.f32 v13, v14  }
0x583: {  	v10 =	vmul.f32 v10, v62;
	v30 =	vadd.f32 v24, v28;
	v9 =	vadd.f32 v12, v9  }
0x584: {  	v31 =	vadd.f32 v21, v29;
	v11 =	vadd.f32 v11, v13  }
0x585: {  	v32 =	vadd.f32 v20, v30;
	v9 =	vadd.f32 v10, v9;
	_ =	sdelay $0x1  }
0x586: {  	v10 =	vadd.f32 v31, v32;
	v9 =	vadd.f32 v9, v11;
	_ =	sdelay $0x1  }
0x587: {  	v9 =	vadd.f32 v9, v10;
	_ =	sdelay $0x1  }
0x588: {  	v10 =	vperm.xlane v9, v0;
	_ =	sdelay $0x1  }
0x589: {  	v9 =	vadd.f32 v9, v10;
	_ =	sdelay $0x1  }
0x58a: {  	v10 =	vperm.xlane v9, v1;
	_ =	sdelay $0x1  }
0x58b: {  	v9 =	vadd.f32 v9, v10;
	_ =	sdelay $0x1  }
0x58c: {  	v10 =	vperm.xlane v9, v2;
	_ =	sdelay $0x1  }
0x58d: {  	v9 =	vadd.f32 v9, v10;
	_ =	sdelay $0x1  }
0x58e: {  	p1 =	slt.u32 s29, $0x10;
	v10 =	vperm.xlane v9, v6  }
0x58f: {  	v33 =	vmov s29;
	v11 =	vpsel p1, v7, v8  }
0x590: {  	v11 =	vperm.xlane v11, v33;
	v9 =	vadd.f32 v9, v10;
	_ =	sdelay $0x1  }
0x591: {  	v9 =	vmul.f32 v9, v11;
	_ =	sdelay $0x1  }
0x592: {  	v10 =	vmul.f32 v9, v48;
	_ =	sdelay $0x1  }
0x593: {  	v11 =	vsub.f32 v15, v10;
	_ =	sdelay $0x1  }
0x594: {  	[tilespmem:s28+$0xC400] =	vst v11  }
0x595: {  	v11 =	vld [tilespmem:$0x210];
	_ =	sdelay $0x1  }
0x596: {  	v34 =	vld [tilespmem:s28+$0x4410];
	_ =	sdelay $0x2  }
0x597: {  	v11 =	vmul.f32 v9, v11;
	_ =	sdelay $0x1  }
0x598: {  	v11 =	vsub.f32 v34, v11;
	_ =	sdelay $0x1  }
0x599: {  	[tilespmem:s28+$0xC410] =	vst v11  }
0x59a: {  	v11 =	vld [tilespmem:$0x220];
	_ =	sdelay $0x1  }
0x59b: {  	v35 =	vld [tilespmem:s28+$0x4420];
	_ =	sdelay $0x2  }
0x59c: {  	v11 =	vmul.f32 v11, v9;
	_ =	sdelay $0x1  }
0x59d: {  	v11 =	vsub.f32 v35, v11;
	_ =	sdelay $0x1  }
0x59e: {  	[tilespmem:s28+$0xC420] =	vst v11  }
0x59f: {  	v11 =	vld [tilespmem:$0x230];
	_ =	sdelay $0x1  }
0x5a0: {  	v36 =	vld [tilespmem:s28+$0x4430];
	_ =	sdelay $0x2  }
0x5a1: {  	v11 =	vmul.f32 v11, v9;
	_ =	sdelay $0x1  }
0x5a2: {  	v11 =	vsub.f32 v36, v11;
	_ =	sdelay $0x1  }
0x5a3: {  	[tilespmem:s28+$0xC430] =	vst v11  }
0x5a4: {  	v11 =	vld [tilespmem:$0x240];
	_ =	sdelay $0x1  }
0x5a5: {  	v37 =	vld [tilespmem:s28+$0x4440];
	_ =	sdelay $0x2  }
0x5a6: {  	v11 =	vmul.f32 v11, v9;
	_ =	sdelay $0x1  }
0x5a7: {  	v11 =	vsub.f32 v37, v11;
	_ =	sdelay $0x1  }
0x5a8: {  	[tilespmem:s28+$0xC440] =	vst v11  }
0x5a9: {  	v11 =	vld [tilespmem:$0x250];
	_ =	sdelay $0x1  }
0x5aa: {  	v38 =	vld [tilespmem:s28+$0x4450];
	_ =	sdelay $0x2  }
0x5ab: {  	v11 =	vmul.f32 v11, v9;
	_ =	sdelay $0x1  }
0x5ac: {  	v11 =	vsub.f32 v38, v11;
	_ =	sdelay $0x1  }
0x5ad: {  	[tilespmem:s28+$0xC450] =	vst v11  }
0x5ae: {  	v11 =	vld [tilespmem:$0x260];
	_ =	sdelay $0x1  }
0x5af: {  	v39 =	vld [tilespmem:s28+$0x4460];
	_ =	sdelay $0x2  }
0x5b0: {  	v11 =	vmul.f32 v11, v9;
	_ =	sdelay $0x1  }
0x5b1: {  	v11 =	vsub.f32 v39, v11;
	_ =	sdelay $0x1  }
0x5b2: {  	[tilespmem:s28+$0xC460] =	vst v11  }
0x5b3: {  	v11 =	vld [tilespmem:$0x270];
	_ =	sdelay $0x1  }
0x5b4: {  	v40 =	vld [tilespmem:s28+$0x4470];
	_ =	sdelay $0x2  }
0x5b5: {  	v11 =	vmul.f32 v11, v9;
	_ =	sdelay $0x1  }
0x5b6: {  	v11 =	vsub.f32 v40, v11;
	_ =	sdelay $0x1  }
0x5b7: {  	[tilespmem:s28+$0xC470] =	vst v11  }
0x5b8: {  	v11 =	vld [tilespmem:$0x280];
	_ =	sdelay $0x1  }
0x5b9: {  	v41 =	vld [tilespmem:s28+$0x4800];
	_ =	sdelay $0x2  }
0x5ba: {  	v11 =	vmul.f32 v11, v9;
	_ =	sdelay $0x1  }
0x5bb: {  	v11 =	vsub.f32 v41, v11;
	_ =	sdelay $0x1  }
0x5bc: {  	[tilespmem:s28+$0xC800] =	vst v11  }
0x5bd: {  	v11 =	vld [tilespmem:$0x290];
	_ =	sdelay $0x1  }
0x5be: {  	v42 =	vld [tilespmem:s28+$0x4810];
	_ =	sdelay $0x2  }
0x5bf: {  	v11 =	vmul.f32 v11, v9;
	_ =	sdelay $0x1  }
0x5c0: {  	v11 =	vsub.f32 v42, v11;
	_ =	sdelay $0x1  }
0x5c1: {  	[tilespmem:s28+$0xC810] =	vst v11  }
0x5c2: {  	v11 =	vld [tilespmem:$0x2A0];
	_ =	sdelay $0x1  }
0x5c3: {  	v43 =	vld [tilespmem:s28+$0x4820];
	_ =	sdelay $0x2  }
0x5c4: {  	v11 =	vmul.f32 v11, v9;
	_ =	sdelay $0x1  }
0x5c5: {  	v11 =	vsub.f32 v43, v11;
	_ =	sdelay $0x1  }
0x5c6: {  	[tilespmem:s28+$0xC820] =	vst v11  }
0x5c7: {  	v11 =	vld [tilespmem:$0x2B0];
	_ =	sdelay $0x1  }
0x5c8: {  	v44 =	vld [tilespmem:s28+$0x4830];
	_ =	sdelay $0x2  }
0x5c9: {  	v11 =	vmul.f32 v11, v9;
	_ =	sdelay $0x1  }
0x5ca: {  	v11 =	vsub.f32 v44, v11;
	_ =	sdelay $0x1  }
0x5cb: {  	[tilespmem:s28+$0xC830] =	vst v11  }
0x5cc: {  	v11 =	vld [tilespmem:$0x2C0];
	_ =	sdelay $0x1  }
0x5cd: {  	v45 =	vld [tilespmem:s28+$0x4840];
	_ =	sdelay $0x2  }
0x5ce: {  	v11 =	vmul.f32 v11, v9;
	_ =	sdelay $0x1  }
0x5cf: {  	v11 =	vsub.f32 v45, v11;
	_ =	sdelay $0x1  }
0x5d0: {  	[tilespmem:s28+$0xC840] =	vst v11  }
0x5d1: {  	v11 =	vld [tilespmem:$0x2D0];
	_ =	sdelay $0x1  }
0x5d2: {  	v46 =	vld [tilespmem:s28+$0x4850];
	_ =	sdelay $0x2  }
0x5d3: {  	v11 =	vmul.f32 v11, v9;
	_ =	sdelay $0x1  }
0x5d4: {  	v11 =	vsub.f32 v46, v11;
	_ =	sdelay $0x1  }
0x5d5: {  	[tilespmem:s28+$0xC850] =	vst v11  }
0x5d6: {  	v11 =	vld [tilespmem:$0x2E0];
	_ =	sdelay $0x1  }
0x5d7: {  	v47 =	vld [tilespmem:s28+$0x4860];
	_ =	sdelay $0x2  }
0x5d8: {  	v11 =	vmul.f32 v11, v9;
	_ =	sdelay $0x1  }
0x5d9: {  	v11 =	vsub.f32 v47, v11;
	_ =	sdelay $0x1  }
0x5da: {  	[tilespmem:s28+$0xC860] =	vst v11  }
0x5db: {  	v11 =	vld [tilespmem:$0x2F0];
	_ =	sdelay $0x1  }
0x5dc: {  	v48 =	vld [tilespmem:s28+$0x4870];
	_ =	sdelay $0x2  }
0x5dd: {  	v11 =	vmul.f32 v11, v9;
	_ =	sdelay $0x1  }
0x5de: {  	v11 =	vsub.f32 v48, v11;
	_ =	sdelay $0x1  }
0x5df: {  	[tilespmem:s28+$0xC870] =	vst v11  }
0x5e0: {  	v11 =	vld [tilespmem:$0x300];
	_ =	sdelay $0x1  }
0x5e1: {  	v49 =	vld [tilespmem:s28+$0x4C00];
	_ =	sdelay $0x2  }
0x5e2: {  	v11 =	vmul.f32 v11, v9;
	_ =	sdelay $0x1  }
0x5e3: {  	v11 =	vsub.f32 v49, v11;
	_ =	sdelay $0x1  }
0x5e4: {  	[tilespmem:s28+$0xCC00] =	vst v11  }
0x5e5: {  	v11 =	vld [tilespmem:$0x310];
	_ =	sdelay $0x1  }
0x5e6: {  	v50 =	vld [tilespmem:s28+$0x4C10];
	_ =	sdelay $0x2  }
0x5e7: {  	v11 =	vmul.f32 v11, v9;
	_ =	sdelay $0x1  }
0x5e8: {  	v11 =	vsub.f32 v50, v11;
	_ =	sdelay $0x1  }
0x5e9: {  	[tilespmem:s28+$0xCC10] =	vst v11  }
0x5ea: {  	v11 =	vld [tilespmem:$0x320];
	_ =	sdelay $0x1  }
0x5eb: {  	v51 =	vld [tilespmem:s28+$0x4C20];
	_ =	sdelay $0x2  }
0x5ec: {  	v11 =	vmul.f32 v11, v9;
	_ =	sdelay $0x1  }
0x5ed: {  	v11 =	vsub.f32 v51, v11;
	_ =	sdelay $0x1  }
0x5ee: {  	[tilespmem:s28+$0xCC20] =	vst v11  }
0x5ef: {  	v11 =	vld [tilespmem:$0x330];
	_ =	sdelay $0x1  }
0x5f0: {  	v52 =	vld [tilespmem:s28+$0x4C30];
	_ =	sdelay $0x2  }
0x5f1: {  	v11 =	vmul.f32 v11, v9;
	_ =	sdelay $0x1  }
0x5f2: {  	v11 =	vsub.f32 v52, v11;
	_ =	sdelay $0x1  }
0x5f3: {  	[tilespmem:s28+$0xCC30] =	vst v11  }
0x5f4: {  	v11 =	vld [tilespmem:$0x340];
	_ =	sdelay $0x1  }
0x5f5: {  	v53 =	vld [tilespmem:s28+$0x4C40];
	_ =	sdelay $0x2  }
0x5f6: {  	v11 =	vmul.f32 v11, v9;
	_ =	sdelay $0x1  }
0x5f7: {  	v11 =	vsub.f32 v53, v11;
	_ =	sdelay $0x1  }
0x5f8: {  	[tilespmem:s28+$0xCC40] =	vst v11  }
0x5f9: {  	v11 =	vld [tilespmem:$0x350];
	_ =	sdelay $0x1  }
0x5fa: {  	v54 =	vld [tilespmem:s28+$0x4C50];
	_ =	sdelay $0x2  }
0x5fb: {  	v11 =	vmul.f32 v11, v9;
	_ =	sdelay $0x1  }
0x5fc: {  	v11 =	vsub.f32 v54, v11;
	_ =	sdelay $0x1  }
0x5fd: {  	[tilespmem:s28+$0xCC50] =	vst v11  }
0x5fe: {  	v11 =	vld [tilespmem:$0x360];
	_ =	sdelay $0x1  }
0x5ff: {  	v55 =	vld [tilespmem:s28+$0x4C60];
	_ =	sdelay $0x2  }
0x600: {  	v11 =	vmul.f32 v11, v9;
	_ =	sdelay $0x1  }
0x601: {  	v11 =	vsub.f32 v55, v11;
	_ =	sdelay $0x1  }
0x602: {  	[tilespmem:s28+$0xCC60] =	vst v11  }
0x603: {  	v11 =	vld [tilespmem:$0x370];
	_ =	sdelay $0x1  }
0x604: {  	v56 =	vld [tilespmem:s28+$0x4C70];
	_ =	sdelay $0x2  }
0x605: {  	v11 =	vmul.f32 v11, v9;
	_ =	sdelay $0x1  }
0x606: {  	v11 =	vsub.f32 v56, v11;
	_ =	sdelay $0x1  }
0x607: {  	[tilespmem:s28+$0xCC70] =	vst v11  }
0x608: {  	v11 =	vld [tilespmem:$0x380];
	_ =	sdelay $0x1  }
0x609: {  	v57 =	vld [tilespmem:s28+$0x5000];
	_ =	sdelay $0x2  }
0x60a: {  	v11 =	vmul.f32 v11, v9;
	_ =	sdelay $0x1  }
0x60b: {  	v11 =	vsub.f32 v57, v11;
	_ =	sdelay $0x1  }
0x60c: {  	[tilespmem:s28+$0xD000] =	vst v11  }
0x60d: {  	v11 =	vld [tilespmem:$0x390];
	_ =	sdelay $0x1  }
0x60e: {  	v58 =	vld [tilespmem:s28+$0x5010];
	_ =	sdelay $0x2  }
0x60f: {  	v11 =	vmul.f32 v11, v9;
	_ =	sdelay $0x1  }
0x610: {  	v11 =	vsub.f32 v58, v11;
	_ =	sdelay $0x1  }
0x611: {  	[tilespmem:s28+$0xD010] =	vst v11  }
0x612: {  	v11 =	vld [tilespmem:$0x3A0];
	_ =	sdelay $0x1  }
0x613: {  	v59 =	vld [tilespmem:s28+$0x5020];
	_ =	sdelay $0x2  }
0x614: {  	v11 =	vmul.f32 v11, v9;
	_ =	sdelay $0x1  }
0x615: {  	v11 =	vsub.f32 v59, v11;
	_ =	sdelay $0x1  }
0x616: {  	[tilespmem:s28+$0xD020] =	vst v11  }
0x617: {  	v11 =	vld [tilespmem:$0x3B0];
	_ =	sdelay $0x1  }
0x618: {  	v60 =	vld [tilespmem:s28+$0x5030];
	_ =	sdelay $0x2  }
0x619: {  	v11 =	vmul.f32 v11, v9;
	_ =	sdelay $0x1  }
0x61a: {  	v11 =	vsub.f32 v60, v11;
	_ =	sdelay $0x1  }
0x61b: {  	[tilespmem:s28+$0xD030] =	vst v11  }
0x61c: {  	v11 =	vld [tilespmem:$0x3C0];
	_ =	sdelay $0x1  }
0x61d: {  	v61 =	vld [tilespmem:s28+$0x5040];
	_ =	sdelay $0x2  }
0x61e: {  	v11 =	vmul.f32 v11, v9;
	_ =	sdelay $0x1  }
0x61f: {  	v11 =	vsub.f32 v61, v11;
	_ =	sdelay $0x1  }
0x620: {  	[tilespmem:s28+$0xD040] =	vst v11  }
0x621: {  	v11 =	vld [tilespmem:$0x3D0];
	_ =	sdelay $0x1  }
0x622: {  	v62 =	vld [tilespmem:s28+$0x5050];
	_ =	sdelay $0x2  }
0x623: {  	v11 =	vmul.f32 v11, v9;
	_ =	sdelay $0x1  }
0x624: {  	v11 =	vsub.f32 v62, v11;
	_ =	sdelay $0x1  }
0x625: {  	[tilespmem:s28+$0xD050] =	vst v11  }
0x626: {  	v11 =	vld [tilespmem:$0x3E0];
	_ =	sdelay $0x1  }
0x627: {  	v63 =	vld [tilespmem:s28+$0x5060];
	_ =	sdelay $0x2  }
0x628: {  	v11 =	vmul.f32 v11, v9;
	_ =	sdelay $0x1  }
0x629: {  	v11 =	vsub.f32 v63, v11;
	_ =	sdelay $0x1  }
0x62a: {  	[tilespmem:s28+$0xD060] =	vst v11  }
0x62b: {  	v11 =	vld [tilespmem:$0x3F0];
	_ =	sdelay $0x1  }
0x62c: {  	v10 =	vld [tilespmem:s28+$0x5070];
	_ =	sdelay $0x2  }
0x62d: {  	v9 =	vmul.f32 v11, v9;
	_ =	sdelay $0x1  }
0x62e: {  	s0 =	sadd.s32 s16, s26;
	v9 =	vsub.f32 v10, v9  }
0x62f: {  	s0 =	sshrl.u32 s0, $0x3  }
0x630: {  	s0 =	sadd.s32 s4, s0;
	[tilespmem:s28+$0xD070] =	vst v9  }
0x631: {  	[hbm4b:s0+s5] =	stream.linear.scatter [tilespmem:s24], [sflag:$0x2], $0x4000, $0x38;
	[tilespmem:$0x1C400] =	vst v63  }
0x632: {  	s0 =	sshll.u32 s25, $0xF  }
0x633: {  	s3 =	sor.u32 s14, s0  }
0x634: {  	s3 =	sshrl.u32 s3, $0x3  }
0x635: {  	s3 =	sadd.s32 s4, s3  }
0x636: {  	[hbm4b:s3+s5] =	stream.linear.scatter [tilespmem:s19], [sflag:$0x3], $0x2000, $0x38;
	[tilespmem:$0x1C400] =	vst v63  }
0x637: {  	s3 =	sor.u32 $0x2000, s0  }
0x638: {  	s6 =	sor.u32 s14, s3  }
0x639: {  	s6 =	sshrl.u32 s6, $0x3  }
0x63a: {  	s6 =	sadd.s32 s4, s6  }
0x63b: {  	[hbm4b:s6+s5] =	stream.linear.scatter [tilespmem:s19], [sflag:$0x3], $0x2000, $0x38;
	[tilespmem:$0x1C400] =	vst v63  }
0x63c: {  	s6 =	sor.u32 $0x4000, s0  }
0x63d: {  	s30 =	sor.u32 s14, s6  }
0x63e: {  	s25 =	sshrl.u32 s30, $0x3  }
0x63f: {  	s25 =	sadd.s32 s4, s25  }
0x640: {  	[hbm4b:s25+s5] =	stream.linear.scatter [tilespmem:s19], [sflag:$0x3], $0x2000, $0x38;
	[tilespmem:$0x1C400] =	vst v63  }
0x641: {  	s25 =	sor.u32 $0x6000, s0  }
0x642: {  	s31 =	sor.u32 s14, s25  }
0x643: {  	s0 =	sor.u32 @!p0 s15, s0;
	s26 =	sshrl.u32 s31, $0x3  }
0x644: {  	s0 =	sshrl.u32 @!p0 s0, $0x3;
	s26 =	sadd.s32 s4, s26  }
0x645: {  	[hbm4b:s26+s5] =	stream.linear.scatter [tilespmem:s19], [sflag:$0x3], $0x2000, $0x38;
	[tilespmem:$0x1C400] =	vst v63  }
0x646: {  	s28 =	simm.s32 @!p0 $0x1A400;
	s0 =	sadd.s32 @!p0 s4, s0;
	s26 =	simm.s32 @!p0 $0x0  }
0x647: {  	[hbm4b:s0+s26] =	stream.linear.scatter @!p0 [tilespmem:s28], [sflag:$0x3], $0x2000, $0x38;
	[tilespmem:$0x1C400] =	vst v63  }
0x648: {  	s0 =	sor.u32 @!p0 s15, s3  }
0x649: {  	s0 =	sshrl.u32 @!p0 s0, $0x3  }
0x64a: {  	s0 =	sadd.s32 @!p0 s4, s0  }
0x64b: {  	[hbm4b:s0+s26] =	stream.linear.scatter @!p0 [tilespmem:s28], [sflag:$0x3], $0x2000, $0x38;
	[tilespmem:$0x1C400] =	vst v63  }
0x64c: {  	s0 =	sor.u32 @!p0 s15, s6  }
0x64d: {  	s22 =	sadd.s32 $0x1, s22;
	s0 =	sshrl.u32 @!p0 s0, $0x3  }
0x64e: {  	p1 =	sne.s32 s22, $0x8;
	s0 =	sadd.s32 @!p0 s4, s0  }
0x64f: {  	[hbm4b:s0+s26] =	stream.linear.scatter @!p0 [tilespmem:s28], [sflag:$0x3], $0x2000, $0x38;
	[tilespmem:$0x1C400] =	vst v63  }
.Ltmp10:
0x650: {  	_ = 	snop;
	(pc) =	sbr.rel @p1 .LBB2_8-.Ltmp10, $4  }
0x651: {  	s0 =	sor.u32 @!p0 s15, s25  }
0x652: {  	s0 =	sshrl.u32 @!p0 s0, $0x3  }
0x653: {  	s0 =	sadd.s32 @!p0 s4, s0  }
0x654: {  	[hbm4b:s0+s26] =	stream.linear.scatter @!p0 [tilespmem:s28], [sflag:$0x3], $0x2000, $0x38;
	[tilespmem:$0x1C400] =	vst v63  }
0x655: {  	_ =	swait.ge [sflag:s23], $0x4000  }
0x656: {  	[sflag:s23] =	ssyncset.done $0x0  }
0x657: {  	[sflag:s23] =	ssyncadd.s32 $0xFFFFC000  }
0x658: {  	_ =	swait.ge [sflag:s23], $0x4000  }
0x659: {  	[sflag:s23] =	ssyncset.done $0x0  }
0x65a: {  	[sflag:s23] =	ssyncadd.s32 $0xFFFFC000  }
0x65b: {  	_ =	swait.ge [sflag:s20], $0x2000  }
0x65c: {  	s0 =	simm.s32 $0x3F;
	[sflag:s20] =	ssyncset.done $0x0  }
.LBB2_18:
0x65d: {  	p1 =	sne.s32 s0, $0x1;
	s0 =	sadd.s32 $0xFFFFFFFF, s0;
	[sflag:s20] =	ssyncadd.s32 $0xFFFFE000  }
.Ltmp11:
0x65e: {  	(pc) =	sbr.rel @p1 .LBB2_18-.Ltmp11, $3  }
0x65f: {  	_ =	sdelay $0x1  }
0x660: {  	_ =	swait.ge [sflag:s20], $0x2000  }
0x661: {  	[sflag:s20] =	ssyncset.done $0x0  }
.Ltmp12:
0x662: {  	(pc) =	sbr.rel @p0 .LBB2_23-.Ltmp12, $2  }
0x663: {  	_ =	sdelay $0x2  }
0x664: {  	[sflag:s20] =	ssyncadd.s32 $0xFFFFE000;
	s0 =	simm.s32 $0x40;
	s3 =	rddreg [dreg:$0xd]  }
0x665: {  	_ =	swait.ge [sflag:s20], $0x2000  }
0x666: {  	s0 =	sadd.s32 $0xFFFFFFFF, s0;
	[sflag:s20] =	ssyncset.done $0x0  }
.LBB2_21:
0x667: {  	p1 =	sne.s32 s0, $0x1;
	s0 =	sadd.s32 $0xFFFFFFFF, s0;
	[sflag:s20] =	ssyncadd.s32 $0xFFFFE000  }
.Ltmp13:
0x668: {  	(pc) =	sbr.rel @p1 .LBB2_21-.Ltmp13, $3  }
0x669: {  	_ =	sdelay $0x1  }
0x66a: {  	_ =	swait.ge [sflag:s20], $0x2000  }
0x66b: {  	[sflag:s20] =	ssyncset.done $0x0  }
.Ltmp14:
0x66c: {  	(pc) =	sbr.rel .LBB2_23-.Ltmp14, $2  }
0x66d: {  	_ =	sdelay $0x2  }
0x66e: {  	[sflag:s20] =	ssyncadd.s32 $0xFFFFE000  }
.LBB2_24:
0x66f: {  	_ =	sfence.sel $0x180000  }
0x670: {  	[bflag:$0x0] =	sbarrier.arrive $0xFFFF  }
0x671: {  	_ =	strace $0x90000047  }
0x672: {  	s0 =	stileid.u32;
	[bflag:$0x2] =	sbarrier.arrive $0xFFFF  }
0x673: {  	p0 =	sne.s32 s0, $0x0;
	s0 =	rddreg [dreg:$0x4]  }
0x674: {  	s0 =	sadd.s32 @!p0 $0x100000, s0  }
0x675: {  	[sflag:s0] =	ssyncadd.tile.s32 @!p0 $0x1;
	_ =	shalt  }
.Lfunc_end2:
_tile_overlayer_lowered:
.L_overlay_start_2:
0x676: {  	(tag) =	ssettag $0x2  }
0x677: {  	s0 =	rddreg [dreg:$0x0];
	s2 =	stileid.u32  }
0x678: {  	s1 =	rddreg [dreg:$0x1];
	p0 =	sne.s32 s2, $0x0  }
0x679: {  	s3 =	rddreg [dreg:$0x2];
	[bflag:$0x3] =	sbarrier.arrive $0xFFFF;
	s2 =	simm.s32 @!p0 $0x1C04  }
0x67a: {  	[timem:s3], [sflag:s2] =	dma.local @!p0 [hbm:s0], s1  }
0x67b: {  	s0 =	simm.s32 @!p0 $0x4  }
0x67c: {  	_ =	swait.ge @!p0 [sflag:s0], s1  }
0x67d: {  	s1 =	ssub.s32 @!p0 $0x0, s1;
	[sflag:s0] =	ssyncset.done @!p0 $0x0  }
0x67e: {  	[sflag:s0] =	ssyncadd.s32 @!p0 s1  }
0x67f: {  	[bflag:$0x3] =	sbarrier.arrive $0xFFFF  }
0x680: {  	_ =	shalt  }

</sc_bundles>
